<compile_context>
chip_gen: v7x
topology: tpu7x:2x2x1
jax: 0.10.2.dev20260603
libtpu: 0.0.44.dev20260713+nightly
codegen_flags: <defaults>
</compile_context>

<pallas_src>
import jax
import jax.numpy as jnp
from jax import lax
from jax.experimental import pallas as pl
from jax.experimental.pallas import tpu as pltpu
from jax.experimental.pallas import tpu_sc as plsc

N = 10000
E = 320000
D = 128
DE = 4
H = 128
OUT = 10
G = 16

NC = 2
NS = 16
NW = NC * NS

C = 128
KCH = 80
EW = KCH * C
EPAD = NW * EW
N8 = N + 8
RPT = 624
RCH = 48
RTAIL = N - NS * RPT

RB = 1000
NB = N // RB


def _sc_body(table, src3, dst3, zx, out_x, src_idx, dst_idx, rows, sem, acc_x):
    c = lax.axis_index("c")
    s = lax.axis_index("s")
    wid = s * NC + c
    base = s * RPT

    pltpu.sync_copy(zx, rows)
    for k in range(RPT // RCH):
        off = base + k * RCH
        pltpu.sync_copy(rows.at[pl.ds(0, RCH)], acc_x.at[pl.ds(off, RCH)])

    @pl.when(s == NS - 1)
    def _tail_init():
        toff = NS * RPT
        pltpu.sync_copy(rows.at[pl.ds(0, RTAIL + 8)],
                        acc_x.at[pl.ds(toff, RTAIL + 8)])

    plsc.subcore_barrier()

    def chunk(t, carry):
        pltpu.sync_copy(src3.at[wid, t], src_idx)
        pltpu.sync_copy(dst3.at[wid, t], dst_idx)
        pltpu.async_copy(table.at[src_idx], rows, sem).wait()
        pltpu.sync_copy(rows, acc_x.at[dst_idx], add=True)
        return carry

    lax.fori_loop(0, KCH, chunk, 0)
    plsc.subcore_barrier()

    for k in range(RPT // RCH):
        off = base + k * RCH
        pltpu.sync_copy(acc_x.at[pl.ds(off, RCH)], rows.at[pl.ds(0, RCH)])
        pltpu.sync_copy(rows.at[pl.ds(0, RCH)],
                        out_x.at[c, pl.ds(off, RCH)])

    @pl.when(s == NS - 1)
    def _tail_out():
        toff = NS * RPT
        pltpu.sync_copy(acc_x.at[pl.ds(toff, RTAIL)],
                        rows.at[pl.ds(0, RTAIL)])
        pltpu.sync_copy(rows.at[pl.ds(0, RTAIL)],
                        out_x.at[c, pl.ds(toff, RTAIL)])


_sc_scatter = pl.kernel(
    _sc_body,
    out_type=jax.ShapeDtypeStruct((NC, N8, D), jnp.float32),
    mesh=plsc.VectorSubcoreMesh(core_axis_name="c", subcore_axis_name="s"),
    scratch_types=[
        pltpu.VMEM((C,), jnp.int32),
        pltpu.VMEM((C,), jnp.int32),
        pltpu.VMEM((C, D), jnp.float32),
        pltpu.SemaphoreType.DMA,
        pltpu.VMEM_SHARED((N8, D), jnp.float32),
    ],
)


def _tc_layer_body(S_ref, x_ref, ae_ref, Wx_ref, We_ref, b_ref, o_ref):
    aggr = S_ref[0] + S_ref[1] + x_ref[...]
    ae = ae_ref[0] + ae_ref[1]
    acc = jnp.dot(aggr, Wx_ref[...], preferred_element_type=jnp.float32)
    acc = acc + jnp.dot(ae, We_ref[...], preferred_element_type=jnp.float32)
    o_ref[...] = jnp.maximum(acc + b_ref[...], 0.0)


def _tc_final_body(S_ref, h1_ref, ae_ref, Wx_ref, We_ref, b_ref,
                   batch_ref, Wout_ref, bout_ref, o_ref, pool_acc, cnt_acc):
    i = pl.program_id(0)

    @pl.when(i == 0)
    def _init():
        pool_acc[...] = jnp.zeros_like(pool_acc)
        cnt_acc[...] = jnp.zeros_like(cnt_acc)

    aggr = S_ref[0] + S_ref[1] + h1_ref[...]
    ae = ae_ref[0] + ae_ref[1]
    h = jnp.dot(aggr, Wx_ref[...], preferred_element_type=jnp.float32)
    h = h + jnp.dot(ae, We_ref[...], preferred_element_type=jnp.float32)
    h = jnp.maximum(h + b_ref[...], 0.0)

    b_row = batch_ref[0]
    gids = lax.broadcasted_iota(jnp.int32, (G, 1), 0)
    onehot = (b_row == gids).astype(jnp.float32)
    pool_acc[...] += lax.dot_general(
        onehot, h, (((1,), (0,)), ((), ())),
        preferred_element_type=jnp.float32)
    cnt_acc[...] += lax.dot_general(
        onehot, jnp.ones((RB, H), jnp.float32), (((1,), (0,)), ((), ())),
        preferred_element_type=jnp.float32)

    @pl.when(i == NB - 1)
    def _final():
        pooled = pool_acc[...] / jnp.maximum(cnt_acc[...], 1.0)
        logits = jnp.dot(pooled, Wout_ref[...],
                         preferred_element_type=jnp.float32) + bout_ref[...]
        m = jnp.max(logits, axis=1, keepdims=True)
        z = logits - m
        lse = jnp.log(jnp.sum(jnp.exp(z), axis=1, keepdims=True))
        o_ref[...] = z - lse


_tc_layer1 = pl.pallas_call(
    _tc_layer_body,
    grid=(NB,),
    in_specs=[
        pl.BlockSpec((NC, RB, D), lambda i: (0, i, 0)),
        pl.BlockSpec((RB, D), lambda i: (i, 0)),
        pl.BlockSpec((NC, RB, D), lambda i: (0, i, 0)),
        pl.BlockSpec((D, H), lambda i: (0, 0)),
        pl.BlockSpec((D, H), lambda i: (0, 0)),
        pl.BlockSpec((1, H), lambda i: (0, 0)),
    ],
    out_specs=pl.BlockSpec((RB, H), lambda i: (i, 0)),
    out_shape=jax.ShapeDtypeStruct((N, H), jnp.float32),
)

_tc_final = pl.pallas_call(
    _tc_final_body,
    grid=(NB,),
    in_specs=[
        pl.BlockSpec((NC, RB, H), lambda i: (0, i, 0)),
        pl.BlockSpec((RB, H), lambda i: (i, 0)),
        pl.BlockSpec((NC, RB, D), lambda i: (0, i, 0)),
        pl.BlockSpec((H, H), lambda i: (0, 0)),
        pl.BlockSpec((D, H), lambda i: (0, 0)),
        pl.BlockSpec((1, H), lambda i: (0, 0)),
        pl.BlockSpec((1, 1, RB), lambda i: (i, 0, 0)),
        pl.BlockSpec((H, OUT), lambda i: (0, 0)),
        pl.BlockSpec((1, OUT), lambda i: (0, 0)),
    ],
    out_specs=pl.BlockSpec((G, OUT), lambda i: (0, 0)),
    out_shape=jax.ShapeDtypeStruct((G, OUT), jnp.float32),
    scratch_shapes=[
        pltpu.VMEM((G, H), jnp.float32),
        pltpu.VMEM((G, H), jnp.float32),
    ],
)


def kernel(x, edge_index, edge_attr, batch, W0, b0, W1, b1, Wout, bout):
    pad = EPAD - E
    src = jnp.concatenate([edge_index[0], jnp.zeros((pad,), edge_index.dtype)])
    dst = jnp.concatenate([edge_index[1], jnp.full((pad,), N, edge_index.dtype)])
    srcp = src.reshape(NW, KCH, C)
    dstp = dst.reshape(NW, KCH, C)
    iotap = jnp.arange(EPAD, dtype=jnp.int32).reshape(NW, KCH, C)
    ea128 = jnp.pad(edge_attr, ((0, pad), (0, D - DE)))
    zx = jnp.zeros((C, D), jnp.float32)

    We0 = jnp.pad(W0[D:], ((0, D - DE), (0, 0)))
    We1 = jnp.pad(W1[H:], ((0, D - DE), (0, 0)))

    Ae = _sc_scatter(ea128, iotap, dstp, zx)
    S1 = _sc_scatter(x, srcp, dstp, zx)
    h = _tc_layer1(S1, x, Ae, W0[:D], We0, b0.reshape(1, H))
    S2 = _sc_scatter(h, srcp, dstp, zx)
    return _tc_final(S2, h, Ae, W1[:H], We1, b1.reshape(1, H),
                     batch.reshape(NB, 1, RB), Wout, bout.reshape(1, OUT))

# --- scband reference (transcript-rebuilt; emitter-appended) ---
"""Pipeline reference for scband-gcn-14783277433401 (READ-ONLY COPY).

The authoritative reference and input builder live on the scoring server;
editing this copy changes nothing except your own understanding.
"""

import jax, jax.numpy as jnp
import numpy as np

N = 10000
E = 320000
D = 128
DE = 4
H = 128
OUT = 10
G = 16


def setup_inputs(seed: int = 0) -> dict:
    key = jax.random.key(seed)
    ks = jax.random.split(key, 12)
    x = jax.random.normal(ks[0], (N, D), dtype=jnp.float32)
    edge_index = jax.random.randint(ks[1], (2, E), 0, N, dtype=jnp.int32)
    edge_attr = jax.random.normal(ks[2], (E, DE), dtype=jnp.float32)
    batch = jnp.sort(jax.random.randint(ks[3], (N,), 0, G, dtype=jnp.int32))
    W0 = jax.random.normal(ks[4], (D + DE, H), dtype=jnp.float32) * 0.05
    b0 = jnp.zeros((H,), dtype=jnp.float32)
    W1 = jax.random.normal(ks[5], (H + DE, H), dtype=jnp.float32) * 0.05
    b1 = jnp.zeros((H,), dtype=jnp.float32)
    Wout = jax.random.normal(ks[6], (H, OUT), dtype=jnp.float32) * 0.05
    bout = jnp.zeros((OUT,), dtype=jnp.float32)
    return {"x": x, "edge_index": edge_index, "edge_attr": edge_attr, "batch": batch,
            "W0": W0, "b0": b0, "W1": W1, "b1": b1, "Wout": Wout, "bout": bout}


def _edge_gcn_layer(x, edge_index, edge_attr, W, b):
    # add self loops (PyG add_self_loops appends [i, i] edges)
    num_nodes = x.shape[0]
    loops = jnp.arange(num_nodes, dtype=edge_index.dtype)
    ei = jnp.concatenate([edge_index, jnp.stack([loops, loops], axis=0)], axis=1)
    self_loop_attr = jnp.zeros((num_nodes, edge_attr.shape[1]), dtype=edge_attr.dtype)
    ea = jnp.concatenate([edge_attr, self_loop_attr], axis=0)
    # message: concat(x_j, edge_attr); x_j gathered from source nodes ei[0]
    msg = jnp.concatenate([jnp.take(x, ei[0], axis=0), ea], axis=-1)
    # aggr='add': scatter-add into destination nodes ei[1]
    aggr = jax.ops.segment_sum(msg, ei[1], num_segments=num_nodes)
    # update: linear (dropout is identity in eval mode)
    return aggr @ W + b


def reference(x, edge_index, edge_attr, batch, W0, b0, W1, b1, Wout, bout):
    h = jax.nn.relu(_edge_gcn_layer(x, edge_index, edge_attr, W0, b0))
    h = jax.nn.relu(_edge_gcn_layer(h, edge_index, edge_attr, W1, b1))
    # global_mean_pool over batch assignment
    sums = jax.ops.segment_sum(h, batch, num_segments=G)
    counts = jax.ops.segment_sum(jnp.ones((h.shape[0],), dtype=h.dtype), batch, num_segments=G)
    pooled = sums / jnp.maximum(counts, 1.0)[:, None]
    logits = pooled @ Wout + bout
    return jax.nn.log_softmax(logits, axis=1)

if __name__ == "__main__":
    import jax
    _d = setup_inputs()
    print(jax.jit(kernel)(*tuple(_d.values())))

</pallas_src>

<mosaic_0001>
#map = affine_map<(d0, d1) -> (0, 0)>
#map1 = affine_map<(d0, d1) -> (0, 0, 0)>
module attributes {stable_mosaic.version = 14 : i64} {
  func.func @_sc_body(%arg0: i32, %arg1: i32, %arg2: memref<327680x128xf32, #tpu.memory_space<hbm>>, %arg3: memref<32x80x128xi32, #tpu.memory_space<hbm>>, %arg4: memref<32x80x128xi32, #tpu.memory_space<hbm>>, %arg5: memref<128x128xf32, #tpu.memory_space<hbm>>, %arg6: memref<2x10008x128xf32, #tpu.memory_space<hbm>>, %arg7: memref<128xi32, #tpu.memory_space<vmem>>, %arg8: memref<128xi32, #tpu.memory_space<vmem>>, %arg9: memref<128x128xf32, #tpu.memory_space<vmem>>, %arg10: memref<!tpu.dma_semaphore, #tpu.memory_space<semaphore_mem>>, %arg11: memref<10008x128xf32, #tpu.memory_space<vmem_shared>>) attributes {dimension_semantics = [#tpu.dimension_semantics<core_parallel>, #tpu.dimension_semantics<subcore_parallel>], iteration_bounds = array<i64: 2, 16>, scalar_prefetch = 0 : i64, scratch_operands = 5 : i64, tpu.core_type = #tpu.core_type<sc_vector_subcore>, window_params = [{transform_indices = #map}, {transform_indices = #map1}, {transform_indices = #map1}, {transform_indices = #map}, {transform_indices = #map1}]} {
    %mul3A = arith.constant 2 : i32
    %mul3A_0 = arith.muli %arg1, %mul3A : i32
    %add3A = arith.addi %mul3A_0, %arg0 : i32
    %mul3A_1 = arith.constant 624 : i32
    %mul3A_2 = arith.muli %arg1, %mul3A_1 : i32
    "tpu.region"() ({
      %run_scoped3A = tpu.sem_alloc : memref<!tpu.dma_semaphore, #tpu.memory_space<semaphore_mem>>
      tpu.enqueue_dma source(%arg5 : memref<128x128xf32, #tpu.memory_space<hbm>>) target(%arg9 : memref<128x128xf32, #tpu.memory_space<vmem>>) target_semaphore(%run_scoped3A : memref<!tpu.dma_semaphore, #tpu.memory_space<semaphore_mem>>)
      tpu.wait_dma2 semaphore(%run_scoped3A : memref<!tpu.dma_semaphore, #tpu.memory_space<semaphore_mem>>) src(%arg5 : memref<128x128xf32, #tpu.memory_space<hbm>>) dst(%arg9 : memref<128x128xf32, #tpu.memory_space<vmem>>)
      tpu.yield
    }) : () -> ()
    %add3A_3 = arith.constant 0 : i32
    %add3A_4 = arith.addi %mul3A_2, %add3A_3 : i32
    "tpu.region"() ({
      %run_scoped3A = tpu.sem_alloc : memref<!tpu.dma_semaphore, #tpu.memory_space<semaphore_mem>>
      %dma_start3A = arith.constant 0 : i32
      %dma_start3A_68 = arith.constant 0 : i32
      %dma_start3A_69 = tpu.memref_slice %arg9[%dma_start3A, %dma_start3A_68] : memref<128x128xf32, #tpu.memory_space<vmem>> -> memref<48x128xf32, #tpu.memory_space<vmem>>
      %dma_start3A_70 = arith.constant 0 : i32
      %dma_start3A_71 = tpu.memref_slice %arg11[%add3A_4, %dma_start3A_70] : memref<10008x128xf32, #tpu.memory_space<vmem_shared>> -> memref<48x128xf32, #tpu.memory_space<vmem_shared>>
      %dma_start3A_72 = arith.constant 0 : i32
      %dma_start3A_73 = tpu.memref_slice %arg11[%add3A_4, %dma_start3A_72] : memref<10008x128xf32, #tpu.memory_space<vmem_shared>> -> memref<48x128xf32, #tpu.memory_space<vmem_shared>>
      %dma_start3A_74 = arith.constant 0 : i32
      %dma_start3A_75 = arith.constant 0 : i32
      %dma_start3A_76 = tpu.memref_slice %arg9[%dma_start3A_74, %dma_start3A_75] : memref<128x128xf32, #tpu.memory_space<vmem>> -> memref<48x128xf32, #tpu.memory_space<vmem>>
      tpu.enqueue_dma source(%dma_start3A_76 : memref<48x128xf32, #tpu.memory_space<vmem>>) target(%dma_start3A_73 : memref<48x128xf32, #tpu.memory_space<vmem_shared>>) target_semaphore(%run_scoped3A : memref<!tpu.dma_semaphore, #tpu.memory_space<semaphore_mem>>)
      %dma_wait3A = arith.constant 0 : i32
      %dma_wait3A_77 = arith.constant 0 : i32
      %dma_wait3A_78 = tpu.memref_slice %arg9[%dma_wait3A, %dma_wait3A_77] : memref<128x128xf32, #tpu.memory_space<vmem>> -> memref<48x128xf32, #tpu.memory_space<vmem>>
      %dma_wait3A_79 = arith.constant 0 : i32
      %dma_wait3A_80 = tpu.memref_slice %arg11[%add3A_4, %dma_wait3A_79] : memref<10008x128xf32, #tpu.memory_space<vmem_shared>> -> memref<48x128xf32, #tpu.memory_space<vmem_shared>>
      %dma_wait3A_81 = arith.constant 0 : i32
      %dma_wait3A_82 = tpu.memref_slice %arg11[%add3A_4, %dma_wait3A_81] : memref<10008x128xf32, #tpu.memory_space<vmem_shared>> -> memref<48x128xf32, #tpu.memory_space<vmem_shared>>
      %dma_wait3A_83 = arith.constant 0 : i32
      %dma_wait3A_84 = arith.constant 0 : i32
      %dma_wait3A_85 = tpu.memref_slice %arg9[%dma_wait3A_83, %dma_wait3A_84] : memref<128x128xf32, #tpu.memory_space<vmem>> -> memref<48x128xf32, #tpu.memory_space<vmem>>
      tpu.wait_dma2 semaphore(%run_scoped3A : memref<!tpu.dma_semaphore, #tpu.memory_space<semaphore_mem>>) src(%dma_wait3A_85 : memref<48x128xf32, #tpu.memory_space<vmem>>) dst(%dma_wait3A_82 : memref<48x128xf32, #tpu.memory_space<vmem_shared>>)
      tpu.yield
    }) : () -> ()
    %add3A_5 = arith.constant 48 : i32
    %add3A_6 = arith.addi %mul3A_2, %add3A_5 : i32
    "tpu.region"() ({
      %run_scoped3A = tpu.sem_alloc : memref<!tpu.dma_semaphore, #tpu.memory_space<semaphore_mem>>
      %dma_start3A = arith.constant 0 : i32
      %dma_start3A_68 = arith.constant 0 : i32
      %dma_start3A_69 = tpu.memref_slice %arg9[%dma_start3A, %dma_start3A_68] : memref<128x128xf32, #tpu.memory_space<vmem>> -> memref<48x128xf32, #tpu.memory_space<vmem>>
      %dma_start3A_70 = arith.constant 0 : i32
      %dma_start3A_71 = tpu.memref_slice %arg11[%add3A_6, %dma_start3A_70] : memref<10008x128xf32, #tpu.memory_space<vmem_shared>> -> memref<48x128xf32, #tpu.memory_space<vmem_shared>>
      %dma_start3A_72 = arith.constant 0 : i32
      %dma_start3A_73 = tpu.memref_slice %arg11[%add3A_6, %dma_start3A_72] : memref<10008x128xf32, #tpu.memory_space<vmem_shared>> -> memref<48x128xf32, #tpu.memory_space<vmem_shared>>
      %dma_start3A_74 = arith.constant 0 : i32
      %dma_start3A_75 = arith.constant 0 : i32
      %dma_start3A_76 = tpu.memref_slice %arg9[%dma_start3A_74, %dma_start3A_75] : memref<128x128xf32, #tpu.memory_space<vmem>> -> memref<48x128xf32, #tpu.memory_space<vmem>>
      tpu.enqueue_dma source(%dma_start3A_76 : memref<48x128xf32, #tpu.memory_space<vmem>>) target(%dma_start3A_73 : memref<48x128xf32, #tpu.memory_space<vmem_shared>>) target_semaphore(%run_scoped3A : memref<!tpu.dma_semaphore, #tpu.memory_space<semaphore_mem>>)
      %dma_wait3A = arith.constant 0 : i32
      %dma_wait3A_77 = arith.constant 0 : i32
      %dma_wait3A_78 = tpu.memref_slice %arg9[%dma_wait3A, %dma_wait3A_77] : memref<128x128xf32, #tpu.memory_space<vmem>> -> memref<48x128xf32, #tpu.memory_space<vmem>>
      %dma_wait3A_79 = arith.constant 0 : i32
      %dma_wait3A_80 = tpu.memref_slice %arg11[%add3A_6, %dma_wait3A_79] : memref<10008x128xf32, #tpu.memory_space<vmem_shared>> -> memref<48x128xf32, #tpu.memory_space<vmem_shared>>
      %dma_wait3A_81 = arith.constant 0 : i32
      %dma_wait3A_82 = tpu.memref_slice %arg11[%add3A_6, %dma_wait3A_81] : memref<10008x128xf32, #tpu.memory_space<vmem_shared>> -> memref<48x128xf32, #tpu.memory_space<vmem_shared>>
      %dma_wait3A_83 = arith.constant 0 : i32
      %dma_wait3A_84 = arith.constant 0 : i32
      %dma_wait3A_85 = tpu.memref_slice %arg9[%dma_wait3A_83, %dma_wait3A_84] : memref<128x128xf32, #tpu.memory_space<vmem>> -> memref<48x128xf32, #tpu.memory_space<vmem>>
      tpu.wait_dma2 semaphore(%run_scoped3A : memref<!tpu.dma_semaphore, #tpu.memory_space<semaphore_mem>>) src(%dma_wait3A_85 : memref<48x128xf32, #tpu.memory_space<vmem>>) dst(%dma_wait3A_82 : memref<48x128xf32, #tpu.memory_space<vmem_shared>>)
      tpu.yield
    }) : () -> ()
    %add3A_7 = arith.constant 96 : i32
    %add3A_8 = arith.addi %mul3A_2, %add3A_7 : i32
    "tpu.region"() ({
      %run_scoped3A = tpu.sem_alloc : memref<!tpu.dma_semaphore, #tpu.memory_space<semaphore_mem>>
      %dma_start3A = arith.constant 0 : i32
      %dma_start3A_68 = arith.constant 0 : i32
      %dma_start3A_69 = tpu.memref_slice %arg9[%dma_start3A, %dma_start3A_68] : memref<128x128xf32, #tpu.memory_space<vmem>> -> memref<48x128xf32, #tpu.memory_space<vmem>>
      %dma_start3A_70 = arith.constant 0 : i32
      %dma_start3A_71 = tpu.memref_slice %arg11[%add3A_8, %dma_start3A_70] : memref<10008x128xf32, #tpu.memory_space<vmem_shared>> -> memref<48x128xf32, #tpu.memory_space<vmem_shared>>
      %dma_start3A_72 = arith.constant 0 : i32
      %dma_start3A_73 = tpu.memref_slice %arg11[%add3A_8, %dma_start3A_72] : memref<10008x128xf32, #tpu.memory_space<vmem_shared>> -> memref<48x128xf32, #tpu.memory_space<vmem_shared>>
      %dma_start3A_74 = arith.constant 0 : i32
      %dma_start3A_75 = arith.constant 0 : i32
      %dma_start3A_76 = tpu.memref_slice %arg9[%dma_start3A_74, %dma_start3A_75] : memref<128x128xf32, #tpu.memory_space<vmem>> -> memref<48x128xf32, #tpu.memory_space<vmem>>
      tpu.enqueue_dma source(%dma_start3A_76 : memref<48x128xf32, #tpu.memory_space<vmem>>) target(%dma_start3A_73 : memref<48x128xf32, #tpu.memory_space<vmem_shared>>) target_semaphore(%run_scoped3A : memref<!tpu.dma_semaphore, #tpu.memory_space<semaphore_mem>>)
      %dma_wait3A = arith.constant 0 : i32
      %dma_wait3A_77 = arith.constant 0 : i32
      %dma_wait3A_78 = tpu.memref_slice %arg9[%dma_wait3A, %dma_wait3A_77] : memref<128x128xf32, #tpu.memory_space<vmem>> -> memref<48x128xf32, #tpu.memory_space<vmem>>
      %dma_wait3A_79 = arith.constant 0 : i32
      %dma_wait3A_80 = tpu.memref_slice %arg11[%add3A_8, %dma_wait3A_79] : memref<10008x128xf32, #tpu.memory_space<vmem_shared>> -> memref<48x128xf32, #tpu.memory_space<vmem_shared>>
      %dma_wait3A_81 = arith.constant 0 : i32
      %dma_wait3A_82 = tpu.memref_slice %arg11[%add3A_8, %dma_wait3A_81] : memref<10008x128xf32, #tpu.memory_space<vmem_shared>> -> memref<48x128xf32, #tpu.memory_space<vmem_shared>>
      %dma_wait3A_83 = arith.constant 0 : i32
      %dma_wait3A_84 = arith.constant 0 : i32
      %dma_wait3A_85 = tpu.memref_slice %arg9[%dma_wait3A_83, %dma_wait3A_84] : memref<128x128xf32, #tpu.memory_space<vmem>> -> memref<48x128xf32, #tpu.memory_space<vmem>>
      tpu.wait_dma2 semaphore(%run_scoped3A : memref<!tpu.dma_semaphore, #tpu.memory_space<semaphore_mem>>) src(%dma_wait3A_85 : memref<48x128xf32, #tpu.memory_space<vmem>>) dst(%dma_wait3A_82 : memref<48x128xf32, #tpu.memory_space<vmem_shared>>)
      tpu.yield
    }) : () -> ()
    %add3A_9 = arith.constant 144 : i32
    %add3A_10 = arith.addi %mul3A_2, %add3A_9 : i32
    "tpu.region"() ({
      %run_scoped3A = tpu.sem_alloc : memref<!tpu.dma_semaphore, #tpu.memory_space<semaphore_mem>>
      %dma_start3A = arith.constant 0 : i32
      %dma_start3A_68 = arith.constant 0 : i32
      %dma_start3A_69 = tpu.memref_slice %arg9[%dma_start3A, %dma_start3A_68] : memref<128x128xf32, #tpu.memory_space<vmem>> -> memref<48x128xf32, #tpu.memory_space<vmem>>
      %dma_start3A_70 = arith.constant 0 : i32
      %dma_start3A_71 = tpu.memref_slice %arg11[%add3A_10, %dma_start3A_70] : memref<10008x128xf32, #tpu.memory_space<vmem_shared>> -> memref<48x128xf32, #tpu.memory_space<vmem_shared>>
      %dma_start3A_72 = arith.constant 0 : i32
      %dma_start3A_73 = tpu.memref_slice %arg11[%add3A_10, %dma_start3A_72] : memref<10008x128xf32, #tpu.memory_space<vmem_shared>> -> memref<48x128xf32, #tpu.memory_space<vmem_shared>>
      %dma_start3A_74 = arith.constant 0 : i32
      %dma_start3A_75 = arith.constant 0 : i32
      %dma_start3A_76 = tpu.memref_slice %arg9[%dma_start3A_74, %dma_start3A_75] : memref<128x128xf32, #tpu.memory_space<vmem>> -> memref<48x128xf32, #tpu.memory_space<vmem>>
      tpu.enqueue_dma source(%dma_start3A_76 : memref<48x128xf32, #tpu.memory_space<vmem>>) target(%dma_start3A_73 : memref<48x128xf32, #tpu.memory_space<vmem_shared>>) target_semaphore(%run_scoped3A : memref<!tpu.dma_semaphore, #tpu.memory_space<semaphore_mem>>)
      %dma_wait3A = arith.constant 0 : i32
      %dma_wait3A_77 = arith.constant 0 : i32
      %dma_wait3A_78 = tpu.memref_slice %arg9[%dma_wait3A, %dma_wait3A_77] : memref<128x128xf32, #tpu.memory_space<vmem>> -> memref<48x128xf32, #tpu.memory_space<vmem>>
      %dma_wait3A_79 = arith.constant 0 : i32
      %dma_wait3A_80 = tpu.memref_slice %arg11[%add3A_10, %dma_wait3A_79] : memref<10008x128xf32, #tpu.memory_space<vmem_shared>> -> memref<48x128xf32, #tpu.memory_space<vmem_shared>>
      %dma_wait3A_81 = arith.constant 0 : i32
      %dma_wait3A_82 = tpu.memref_slice %arg11[%add3A_10, %dma_wait3A_81] : memref<10008x128xf32, #tpu.memory_space<vmem_shared>> -> memref<48x128xf32, #tpu.memory_space<vmem_shared>>
      %dma_wait3A_83 = arith.constant 0 : i32
      %dma_wait3A_84 = arith.constant 0 : i32
      %dma_wait3A_85 = tpu.memref_slice %arg9[%dma_wait3A_83, %dma_wait3A_84] : memref<128x128xf32, #tpu.memory_space<vmem>> -> memref<48x128xf32, #tpu.memory_space<vmem>>
      tpu.wait_dma2 semaphore(%run_scoped3A : memref<!tpu.dma_semaphore, #tpu.memory_space<semaphore_mem>>) src(%dma_wait3A_85 : memref<48x128xf32, #tpu.memory_space<vmem>>) dst(%dma_wait3A_82 : memref<48x128xf32, #tpu.memory_space<vmem_shared>>)
      tpu.yield
    }) : () -> ()
    %add3A_11 = arith.constant 192 : i32
    %add3A_12 = arith.addi %mul3A_2, %add3A_11 : i32
    "tpu.region"() ({
      %run_scoped3A = tpu.sem_alloc : memref<!tpu.dma_semaphore, #tpu.memory_space<semaphore_mem>>
      %dma_start3A = arith.constant 0 : i32
      %dma_start3A_68 = arith.constant 0 : i32
      %dma_start3A_69 = tpu.memref_slice %arg9[%dma_start3A, %dma_start3A_68] : memref<128x128xf32, #tpu.memory_space<vmem>> -> memref<48x128xf32, #tpu.memory_space<vmem>>
      %dma_start3A_70 = arith.constant 0 : i32
      %dma_start3A_71 = tpu.memref_slice %arg11[%add3A_12, %dma_start3A_70] : memref<10008x128xf32, #tpu.memory_space<vmem_shared>> -> memref<48x128xf32, #tpu.memory_space<vmem_shared>>
      %dma_start3A_72 = arith.constant 0 : i32
      %dma_start3A_73 = tpu.memref_slice %arg11[%add3A_12, %dma_start3A_72] : memref<10008x128xf32, #tpu.memory_space<vmem_shared>> -> memref<48x128xf32, #tpu.memory_space<vmem_shared>>
      %dma_start3A_74 = arith.constant 0 : i32
      %dma_start3A_75 = arith.constant 0 : i32
      %dma_start3A_76 = tpu.memref_slice %arg9[%dma_start3A_74, %dma_start3A_75] : memref<128x128xf32, #tpu.memory_space<vmem>> -> memref<48x128xf32, #tpu.memory_space<vmem>>
      tpu.enqueue_dma source(%dma_start3A_76 : memref<48x128xf32, #tpu.memory_space<vmem>>) target(%dma_start3A_73 : memref<48x128xf32, #tpu.memory_space<vmem_shared>>) target_semaphore(%run_scoped3A : memref<!tpu.dma_semaphore, #tpu.memory_space<semaphore_mem>>)
      %dma_wait3A = arith.constant 0 : i32
      %dma_wait3A_77 = arith.constant 0 : i32
      %dma_wait3A_78 = tpu.memref_slice %arg9[%dma_wait3A, %dma_wait3A_77] : memref<128x128xf32, #tpu.memory_space<vmem>> -> memref<48x128xf32, #tpu.memory_space<vmem>>
      %dma_wait3A_79 = arith.constant 0 : i32
      %dma_wait3A_80 = tpu.memref_slice %arg11[%add3A_12, %dma_wait3A_79] : memref<10008x128xf32, #tpu.memory_space<vmem_shared>> -> memref<48x128xf32, #tpu.memory_space<vmem_shared>>
      %dma_wait3A_81 = arith.constant 0 : i32
      %dma_wait3A_82 = tpu.memref_slice %arg11[%add3A_12, %dma_wait3A_81] : memref<10008x128xf32, #tpu.memory_space<vmem_shared>> -> memref<48x128xf32, #tpu.memory_space<vmem_shared>>
      %dma_wait3A_83 = arith.constant 0 : i32
      %dma_wait3A_84 = arith.constant 0 : i32
      %dma_wait3A_85 = tpu.memref_slice %arg9[%dma_wait3A_83, %dma_wait3A_84] : memref<128x128xf32, #tpu.memory_space<vmem>> -> memref<48x128xf32, #tpu.memory_space<vmem>>
      tpu.wait_dma2 semaphore(%run_scoped3A : memref<!tpu.dma_semaphore, #tpu.memory_space<semaphore_mem>>) src(%dma_wait3A_85 : memref<48x128xf32, #tpu.memory_space<vmem>>) dst(%dma_wait3A_82 : memref<48x128xf32, #tpu.memory_space<vmem_shared>>)
      tpu.yield
    }) : () -> ()
    %add3A_13 = arith.constant 240 : i32
    %add3A_14 = arith.addi %mul3A_2, %add3A_13 : i32
    "tpu.region"() ({
      %run_scoped3A = tpu.sem_alloc : memref<!tpu.dma_semaphore, #tpu.memory_space<semaphore_mem>>
      %dma_start3A = arith.constant 0 : i32
      %dma_start3A_68 = arith.constant 0 : i32
      %dma_start3A_69 = tpu.memref_slice %arg9[%dma_start3A, %dma_start3A_68] : memref<128x128xf32, #tpu.memory_space<vmem>> -> memref<48x128xf32, #tpu.memory_space<vmem>>
      %dma_start3A_70 = arith.constant 0 : i32
      %dma_start3A_71 = tpu.memref_slice %arg11[%add3A_14, %dma_start3A_70] : memref<10008x128xf32, #tpu.memory_space<vmem_shared>> -> memref<48x128xf32, #tpu.memory_space<vmem_shared>>
      %dma_start3A_72 = arith.constant 0 : i32
      %dma_start3A_73 = tpu.memref_slice %arg11[%add3A_14, %dma_start3A_72] : memref<10008x128xf32, #tpu.memory_space<vmem_shared>> -> memref<48x128xf32, #tpu.memory_space<vmem_shared>>
      %dma_start3A_74 = arith.constant 0 : i32
      %dma_start3A_75 = arith.constant 0 : i32
      %dma_start3A_76 = tpu.memref_slice %arg9[%dma_start3A_74, %dma_start3A_75] : memref<128x128xf32, #tpu.memory_space<vmem>> -> memref<48x128xf32, #tpu.memory_space<vmem>>
      tpu.enqueue_dma source(%dma_start3A_76 : memref<48x128xf32, #tpu.memory_space<vmem>>) target(%dma_start3A_73 : memref<48x128xf32, #tpu.memory_space<vmem_shared>>) target_semaphore(%run_scoped3A : memref<!tpu.dma_semaphore, #tpu.memory_space<semaphore_mem>>)
      %dma_wait3A = arith.constant 0 : i32
      %dma_wait3A_77 = arith.constant 0 : i32
      %dma_wait3A_78 = tpu.memref_slice %arg9[%dma_wait3A, %dma_wait3A_77] : memref<128x128xf32, #tpu.memory_space<vmem>> -> memref<48x128xf32, #tpu.memory_space<vmem>>
      %dma_wait3A_79 = arith.constant 0 : i32
      %dma_wait3A_80 = tpu.memref_slice %arg11[%add3A_14, %dma_wait3A_79] : memref<10008x128xf32, #tpu.memory_space<vmem_shared>> -> memref<48x128xf32, #tpu.memory_space<vmem_shared>>
      %dma_wait3A_81 = arith.constant 0 : i32
      %dma_wait3A_82 = tpu.memref_slice %arg11[%add3A_14, %dma_wait3A_81] : memref<10008x128xf32, #tpu.memory_space<vmem_shared>> -> memref<48x128xf32, #tpu.memory_space<vmem_shared>>
      %dma_wait3A_83 = arith.constant 0 : i32
      %dma_wait3A_84 = arith.constant 0 : i32
      %dma_wait3A_85 = tpu.memref_slice %arg9[%dma_wait3A_83, %dma_wait3A_84] : memref<128x128xf32, #tpu.memory_space<vmem>> -> memref<48x128xf32, #tpu.memory_space<vmem>>
      tpu.wait_dma2 semaphore(%run_scoped3A : memref<!tpu.dma_semaphore, #tpu.memory_space<semaphore_mem>>) src(%dma_wait3A_85 : memref<48x128xf32, #tpu.memory_space<vmem>>) dst(%dma_wait3A_82 : memref<48x128xf32, #tpu.memory_space<vmem_shared>>)
      tpu.yield
    }) : () -> ()
    %add3A_15 = arith.constant 288 : i32
    %add3A_16 = arith.addi %mul3A_2, %add3A_15 : i32
    "tpu.region"() ({
      %run_scoped3A = tpu.sem_alloc : memref<!tpu.dma_semaphore, #tpu.memory_space<semaphore_mem>>
      %dma_start3A = arith.constant 0 : i32
      %dma_start3A_68 = arith.constant 0 : i32
      %dma_start3A_69 = tpu.memref_slice %arg9[%dma_start3A, %dma_start3A_68] : memref<128x128xf32, #tpu.memory_space<vmem>> -> memref<48x128xf32, #tpu.memory_space<vmem>>
      %dma_start3A_70 = arith.constant 0 : i32
      %dma_start3A_71 = tpu.memref_slice %arg11[%add3A_16, %dma_start3A_70] : memref<10008x128xf32, #tpu.memory_space<vmem_shared>> -> memref<48x128xf32, #tpu.memory_space<vmem_shared>>
      %dma_start3A_72 = arith.constant 0 : i32
      %dma_start3A_73 = tpu.memref_slice %arg11[%add3A_16, %dma_start3A_72] : memref<10008x128xf32, #tpu.memory_space<vmem_shared>> -> memref<48x128xf32, #tpu.memory_space<vmem_shared>>
      %dma_start3A_74 = arith.constant 0 : i32
      %dma_start3A_75 = arith.constant 0 : i32
      %dma_start3A_76 = tpu.memref_slice %arg9[%dma_start3A_74, %dma_start3A_75] : memref<128x128xf32, #tpu.memory_space<vmem>> -> memref<48x128xf32, #tpu.memory_space<vmem>>
      tpu.enqueue_dma source(%dma_start3A_76 : memref<48x128xf32, #tpu.memory_space<vmem>>) target(%dma_start3A_73 : memref<48x128xf32, #tpu.memory_space<vmem_shared>>) target_semaphore(%run_scoped3A : memref<!tpu.dma_semaphore, #tpu.memory_space<semaphore_mem>>)
      %dma_wait3A = arith.constant 0 : i32
      %dma_wait3A_77 = arith.constant 0 : i32
      %dma_wait3A_78 = tpu.memref_slice %arg9[%dma_wait3A, %dma_wait3A_77] : memref<128x128xf32, #tpu.memory_space<vmem>> -> memref<48x128xf32, #tpu.memory_space<vmem>>
      %dma_wait3A_79 = arith.constant 0 : i32
      %dma_wait3A_80 = tpu.memref_slice %arg11[%add3A_16, %dma_wait3A_79] : memref<10008x128xf32, #tpu.memory_space<vmem_shared>> -> memref<48x128xf32, #tpu.memory_space<vmem_shared>>
      %dma_wait3A_81 = arith.constant 0 : i32
      %dma_wait3A_82 = tpu.memref_slice %arg11[%add3A_16, %dma_wait3A_81] : memref<10008x128xf32, #tpu.memory_space<vmem_shared>> -> memref<48x128xf32, #tpu.memory_space<vmem_shared>>
      %dma_wait3A_83 = arith.constant 0 : i32
      %dma_wait3A_84 = arith.constant 0 : i32
      %dma_wait3A_85 = tpu.memref_slice %arg9[%dma_wait3A_83, %dma_wait3A_84] : memref<128x128xf32, #tpu.memory_space<vmem>> -> memref<48x128xf32, #tpu.memory_space<vmem>>
      tpu.wait_dma2 semaphore(%run_scoped3A : memref<!tpu.dma_semaphore, #tpu.memory_space<semaphore_mem>>) src(%dma_wait3A_85 : memref<48x128xf32, #tpu.memory_space<vmem>>) dst(%dma_wait3A_82 : memref<48x128xf32, #tpu.memory_space<vmem_shared>>)
      tpu.yield
    }) : () -> ()
    %add3A_17 = arith.constant 336 : i32
    %add3A_18 = arith.addi %mul3A_2, %add3A_17 : i32
    "tpu.region"() ({
      %run_scoped3A = tpu.sem_alloc : memref<!tpu.dma_semaphore, #tpu.memory_space<semaphore_mem>>
      %dma_start3A = arith.constant 0 : i32
      %dma_start3A_68 = arith.constant 0 : i32
      %dma_start3A_69 = tpu.memref_slice %arg9[%dma_start3A, %dma_start3A_68] : memref<128x128xf32, #tpu.memory_space<vmem>> -> memref<48x128xf32, #tpu.memory_space<vmem>>
      %dma_start3A_70 = arith.constant 0 : i32
      %dma_start3A_71 = tpu.memref_slice %arg11[%add3A_18, %dma_start3A_70] : memref<10008x128xf32, #tpu.memory_space<vmem_shared>> -> memref<48x128xf32, #tpu.memory_space<vmem_shared>>
      %dma_start3A_72 = arith.constant 0 : i32
      %dma_start3A_73 = tpu.memref_slice %arg11[%add3A_18, %dma_start3A_72] : memref<10008x128xf32, #tpu.memory_space<vmem_shared>> -> memref<48x128xf32, #tpu.memory_space<vmem_shared>>
      %dma_start3A_74 = arith.constant 0 : i32
      %dma_start3A_75 = arith.constant 0 : i32
      %dma_start3A_76 = tpu.memref_slice %arg9[%dma_start3A_74, %dma_start3A_75] : memref<128x128xf32, #tpu.memory_space<vmem>> -> memref<48x128xf32, #tpu.memory_space<vmem>>
      tpu.enqueue_dma source(%dma_start3A_76 : memref<48x128xf32, #tpu.memory_space<vmem>>) target(%dma_start3A_73 : memref<48x128xf32, #tpu.memory_space<vmem_shared>>) target_semaphore(%run_scoped3A : memref<!tpu.dma_semaphore, #tpu.memory_space<semaphore_mem>>)
      %dma_wait3A = arith.constant 0 : i32
      %dma_wait3A_77 = arith.constant 0 : i32
      %dma_wait3A_78 = tpu.memref_slice %arg9[%dma_wait3A, %dma_wait3A_77] : memref<128x128xf32, #tpu.memory_space<vmem>> -> memref<48x128xf32, #tpu.memory_space<vmem>>
      %dma_wait3A_79 = arith.constant 0 : i32
      %dma_wait3A_80 = tpu.memref_slice %arg11[%add3A_18, %dma_wait3A_79] : memref<10008x128xf32, #tpu.memory_space<vmem_shared>> -> memref<48x128xf32, #tpu.memory_space<vmem_shared>>
      %dma_wait3A_81 = arith.constant 0 : i32
      %dma_wait3A_82 = tpu.memref_slice %arg11[%add3A_18, %dma_wait3A_81] : memref<10008x128xf32, #tpu.memory_space<vmem_shared>> -> memref<48x128xf32, #tpu.memory_space<vmem_shared>>
      %dma_wait3A_83 = arith.constant 0 : i32
      %dma_wait3A_84 = arith.constant 0 : i32
      %dma_wait3A_85 = tpu.memref_slice %arg9[%dma_wait3A_83, %dma_wait3A_84] : memref<128x128xf32, #tpu.memory_space<vmem>> -> memref<48x128xf32, #tpu.memory_space<vmem>>
      tpu.wait_dma2 semaphore(%run_scoped3A : memref<!tpu.dma_semaphore, #tpu.memory_space<semaphore_mem>>) src(%dma_wait3A_85 : memref<48x128xf32, #tpu.memory_space<vmem>>) dst(%dma_wait3A_82 : memref<48x128xf32, #tpu.memory_space<vmem_shared>>)
      tpu.yield
    }) : () -> ()
    %add3A_19 = arith.constant 384 : i32
    %add3A_20 = arith.addi %mul3A_2, %add3A_19 : i32
    "tpu.region"() ({
      %run_scoped3A = tpu.sem_alloc : memref<!tpu.dma_semaphore, #tpu.memory_space<semaphore_mem>>
      %dma_start3A = arith.constant 0 : i32
      %dma_start3A_68 = arith.constant 0 : i32
      %dma_start3A_69 = tpu.memref_slice %arg9[%dma_start3A, %dma_start3A_68] : memref<128x128xf32, #tpu.memory_space<vmem>> -> memref<48x128xf32, #tpu.memory_space<vmem>>
      %dma_start3A_70 = arith.constant 0 : i32
      %dma_start3A_71 = tpu.memref_slice %arg11[%add3A_20, %dma_start3A_70] : memref<10008x128xf32, #tpu.memory_space<vmem_shared>> -> memref<48x128xf32, #tpu.memory_space<vmem_shared>>
      %dma_start3A_72 = arith.constant 0 : i32
      %dma_start3A_73 = tpu.memref_slice %arg11[%add3A_20, %dma_start3A_72] : memref<10008x128xf32, #tpu.memory_space<vmem_shared>> -> memref<48x128xf32, #tpu.memory_space<vmem_shared>>
      %dma_start3A_74 = arith.constant 0 : i32
      %dma_start3A_75 = arith.constant 0 : i32
      %dma_start3A_76 = tpu.memref_slice %arg9[%dma_start3A_74, %dma_start3A_75] : memref<128x128xf32, #tpu.memory_space<vmem>> -> memref<48x128xf32, #tpu.memory_space<vmem>>
      tpu.enqueue_dma source(%dma_start3A_76 : memref<48x128xf32, #tpu.memory_space<vmem>>) target(%dma_start3A_73 : memref<48x128xf32, #tpu.memory_space<vmem_shared>>) target_semaphore(%run_scoped3A : memref<!tpu.dma_semaphore, #tpu.memory_space<semaphore_mem>>)
      %dma_wait3A = arith.constant 0 : i32
      %dma_wait3A_77 = arith.constant 0 : i32
      %dma_wait3A_78 = tpu.memref_slice %arg9[%dma_wait3A, %dma_wait3A_77] : memref<128x128xf32, #tpu.memory_space<vmem>> -> memref<48x128xf32, #tpu.memory_space<vmem>>
      %dma_wait3A_79 = arith.constant 0 : i32
      %dma_wait3A_80 = tpu.memref_slice %arg11[%add3A_20, %dma_wait3A_79] : memref<10008x128xf32, #tpu.memory_space<vmem_shared>> -> memref<48x128xf32, #tpu.memory_space<vmem_shared>>
      %dma_wait3A_81 = arith.constant 0 : i32
      %dma_wait3A_82 = tpu.memref_slice %arg11[%add3A_20, %dma_wait3A_81] : memref<10008x128xf32, #tpu.memory_space<vmem_shared>> -> memref<48x128xf32, #tpu.memory_space<vmem_shared>>
      %dma_wait3A_83 = arith.constant 0 : i32
      %dma_wait3A_84 = arith.constant 0 : i32
      %dma_wait3A_85 = tpu.memref_slice %arg9[%dma_wait3A_83, %dma_wait3A_84] : memref<128x128xf32, #tpu.memory_space<vmem>> -> memref<48x128xf32, #tpu.memory_space<vmem>>
      tpu.wait_dma2 semaphore(%run_scoped3A : memref<!tpu.dma_semaphore, #tpu.memory_space<semaphore_mem>>) src(%dma_wait3A_85 : memref<48x128xf32, #tpu.memory_space<vmem>>) dst(%dma_wait3A_82 : memref<48x128xf32, #tpu.memory_space<vmem_shared>>)
      tpu.yield
    }) : () -> ()
    %add3A_21 = arith.constant 432 : i32
    %add3A_22 = arith.addi %mul3A_2, %add3A_21 : i32
    "tpu.region"() ({
      %run_scoped3A = tpu.sem_alloc : memref<!tpu.dma_semaphore, #tpu.memory_space<semaphore_mem>>
      %dma_start3A = arith.constant 0 : i32
      %dma_start3A_68 = arith.constant 0 : i32
      %dma_start3A_69 = tpu.memref_slice %arg9[%dma_start3A, %dma_start3A_68] : memref<128x128xf32, #tpu.memory_space<vmem>> -> memref<48x128xf32, #tpu.memory_space<vmem>>
      %dma_start3A_70 = arith.constant 0 : i32
      %dma_start3A_71 = tpu.memref_slice %arg11[%add3A_22, %dma_start3A_70] : memref<10008x128xf32, #tpu.memory_space<vmem_shared>> -> memref<48x128xf32, #tpu.memory_space<vmem_shared>>
      %dma_start3A_72 = arith.constant 0 : i32
      %dma_start3A_73 = tpu.memref_slice %arg11[%add3A_22, %dma_start3A_72] : memref<10008x128xf32, #tpu.memory_space<vmem_shared>> -> memref<48x128xf32, #tpu.memory_space<vmem_shared>>
      %dma_start3A_74 = arith.constant 0 : i32
      %dma_start3A_75 = arith.constant 0 : i32
      %dma_start3A_76 = tpu.memref_slice %arg9[%dma_start3A_74, %dma_start3A_75] : memref<128x128xf32, #tpu.memory_space<vmem>> -> memref<48x128xf32, #tpu.memory_space<vmem>>
      tpu.enqueue_dma source(%dma_start3A_76 : memref<48x128xf32, #tpu.memory_space<vmem>>) target(%dma_start3A_73 : memref<48x128xf32, #tpu.memory_space<vmem_shared>>) target_semaphore(%run_scoped3A : memref<!tpu.dma_semaphore, #tpu.memory_space<semaphore_mem>>)
      %dma_wait3A = arith.constant 0 : i32
      %dma_wait3A_77 = arith.constant 0 : i32
      %dma_wait3A_78 = tpu.memref_slice %arg9[%dma_wait3A, %dma_wait3A_77] : memref<128x128xf32, #tpu.memory_space<vmem>> -> memref<48x128xf32, #tpu.memory_space<vmem>>
      %dma_wait3A_79 = arith.constant 0 : i32
      %dma_wait3A_80 = tpu.memref_slice %arg11[%add3A_22, %dma_wait3A_79] : memref<10008x128xf32, #tpu.memory_space<vmem_shared>> -> memref<48x128xf32, #tpu.memory_space<vmem_shared>>
      %dma_wait3A_81 = arith.constant 0 : i32
      %dma_wait3A_82 = tpu.memref_slice %arg11[%add3A_22, %dma_wait3A_81] : memref<10008x128xf32, #tpu.memory_space<vmem_shared>> -> memref<48x128xf32, #tpu.memory_space<vmem_shared>>
      %dma_wait3A_83 = arith.constant 0 : i32
      %dma_wait3A_84 = arith.constant 0 : i32
      %dma_wait3A_85 = tpu.memref_slice %arg9[%dma_wait3A_83, %dma_wait3A_84] : memref<128x128xf32, #tpu.memory_space<vmem>> -> memref<48x128xf32, #tpu.memory_space<vmem>>
      tpu.wait_dma2 semaphore(%run_scoped3A : memref<!tpu.dma_semaphore, #tpu.memory_space<semaphore_mem>>) src(%dma_wait3A_85 : memref<48x128xf32, #tpu.memory_space<vmem>>) dst(%dma_wait3A_82 : memref<48x128xf32, #tpu.memory_space<vmem_shared>>)
      tpu.yield
    }) : () -> ()
    %add3A_23 = arith.constant 480 : i32
    %add3A_24 = arith.addi %mul3A_2, %add3A_23 : i32
    "tpu.region"() ({
      %run_scoped3A = tpu.sem_alloc : memref<!tpu.dma_semaphore, #tpu.memory_space<semaphore_mem>>
      %dma_start3A = arith.constant 0 : i32
      %dma_start3A_68 = arith.constant 0 : i32
      %dma_start3A_69 = tpu.memref_slice %arg9[%dma_start3A, %dma_start3A_68] : memref<128x128xf32, #tpu.memory_space<vmem>> -> memref<48x128xf32, #tpu.memory_space<vmem>>
      %dma_start3A_70 = arith.constant 0 : i32
      %dma_start3A_71 = tpu.memref_slice %arg11[%add3A_24, %dma_start3A_70] : memref<10008x128xf32, #tpu.memory_space<vmem_shared>> -> memref<48x128xf32, #tpu.memory_space<vmem_shared>>
      %dma_start3A_72 = arith.constant 0 : i32
      %dma_start3A_73 = tpu.memref_slice %arg11[%add3A_24, %dma_start3A_72] : memref<10008x128xf32, #tpu.memory_space<vmem_shared>> -> memref<48x128xf32, #tpu.memory_space<vmem_shared>>
      %dma_start3A_74 = arith.constant 0 : i32
      %dma_start3A_75 = arith.constant 0 : i32
      %dma_start3A_76 = tpu.memref_slice %arg9[%dma_start3A_74, %dma_start3A_75] : memref<128x128xf32, #tpu.memory_space<vmem>> -> memref<48x128xf32, #tpu.memory_space<vmem>>
      tpu.enqueue_dma source(%dma_start3A_76 : memref<48x128xf32, #tpu.memory_space<vmem>>) target(%dma_start3A_73 : memref<48x128xf32, #tpu.memory_space<vmem_shared>>) target_semaphore(%run_scoped3A : memref<!tpu.dma_semaphore, #tpu.memory_space<semaphore_mem>>)
      %dma_wait3A = arith.constant 0 : i32
      %dma_wait3A_77 = arith.constant 0 : i32
      %dma_wait3A_78 = tpu.memref_slice %arg9[%dma_wait3A, %dma_wait3A_77] : memref<128x128xf32, #tpu.memory_space<vmem>> -> memref<48x128xf32, #tpu.memory_space<vmem>>
      %dma_wait3A_79 = arith.constant 0 : i32
      %dma_wait3A_80 = tpu.memref_slice %arg11[%add3A_24, %dma_wait3A_79] : memref<10008x128xf32, #tpu.memory_space<vmem_shared>> -> memref<48x128xf32, #tpu.memory_space<vmem_shared>>
      %dma_wait3A_81 = arith.constant 0 : i32
      %dma_wait3A_82 = tpu.memref_slice %arg11[%add3A_24, %dma_wait3A_81] : memref<10008x128xf32, #tpu.memory_space<vmem_shared>> -> memref<48x128xf32, #tpu.memory_space<vmem_shared>>
      %dma_wait3A_83 = arith.constant 0 : i32
      %dma_wait3A_84 = arith.constant 0 : i32
      %dma_wait3A_85 = tpu.memref_slice %arg9[%dma_wait3A_83, %dma_wait3A_84] : memref<128x128xf32, #tpu.memory_space<vmem>> -> memref<48x128xf32, #tpu.memory_space<vmem>>
      tpu.wait_dma2 semaphore(%run_scoped3A : memref<!tpu.dma_semaphore, #tpu.memory_space<semaphore_mem>>) src(%dma_wait3A_85 : memref<48x128xf32, #tpu.memory_space<vmem>>) dst(%dma_wait3A_82 : memref<48x128xf32, #tpu.memory_space<vmem_shared>>)
      tpu.yield
    }) : () -> ()
    %add3A_25 = arith.constant 528 : i32
    %add3A_26 = arith.addi %mul3A_2, %add3A_25 : i32
    "tpu.region"() ({
      %run_scoped3A = tpu.sem_alloc : memref<!tpu.dma_semaphore, #tpu.memory_space<semaphore_mem>>
      %dma_start3A = arith.constant 0 : i32
      %dma_start3A_68 = arith.constant 0 : i32
      %dma_start3A_69 = tpu.memref_slice %arg9[%dma_start3A, %dma_start3A_68] : memref<128x128xf32, #tpu.memory_space<vmem>> -> memref<48x128xf32, #tpu.memory_space<vmem>>
      %dma_start3A_70 = arith.constant 0 : i32
      %dma_start3A_71 = tpu.memref_slice %arg11[%add3A_26, %dma_start3A_70] : memref<10008x128xf32, #tpu.memory_space<vmem_shared>> -> memref<48x128xf32, #tpu.memory_space<vmem_shared>>
      %dma_start3A_72 = arith.constant 0 : i32
      %dma_start3A_73 = tpu.memref_slice %arg11[%add3A_26, %dma_start3A_72] : memref<10008x128xf32, #tpu.memory_space<vmem_shared>> -> memref<48x128xf32, #tpu.memory_space<vmem_shared>>
      %dma_start3A_74 = arith.constant 0 : i32
      %dma_start3A_75 = arith.constant 0 : i32
      %dma_start3A_76 = tpu.memref_slice %arg9[%dma_start3A_74, %dma_start3A_75] : memref<128x128xf32, #tpu.memory_space<vmem>> -> memref<48x128xf32, #tpu.memory_space<vmem>>
      tpu.enqueue_dma source(%dma_start3A_76 : memref<48x128xf32, #tpu.memory_space<vmem>>) target(%dma_start3A_73 : memref<48x128xf32, #tpu.memory_space<vmem_shared>>) target_semaphore(%run_scoped3A : memref<!tpu.dma_semaphore, #tpu.memory_space<semaphore_mem>>)
      %dma_wait3A = arith.constant 0 : i32
      %dma_wait3A_77 = arith.constant 0 : i32
      %dma_wait3A_78 = tpu.memref_slice %arg9[%dma_wait3A, %dma_wait3A_77] : memref<128x128xf32, #tpu.memory_space<vmem>> -> memref<48x128xf32, #tpu.memory_space<vmem>>
      %dma_wait3A_79 = arith.constant 0 : i32
      %dma_wait3A_80 = tpu.memref_slice %arg11[%add3A_26, %dma_wait3A_79] : memref<10008x128xf32, #tpu.memory_space<vmem_shared>> -> memref<48x128xf32, #tpu.memory_space<vmem_shared>>
      %dma_wait3A_81 = arith.constant 0 : i32
      %dma_wait3A_82 = tpu.memref_slice %arg11[%add3A_26, %dma_wait3A_81] : memref<10008x128xf32, #tpu.memory_space<vmem_shared>> -> memref<48x128xf32, #tpu.memory_space<vmem_shared>>
      %dma_wait3A_83 = arith.constant 0 : i32
      %dma_wait3A_84 = arith.constant 0 : i32
      %dma_wait3A_85 = tpu.memref_slice %arg9[%dma_wait3A_83, %dma_wait3A_84] : memref<128x128xf32, #tpu.memory_space<vmem>> -> memref<48x128xf32, #tpu.memory_space<vmem>>
      tpu.wait_dma2 semaphore(%run_scoped3A : memref<!tpu.dma_semaphore, #tpu.memory_space<semaphore_mem>>) src(%dma_wait3A_85 : memref<48x128xf32, #tpu.memory_space<vmem>>) dst(%dma_wait3A_82 : memref<48x128xf32, #tpu.memory_space<vmem_shared>>)
      tpu.yield
    }) : () -> ()
    %add3A_27 = arith.constant 576 : i32
    %add3A_28 = arith.addi %mul3A_2, %add3A_27 : i32
    "tpu.region"() ({
      %run_scoped3A = tpu.sem_alloc : memref<!tpu.dma_semaphore, #tpu.memory_space<semaphore_mem>>
      %dma_start3A = arith.constant 0 : i32
      %dma_start3A_68 = arith.constant 0 : i32
      %dma_start3A_69 = tpu.memref_slice %arg9[%dma_start3A, %dma_start3A_68] : memref<128x128xf32, #tpu.memory_space<vmem>> -> memref<48x128xf32, #tpu.memory_space<vmem>>
      %dma_start3A_70 = arith.constant 0 : i32
      %dma_start3A_71 = tpu.memref_slice %arg11[%add3A_28, %dma_start3A_70] : memref<10008x128xf32, #tpu.memory_space<vmem_shared>> -> memref<48x128xf32, #tpu.memory_space<vmem_shared>>
      %dma_start3A_72 = arith.constant 0 : i32
      %dma_start3A_73 = tpu.memref_slice %arg11[%add3A_28, %dma_start3A_72] : memref<10008x128xf32, #tpu.memory_space<vmem_shared>> -> memref<48x128xf32, #tpu.memory_space<vmem_shared>>
      %dma_start3A_74 = arith.constant 0 : i32
      %dma_start3A_75 = arith.constant 0 : i32
      %dma_start3A_76 = tpu.memref_slice %arg9[%dma_start3A_74, %dma_start3A_75] : memref<128x128xf32, #tpu.memory_space<vmem>> -> memref<48x128xf32, #tpu.memory_space<vmem>>
      tpu.enqueue_dma source(%dma_start3A_76 : memref<48x128xf32, #tpu.memory_space<vmem>>) target(%dma_start3A_73 : memref<48x128xf32, #tpu.memory_space<vmem_shared>>) target_semaphore(%run_scoped3A : memref<!tpu.dma_semaphore, #tpu.memory_space<semaphore_mem>>)
      %dma_wait3A = arith.constant 0 : i32
      %dma_wait3A_77 = arith.constant 0 : i32
      %dma_wait3A_78 = tpu.memref_slice %arg9[%dma_wait3A, %dma_wait3A_77] : memref<128x128xf32, #tpu.memory_space<vmem>> -> memref<48x128xf32, #tpu.memory_space<vmem>>
      %dma_wait3A_79 = arith.constant 0 : i32
      %dma_wait3A_80 = tpu.memref_slice %arg11[%add3A_28, %dma_wait3A_79] : memref<10008x128xf32, #tpu.memory_space<vmem_shared>> -> memref<48x128xf32, #tpu.memory_space<vmem_shared>>
      %dma_wait3A_81 = arith.constant 0 : i32
      %dma_wait3A_82 = tpu.memref_slice %arg11[%add3A_28, %dma_wait3A_81] : memref<10008x128xf32, #tpu.memory_space<vmem_shared>> -> memref<48x128xf32, #tpu.memory_space<vmem_shared>>
      %dma_wait3A_83 = arith.constant 0 : i32
      %dma_wait3A_84 = arith.constant 0 : i32
      %dma_wait3A_85 = tpu.memref_slice %arg9[%dma_wait3A_83, %dma_wait3A_84] : memref<128x128xf32, #tpu.memory_space<vmem>> -> memref<48x128xf32, #tpu.memory_space<vmem>>
      tpu.wait_dma2 semaphore(%run_scoped3A : memref<!tpu.dma_semaphore, #tpu.memory_space<semaphore_mem>>) src(%dma_wait3A_85 : memref<48x128xf32, #tpu.memory_space<vmem>>) dst(%dma_wait3A_82 : memref<48x128xf32, #tpu.memory_space<vmem_shared>>)
      tpu.yield
    }) : () -> ()
    %eq3A = arith.constant 15 : i32
    %eq3A_29 = arith.cmpi eq, %arg1, %eq3A : i32
    %convert_element_type3A = arith.extui %eq3A_29 : i1 to i32
    %cond3A = arith.constant 0 : i32
    %cond3A_30 = arith.cmpi ne, %convert_element_type3A, %cond3A : i32
    scf.if %cond3A_30 {
      "tpu.region"() ({
        %run_scoped3A = tpu.sem_alloc : memref<!tpu.dma_semaphore, #tpu.memory_space<semaphore_mem>>
        %dma_start3A = arith.constant 0 : i32
        %dma_start3A_68 = arith.constant 0 : i32
        %dma_start3A_69 = tpu.memref_slice %arg9[%dma_start3A, %dma_start3A_68] : memref<128x128xf32, #tpu.memory_space<vmem>> -> memref<24x128xf32, #tpu.memory_space<vmem>>
        %dma_start3A_70 = arith.constant 9984 : i32
        %dma_start3A_71 = arith.constant 0 : i32
        %dma_start3A_72 = tpu.memref_slice %arg11[%dma_start3A_70, %dma_start3A_71] : memref<10008x128xf32, #tpu.memory_space<vmem_shared>> -> memref<24x128xf32, #tpu.memory_space<vmem_shared>>
        %dma_start3A_73 = arith.constant 9984 : i32
        %dma_start3A_74 = arith.constant 0 : i32
        %dma_start3A_75 = tpu.memref_slice %arg11[%dma_start3A_73, %dma_start3A_74] : memref<10008x128xf32, #tpu.memory_space<vmem_shared>> -> memref<24x128xf32, #tpu.memory_space<vmem_shared>>
        %dma_start3A_76 = arith.constant 0 : i32
        %dma_start3A_77 = arith.constant 0 : i32
        %dma_start3A_78 = tpu.memref_slice %arg9[%dma_start3A_76, %dma_start3A_77] : memref<128x128xf32, #tpu.memory_space<vmem>> -> memref<24x128xf32, #tpu.memory_space<vmem>>
        tpu.enqueue_dma source(%dma_start3A_78 : memref<24x128xf32, #tpu.memory_space<vmem>>) target(%dma_start3A_75 : memref<24x128xf32, #tpu.memory_space<vmem_shared>>) target_semaphore(%run_scoped3A : memref<!tpu.dma_semaphore, #tpu.memory_space<semaphore_mem>>)
        %dma_wait3A = arith.constant 0 : i32
        %dma_wait3A_79 = arith.constant 0 : i32
        %dma_wait3A_80 = tpu.memref_slice %arg9[%dma_wait3A, %dma_wait3A_79] : memref<128x128xf32, #tpu.memory_space<vmem>> -> memref<24x128xf32, #tpu.memory_space<vmem>>
        %dma_wait3A_81 = arith.constant 9984 : i32
        %dma_wait3A_82 = arith.constant 0 : i32
        %dma_wait3A_83 = tpu.memref_slice %arg11[%dma_wait3A_81, %dma_wait3A_82] : memref<10008x128xf32, #tpu.memory_space<vmem_shared>> -> memref<24x128xf32, #tpu.memory_space<vmem_shared>>
        %dma_wait3A_84 = arith.constant 9984 : i32
        %dma_wait3A_85 = arith.constant 0 : i32
        %dma_wait3A_86 = tpu.memref_slice %arg11[%dma_wait3A_84, %dma_wait3A_85] : memref<10008x128xf32, #tpu.memory_space<vmem_shared>> -> memref<24x128xf32, #tpu.memory_space<vmem_shared>>
        %dma_wait3A_87 = arith.constant 0 : i32
        %dma_wait3A_88 = arith.constant 0 : i32
        %dma_wait3A_89 = tpu.memref_slice %arg9[%dma_wait3A_87, %dma_wait3A_88] : memref<128x128xf32, #tpu.memory_space<vmem>> -> memref<24x128xf32, #tpu.memory_space<vmem>>
        tpu.wait_dma2 semaphore(%run_scoped3A : memref<!tpu.dma_semaphore, #tpu.memory_space<semaphore_mem>>) src(%dma_wait3A_89 : memref<24x128xf32, #tpu.memory_space<vmem>>) dst(%dma_wait3A_86 : memref<24x128xf32, #tpu.memory_space<vmem_shared>>)
        tpu.yield
      }) : () -> ()
    } else {
    }
    %barrier3A = arith.constant 0 : index
    tpu.barrier barrier_id(%barrier3A)
    %scan3A = arith.constant 0 : i32
    %scan3A_31 = arith.constant 0 : i32
    %scan3A_32 = arith.constant 80 : i32
    %scan3A_33 = arith.addi %scan3A_31, %scan3A_32 : i32
    %scan3A_34 = arith.constant 1 : i32
    scf.for %scan3A_68 = %scan3A_31 to %scan3A_33 step %scan3A_34  : i32 {
      "tpu.region"() ({
        %run_scoped3A = tpu.sem_alloc : memref<!tpu.dma_semaphore, #tpu.memory_space<semaphore_mem>>
        %dma_start3A_73 = arith.constant 0 : i32
        %dma_start3A_74 = tpu.memref_slice %arg3[%add3A, %scan3A_68, %dma_start3A_73] : memref<32x80x128xi32, #tpu.memory_space<hbm>> -> memref<1x1x128xi32, #tpu.memory_space<hbm>>
        %dma_start3A_75 = tpu.memref_squeeze %dma_start3A_74 : memref<1x1x128xi32, #tpu.memory_space<hbm>> -> memref<128xi32, #tpu.memory_space<hbm>>
        %dma_start3A_76 = arith.constant 0 : i32
        %dma_start3A_77 = tpu.memref_slice %arg3[%add3A, %scan3A_68, %dma_start3A_76] : memref<32x80x128xi32, #tpu.memory_space<hbm>> -> memref<1x1x128xi32, #tpu.memory_space<hbm>>
        %dma_start3A_78 = tpu.memref_squeeze %dma_start3A_77 : memref<1x1x128xi32, #tpu.memory_space<hbm>> -> memref<128xi32, #tpu.memory_space<hbm>>
        tpu.enqueue_dma source(%dma_start3A_78 : memref<128xi32, #tpu.memory_space<hbm>>) target(%arg7 : memref<128xi32, #tpu.memory_space<vmem>>) target_semaphore(%run_scoped3A : memref<!tpu.dma_semaphore, #tpu.memory_space<semaphore_mem>>)
        %dma_wait3A_79 = arith.constant 0 : i32
        %dma_wait3A_80 = tpu.memref_slice %arg3[%add3A, %scan3A_68, %dma_wait3A_79] : memref<32x80x128xi32, #tpu.memory_space<hbm>> -> memref<1x1x128xi32, #tpu.memory_space<hbm>>
        %dma_wait3A_81 = tpu.memref_squeeze %dma_wait3A_80 : memref<1x1x128xi32, #tpu.memory_space<hbm>> -> memref<128xi32, #tpu.memory_space<hbm>>
        %dma_wait3A_82 = arith.constant 0 : i32
        %dma_wait3A_83 = tpu.memref_slice %arg3[%add3A, %scan3A_68, %dma_wait3A_82] : memref<32x80x128xi32, #tpu.memory_space<hbm>> -> memref<1x1x128xi32, #tpu.memory_space<hbm>>
        %dma_wait3A_84 = tpu.memref_squeeze %dma_wait3A_83 : memref<1x1x128xi32, #tpu.memory_space<hbm>> -> memref<128xi32, #tpu.memory_space<hbm>>
        tpu.wait_dma2 semaphore(%run_scoped3A : memref<!tpu.dma_semaphore, #tpu.memory_space<semaphore_mem>>) src(%dma_wait3A_84 : memref<128xi32, #tpu.memory_space<hbm>>) dst(%arg7 : memref<128xi32, #tpu.memory_space<vmem>>)
        tpu.yield
      }) : () -> ()
      "tpu.region"() ({
        %run_scoped3A = tpu.sem_alloc : memref<!tpu.dma_semaphore, #tpu.memory_space<semaphore_mem>>
        %dma_start3A_73 = arith.constant 0 : i32
        %dma_start3A_74 = tpu.memref_slice %arg4[%add3A, %scan3A_68, %dma_start3A_73] : memref<32x80x128xi32, #tpu.memory_space<hbm>> -> memref<1x1x128xi32, #tpu.memory_space<hbm>>
        %dma_start3A_75 = tpu.memref_squeeze %dma_start3A_74 : memref<1x1x128xi32, #tpu.memory_space<hbm>> -> memref<128xi32, #tpu.memory_space<hbm>>
        %dma_start3A_76 = arith.constant 0 : i32
        %dma_start3A_77 = tpu.memref_slice %arg4[%add3A, %scan3A_68, %dma_start3A_76] : memref<32x80x128xi32, #tpu.memory_space<hbm>> -> memref<1x1x128xi32, #tpu.memory_space<hbm>>
        %dma_start3A_78 = tpu.memref_squeeze %dma_start3A_77 : memref<1x1x128xi32, #tpu.memory_space<hbm>> -> memref<128xi32, #tpu.memory_space<hbm>>
        tpu.enqueue_dma source(%dma_start3A_78 : memref<128xi32, #tpu.memory_space<hbm>>) target(%arg8 : memref<128xi32, #tpu.memory_space<vmem>>) target_semaphore(%run_scoped3A : memref<!tpu.dma_semaphore, #tpu.memory_space<semaphore_mem>>)
        %dma_wait3A_79 = arith.constant 0 : i32
        %dma_wait3A_80 = tpu.memref_slice %arg4[%add3A, %scan3A_68, %dma_wait3A_79] : memref<32x80x128xi32, #tpu.memory_space<hbm>> -> memref<1x1x128xi32, #tpu.memory_space<hbm>>
        %dma_wait3A_81 = tpu.memref_squeeze %dma_wait3A_80 : memref<1x1x128xi32, #tpu.memory_space<hbm>> -> memref<128xi32, #tpu.memory_space<hbm>>
        %dma_wait3A_82 = arith.constant 0 : i32
        %dma_wait3A_83 = tpu.memref_slice %arg4[%add3A, %scan3A_68, %dma_wait3A_82] : memref<32x80x128xi32, #tpu.memory_space<hbm>> -> memref<1x1x128xi32, #tpu.memory_space<hbm>>
        %dma_wait3A_84 = tpu.memref_squeeze %dma_wait3A_83 : memref<1x1x128xi32, #tpu.memory_space<hbm>> -> memref<128xi32, #tpu.memory_space<hbm>>
        tpu.wait_dma2 semaphore(%run_scoped3A : memref<!tpu.dma_semaphore, #tpu.memory_space<semaphore_mem>>) src(%dma_wait3A_84 : memref<128xi32, #tpu.memory_space<hbm>>) dst(%arg8 : memref<128xi32, #tpu.memory_space<vmem>>)
        tpu.yield
      }) : () -> ()
      %dma_start3A = arith.constant 0 : i32
      %dma_start3A_69 = arith.constant 0 : i32
      %dma_start3A_70 = tpu.memref_slice %arg2[%dma_start3A, %dma_start3A_69] : memref<327680x128xf32, #tpu.memory_space<hbm>> -> memref<327680x128xf32, #tpu.memory_space<hbm>>
      tpu.enqueue_indirect_dma source(%dma_start3A_70 : memref<327680x128xf32, #tpu.memory_space<hbm>>) target(%arg9 : memref<128x128xf32, #tpu.memory_space<vmem>>) offsets(%arg7 : memref<128xi32, #tpu.memory_space<vmem>>) semaphore(%arg10 : memref<!tpu.dma_semaphore, #tpu.memory_space<semaphore_mem>>)
      %dma_wait3A = arith.constant 0 : i32
      %dma_wait3A_71 = arith.constant 0 : i32
      %dma_wait3A_72 = tpu.memref_slice %arg2[%dma_wait3A, %dma_wait3A_71] : memref<327680x128xf32, #tpu.memory_space<hbm>> -> memref<327680x128xf32, #tpu.memory_space<hbm>>
      tpu.wait_indirect_dma semaphore(%arg10 : memref<!tpu.dma_semaphore, #tpu.memory_space<semaphore_mem>>) src(%dma_wait3A_72 : memref<327680x128xf32, #tpu.memory_space<hbm>>) dst(%arg9 : memref<128x128xf32, #tpu.memory_space<vmem>>)
      "tpu.region"() ({
        %run_scoped3A = tpu.sem_alloc : memref<!tpu.dma_semaphore, #tpu.memory_space<semaphore_mem>>
        %dma_start3A_73 = arith.constant 0 : i32
        %dma_start3A_74 = arith.constant 0 : i32
        %dma_start3A_75 = tpu.memref_slice %arg11[%dma_start3A_73, %dma_start3A_74] : memref<10008x128xf32, #tpu.memory_space<vmem_shared>> -> memref<10008x128xf32, #tpu.memory_space<vmem_shared>>
        tpu.enqueue_indirect_dma source(%arg9 : memref<128x128xf32, #tpu.memory_space<vmem>>) target(%dma_start3A_75 : memref<10008x128xf32, #tpu.memory_space<vmem_shared>>) offsets(%arg8 : memref<128xi32, #tpu.memory_space<vmem>>) semaphore(%run_scoped3A : memref<!tpu.dma_semaphore, #tpu.memory_space<semaphore_mem>>) {add = true}
        %dma_wait3A_76 = arith.constant 0 : i32
        %dma_wait3A_77 = arith.constant 0 : i32
        %dma_wait3A_78 = tpu.memref_slice %arg11[%dma_wait3A_76, %dma_wait3A_77] : memref<10008x128xf32, #tpu.memory_space<vmem_shared>> -> memref<10008x128xf32, #tpu.memory_space<vmem_shared>>
        tpu.wait_indirect_dma semaphore(%run_scoped3A : memref<!tpu.dma_semaphore, #tpu.memory_space<semaphore_mem>>) src(%arg9 : memref<128x128xf32, #tpu.memory_space<vmem>>) dst(%dma_wait3A_78 : memref<10008x128xf32, #tpu.memory_space<vmem_shared>>)
        tpu.yield
      }) : () -> ()
    }
    %scan3A_35 = arith.constant 80 : i32
    %barrier3A_36 = arith.constant 0 : index
    tpu.barrier barrier_id(%barrier3A_36)
    %add3A_37 = arith.constant 0 : i32
    %add3A_38 = arith.addi %mul3A_2, %add3A_37 : i32
    "tpu.region"() ({
      %run_scoped3A = tpu.sem_alloc : memref<!tpu.dma_semaphore, #tpu.memory_space<semaphore_mem>>
      %dma_start3A = arith.constant 0 : i32
      %dma_start3A_68 = arith.constant 0 : i32
      %dma_start3A_69 = tpu.memref_slice %arg9[%dma_start3A, %dma_start3A_68] : memref<128x128xf32, #tpu.memory_space<vmem>> -> memref<48x128xf32, #tpu.memory_space<vmem>>
      %dma_start3A_70 = arith.constant 0 : i32
      %dma_start3A_71 = tpu.memref_slice %arg11[%add3A_38, %dma_start3A_70] : memref<10008x128xf32, #tpu.memory_space<vmem_shared>> -> memref<48x128xf32, #tpu.memory_space<vmem_shared>>
      %dma_start3A_72 = arith.constant 0 : i32
      %dma_start3A_73 = arith.constant 0 : i32
      %dma_start3A_74 = tpu.memref_slice %arg9[%dma_start3A_72, %dma_start3A_73] : memref<128x128xf32, #tpu.memory_space<vmem>> -> memref<48x128xf32, #tpu.memory_space<vmem>>
      %dma_start3A_75 = arith.constant 0 : i32
      %dma_start3A_76 = tpu.memref_slice %arg11[%add3A_38, %dma_start3A_75] : memref<10008x128xf32, #tpu.memory_space<vmem_shared>> -> memref<48x128xf32, #tpu.memory_space<vmem_shared>>
      tpu.enqueue_dma source(%dma_start3A_76 : memref<48x128xf32, #tpu.memory_space<vmem_shared>>) target(%dma_start3A_74 : memref<48x128xf32, #tpu.memory_space<vmem>>) target_semaphore(%run_scoped3A : memref<!tpu.dma_semaphore, #tpu.memory_space<semaphore_mem>>)
      %dma_wait3A = arith.constant 0 : i32
      %dma_wait3A_77 = arith.constant 0 : i32
      %dma_wait3A_78 = tpu.memref_slice %arg9[%dma_wait3A, %dma_wait3A_77] : memref<128x128xf32, #tpu.memory_space<vmem>> -> memref<48x128xf32, #tpu.memory_space<vmem>>
      %dma_wait3A_79 = arith.constant 0 : i32
      %dma_wait3A_80 = tpu.memref_slice %arg11[%add3A_38, %dma_wait3A_79] : memref<10008x128xf32, #tpu.memory_space<vmem_shared>> -> memref<48x128xf32, #tpu.memory_space<vmem_shared>>
      %dma_wait3A_81 = arith.constant 0 : i32
      %dma_wait3A_82 = arith.constant 0 : i32
      %dma_wait3A_83 = tpu.memref_slice %arg9[%dma_wait3A_81, %dma_wait3A_82] : memref<128x128xf32, #tpu.memory_space<vmem>> -> memref<48x128xf32, #tpu.memory_space<vmem>>
      %dma_wait3A_84 = arith.constant 0 : i32
      %dma_wait3A_85 = tpu.memref_slice %arg11[%add3A_38, %dma_wait3A_84] : memref<10008x128xf32, #tpu.memory_space<vmem_shared>> -> memref<48x128xf32, #tpu.memory_space<vmem_shared>>
      tpu.wait_dma2 semaphore(%run_scoped3A : memref<!tpu.dma_semaphore, #tpu.memory_space<semaphore_mem>>) src(%dma_wait3A_85 : memref<48x128xf32, #tpu.memory_space<vmem_shared>>) dst(%dma_wait3A_83 : memref<48x128xf32, #tpu.memory_space<vmem>>)
      tpu.yield
    }) : () -> ()
    "tpu.region"() ({
      %run_scoped3A = tpu.sem_alloc : memref<!tpu.dma_semaphore, #tpu.memory_space<semaphore_mem>>
      %dma_start3A = arith.constant 0 : i32
      %dma_start3A_68 = arith.constant 0 : i32
      %dma_start3A_69 = tpu.memref_slice %arg9[%dma_start3A, %dma_start3A_68] : memref<128x128xf32, #tpu.memory_space<vmem>> -> memref<48x128xf32, #tpu.memory_space<vmem>>
      %dma_start3A_70 = arith.constant 0 : i32
      %dma_start3A_71 = tpu.memref_slice %arg6[%arg0, %add3A_38, %dma_start3A_70] : memref<2x10008x128xf32, #tpu.memory_space<hbm>> -> memref<1x48x128xf32, #tpu.memory_space<hbm>>
      %dma_start3A_72 = tpu.memref_squeeze %dma_start3A_71 : memref<1x48x128xf32, #tpu.memory_space<hbm>> -> memref<48x128xf32, #tpu.memory_space<hbm>>
      %dma_start3A_73 = arith.constant 0 : i32
      %dma_start3A_74 = tpu.memref_slice %arg6[%arg0, %add3A_38, %dma_start3A_73] : memref<2x10008x128xf32, #tpu.memory_space<hbm>> -> memref<1x48x128xf32, #tpu.memory_space<hbm>>
      %dma_start3A_75 = tpu.memref_squeeze %dma_start3A_74 : memref<1x48x128xf32, #tpu.memory_space<hbm>> -> memref<48x128xf32, #tpu.memory_space<hbm>>
      %dma_start3A_76 = arith.constant 0 : i32
      %dma_start3A_77 = arith.constant 0 : i32
      %dma_start3A_78 = tpu.memref_slice %arg9[%dma_start3A_76, %dma_start3A_77] : memref<128x128xf32, #tpu.memory_space<vmem>> -> memref<48x128xf32, #tpu.memory_space<vmem>>
      tpu.enqueue_dma source(%dma_start3A_78 : memref<48x128xf32, #tpu.memory_space<vmem>>) target(%dma_start3A_75 : memref<48x128xf32, #tpu.memory_space<hbm>>) target_semaphore(%run_scoped3A : memref<!tpu.dma_semaphore, #tpu.memory_space<semaphore_mem>>)
      %dma_wait3A = arith.constant 0 : i32
      %dma_wait3A_79 = arith.constant 0 : i32
      %dma_wait3A_80 = tpu.memref_slice %arg9[%dma_wait3A, %dma_wait3A_79] : memref<128x128xf32, #tpu.memory_space<vmem>> -> memref<48x128xf32, #tpu.memory_space<vmem>>
      %dma_wait3A_81 = arith.constant 0 : i32
      %dma_wait3A_82 = tpu.memref_slice %arg6[%arg0, %add3A_38, %dma_wait3A_81] : memref<2x10008x128xf32, #tpu.memory_space<hbm>> -> memref<1x48x128xf32, #tpu.memory_space<hbm>>
      %dma_wait3A_83 = tpu.memref_squeeze %dma_wait3A_82 : memref<1x48x128xf32, #tpu.memory_space<hbm>> -> memref<48x128xf32, #tpu.memory_space<hbm>>
      %dma_wait3A_84 = arith.constant 0 : i32
      %dma_wait3A_85 = tpu.memref_slice %arg6[%arg0, %add3A_38, %dma_wait3A_84] : memref<2x10008x128xf32, #tpu.memory_space<hbm>> -> memref<1x48x128xf32, #tpu.memory_space<hbm>>
      %dma_wait3A_86 = tpu.memref_squeeze %dma_wait3A_85 : memref<1x48x128xf32, #tpu.memory_space<hbm>> -> memref<48x128xf32, #tpu.memory_space<hbm>>
      %dma_wait3A_87 = arith.constant 0 : i32
      %dma_wait3A_88 = arith.constant 0 : i32
      %dma_wait3A_89 = tpu.memref_slice %arg9[%dma_wait3A_87, %dma_wait3A_88] : memref<128x128xf32, #tpu.memory_space<vmem>> -> memref<48x128xf32, #tpu.memory_space<vmem>>
      tpu.wait_dma2 semaphore(%run_scoped3A : memref<!tpu.dma_semaphore, #tpu.memory_space<semaphore_mem>>) src(%dma_wait3A_89 : memref<48x128xf32, #tpu.memory_space<vmem>>) dst(%dma_wait3A_86 : memref<48x128xf32, #tpu.memory_space<hbm>>)
      tpu.yield
    }) : () -> ()
    %add3A_39 = arith.constant 48 : i32
    %add3A_40 = arith.addi %mul3A_2, %add3A_39 : i32
    "tpu.region"() ({
      %run_scoped3A = tpu.sem_alloc : memref<!tpu.dma_semaphore, #tpu.memory_space<semaphore_mem>>
      %dma_start3A = arith.constant 0 : i32
      %dma_start3A_68 = arith.constant 0 : i32
      %dma_start3A_69 = tpu.memref_slice %arg9[%dma_start3A, %dma_start3A_68] : memref<128x128xf32, #tpu.memory_space<vmem>> -> memref<48x128xf32, #tpu.memory_space<vmem>>
      %dma_start3A_70 = arith.constant 0 : i32
      %dma_start3A_71 = tpu.memref_slice %arg11[%add3A_40, %dma_start3A_70] : memref<10008x128xf32, #tpu.memory_space<vmem_shared>> -> memref<48x128xf32, #tpu.memory_space<vmem_shared>>
      %dma_start3A_72 = arith.constant 0 : i32
      %dma_start3A_73 = arith.constant 0 : i32
      %dma_start3A_74 = tpu.memref_slice %arg9[%dma_start3A_72, %dma_start3A_73] : memref<128x128xf32, #tpu.memory_space<vmem>> -> memref<48x128xf32, #tpu.memory_space<vmem>>
      %dma_start3A_75 = arith.constant 0 : i32
      %dma_start3A_76 = tpu.memref_slice %arg11[%add3A_40, %dma_start3A_75] : memref<10008x128xf32, #tpu.memory_space<vmem_shared>> -> memref<48x128xf32, #tpu.memory_space<vmem_shared>>
      tpu.enqueue_dma source(%dma_start3A_76 : memref<48x128xf32, #tpu.memory_space<vmem_shared>>) target(%dma_start3A_74 : memref<48x128xf32, #tpu.memory_space<vmem>>) target_semaphore(%run_scoped3A : memref<!tpu.dma_semaphore, #tpu.memory_space<semaphore_mem>>)
      %dma_wait3A = arith.constant 0 : i32
      %dma_wait3A_77 = arith.constant 0 : i32
      %dma_wait3A_78 = tpu.memref_slice %arg9[%dma_wait3A, %dma_wait3A_77] : memref<128x128xf32, #tpu.memory_space<vmem>> -> memref<48x128xf32, #tpu.memory_space<vmem>>
      %dma_wait3A_79 = arith.constant 0 : i32
      %dma_wait3A_80 = tpu.memref_slice %arg11[%add3A_40, %dma_wait3A_79] : memref<10008x128xf32, #tpu.memory_space<vmem_shared>> -> memref<48x128xf32, #tpu.memory_space<vmem_shared>>
      %dma_wait3A_81 = arith.constant 0 : i32
      %dma_wait3A_82 = arith.constant 0 : i32
      %dma_wait3A_83 = tpu.memref_slice %arg9[%dma_wait3A_81, %dma_wait3A_82] : memref<128x128xf32, #tpu.memory_space<vmem>> -> memref<48x128xf32, #tpu.memory_space<vmem>>
      %dma_wait3A_84 = arith.constant 0 : i32
      %dma_wait3A_85 = tpu.memref_slice %arg11[%add3A_40, %dma_wait3A_84] : memref<10008x128xf32, #tpu.memory_space<vmem_shared>> -> memref<48x128xf32, #tpu.memory_space<vmem_shared>>
      tpu.wait_dma2 semaphore(%run_scoped3A : memref<!tpu.dma_semaphore, #tpu.memory_space<semaphore_mem>>) src(%dma_wait3A_85 : memref<48x128xf32, #tpu.memory_space<vmem_shared>>) dst(%dma_wait3A_83 : memref<48x128xf32, #tpu.memory_space<vmem>>)
      tpu.yield
    }) : () -> ()
    "tpu.region"() ({
      %run_scoped3A = tpu.sem_alloc : memref<!tpu.dma_semaphore, #tpu.memory_space<semaphore_mem>>
      %dma_start3A = arith.constant 0 : i32
      %dma_start3A_68 = arith.constant 0 : i32
      %dma_start3A_69 = tpu.memref_slice %arg9[%dma_start3A, %dma_start3A_68] : memref<128x128xf32, #tpu.memory_space<vmem>> -> memref<48x128xf32, #tpu.memory_space<vmem>>
      %dma_start3A_70 = arith.constant 0 : i32
      %dma_start3A_71 = tpu.memref_slice %arg6[%arg0, %add3A_40, %dma_start3A_70] : memref<2x10008x128xf32, #tpu.memory_space<hbm>> -> memref<1x48x128xf32, #tpu.memory_space<hbm>>
      %dma_start3A_72 = tpu.memref_squeeze %dma_start3A_71 : memref<1x48x128xf32, #tpu.memory_space<hbm>> -> memref<48x128xf32, #tpu.memory_space<hbm>>
      %dma_start3A_73 = arith.constant 0 : i32
      %dma_start3A_74 = tpu.memref_slice %arg6[%arg0, %add3A_40, %dma_start3A_73] : memref<2x10008x128xf32, #tpu.memory_space<hbm>> -> memref<1x48x128xf32, #tpu.memory_space<hbm>>
      %dma_start3A_75 = tpu.memref_squeeze %dma_start3A_74 : memref<1x48x128xf32, #tpu.memory_space<hbm>> -> memref<48x128xf32, #tpu.memory_space<hbm>>
      %dma_start3A_76 = arith.constant 0 : i32
      %dma_start3A_77 = arith.constant 0 : i32
      %dma_start3A_78 = tpu.memref_slice %arg9[%dma_start3A_76, %dma_start3A_77] : memref<128x128xf32, #tpu.memory_space<vmem>> -> memref<48x128xf32, #tpu.memory_space<vmem>>
      tpu.enqueue_dma source(%dma_start3A_78 : memref<48x128xf32, #tpu.memory_space<vmem>>) target(%dma_start3A_75 : memref<48x128xf32, #tpu.memory_space<hbm>>) target_semaphore(%run_scoped3A : memref<!tpu.dma_semaphore, #tpu.memory_space<semaphore_mem>>)
      %dma_wait3A = arith.constant 0 : i32
      %dma_wait3A_79 = arith.constant 0 : i32
      %dma_wait3A_80 = tpu.memref_slice %arg9[%dma_wait3A, %dma_wait3A_79] : memref<128x128xf32, #tpu.memory_space<vmem>> -> memref<48x128xf32, #tpu.memory_space<vmem>>
      %dma_wait3A_81 = arith.constant 0 : i32
      %dma_wait3A_82 = tpu.memref_slice %arg6[%arg0, %add3A_40, %dma_wait3A_81] : memref<2x10008x128xf32, #tpu.memory_space<hbm>> -> memref<1x48x128xf32, #tpu.memory_space<hbm>>
      %dma_wait3A_83 = tpu.memref_squeeze %dma_wait3A_82 : memref<1x48x128xf32, #tpu.memory_space<hbm>> -> memref<48x128xf32, #tpu.memory_space<hbm>>
      %dma_wait3A_84 = arith.constant 0 : i32
      %dma_wait3A_85 = tpu.memref_slice %arg6[%arg0, %add3A_40, %dma_wait3A_84] : memref<2x10008x128xf32, #tpu.memory_space<hbm>> -> memref<1x48x128xf32, #tpu.memory_space<hbm>>
      %dma_wait3A_86 = tpu.memref_squeeze %dma_wait3A_85 : memref<1x48x128xf32, #tpu.memory_space<hbm>> -> memref<48x128xf32, #tpu.memory_space<hbm>>
      %dma_wait3A_87 = arith.constant 0 : i32
      %dma_wait3A_88 = arith.constant 0 : i32
      %dma_wait3A_89 = tpu.memref_slice %arg9[%dma_wait3A_87, %dma_wait3A_88] : memref<128x128xf32, #tpu.memory_space<vmem>> -> memref<48x128xf32, #tpu.memory_space<vmem>>
      tpu.wait_dma2 semaphore(%run_scoped3A : memref<!tpu.dma_semaphore, #tpu.memory_space<semaphore_mem>>) src(%dma_wait3A_89 : memref<48x128xf32, #tpu.memory_space<vmem>>) dst(%dma_wait3A_86 : memref<48x128xf32, #tpu.memory_space<hbm>>)
      tpu.yield
    }) : () -> ()
    %add3A_41 = arith.constant 96 : i32
    %add3A_42 = arith.addi %mul3A_2, %add3A_41 : i32
    "tpu.region"() ({
      %run_scoped3A = tpu.sem_alloc : memref<!tpu.dma_semaphore, #tpu.memory_space<semaphore_mem>>
      %dma_start3A = arith.constant 0 : i32
      %dma_start3A_68 = arith.constant 0 : i32
      %dma_start3A_69 = tpu.memref_slice %arg9[%dma_start3A, %dma_start3A_68] : memref<128x128xf32, #tpu.memory_space<vmem>> -> memref<48x128xf32, #tpu.memory_space<vmem>>
      %dma_start3A_70 = arith.constant 0 : i32
      %dma_start3A_71 = tpu.memref_slice %arg11[%add3A_42, %dma_start3A_70] : memref<10008x128xf32, #tpu.memory_space<vmem_shared>> -> memref<48x128xf32, #tpu.memory_space<vmem_shared>>
      %dma_start3A_72 = arith.constant 0 : i32
      %dma_start3A_73 = arith.constant 0 : i32
      %dma_start3A_74 = tpu.memref_slice %arg9[%dma_start3A_72, %dma_start3A_73] : memref<128x128xf32, #tpu.memory_space<vmem>> -> memref<48x128xf32, #tpu.memory_space<vmem>>
      %dma_start3A_75 = arith.constant 0 : i32
      %dma_start3A_76 = tpu.memref_slice %arg11[%add3A_42, %dma_start3A_75] : memref<10008x128xf32, #tpu.memory_space<vmem_shared>> -> memref<48x128xf32, #tpu.memory_space<vmem_shared>>
      tpu.enqueue_dma source(%dma_start3A_76 : memref<48x128xf32, #tpu.memory_space<vmem_shared>>) target(%dma_start3A_74 : memref<48x128xf32, #tpu.memory_space<vmem>>) target_semaphore(%run_scoped3A : memref<!tpu.dma_semaphore, #tpu.memory_space<semaphore_mem>>)
      %dma_wait3A = arith.constant 0 : i32
      %dma_wait3A_77 = arith.constant 0 : i32
      %dma_wait3A_78 = tpu.memref_slice %arg9[%dma_wait3A, %dma_wait3A_77] : memref<128x128xf32, #tpu.memory_space<vmem>> -> memref<48x128xf32, #tpu.memory_space<vmem>>
      %dma_wait3A_79 = arith.constant 0 : i32
      %dma_wait3A_80 = tpu.memref_slice %arg11[%add3A_42, %dma_wait3A_79] : memref<10008x128xf32, #tpu.memory_space<vmem_shared>> -> memref<48x128xf32, #tpu.memory_space<vmem_shared>>
      %dma_wait3A_81 = arith.constant 0 : i32
      %dma_wait3A_82 = arith.constant 0 : i32
      %dma_wait3A_83 = tpu.memref_slice %arg9[%dma_wait3A_81, %dma_wait3A_82] : memref<128x128xf32, #tpu.memory_space<vmem>> -> memref<48x128xf32, #tpu.memory_space<vmem>>
      %dma_wait3A_84 = arith.constant 0 : i32
      %dma_wait3A_85 = tpu.memref_slice %arg11[%add3A_42, %dma_wait3A_84] : memref<10008x128xf32, #tpu.memory_space<vmem_shared>> -> memref<48x128xf32, #tpu.memory_space<vmem_shared>>
      tpu.wait_dma2 semaphore(%run_scoped3A : memref<!tpu.dma_semaphore, #tpu.memory_space<semaphore_mem>>) src(%dma_wait3A_85 : memref<48x128xf32, #tpu.memory_space<vmem_shared>>) dst(%dma_wait3A_83 : memref<48x128xf32, #tpu.memory_space<vmem>>)
      tpu.yield
    }) : () -> ()
    "tpu.region"() ({
      %run_scoped3A = tpu.sem_alloc : memref<!tpu.dma_semaphore, #tpu.memory_space<semaphore_mem>>
      %dma_start3A = arith.constant 0 : i32
      %dma_start3A_68 = arith.constant 0 : i32
      %dma_start3A_69 = tpu.memref_slice %arg9[%dma_start3A, %dma_start3A_68] : memref<128x128xf32, #tpu.memory_space<vmem>> -> memref<48x128xf32, #tpu.memory_space<vmem>>
      %dma_start3A_70 = arith.constant 0 : i32
      %dma_start3A_71 = tpu.memref_slice %arg6[%arg0, %add3A_42, %dma_start3A_70] : memref<2x10008x128xf32, #tpu.memory_space<hbm>> -> memref<1x48x128xf32, #tpu.memory_space<hbm>>
      %dma_start3A_72 = tpu.memref_squeeze %dma_start3A_71 : memref<1x48x128xf32, #tpu.memory_space<hbm>> -> memref<48x128xf32, #tpu.memory_space<hbm>>
      %dma_start3A_73 = arith.constant 0 : i32
      %dma_start3A_74 = tpu.memref_slice %arg6[%arg0, %add3A_42, %dma_start3A_73] : memref<2x10008x128xf32, #tpu.memory_space<hbm>> -> memref<1x48x128xf32, #tpu.memory_space<hbm>>
      %dma_start3A_75 = tpu.memref_squeeze %dma_start3A_74 : memref<1x48x128xf32, #tpu.memory_space<hbm>> -> memref<48x128xf32, #tpu.memory_space<hbm>>
      %dma_start3A_76 = arith.constant 0 : i32
      %dma_start3A_77 = arith.constant 0 : i32
      %dma_start3A_78 = tpu.memref_slice %arg9[%dma_start3A_76, %dma_start3A_77] : memref<128x128xf32, #tpu.memory_space<vmem>> -> memref<48x128xf32, #tpu.memory_space<vmem>>
      tpu.enqueue_dma source(%dma_start3A_78 : memref<48x128xf32, #tpu.memory_space<vmem>>) target(%dma_start3A_75 : memref<48x128xf32, #tpu.memory_space<hbm>>) target_semaphore(%run_scoped3A : memref<!tpu.dma_semaphore, #tpu.memory_space<semaphore_mem>>)
      %dma_wait3A = arith.constant 0 : i32
      %dma_wait3A_79 = arith.constant 0 : i32
      %dma_wait3A_80 = tpu.memref_slice %arg9[%dma_wait3A, %dma_wait3A_79] : memref<128x128xf32, #tpu.memory_space<vmem>> -> memref<48x128xf32, #tpu.memory_space<vmem>>
      %dma_wait3A_81 = arith.constant 0 : i32
      %dma_wait3A_82 = tpu.memref_slice %arg6[%arg0, %add3A_42, %dma_wait3A_81] : memref<2x10008x128xf32, #tpu.memory_space<hbm>> -> memref<1x48x128xf32, #tpu.memory_space<hbm>>
      %dma_wait3A_83 = tpu.memref_squeeze %dma_wait3A_82 : memref<1x48x128xf32, #tpu.memory_space<hbm>> -> memref<48x128xf32, #tpu.memory_space<hbm>>
      %dma_wait3A_84 = arith.constant 0 : i32
      %dma_wait3A_85 = tpu.memref_slice %arg6[%arg0, %add3A_42, %dma_wait3A_84] : memref<2x10008x128xf32, #tpu.memory_space<hbm>> -> memref<1x48x128xf32, #tpu.memory_space<hbm>>
      %dma_wait3A_86 = tpu.memref_squeeze %dma_wait3A_85 : memref<1x48x128xf32, #tpu.memory_space<hbm>> -> memref<48x128xf32, #tpu.memory_space<hbm>>
      %dma_wait3A_87 = arith.constant 0 : i32
      %dma_wait3A_88 = arith.constant 0 : i32
      %dma_wait3A_89 = tpu.memref_slice %arg9[%dma_wait3A_87, %dma_wait3A_88] : memref<128x128xf32, #tpu.memory_space<vmem>> -> memref<48x128xf32, #tpu.memory_space<vmem>>
      tpu.wait_dma2 semaphore(%run_scoped3A : memref<!tpu.dma_semaphore, #tpu.memory_space<semaphore_mem>>) src(%dma_wait3A_89 : memref<48x128xf32, #tpu.memory_space<vmem>>) dst(%dma_wait3A_86 : memref<48x128xf32, #tpu.memory_space<hbm>>)
      tpu.yield
    }) : () -> ()
    %add3A_43 = arith.constant 144 : i32
    %add3A_44 = arith.addi %mul3A_2, %add3A_43 : i32
    "tpu.region"() ({
      %run_scoped3A = tpu.sem_alloc : memref<!tpu.dma_semaphore, #tpu.memory_space<semaphore_mem>>
      %dma_start3A = arith.constant 0 : i32
      %dma_start3A_68 = arith.constant 0 : i32
      %dma_start3A_69 = tpu.memref_slice %arg9[%dma_start3A, %dma_start3A_68] : memref<128x128xf32, #tpu.memory_space<vmem>> -> memref<48x128xf32, #tpu.memory_space<vmem>>
      %dma_start3A_70 = arith.constant 0 : i32
      %dma_start3A_71 = tpu.memref_slice %arg11[%add3A_44, %dma_start3A_70] : memref<10008x128xf32, #tpu.memory_space<vmem_shared>> -> memref<48x128xf32, #tpu.memory_space<vmem_shared>>
      %dma_start3A_72 = arith.constant 0 : i32
      %dma_start3A_73 = arith.constant 0 : i32
      %dma_start3A_74 = tpu.memref_slice %arg9[%dma_start3A_72, %dma_start3A_73] : memref<128x128xf32, #tpu.memory_space<vmem>> -> memref<48x128xf32, #tpu.memory_space<vmem>>
      %dma_start3A_75 = arith.constant 0 : i32
      %dma_start3A_76 = tpu.memref_slice %arg11[%add3A_44, %dma_start3A_75] : memref<10008x128xf32, #tpu.memory_space<vmem_shared>> -> memref<48x128xf32, #tpu.memory_space<vmem_shared>>
      tpu.enqueue_dma source(%dma_start3A_76 : memref<48x128xf32, #tpu.memory_space<vmem_shared>>) target(%dma_start3A_74 : memref<48x128xf32, #tpu.memory_space<vmem>>) target_semaphore(%run_scoped3A : memref<!tpu.dma_semaphore, #tpu.memory_space<semaphore_mem>>)
      %dma_wait3A = arith.constant 0 : i32
      %dma_wait3A_77 = arith.constant 0 : i32
      %dma_wait3A_78 = tpu.memref_slice %arg9[%dma_wait3A, %dma_wait3A_77] : memref<128x128xf32, #tpu.memory_space<vmem>> -> memref<48x128xf32, #tpu.memory_space<vmem>>
      %dma_wait3A_79 = arith.constant 0 : i32
      %dma_wait3A_80 = tpu.memref_slice %arg11[%add3A_44, %dma_wait3A_79] : memref<10008x128xf32, #tpu.memory_space<vmem_shared>> -> memref<48x128xf32, #tpu.memory_space<vmem_shared>>
      %dma_wait3A_81 = arith.constant 0 : i32
      %dma_wait3A_82 = arith.constant 0 : i32
      %dma_wait3A_83 = tpu.memref_slice %arg9[%dma_wait3A_81, %dma_wait3A_82] : memref<128x128xf32, #tpu.memory_space<vmem>> -> memref<48x128xf32, #tpu.memory_space<vmem>>
      %dma_wait3A_84 = arith.constant 0 : i32
      %dma_wait3A_85 = tpu.memref_slice %arg11[%add3A_44, %dma_wait3A_84] : memref<10008x128xf32, #tpu.memory_space<vmem_shared>> -> memref<48x128xf32, #tpu.memory_space<vmem_shared>>
      tpu.wait_dma2 semaphore(%run_scoped3A : memref<!tpu.dma_semaphore, #tpu.memory_space<semaphore_mem>>) src(%dma_wait3A_85 : memref<48x128xf32, #tpu.memory_space<vmem_shared>>) dst(%dma_wait3A_83 : memref<48x128xf32, #tpu.memory_space<vmem>>)
      tpu.yield
    }) : () -> ()
    "tpu.region"() ({
      %run_scoped3A = tpu.sem_alloc : memref<!tpu.dma_semaphore, #tpu.memory_space<semaphore_mem>>
      %dma_start3A = arith.constant 0 : i32
      %dma_start3A_68 = arith.constant 0 : i32
      %dma_start3A_69 = tpu.memref_slice %arg9[%dma_start3A, %dma_start3A_68] : memref<128x128xf32, #tpu.memory_space<vmem>> -> memref<48x128xf32, #tpu.memory_space<vmem>>
      %dma_start3A_70 = arith.constant 0 : i32
      %dma_start3A_71 = tpu.memref_slice %arg6[%arg0, %add3A_44, %dma_start3A_70] : memref<2x10008x128xf32, #tpu.memory_space<hbm>> -> memref<1x48x128xf32, #tpu.memory_space<hbm>>
      %dma_start3A_72 = tpu.memref_squeeze %dma_start3A_71 : memref<1x48x128xf32, #tpu.memory_space<hbm>> -> memref<48x128xf32, #tpu.memory_space<hbm>>
      %dma_start3A_73 = arith.constant 0 : i32
      %dma_start3A_74 = tpu.memref_slice %arg6[%arg0, %add3A_44, %dma_start3A_73] : memref<2x10008x128xf32, #tpu.memory_space<hbm>> -> memref<1x48x128xf32, #tpu.memory_space<hbm>>
      %dma_start3A_75 = tpu.memref_squeeze %dma_start3A_74 : memref<1x48x128xf32, #tpu.memory_space<hbm>> -> memref<48x128xf32, #tpu.memory_space<hbm>>
      %dma_start3A_76 = arith.constant 0 : i32
      %dma_start3A_77 = arith.constant 0 : i32
      %dma_start3A_78 = tpu.memref_slice %arg9[%dma_start3A_76, %dma_start3A_77] : memref<128x128xf32, #tpu.memory_space<vmem>> -> memref<48x128xf32, #tpu.memory_space<vmem>>
      tpu.enqueue_dma source(%dma_start3A_78 : memref<48x128xf32, #tpu.memory_space<vmem>>) target(%dma_start3A_75 : memref<48x128xf32, #tpu.memory_space<hbm>>) target_semaphore(%run_scoped3A : memref<!tpu.dma_semaphore, #tpu.memory_space<semaphore_mem>>)
      %dma_wait3A = arith.constant 0 : i32
      %dma_wait3A_79 = arith.constant 0 : i32
      %dma_wait3A_80 = tpu.memref_slice %arg9[%dma_wait3A, %dma_wait3A_79] : memref<128x128xf32, #tpu.memory_space<vmem>> -> memref<48x128xf32, #tpu.memory_space<vmem>>
      %dma_wait3A_81 = arith.constant 0 : i32
      %dma_wait3A_82 = tpu.memref_slice %arg6[%arg0, %add3A_44, %dma_wait3A_81] : memref<2x10008x128xf32, #tpu.memory_space<hbm>> -> memref<1x48x128xf32, #tpu.memory_space<hbm>>
      %dma_wait3A_83 = tpu.memref_squeeze %dma_wait3A_82 : memref<1x48x128xf32, #tpu.memory_space<hbm>> -> memref<48x128xf32, #tpu.memory_space<hbm>>
      %dma_wait3A_84 = arith.constant 0 : i32
      %dma_wait3A_85 = tpu.memref_slice %arg6[%arg0, %add3A_44, %dma_wait3A_84] : memref<2x10008x128xf32, #tpu.memory_space<hbm>> -> memref<1x48x128xf32, #tpu.memory_space<hbm>>
      %dma_wait3A_86 = tpu.memref_squeeze %dma_wait3A_85 : memref<1x48x128xf32, #tpu.memory_space<hbm>> -> memref<48x128xf32, #tpu.memory_space<hbm>>
      %dma_wait3A_87 = arith.constant 0 : i32
      %dma_wait3A_88 = arith.constant 0 : i32
      %dma_wait3A_89 = tpu.memref_slice %arg9[%dma_wait3A_87, %dma_wait3A_88] : memref<128x128xf32, #tpu.memory_space<vmem>> -> memref<48x128xf32, #tpu.memory_space<vmem>>
      tpu.wait_dma2 semaphore(%run_scoped3A : memref<!tpu.dma_semaphore, #tpu.memory_space<semaphore_mem>>) src(%dma_wait3A_89 : memref<48x128xf32, #tpu.memory_space<vmem>>) dst(%dma_wait3A_86 : memref<48x128xf32, #tpu.memory_space<hbm>>)
      tpu.yield
    }) : () -> ()
    %add3A_45 = arith.constant 192 : i32
    %add3A_46 = arith.addi %mul3A_2, %add3A_45 : i32
    "tpu.region"() ({
      %run_scoped3A = tpu.sem_alloc : memref<!tpu.dma_semaphore, #tpu.memory_space<semaphore_mem>>
      %dma_start3A = arith.constant 0 : i32
      %dma_start3A_68 = arith.constant 0 : i32
      %dma_start3A_69 = tpu.memref_slice %arg9[%dma_start3A, %dma_start3A_68] : memref<128x128xf32, #tpu.memory_space<vmem>> -> memref<48x128xf32, #tpu.memory_space<vmem>>
      %dma_start3A_70 = arith.constant 0 : i32
      %dma_start3A_71 = tpu.memref_slice %arg11[%add3A_46, %dma_start3A_70] : memref<10008x128xf32, #tpu.memory_space<vmem_shared>> -> memref<48x128xf32, #tpu.memory_space<vmem_shared>>
      %dma_start3A_72 = arith.constant 0 : i32
      %dma_start3A_73 = arith.constant 0 : i32
      %dma_start3A_74 = tpu.memref_slice %arg9[%dma_start3A_72, %dma_start3A_73] : memref<128x128xf32, #tpu.memory_space<vmem>> -> memref<48x128xf32, #tpu.memory_space<vmem>>
      %dma_start3A_75 = arith.constant 0 : i32
      %dma_start3A_76 = tpu.memref_slice %arg11[%add3A_46, %dma_start3A_75] : memref<10008x128xf32, #tpu.memory_space<vmem_shared>> -> memref<48x128xf32, #tpu.memory_space<vmem_shared>>
      tpu.enqueue_dma source(%dma_start3A_76 : memref<48x128xf32, #tpu.memory_space<vmem_shared>>) target(%dma_start3A_74 : memref<48x128xf32, #tpu.memory_space<vmem>>) target_semaphore(%run_scoped3A : memref<!tpu.dma_semaphore, #tpu.memory_space<semaphore_mem>>)
      %dma_wait3A = arith.constant 0 : i32
      %dma_wait3A_77 = arith.constant 0 : i32
      %dma_wait3A_78 = tpu.memref_slice %arg9[%dma_wait3A, %dma_wait3A_77] : memref<128x128xf32, #tpu.memory_space<vmem>> -> memref<48x128xf32, #tpu.memory_space<vmem>>
      %dma_wait3A_79 = arith.constant 0 : i32
      %dma_wait3A_80 = tpu.memref_slice %arg11[%add3A_46, %dma_wait3A_79] : memref<10008x128xf32, #tpu.memory_space<vmem_shared>> -> memref<48x128xf32, #tpu.memory_space<vmem_shared>>
      %dma_wait3A_81 = arith.constant 0 : i32
      %dma_wait3A_82 = arith.constant 0 : i32
      %dma_wait3A_83 = tpu.memref_slice %arg9[%dma_wait3A_81, %dma_wait3A_82] : memref<128x128xf32, #tpu.memory_space<vmem>> -> memref<48x128xf32, #tpu.memory_space<vmem>>
      %dma_wait3A_84 = arith.constant 0 : i32
      %dma_wait3A_85 = tpu.memref_slice %arg11[%add3A_46, %dma_wait3A_84] : memref<10008x128xf32, #tpu.memory_space<vmem_shared>> -> memref<48x128xf32, #tpu.memory_space<vmem_shared>>
      tpu.wait_dma2 semaphore(%run_scoped3A : memref<!tpu.dma_semaphore, #tpu.memory_space<semaphore_mem>>) src(%dma_wait3A_85 : memref<48x128xf32, #tpu.memory_space<vmem_shared>>) dst(%dma_wait3A_83 : memref<48x128xf32, #tpu.memory_space<vmem>>)
      tpu.yield
    }) : () -> ()
    "tpu.region"() ({
      %run_scoped3A = tpu.sem_alloc : memref<!tpu.dma_semaphore, #tpu.memory_space<semaphore_mem>>
      %dma_start3A = arith.constant 0 : i32
      %dma_start3A_68 = arith.constant 0 : i32
      %dma_start3A_69 = tpu.memref_slice %arg9[%dma_start3A, %dma_start3A_68] : memref<128x128xf32, #tpu.memory_space<vmem>> -> memref<48x128xf32, #tpu.memory_space<vmem>>
      %dma_start3A_70 = arith.constant 0 : i32
      %dma_start3A_71 = tpu.memref_slice %arg6[%arg0, %add3A_46, %dma_start3A_70] : memref<2x10008x128xf32, #tpu.memory_space<hbm>> -> memref<1x48x128xf32, #tpu.memory_space<hbm>>
      %dma_start3A_72 = tpu.memref_squeeze %dma_start3A_71 : memref<1x48x128xf32, #tpu.memory_space<hbm>> -> memref<48x128xf32, #tpu.memory_space<hbm>>
      %dma_start3A_73 = arith.constant 0 : i32
      %dma_start3A_74 = tpu.memref_slice %arg6[%arg0, %add3A_46, %dma_start3A_73] : memref<2x10008x128xf32, #tpu.memory_space<hbm>> -> memref<1x48x128xf32, #tpu.memory_space<hbm>>
      %dma_start3A_75 = tpu.memref_squeeze %dma_start3A_74 : memref<1x48x128xf32, #tpu.memory_space<hbm>> -> memref<48x128xf32, #tpu.memory_space<hbm>>
      %dma_start3A_76 = arith.constant 0 : i32
      %dma_start3A_77 = arith.constant 0 : i32
      %dma_start3A_78 = tpu.memref_slice %arg9[%dma_start3A_76, %dma_start3A_77] : memref<128x128xf32, #tpu.memory_space<vmem>> -> memref<48x128xf32, #tpu.memory_space<vmem>>
      tpu.enqueue_dma source(%dma_start3A_78 : memref<48x128xf32, #tpu.memory_space<vmem>>) target(%dma_start3A_75 : memref<48x128xf32, #tpu.memory_space<hbm>>) target_semaphore(%run_scoped3A : memref<!tpu.dma_semaphore, #tpu.memory_space<semaphore_mem>>)
      %dma_wait3A = arith.constant 0 : i32
      %dma_wait3A_79 = arith.constant 0 : i32
      %dma_wait3A_80 = tpu.memref_slice %arg9[%dma_wait3A, %dma_wait3A_79] : memref<128x128xf32, #tpu.memory_space<vmem>> -> memref<48x128xf32, #tpu.memory_space<vmem>>
      %dma_wait3A_81 = arith.constant 0 : i32
      %dma_wait3A_82 = tpu.memref_slice %arg6[%arg0, %add3A_46, %dma_wait3A_81] : memref<2x10008x128xf32, #tpu.memory_space<hbm>> -> memref<1x48x128xf32, #tpu.memory_space<hbm>>
      %dma_wait3A_83 = tpu.memref_squeeze %dma_wait3A_82 : memref<1x48x128xf32, #tpu.memory_space<hbm>> -> memref<48x128xf32, #tpu.memory_space<hbm>>
      %dma_wait3A_84 = arith.constant 0 : i32
      %dma_wait3A_85 = tpu.memref_slice %arg6[%arg0, %add3A_46, %dma_wait3A_84] : memref<2x10008x128xf32, #tpu.memory_space<hbm>> -> memref<1x48x128xf32, #tpu.memory_space<hbm>>
      %dma_wait3A_86 = tpu.memref_squeeze %dma_wait3A_85 : memref<1x48x128xf32, #tpu.memory_space<hbm>> -> memref<48x128xf32, #tpu.memory_space<hbm>>
      %dma_wait3A_87 = arith.constant 0 : i32
      %dma_wait3A_88 = arith.constant 0 : i32
      %dma_wait3A_89 = tpu.memref_slice %arg9[%dma_wait3A_87, %dma_wait3A_88] : memref<128x128xf32, #tpu.memory_space<vmem>> -> memref<48x128xf32, #tpu.memory_space<vmem>>
      tpu.wait_dma2 semaphore(%run_scoped3A : memref<!tpu.dma_semaphore, #tpu.memory_space<semaphore_mem>>) src(%dma_wait3A_89 : memref<48x128xf32, #tpu.memory_space<vmem>>) dst(%dma_wait3A_86 : memref<48x128xf32, #tpu.memory_space<hbm>>)
      tpu.yield
    }) : () -> ()
    %add3A_47 = arith.constant 240 : i32
    %add3A_48 = arith.addi %mul3A_2, %add3A_47 : i32
    "tpu.region"() ({
      %run_scoped3A = tpu.sem_alloc : memref<!tpu.dma_semaphore, #tpu.memory_space<semaphore_mem>>
      %dma_start3A = arith.constant 0 : i32
      %dma_start3A_68 = arith.constant 0 : i32
      %dma_start3A_69 = tpu.memref_slice %arg9[%dma_start3A, %dma_start3A_68] : memref<128x128xf32, #tpu.memory_space<vmem>> -> memref<48x128xf32, #tpu.memory_space<vmem>>
      %dma_start3A_70 = arith.constant 0 : i32
      %dma_start3A_71 = tpu.memref_slice %arg11[%add3A_48, %dma_start3A_70] : memref<10008x128xf32, #tpu.memory_space<vmem_shared>> -> memref<48x128xf32, #tpu.memory_space<vmem_shared>>
      %dma_start3A_72 = arith.constant 0 : i32
      %dma_start3A_73 = arith.constant 0 : i32
      %dma_start3A_74 = tpu.memref_slice %arg9[%dma_start3A_72, %dma_start3A_73] : memref<128x128xf32, #tpu.memory_space<vmem>> -> memref<48x128xf32, #tpu.memory_space<vmem>>
      %dma_start3A_75 = arith.constant 0 : i32
      %dma_start3A_76 = tpu.memref_slice %arg11[%add3A_48, %dma_start3A_75] : memref<10008x128xf32, #tpu.memory_space<vmem_shared>> -> memref<48x128xf32, #tpu.memory_space<vmem_shared>>
      tpu.enqueue_dma source(%dma_start3A_76 : memref<48x128xf32, #tpu.memory_space<vmem_shared>>) target(%dma_start3A_74 : memref<48x128xf32, #tpu.memory_space<vmem>>) target_semaphore(%run_scoped3A : memref<!tpu.dma_semaphore, #tpu.memory_space<semaphore_mem>>)
      %dma_wait3A = arith.constant 0 : i32
      %dma_wait3A_77 = arith.constant 0 : i32
      %dma_wait3A_78 = tpu.memref_slice %arg9[%dma_wait3A, %dma_wait3A_77] : memref<128x128xf32, #tpu.memory_space<vmem>> -> memref<48x128xf32, #tpu.memory_space<vmem>>
      %dma_wait3A_79 = arith.constant 0 : i32
      %dma_wait3A_80 = tpu.memref_slice %arg11[%add3A_48, %dma_wait3A_79] : memref<10008x128xf32, #tpu.memory_space<vmem_shared>> -> memref<48x128xf32, #tpu.memory_space<vmem_shared>>
      %dma_wait3A_81 = arith.constant 0 : i32
      %dma_wait3A_82 = arith.constant 0 : i32
      %dma_wait3A_83 = tpu.memref_slice %arg9[%dma_wait3A_81, %dma_wait3A_82] : memref<128x128xf32, #tpu.memory_space<vmem>> -> memref<48x128xf32, #tpu.memory_space<vmem>>
      %dma_wait3A_84 = arith.constant 0 : i32
      %dma_wait3A_85 = tpu.memref_slice %arg11[%add3A_48, %dma_wait3A_84] : memref<10008x128xf32, #tpu.memory_space<vmem_shared>> -> memref<48x128xf32, #tpu.memory_space<vmem_shared>>
      tpu.wait_dma2 semaphore(%run_scoped3A : memref<!tpu.dma_semaphore, #tpu.memory_space<semaphore_mem>>) src(%dma_wait3A_85 : memref<48x128xf32, #tpu.memory_space<vmem_shared>>) dst(%dma_wait3A_83 : memref<48x128xf32, #tpu.memory_space<vmem>>)
      tpu.yield
    }) : () -> ()
    "tpu.region"() ({
      %run_scoped3A = tpu.sem_alloc : memref<!tpu.dma_semaphore, #tpu.memory_space<semaphore_mem>>
      %dma_start3A = arith.constant 0 : i32
      %dma_start3A_68 = arith.constant 0 : i32
      %dma_start3A_69 = tpu.memref_slice %arg9[%dma_start3A, %dma_start3A_68] : memref<128x128xf32, #tpu.memory_space<vmem>> -> memref<48x128xf32, #tpu.memory_space<vmem>>
      %dma_start3A_70 = arith.constant 0 : i32
      %dma_start3A_71 = tpu.memref_slice %arg6[%arg0, %add3A_48, %dma_start3A_70] : memref<2x10008x128xf32, #tpu.memory_space<hbm>> -> memref<1x48x128xf32, #tpu.memory_space<hbm>>
      %dma_start3A_72 = tpu.memref_squeeze %dma_start3A_71 : memref<1x48x128xf32, #tpu.memory_space<hbm>> -> memref<48x128xf32, #tpu.memory_space<hbm>>
      %dma_start3A_73 = arith.constant 0 : i32
      %dma_start3A_74 = tpu.memref_slice %arg6[%arg0, %add3A_48, %dma_start3A_73] : memref<2x10008x128xf32, #tpu.memory_space<hbm>> -> memref<1x48x128xf32, #tpu.memory_space<hbm>>
      %dma_start3A_75 = tpu.memref_squeeze %dma_start3A_74 : memref<1x48x128xf32, #tpu.memory_space<hbm>> -> memref<48x128xf32, #tpu.memory_space<hbm>>
      %dma_start3A_76 = arith.constant 0 : i32
      %dma_start3A_77 = arith.constant 0 : i32
      %dma_start3A_78 = tpu.memref_slice %arg9[%dma_start3A_76, %dma_start3A_77] : memref<128x128xf32, #tpu.memory_space<vmem>> -> memref<48x128xf32, #tpu.memory_space<vmem>>
      tpu.enqueue_dma source(%dma_start3A_78 : memref<48x128xf32, #tpu.memory_space<vmem>>) target(%dma_start3A_75 : memref<48x128xf32, #tpu.memory_space<hbm>>) target_semaphore(%run_scoped3A : memref<!tpu.dma_semaphore, #tpu.memory_space<semaphore_mem>>)
      %dma_wait3A = arith.constant 0 : i32
      %dma_wait3A_79 = arith.constant 0 : i32
      %dma_wait3A_80 = tpu.memref_slice %arg9[%dma_wait3A, %dma_wait3A_79] : memref<128x128xf32, #tpu.memory_space<vmem>> -> memref<48x128xf32, #tpu.memory_space<vmem>>
      %dma_wait3A_81 = arith.constant 0 : i32
      %dma_wait3A_82 = tpu.memref_slice %arg6[%arg0, %add3A_48, %dma_wait3A_81] : memref<2x10008x128xf32, #tpu.memory_space<hbm>> -> memref<1x48x128xf32, #tpu.memory_space<hbm>>
      %dma_wait3A_83 = tpu.memref_squeeze %dma_wait3A_82 : memref<1x48x128xf32, #tpu.memory_space<hbm>> -> memref<48x128xf32, #tpu.memory_space<hbm>>
      %dma_wait3A_84 = arith.constant 0 : i32
      %dma_wait3A_85 = tpu.memref_slice %arg6[%arg0, %add3A_48, %dma_wait3A_84] : memref<2x10008x128xf32, #tpu.memory_space<hbm>> -> memref<1x48x128xf32, #tpu.memory_space<hbm>>
      %dma_wait3A_86 = tpu.memref_squeeze %dma_wait3A_85 : memref<1x48x128xf32, #tpu.memory_space<hbm>> -> memref<48x128xf32, #tpu.memory_space<hbm>>
      %dma_wait3A_87 = arith.constant 0 : i32
      %dma_wait3A_88 = arith.constant 0 : i32
      %dma_wait3A_89 = tpu.memref_slice %arg9[%dma_wait3A_87, %dma_wait3A_88] : memref<128x128xf32, #tpu.memory_space<vmem>> -> memref<48x128xf32, #tpu.memory_space<vmem>>
      tpu.wait_dma2 semaphore(%run_scoped3A : memref<!tpu.dma_semaphore, #tpu.memory_space<semaphore_mem>>) src(%dma_wait3A_89 : memref<48x128xf32, #tpu.memory_space<vmem>>) dst(%dma_wait3A_86 : memref<48x128xf32, #tpu.memory_space<hbm>>)
      tpu.yield
    }) : () -> ()
    %add3A_49 = arith.constant 288 : i32
    %add3A_50 = arith.addi %mul3A_2, %add3A_49 : i32
    "tpu.region"() ({
      %run_scoped3A = tpu.sem_alloc : memref<!tpu.dma_semaphore, #tpu.memory_space<semaphore_mem>>
      %dma_start3A = arith.constant 0 : i32
      %dma_start3A_68 = arith.constant 0 : i32
      %dma_start3A_69 = tpu.memref_slice %arg9[%dma_start3A, %dma_start3A_68] : memref<128x128xf32, #tpu.memory_space<vmem>> -> memref<48x128xf32, #tpu.memory_space<vmem>>
      %dma_start3A_70 = arith.constant 0 : i32
      %dma_start3A_71 = tpu.memref_slice %arg11[%add3A_50, %dma_start3A_70] : memref<10008x128xf32, #tpu.memory_space<vmem_shared>> -> memref<48x128xf32, #tpu.memory_space<vmem_shared>>
      %dma_start3A_72 = arith.constant 0 : i32
      %dma_start3A_73 = arith.constant 0 : i32
      %dma_start3A_74 = tpu.memref_slice %arg9[%dma_start3A_72, %dma_start3A_73] : memref<128x128xf32, #tpu.memory_space<vmem>> -> memref<48x128xf32, #tpu.memory_space<vmem>>
      %dma_start3A_75 = arith.constant 0 : i32
      %dma_start3A_76 = tpu.memref_slice %arg11[%add3A_50, %dma_start3A_75] : memref<10008x128xf32, #tpu.memory_space<vmem_shared>> -> memref<48x128xf32, #tpu.memory_space<vmem_shared>>
      tpu.enqueue_dma source(%dma_start3A_76 : memref<48x128xf32, #tpu.memory_space<vmem_shared>>) target(%dma_start3A_74 : memref<48x128xf32, #tpu.memory_space<vmem>>) target_semaphore(%run_scoped3A : memref<!tpu.dma_semaphore, #tpu.memory_space<semaphore_mem>>)
      %dma_wait3A = arith.constant 0 : i32
      %dma_wait3A_77 = arith.constant 0 : i32
      %dma_wait3A_78 = tpu.memref_slice %arg9[%dma_wait3A, %dma_wait3A_77] : memref<128x128xf32, #tpu.memory_space<vmem>> -> memref<48x128xf32, #tpu.memory_space<vmem>>
      %dma_wait3A_79 = arith.constant 0 : i32
      %dma_wait3A_80 = tpu.memref_slice %arg11[%add3A_50, %dma_wait3A_79] : memref<10008x128xf32, #tpu.memory_space<vmem_shared>> -> memref<48x128xf32, #tpu.memory_space<vmem_shared>>
      %dma_wait3A_81 = arith.constant 0 : i32
      %dma_wait3A_82 = arith.constant 0 : i32
      %dma_wait3A_83 = tpu.memref_slice %arg9[%dma_wait3A_81, %dma_wait3A_82] : memref<128x128xf32, #tpu.memory_space<vmem>> -> memref<48x128xf32, #tpu.memory_space<vmem>>
      %dma_wait3A_84 = arith.constant 0 : i32
      %dma_wait3A_85 = tpu.memref_slice %arg11[%add3A_50, %dma_wait3A_84] : memref<10008x128xf32, #tpu.memory_space<vmem_shared>> -> memref<48x128xf32, #tpu.memory_space<vmem_shared>>
      tpu.wait_dma2 semaphore(%run_scoped3A : memref<!tpu.dma_semaphore, #tpu.memory_space<semaphore_mem>>) src(%dma_wait3A_85 : memref<48x128xf32, #tpu.memory_space<vmem_shared>>) dst(%dma_wait3A_83 : memref<48x128xf32, #tpu.memory_space<vmem>>)
      tpu.yield
    }) : () -> ()
    "tpu.region"() ({
      %run_scoped3A = tpu.sem_alloc : memref<!tpu.dma_semaphore, #tpu.memory_space<semaphore_mem>>
      %dma_start3A = arith.constant 0 : i32
      %dma_start3A_68 = arith.constant 0 : i32
      %dma_start3A_69 = tpu.memref_slice %arg9[%dma_start3A, %dma_start3A_68] : memref<128x128xf32, #tpu.memory_space<vmem>> -> memref<48x128xf32, #tpu.memory_space<vmem>>
      %dma_start3A_70 = arith.constant 0 : i32
      %dma_start3A_71 = tpu.memref_slice %arg6[%arg0, %add3A_50, %dma_start3A_70] : memref<2x10008x128xf32, #tpu.memory_space<hbm>> -> memref<1x48x128xf32, #tpu.memory_space<hbm>>
      %dma_start3A_72 = tpu.memref_squeeze %dma_start3A_71 : memref<1x48x128xf32, #tpu.memory_space<hbm>> -> memref<48x128xf32, #tpu.memory_space<hbm>>
      %dma_start3A_73 = arith.constant 0 : i32
      %dma_start3A_74 = tpu.memref_slice %arg6[%arg0, %add3A_50, %dma_start3A_73] : memref<2x10008x128xf32, #tpu.memory_space<hbm>> -> memref<1x48x128xf32, #tpu.memory_space<hbm>>
      %dma_start3A_75 = tpu.memref_squeeze %dma_start3A_74 : memref<1x48x128xf32, #tpu.memory_space<hbm>> -> memref<48x128xf32, #tpu.memory_space<hbm>>
      %dma_start3A_76 = arith.constant 0 : i32
      %dma_start3A_77 = arith.constant 0 : i32
      %dma_start3A_78 = tpu.memref_slice %arg9[%dma_start3A_76, %dma_start3A_77] : memref<128x128xf32, #tpu.memory_space<vmem>> -> memref<48x128xf32, #tpu.memory_space<vmem>>
      tpu.enqueue_dma source(%dma_start3A_78 : memref<48x128xf32, #tpu.memory_space<vmem>>) target(%dma_start3A_75 : memref<48x128xf32, #tpu.memory_space<hbm>>) target_semaphore(%run_scoped3A : memref<!tpu.dma_semaphore, #tpu.memory_space<semaphore_mem>>)
      %dma_wait3A = arith.constant 0 : i32
      %dma_wait3A_79 = arith.constant 0 : i32
      %dma_wait3A_80 = tpu.memref_slice %arg9[%dma_wait3A, %dma_wait3A_79] : memref<128x128xf32, #tpu.memory_space<vmem>> -> memref<48x128xf32, #tpu.memory_space<vmem>>
      %dma_wait3A_81 = arith.constant 0 : i32
      %dma_wait3A_82 = tpu.memref_slice %arg6[%arg0, %add3A_50, %dma_wait3A_81] : memref<2x10008x128xf32, #tpu.memory_space<hbm>> -> memref<1x48x128xf32, #tpu.memory_space<hbm>>
      %dma_wait3A_83 = tpu.memref_squeeze %dma_wait3A_82 : memref<1x48x128xf32, #tpu.memory_space<hbm>> -> memref<48x128xf32, #tpu.memory_space<hbm>>
      %dma_wait3A_84 = arith.constant 0 : i32
      %dma_wait3A_85 = tpu.memref_slice %arg6[%arg0, %add3A_50, %dma_wait3A_84] : memref<2x10008x128xf32, #tpu.memory_space<hbm>> -> memref<1x48x128xf32, #tpu.memory_space<hbm>>
      %dma_wait3A_86 = tpu.memref_squeeze %dma_wait3A_85 : memref<1x48x128xf32, #tpu.memory_space<hbm>> -> memref<48x128xf32, #tpu.memory_space<hbm>>
      %dma_wait3A_87 = arith.constant 0 : i32
      %dma_wait3A_88 = arith.constant 0 : i32
      %dma_wait3A_89 = tpu.memref_slice %arg9[%dma_wait3A_87, %dma_wait3A_88] : memref<128x128xf32, #tpu.memory_space<vmem>> -> memref<48x128xf32, #tpu.memory_space<vmem>>
      tpu.wait_dma2 semaphore(%run_scoped3A : memref<!tpu.dma_semaphore, #tpu.memory_space<semaphore_mem>>) src(%dma_wait3A_89 : memref<48x128xf32, #tpu.memory_space<vmem>>) dst(%dma_wait3A_86 : memref<48x128xf32, #tpu.memory_space<hbm>>)
      tpu.yield
    }) : () -> ()
    %add3A_51 = arith.constant 336 : i32
    %add3A_52 = arith.addi %mul3A_2, %add3A_51 : i32
    "tpu.region"() ({
      %run_scoped3A = tpu.sem_alloc : memref<!tpu.dma_semaphore, #tpu.memory_space<semaphore_mem>>
      %dma_start3A = arith.constant 0 : i32
      %dma_start3A_68 = arith.constant 0 : i32
      %dma_start3A_69 = tpu.memref_slice %arg9[%dma_start3A, %dma_start3A_68] : memref<128x128xf32, #tpu.memory_space<vmem>> -> memref<48x128xf32, #tpu.memory_space<vmem>>
      %dma_start3A_70 = arith.constant 0 : i32
      %dma_start3A_71 = tpu.memref_slice %arg11[%add3A_52, %dma_start3A_70] : memref<10008x128xf32, #tpu.memory_space<vmem_shared>> -> memref<48x128xf32, #tpu.memory_space<vmem_shared>>
      %dma_start3A_72 = arith.constant 0 : i32
      %dma_start3A_73 = arith.constant 0 : i32
      %dma_start3A_74 = tpu.memref_slice %arg9[%dma_start3A_72, %dma_start3A_73] : memref<128x128xf32, #tpu.memory_space<vmem>> -> memref<48x128xf32, #tpu.memory_space<vmem>>
      %dma_start3A_75 = arith.constant 0 : i32
      %dma_start3A_76 = tpu.memref_slice %arg11[%add3A_52, %dma_start3A_75] : memref<10008x128xf32, #tpu.memory_space<vmem_shared>> -> memref<48x128xf32, #tpu.memory_space<vmem_shared>>
      tpu.enqueue_dma source(%dma_start3A_76 : memref<48x128xf32, #tpu.memory_space<vmem_shared>>) target(%dma_start3A_74 : memref<48x128xf32, #tpu.memory_space<vmem>>) target_semaphore(%run_scoped3A : memref<!tpu.dma_semaphore, #tpu.memory_space<semaphore_mem>>)
      %dma_wait3A = arith.constant 0 : i32
      %dma_wait3A_77 = arith.constant 0 : i32
      %dma_wait3A_78 = tpu.memref_slice %arg9[%dma_wait3A, %dma_wait3A_77] : memref<128x128xf32, #tpu.memory_space<vmem>> -> memref<48x128xf32, #tpu.memory_space<vmem>>
      %dma_wait3A_79 = arith.constant 0 : i32
      %dma_wait3A_80 = tpu.memref_slice %arg11[%add3A_52, %dma_wait3A_79] : memref<10008x128xf32, #tpu.memory_space<vmem_shared>> -> memref<48x128xf32, #tpu.memory_space<vmem_shared>>
      %dma_wait3A_81 = arith.constant 0 : i32
      %dma_wait3A_82 = arith.constant 0 : i32
      %dma_wait3A_83 = tpu.memref_slice %arg9[%dma_wait3A_81, %dma_wait3A_82] : memref<128x128xf32, #tpu.memory_space<vmem>> -> memref<48x128xf32, #tpu.memory_space<vmem>>
      %dma_wait3A_84 = arith.constant 0 : i32
      %dma_wait3A_85 = tpu.memref_slice %arg11[%add3A_52, %dma_wait3A_84] : memref<10008x128xf32, #tpu.memory_space<vmem_shared>> -> memref<48x128xf32, #tpu.memory_space<vmem_shared>>
      tpu.wait_dma2 semaphore(%run_scoped3A : memref<!tpu.dma_semaphore, #tpu.memory_space<semaphore_mem>>) src(%dma_wait3A_85 : memref<48x128xf32, #tpu.memory_space<vmem_shared>>) dst(%dma_wait3A_83 : memref<48x128xf32, #tpu.memory_space<vmem>>)
      tpu.yield
    }) : () -> ()
    "tpu.region"() ({
      %run_scoped3A = tpu.sem_alloc : memref<!tpu.dma_semaphore, #tpu.memory_space<semaphore_mem>>
      %dma_start3A = arith.constant 0 : i32
      %dma_start3A_68 = arith.constant 0 : i32
      %dma_start3A_69 = tpu.memref_slice %arg9[%dma_start3A, %dma_start3A_68] : memref<128x128xf32, #tpu.memory_space<vmem>> -> memref<48x128xf32, #tpu.memory_space<vmem>>
      %dma_start3A_70 = arith.constant 0 : i32
      %dma_start3A_71 = tpu.memref_slice %arg6[%arg0, %add3A_52, %dma_start3A_70] : memref<2x10008x128xf32, #tpu.memory_space<hbm>> -> memref<1x48x128xf32, #tpu.memory_space<hbm>>
      %dma_start3A_72 = tpu.memref_squeeze %dma_start3A_71 : memref<1x48x128xf32, #tpu.memory_space<hbm>> -> memref<48x128xf32, #tpu.memory_space<hbm>>
      %dma_start3A_73 = arith.constant 0 : i32
      %dma_start3A_74 = tpu.memref_slice %arg6[%arg0, %add3A_52, %dma_start3A_73] : memref<2x10008x128xf32, #tpu.memory_space<hbm>> -> memref<1x48x128xf32, #tpu.memory_space<hbm>>
      %dma_start3A_75 = tpu.memref_squeeze %dma_start3A_74 : memref<1x48x128xf32, #tpu.memory_space<hbm>> -> memref<48x128xf32, #tpu.memory_space<hbm>>
      %dma_start3A_76 = arith.constant 0 : i32
      %dma_start3A_77 = arith.constant 0 : i32
      %dma_start3A_78 = tpu.memref_slice %arg9[%dma_start3A_76, %dma_start3A_77] : memref<128x128xf32, #tpu.memory_space<vmem>> -> memref<48x128xf32, #tpu.memory_space<vmem>>
      tpu.enqueue_dma source(%dma_start3A_78 : memref<48x128xf32, #tpu.memory_space<vmem>>) target(%dma_start3A_75 : memref<48x128xf32, #tpu.memory_space<hbm>>) target_semaphore(%run_scoped3A : memref<!tpu.dma_semaphore, #tpu.memory_space<semaphore_mem>>)
      %dma_wait3A = arith.constant 0 : i32
      %dma_wait3A_79 = arith.constant 0 : i32
      %dma_wait3A_80 = tpu.memref_slice %arg9[%dma_wait3A, %dma_wait3A_79] : memref<128x128xf32, #tpu.memory_space<vmem>> -> memref<48x128xf32, #tpu.memory_space<vmem>>
      %dma_wait3A_81 = arith.constant 0 : i32
      %dma_wait3A_82 = tpu.memref_slice %arg6[%arg0, %add3A_52, %dma_wait3A_81] : memref<2x10008x128xf32, #tpu.memory_space<hbm>> -> memref<1x48x128xf32, #tpu.memory_space<hbm>>
      %dma_wait3A_83 = tpu.memref_squeeze %dma_wait3A_82 : memref<1x48x128xf32, #tpu.memory_space<hbm>> -> memref<48x128xf32, #tpu.memory_space<hbm>>
      %dma_wait3A_84 = arith.constant 0 : i32
      %dma_wait3A_85 = tpu.memref_slice %arg6[%arg0, %add3A_52, %dma_wait3A_84] : memref<2x10008x128xf32, #tpu.memory_space<hbm>> -> memref<1x48x128xf32, #tpu.memory_space<hbm>>
      %dma_wait3A_86 = tpu.memref_squeeze %dma_wait3A_85 : memref<1x48x128xf32, #tpu.memory_space<hbm>> -> memref<48x128xf32, #tpu.memory_space<hbm>>
      %dma_wait3A_87 = arith.constant 0 : i32
      %dma_wait3A_88 = arith.constant 0 : i32
      %dma_wait3A_89 = tpu.memref_slice %arg9[%dma_wait3A_87, %dma_wait3A_88] : memref<128x128xf32, #tpu.memory_space<vmem>> -> memref<48x128xf32, #tpu.memory_space<vmem>>
      tpu.wait_dma2 semaphore(%run_scoped3A : memref<!tpu.dma_semaphore, #tpu.memory_space<semaphore_mem>>) src(%dma_wait3A_89 : memref<48x128xf32, #tpu.memory_space<vmem>>) dst(%dma_wait3A_86 : memref<48x128xf32, #tpu.memory_space<hbm>>)
      tpu.yield
    }) : () -> ()
    %add3A_53 = arith.constant 384 : i32
    %add3A_54 = arith.addi %mul3A_2, %add3A_53 : i32
    "tpu.region"() ({
      %run_scoped3A = tpu.sem_alloc : memref<!tpu.dma_semaphore, #tpu.memory_space<semaphore_mem>>
      %dma_start3A = arith.constant 0 : i32
      %dma_start3A_68 = arith.constant 0 : i32
      %dma_start3A_69 = tpu.memref_slice %arg9[%dma_start3A, %dma_start3A_68] : memref<128x128xf32, #tpu.memory_space<vmem>> -> memref<48x128xf32, #tpu.memory_space<vmem>>
      %dma_start3A_70 = arith.constant 0 : i32
      %dma_start3A_71 = tpu.memref_slice %arg11[%add3A_54, %dma_start3A_70] : memref<10008x128xf32, #tpu.memory_space<vmem_shared>> -> memref<48x128xf32, #tpu.memory_space<vmem_shared>>
      %dma_start3A_72 = arith.constant 0 : i32
      %dma_start3A_73 = arith.constant 0 : i32
      %dma_start3A_74 = tpu.memref_slice %arg9[%dma_start3A_72, %dma_start3A_73] : memref<128x128xf32, #tpu.memory_space<vmem>> -> memref<48x128xf32, #tpu.memory_space<vmem>>
      %dma_start3A_75 = arith.constant 0 : i32
      %dma_start3A_76 = tpu.memref_slice %arg11[%add3A_54, %dma_start3A_75] : memref<10008x128xf32, #tpu.memory_space<vmem_shared>> -> memref<48x128xf32, #tpu.memory_space<vmem_shared>>
      tpu.enqueue_dma source(%dma_start3A_76 : memref<48x128xf32, #tpu.memory_space<vmem_shared>>) target(%dma_start3A_74 : memref<48x128xf32, #tpu.memory_space<vmem>>) target_semaphore(%run_scoped3A : memref<!tpu.dma_semaphore, #tpu.memory_space<semaphore_mem>>)
      %dma_wait3A = arith.constant 0 : i32
      %dma_wait3A_77 = arith.constant 0 : i32
      %dma_wait3A_78 = tpu.memref_slice %arg9[%dma_wait3A, %dma_wait3A_77] : memref<128x128xf32, #tpu.memory_space<vmem>> -> memref<48x128xf32, #tpu.memory_space<vmem>>
      %dma_wait3A_79 = arith.constant 0 : i32
      %dma_wait3A_80 = tpu.memref_slice %arg11[%add3A_54, %dma_wait3A_79] : memref<10008x128xf32, #tpu.memory_space<vmem_shared>> -> memref<48x128xf32, #tpu.memory_space<vmem_shared>>
      %dma_wait3A_81 = arith.constant 0 : i32
      %dma_wait3A_82 = arith.constant 0 : i32
      %dma_wait3A_83 = tpu.memref_slice %arg9[%dma_wait3A_81, %dma_wait3A_82] : memref<128x128xf32, #tpu.memory_space<vmem>> -> memref<48x128xf32, #tpu.memory_space<vmem>>
      %dma_wait3A_84 = arith.constant 0 : i32
      %dma_wait3A_85 = tpu.memref_slice %arg11[%add3A_54, %dma_wait3A_84] : memref<10008x128xf32, #tpu.memory_space<vmem_shared>> -> memref<48x128xf32, #tpu.memory_space<vmem_shared>>
      tpu.wait_dma2 semaphore(%run_scoped3A : memref<!tpu.dma_semaphore, #tpu.memory_space<semaphore_mem>>) src(%dma_wait3A_85 : memref<48x128xf32, #tpu.memory_space<vmem_shared>>) dst(%dma_wait3A_83 : memref<48x128xf32, #tpu.memory_space<vmem>>)
      tpu.yield
    }) : () -> ()
    "tpu.region"() ({
      %run_scoped3A = tpu.sem_alloc : memref<!tpu.dma_semaphore, #tpu.memory_space<semaphore_mem>>
      %dma_start3A = arith.constant 0 : i32
      %dma_start3A_68 = arith.constant 0 : i32
      %dma_start3A_69 = tpu.memref_slice %arg9[%dma_start3A, %dma_start3A_68] : memref<128x128xf32, #tpu.memory_space<vmem>> -> memref<48x128xf32, #tpu.memory_space<vmem>>
      %dma_start3A_70 = arith.constant 0 : i32
      %dma_start3A_71 = tpu.memref_slice %arg6[%arg0, %add3A_54, %dma_start3A_70] : memref<2x10008x128xf32, #tpu.memory_space<hbm>> -> memref<1x48x128xf32, #tpu.memory_space<hbm>>
      %dma_start3A_72 = tpu.memref_squeeze %dma_start3A_71 : memref<1x48x128xf32, #tpu.memory_space<hbm>> -> memref<48x128xf32, #tpu.memory_space<hbm>>
      %dma_start3A_73 = arith.constant 0 : i32
      %dma_start3A_74 = tpu.memref_slice %arg6[%arg0, %add3A_54, %dma_start3A_73] : memref<2x10008x128xf32, #tpu.memory_space<hbm>> -> memref<1x48x128xf32, #tpu.memory_space<hbm>>
      %dma_start3A_75 = tpu.memref_squeeze %dma_start3A_74 : memref<1x48x128xf32, #tpu.memory_space<hbm>> -> memref<48x128xf32, #tpu.memory_space<hbm>>
      %dma_start3A_76 = arith.constant 0 : i32
      %dma_start3A_77 = arith.constant 0 : i32
      %dma_start3A_78 = tpu.memref_slice %arg9[%dma_start3A_76, %dma_start3A_77] : memref<128x128xf32, #tpu.memory_space<vmem>> -> memref<48x128xf32, #tpu.memory_space<vmem>>
      tpu.enqueue_dma source(%dma_start3A_78 : memref<48x128xf32, #tpu.memory_space<vmem>>) target(%dma_start3A_75 : memref<48x128xf32, #tpu.memory_space<hbm>>) target_semaphore(%run_scoped3A : memref<!tpu.dma_semaphore, #tpu.memory_space<semaphore_mem>>)
      %dma_wait3A = arith.constant 0 : i32
      %dma_wait3A_79 = arith.constant 0 : i32
      %dma_wait3A_80 = tpu.memref_slice %arg9[%dma_wait3A, %dma_wait3A_79] : memref<128x128xf32, #tpu.memory_space<vmem>> -> memref<48x128xf32, #tpu.memory_space<vmem>>
      %dma_wait3A_81 = arith.constant 0 : i32
      %dma_wait3A_82 = tpu.memref_slice %arg6[%arg0, %add3A_54, %dma_wait3A_81] : memref<2x10008x128xf32, #tpu.memory_space<hbm>> -> memref<1x48x128xf32, #tpu.memory_space<hbm>>
      %dma_wait3A_83 = tpu.memref_squeeze %dma_wait3A_82 : memref<1x48x128xf32, #tpu.memory_space<hbm>> -> memref<48x128xf32, #tpu.memory_space<hbm>>
      %dma_wait3A_84 = arith.constant 0 : i32
      %dma_wait3A_85 = tpu.memref_slice %arg6[%arg0, %add3A_54, %dma_wait3A_84] : memref<2x10008x128xf32, #tpu.memory_space<hbm>> -> memref<1x48x128xf32, #tpu.memory_space<hbm>>
      %dma_wait3A_86 = tpu.memref_squeeze %dma_wait3A_85 : memref<1x48x128xf32, #tpu.memory_space<hbm>> -> memref<48x128xf32, #tpu.memory_space<hbm>>
      %dma_wait3A_87 = arith.constant 0 : i32
      %dma_wait3A_88 = arith.constant 0 : i32
      %dma_wait3A_89 = tpu.memref_slice %arg9[%dma_wait3A_87, %dma_wait3A_88] : memref<128x128xf32, #tpu.memory_space<vmem>> -> memref<48x128xf32, #tpu.memory_space<vmem>>
      tpu.wait_dma2 semaphore(%run_scoped3A : memref<!tpu.dma_semaphore, #tpu.memory_space<semaphore_mem>>) src(%dma_wait3A_89 : memref<48x128xf32, #tpu.memory_space<vmem>>) dst(%dma_wait3A_86 : memref<48x128xf32, #tpu.memory_space<hbm>>)
      tpu.yield
    }) : () -> ()
    %add3A_55 = arith.constant 432 : i32
    %add3A_56 = arith.addi %mul3A_2, %add3A_55 : i32
    "tpu.region"() ({
      %run_scoped3A = tpu.sem_alloc : memref<!tpu.dma_semaphore, #tpu.memory_space<semaphore_mem>>
      %dma_start3A = arith.constant 0 : i32
      %dma_start3A_68 = arith.constant 0 : i32
      %dma_start3A_69 = tpu.memref_slice %arg9[%dma_start3A, %dma_start3A_68] : memref<128x128xf32, #tpu.memory_space<vmem>> -> memref<48x128xf32, #tpu.memory_space<vmem>>
      %dma_start3A_70 = arith.constant 0 : i32
      %dma_start3A_71 = tpu.memref_slice %arg11[%add3A_56, %dma_start3A_70] : memref<10008x128xf32, #tpu.memory_space<vmem_shared>> -> memref<48x128xf32, #tpu.memory_space<vmem_shared>>
      %dma_start3A_72 = arith.constant 0 : i32
      %dma_start3A_73 = arith.constant 0 : i32
      %dma_start3A_74 = tpu.memref_slice %arg9[%dma_start3A_72, %dma_start3A_73] : memref<128x128xf32, #tpu.memory_space<vmem>> -> memref<48x128xf32, #tpu.memory_space<vmem>>
      %dma_start3A_75 = arith.constant 0 : i32
      %dma_start3A_76 = tpu.memref_slice %arg11[%add3A_56, %dma_start3A_75] : memref<10008x128xf32, #tpu.memory_space<vmem_shared>> -> memref<48x128xf32, #tpu.memory_space<vmem_shared>>
      tpu.enqueue_dma source(%dma_start3A_76 : memref<48x128xf32, #tpu.memory_space<vmem_shared>>) target(%dma_start3A_74 : memref<48x128xf32, #tpu.memory_space<vmem>>) target_semaphore(%run_scoped3A : memref<!tpu.dma_semaphore, #tpu.memory_space<semaphore_mem>>)
      %dma_wait3A = arith.constant 0 : i32
      %dma_wait3A_77 = arith.constant 0 : i32
      %dma_wait3A_78 = tpu.memref_slice %arg9[%dma_wait3A, %dma_wait3A_77] : memref<128x128xf32, #tpu.memory_space<vmem>> -> memref<48x128xf32, #tpu.memory_space<vmem>>
      %dma_wait3A_79 = arith.constant 0 : i32
      %dma_wait3A_80 = tpu.memref_slice %arg11[%add3A_56, %dma_wait3A_79] : memref<10008x128xf32, #tpu.memory_space<vmem_shared>> -> memref<48x128xf32, #tpu.memory_space<vmem_shared>>
      %dma_wait3A_81 = arith.constant 0 : i32
      %dma_wait3A_82 = arith.constant 0 : i32
      %dma_wait3A_83 = tpu.memref_slice %arg9[%dma_wait3A_81, %dma_wait3A_82] : memref<128x128xf32, #tpu.memory_space<vmem>> -> memref<48x128xf32, #tpu.memory_space<vmem>>
      %dma_wait3A_84 = arith.constant 0 : i32
      %dma_wait3A_85 = tpu.memref_slice %arg11[%add3A_56, %dma_wait3A_84] : memref<10008x128xf32, #tpu.memory_space<vmem_shared>> -> memref<48x128xf32, #tpu.memory_space<vmem_shared>>
      tpu.wait_dma2 semaphore(%run_scoped3A : memref<!tpu.dma_semaphore, #tpu.memory_space<semaphore_mem>>) src(%dma_wait3A_85 : memref<48x128xf32, #tpu.memory_space<vmem_shared>>) dst(%dma_wait3A_83 : memref<48x128xf32, #tpu.memory_space<vmem>>)
      tpu.yield
    }) : () -> ()
    "tpu.region"() ({
      %run_scoped3A = tpu.sem_alloc : memref<!tpu.dma_semaphore, #tpu.memory_space<semaphore_mem>>
      %dma_start3A = arith.constant 0 : i32
      %dma_start3A_68 = arith.constant 0 : i32
      %dma_start3A_69 = tpu.memref_slice %arg9[%dma_start3A, %dma_start3A_68] : memref<128x128xf32, #tpu.memory_space<vmem>> -> memref<48x128xf32, #tpu.memory_space<vmem>>
      %dma_start3A_70 = arith.constant 0 : i32
      %dma_start3A_71 = tpu.memref_slice %arg6[%arg0, %add3A_56, %dma_start3A_70] : memref<2x10008x128xf32, #tpu.memory_space<hbm>> -> memref<1x48x128xf32, #tpu.memory_space<hbm>>
      %dma_start3A_72 = tpu.memref_squeeze %dma_start3A_71 : memref<1x48x128xf32, #tpu.memory_space<hbm>> -> memref<48x128xf32, #tpu.memory_space<hbm>>
      %dma_start3A_73 = arith.constant 0 : i32
      %dma_start3A_74 = tpu.memref_slice %arg6[%arg0, %add3A_56, %dma_start3A_73] : memref<2x10008x128xf32, #tpu.memory_space<hbm>> -> memref<1x48x128xf32, #tpu.memory_space<hbm>>
      %dma_start3A_75 = tpu.memref_squeeze %dma_start3A_74 : memref<1x48x128xf32, #tpu.memory_space<hbm>> -> memref<48x128xf32, #tpu.memory_space<hbm>>
      %dma_start3A_76 = arith.constant 0 : i32
      %dma_start3A_77 = arith.constant 0 : i32
      %dma_start3A_78 = tpu.memref_slice %arg9[%dma_start3A_76, %dma_start3A_77] : memref<128x128xf32, #tpu.memory_space<vmem>> -> memref<48x128xf32, #tpu.memory_space<vmem>>
      tpu.enqueue_dma source(%dma_start3A_78 : memref<48x128xf32, #tpu.memory_space<vmem>>) target(%dma_start3A_75 : memref<48x128xf32, #tpu.memory_space<hbm>>) target_semaphore(%run_scoped3A : memref<!tpu.dma_semaphore, #tpu.memory_space<semaphore_mem>>)
      %dma_wait3A = arith.constant 0 : i32
      %dma_wait3A_79 = arith.constant 0 : i32
      %dma_wait3A_80 = tpu.memref_slice %arg9[%dma_wait3A, %dma_wait3A_79] : memref<128x128xf32, #tpu.memory_space<vmem>> -> memref<48x128xf32, #tpu.memory_space<vmem>>
      %dma_wait3A_81 = arith.constant 0 : i32
      %dma_wait3A_82 = tpu.memref_slice %arg6[%arg0, %add3A_56, %dma_wait3A_81] : memref<2x10008x128xf32, #tpu.memory_space<hbm>> -> memref<1x48x128xf32, #tpu.memory_space<hbm>>
      %dma_wait3A_83 = tpu.memref_squeeze %dma_wait3A_82 : memref<1x48x128xf32, #tpu.memory_space<hbm>> -> memref<48x128xf32, #tpu.memory_space<hbm>>
      %dma_wait3A_84 = arith.constant 0 : i32
      %dma_wait3A_85 = tpu.memref_slice %arg6[%arg0, %add3A_56, %dma_wait3A_84] : memref<2x10008x128xf32, #tpu.memory_space<hbm>> -> memref<1x48x128xf32, #tpu.memory_space<hbm>>
      %dma_wait3A_86 = tpu.memref_squeeze %dma_wait3A_85 : memref<1x48x128xf32, #tpu.memory_space<hbm>> -> memref<48x128xf32, #tpu.memory_space<hbm>>
      %dma_wait3A_87 = arith.constant 0 : i32
      %dma_wait3A_88 = arith.constant 0 : i32
      %dma_wait3A_89 = tpu.memref_slice %arg9[%dma_wait3A_87, %dma_wait3A_88] : memref<128x128xf32, #tpu.memory_space<vmem>> -> memref<48x128xf32, #tpu.memory_space<vmem>>
      tpu.wait_dma2 semaphore(%run_scoped3A : memref<!tpu.dma_semaphore, #tpu.memory_space<semaphore_mem>>) src(%dma_wait3A_89 : memref<48x128xf32, #tpu.memory_space<vmem>>) dst(%dma_wait3A_86 : memref<48x128xf32, #tpu.memory_space<hbm>>)
      tpu.yield
    }) : () -> ()
    %add3A_57 = arith.constant 480 : i32
    %add3A_58 = arith.addi %mul3A_2, %add3A_57 : i32
    "tpu.region"() ({
      %run_scoped3A = tpu.sem_alloc : memref<!tpu.dma_semaphore, #tpu.memory_space<semaphore_mem>>
      %dma_start3A = arith.constant 0 : i32
      %dma_start3A_68 = arith.constant 0 : i32
      %dma_start3A_69 = tpu.memref_slice %arg9[%dma_start3A, %dma_start3A_68] : memref<128x128xf32, #tpu.memory_space<vmem>> -> memref<48x128xf32, #tpu.memory_space<vmem>>
      %dma_start3A_70 = arith.constant 0 : i32
      %dma_start3A_71 = tpu.memref_slice %arg11[%add3A_58, %dma_start3A_70] : memref<10008x128xf32, #tpu.memory_space<vmem_shared>> -> memref<48x128xf32, #tpu.memory_space<vmem_shared>>
      %dma_start3A_72 = arith.constant 0 : i32
      %dma_start3A_73 = arith.constant 0 : i32
      %dma_start3A_74 = tpu.memref_slice %arg9[%dma_start3A_72, %dma_start3A_73] : memref<128x128xf32, #tpu.memory_space<vmem>> -> memref<48x128xf32, #tpu.memory_space<vmem>>
      %dma_start3A_75 = arith.constant 0 : i32
      %dma_start3A_76 = tpu.memref_slice %arg11[%add3A_58, %dma_start3A_75] : memref<10008x128xf32, #tpu.memory_space<vmem_shared>> -> memref<48x128xf32, #tpu.memory_space<vmem_shared>>
      tpu.enqueue_dma source(%dma_start3A_76 : memref<48x128xf32, #tpu.memory_space<vmem_shared>>) target(%dma_start3A_74 : memref<48x128xf32, #tpu.memory_space<vmem>>) target_semaphore(%run_scoped3A : memref<!tpu.dma_semaphore, #tpu.memory_space<semaphore_mem>>)
      %dma_wait3A = arith.constant 0 : i32
      %dma_wait3A_77 = arith.constant 0 : i32
      %dma_wait3A_78 = tpu.memref_slice %arg9[%dma_wait3A, %dma_wait3A_77] : memref<128x128xf32, #tpu.memory_space<vmem>> -> memref<48x128xf32, #tpu.memory_space<vmem>>
      %dma_wait3A_79 = arith.constant 0 : i32
      %dma_wait3A_80 = tpu.memref_slice %arg11[%add3A_58, %dma_wait3A_79] : memref<10008x128xf32, #tpu.memory_space<vmem_shared>> -> memref<48x128xf32, #tpu.memory_space<vmem_shared>>
      %dma_wait3A_81 = arith.constant 0 : i32
      %dma_wait3A_82 = arith.constant 0 : i32
      %dma_wait3A_83 = tpu.memref_slice %arg9[%dma_wait3A_81, %dma_wait3A_82] : memref<128x128xf32, #tpu.memory_space<vmem>> -> memref<48x128xf32, #tpu.memory_space<vmem>>
      %dma_wait3A_84 = arith.constant 0 : i32
      %dma_wait3A_85 = tpu.memref_slice %arg11[%add3A_58, %dma_wait3A_84] : memref<10008x128xf32, #tpu.memory_space<vmem_shared>> -> memref<48x128xf32, #tpu.memory_space<vmem_shared>>
      tpu.wait_dma2 semaphore(%run_scoped3A : memref<!tpu.dma_semaphore, #tpu.memory_space<semaphore_mem>>) src(%dma_wait3A_85 : memref<48x128xf32, #tpu.memory_space<vmem_shared>>) dst(%dma_wait3A_83 : memref<48x128xf32, #tpu.memory_space<vmem>>)
      tpu.yield
    }) : () -> ()
    "tpu.region"() ({
      %run_scoped3A = tpu.sem_alloc : memref<!tpu.dma_semaphore, #tpu.memory_space<semaphore_mem>>
      %dma_start3A = arith.constant 0 : i32
      %dma_start3A_68 = arith.constant 0 : i32
      %dma_start3A_69 = tpu.memref_slice %arg9[%dma_start3A, %dma_start3A_68] : memref<128x128xf32, #tpu.memory_space<vmem>> -> memref<48x128xf32, #tpu.memory_space<vmem>>
      %dma_start3A_70 = arith.constant 0 : i32
      %dma_start3A_71 = tpu.memref_slice %arg6[%arg0, %add3A_58, %dma_start3A_70] : memref<2x10008x128xf32, #tpu.memory_space<hbm>> -> memref<1x48x128xf32, #tpu.memory_space<hbm>>
      %dma_start3A_72 = tpu.memref_squeeze %dma_start3A_71 : memref<1x48x128xf32, #tpu.memory_space<hbm>> -> memref<48x128xf32, #tpu.memory_space<hbm>>
      %dma_start3A_73 = arith.constant 0 : i32
      %dma_start3A_74 = tpu.memref_slice %arg6[%arg0, %add3A_58, %dma_start3A_73] : memref<2x10008x128xf32, #tpu.memory_space<hbm>> -> memref<1x48x128xf32, #tpu.memory_space<hbm>>
      %dma_start3A_75 = tpu.memref_squeeze %dma_start3A_74 : memref<1x48x128xf32, #tpu.memory_space<hbm>> -> memref<48x128xf32, #tpu.memory_space<hbm>>
      %dma_start3A_76 = arith.constant 0 : i32
      %dma_start3A_77 = arith.constant 0 : i32
      %dma_start3A_78 = tpu.memref_slice %arg9[%dma_start3A_76, %dma_start3A_77] : memref<128x128xf32, #tpu.memory_space<vmem>> -> memref<48x128xf32, #tpu.memory_space<vmem>>
      tpu.enqueue_dma source(%dma_start3A_78 : memref<48x128xf32, #tpu.memory_space<vmem>>) target(%dma_start3A_75 : memref<48x128xf32, #tpu.memory_space<hbm>>) target_semaphore(%run_scoped3A : memref<!tpu.dma_semaphore, #tpu.memory_space<semaphore_mem>>)
      %dma_wait3A = arith.constant 0 : i32
      %dma_wait3A_79 = arith.constant 0 : i32
      %dma_wait3A_80 = tpu.memref_slice %arg9[%dma_wait3A, %dma_wait3A_79] : memref<128x128xf32, #tpu.memory_space<vmem>> -> memref<48x128xf32, #tpu.memory_space<vmem>>
      %dma_wait3A_81 = arith.constant 0 : i32
      %dma_wait3A_82 = tpu.memref_slice %arg6[%arg0, %add3A_58, %dma_wait3A_81] : memref<2x10008x128xf32, #tpu.memory_space<hbm>> -> memref<1x48x128xf32, #tpu.memory_space<hbm>>
      %dma_wait3A_83 = tpu.memref_squeeze %dma_wait3A_82 : memref<1x48x128xf32, #tpu.memory_space<hbm>> -> memref<48x128xf32, #tpu.memory_space<hbm>>
      %dma_wait3A_84 = arith.constant 0 : i32
      %dma_wait3A_85 = tpu.memref_slice %arg6[%arg0, %add3A_58, %dma_wait3A_84] : memref<2x10008x128xf32, #tpu.memory_space<hbm>> -> memref<1x48x128xf32, #tpu.memory_space<hbm>>
      %dma_wait3A_86 = tpu.memref_squeeze %dma_wait3A_85 : memref<1x48x128xf32, #tpu.memory_space<hbm>> -> memref<48x128xf32, #tpu.memory_space<hbm>>
      %dma_wait3A_87 = arith.constant 0 : i32
      %dma_wait3A_88 = arith.constant 0 : i32
      %dma_wait3A_89 = tpu.memref_slice %arg9[%dma_wait3A_87, %dma_wait3A_88] : memref<128x128xf32, #tpu.memory_space<vmem>> -> memref<48x128xf32, #tpu.memory_space<vmem>>
      tpu.wait_dma2 semaphore(%run_scoped3A : memref<!tpu.dma_semaphore, #tpu.memory_space<semaphore_mem>>) src(%dma_wait3A_89 : memref<48x128xf32, #tpu.memory_space<vmem>>) dst(%dma_wait3A_86 : memref<48x128xf32, #tpu.memory_space<hbm>>)
      tpu.yield
    }) : () -> ()
    %add3A_59 = arith.constant 528 : i32
    %add3A_60 = arith.addi %mul3A_2, %add3A_59 : i32
    "tpu.region"() ({
      %run_scoped3A = tpu.sem_alloc : memref<!tpu.dma_semaphore, #tpu.memory_space<semaphore_mem>>
      %dma_start3A = arith.constant 0 : i32
      %dma_start3A_68 = arith.constant 0 : i32
      %dma_start3A_69 = tpu.memref_slice %arg9[%dma_start3A, %dma_start3A_68] : memref<128x128xf32, #tpu.memory_space<vmem>> -> memref<48x128xf32, #tpu.memory_space<vmem>>
      %dma_start3A_70 = arith.constant 0 : i32
      %dma_start3A_71 = tpu.memref_slice %arg11[%add3A_60, %dma_start3A_70] : memref<10008x128xf32, #tpu.memory_space<vmem_shared>> -> memref<48x128xf32, #tpu.memory_space<vmem_shared>>
      %dma_start3A_72 = arith.constant 0 : i32
      %dma_start3A_73 = arith.constant 0 : i32
      %dma_start3A_74 = tpu.memref_slice %arg9[%dma_start3A_72, %dma_start3A_73] : memref<128x128xf32, #tpu.memory_space<vmem>> -> memref<48x128xf32, #tpu.memory_space<vmem>>
      %dma_start3A_75 = arith.constant 0 : i32
      %dma_start3A_76 = tpu.memref_slice %arg11[%add3A_60, %dma_start3A_75] : memref<10008x128xf32, #tpu.memory_space<vmem_shared>> -> memref<48x128xf32, #tpu.memory_space<vmem_shared>>
      tpu.enqueue_dma source(%dma_start3A_76 : memref<48x128xf32, #tpu.memory_space<vmem_shared>>) target(%dma_start3A_74 : memref<48x128xf32, #tpu.memory_space<vmem>>) target_semaphore(%run_scoped3A : memref<!tpu.dma_semaphore, #tpu.memory_space<semaphore_mem>>)
      %dma_wait3A = arith.constant 0 : i32
      %dma_wait3A_77 = arith.constant 0 : i32
      %dma_wait3A_78 = tpu.memref_slice %arg9[%dma_wait3A, %dma_wait3A_77] : memref<128x128xf32, #tpu.memory_space<vmem>> -> memref<48x128xf32, #tpu.memory_space<vmem>>
      %dma_wait3A_79 = arith.constant 0 : i32
      %dma_wait3A_80 = tpu.memref_slice %arg11[%add3A_60, %dma_wait3A_79] : memref<10008x128xf32, #tpu.memory_space<vmem_shared>> -> memref<48x128xf32, #tpu.memory_space<vmem_shared>>
      %dma_wait3A_81 = arith.constant 0 : i32
      %dma_wait3A_82 = arith.constant 0 : i32
      %dma_wait3A_83 = tpu.memref_slice %arg9[%dma_wait3A_81, %dma_wait3A_82] : memref<128x128xf32, #tpu.memory_space<vmem>> -> memref<48x128xf32, #tpu.memory_space<vmem>>
      %dma_wait3A_84 = arith.constant 0 : i32
      %dma_wait3A_85 = tpu.memref_slice %arg11[%add3A_60, %dma_wait3A_84] : memref<10008x128xf32, #tpu.memory_space<vmem_shared>> -> memref<48x128xf32, #tpu.memory_space<vmem_shared>>
      tpu.wait_dma2 semaphore(%run_scoped3A : memref<!tpu.dma_semaphore, #tpu.memory_space<semaphore_mem>>) src(%dma_wait3A_85 : memref<48x128xf32, #tpu.memory_space<vmem_shared>>) dst(%dma_wait3A_83 : memref<48x128xf32, #tpu.memory_space<vmem>>)
      tpu.yield
    }) : () -> ()
    "tpu.region"() ({
      %run_scoped3A = tpu.sem_alloc : memref<!tpu.dma_semaphore, #tpu.memory_space<semaphore_mem>>
      %dma_start3A = arith.constant 0 : i32
      %dma_start3A_68 = arith.constant 0 : i32
      %dma_start3A_69 = tpu.memref_slice %arg9[%dma_start3A, %dma_start3A_68] : memref<128x128xf32, #tpu.memory_space<vmem>> -> memref<48x128xf32, #tpu.memory_space<vmem>>
      %dma_start3A_70 = arith.constant 0 : i32
      %dma_start3A_71 = tpu.memref_slice %arg6[%arg0, %add3A_60, %dma_start3A_70] : memref<2x10008x128xf32, #tpu.memory_space<hbm>> -> memref<1x48x128xf32, #tpu.memory_space<hbm>>
      %dma_start3A_72 = tpu.memref_squeeze %dma_start3A_71 : memref<1x48x128xf32, #tpu.memory_space<hbm>> -> memref<48x128xf32, #tpu.memory_space<hbm>>
      %dma_start3A_73 = arith.constant 0 : i32
      %dma_start3A_74 = tpu.memref_slice %arg6[%arg0, %add3A_60, %dma_start3A_73] : memref<2x10008x128xf32, #tpu.memory_space<hbm>> -> memref<1x48x128xf32, #tpu.memory_space<hbm>>
      %dma_start3A_75 = tpu.memref_squeeze %dma_start3A_74 : memref<1x48x128xf32, #tpu.memory_space<hbm>> -> memref<48x128xf32, #tpu.memory_space<hbm>>
      %dma_start3A_76 = arith.constant 0 : i32
      %dma_start3A_77 = arith.constant 0 : i32
      %dma_start3A_78 = tpu.memref_slice %arg9[%dma_start3A_76, %dma_start3A_77] : memref<128x128xf32, #tpu.memory_space<vmem>> -> memref<48x128xf32, #tpu.memory_space<vmem>>
      tpu.enqueue_dma source(%dma_start3A_78 : memref<48x128xf32, #tpu.memory_space<vmem>>) target(%dma_start3A_75 : memref<48x128xf32, #tpu.memory_space<hbm>>) target_semaphore(%run_scoped3A : memref<!tpu.dma_semaphore, #tpu.memory_space<semaphore_mem>>)
      %dma_wait3A = arith.constant 0 : i32
      %dma_wait3A_79 = arith.constant 0 : i32
      %dma_wait3A_80 = tpu.memref_slice %arg9[%dma_wait3A, %dma_wait3A_79] : memref<128x128xf32, #tpu.memory_space<vmem>> -> memref<48x128xf32, #tpu.memory_space<vmem>>
      %dma_wait3A_81 = arith.constant 0 : i32
      %dma_wait3A_82 = tpu.memref_slice %arg6[%arg0, %add3A_60, %dma_wait3A_81] : memref<2x10008x128xf32, #tpu.memory_space<hbm>> -> memref<1x48x128xf32, #tpu.memory_space<hbm>>
      %dma_wait3A_83 = tpu.memref_squeeze %dma_wait3A_82 : memref<1x48x128xf32, #tpu.memory_space<hbm>> -> memref<48x128xf32, #tpu.memory_space<hbm>>
      %dma_wait3A_84 = arith.constant 0 : i32
      %dma_wait3A_85 = tpu.memref_slice %arg6[%arg0, %add3A_60, %dma_wait3A_84] : memref<2x10008x128xf32, #tpu.memory_space<hbm>> -> memref<1x48x128xf32, #tpu.memory_space<hbm>>
      %dma_wait3A_86 = tpu.memref_squeeze %dma_wait3A_85 : memref<1x48x128xf32, #tpu.memory_space<hbm>> -> memref<48x128xf32, #tpu.memory_space<hbm>>
      %dma_wait3A_87 = arith.constant 0 : i32
      %dma_wait3A_88 = arith.constant 0 : i32
      %dma_wait3A_89 = tpu.memref_slice %arg9[%dma_wait3A_87, %dma_wait3A_88] : memref<128x128xf32, #tpu.memory_space<vmem>> -> memref<48x128xf32, #tpu.memory_space<vmem>>
      tpu.wait_dma2 semaphore(%run_scoped3A : memref<!tpu.dma_semaphore, #tpu.memory_space<semaphore_mem>>) src(%dma_wait3A_89 : memref<48x128xf32, #tpu.memory_space<vmem>>) dst(%dma_wait3A_86 : memref<48x128xf32, #tpu.memory_space<hbm>>)
      tpu.yield
    }) : () -> ()
    %add3A_61 = arith.constant 576 : i32
    %add3A_62 = arith.addi %mul3A_2, %add3A_61 : i32
    "tpu.region"() ({
      %run_scoped3A = tpu.sem_alloc : memref<!tpu.dma_semaphore, #tpu.memory_space<semaphore_mem>>
      %dma_start3A = arith.constant 0 : i32
      %dma_start3A_68 = arith.constant 0 : i32
      %dma_start3A_69 = tpu.memref_slice %arg9[%dma_start3A, %dma_start3A_68] : memref<128x128xf32, #tpu.memory_space<vmem>> -> memref<48x128xf32, #tpu.memory_space<vmem>>
      %dma_start3A_70 = arith.constant 0 : i32
      %dma_start3A_71 = tpu.memref_slice %arg11[%add3A_62, %dma_start3A_70] : memref<10008x128xf32, #tpu.memory_space<vmem_shared>> -> memref<48x128xf32, #tpu.memory_space<vmem_shared>>
      %dma_start3A_72 = arith.constant 0 : i32
      %dma_start3A_73 = arith.constant 0 : i32
      %dma_start3A_74 = tpu.memref_slice %arg9[%dma_start3A_72, %dma_start3A_73] : memref<128x128xf32, #tpu.memory_space<vmem>> -> memref<48x128xf32, #tpu.memory_space<vmem>>
      %dma_start3A_75 = arith.constant 0 : i32
      %dma_start3A_76 = tpu.memref_slice %arg11[%add3A_62, %dma_start3A_75] : memref<10008x128xf32, #tpu.memory_space<vmem_shared>> -> memref<48x128xf32, #tpu.memory_space<vmem_shared>>
      tpu.enqueue_dma source(%dma_start3A_76 : memref<48x128xf32, #tpu.memory_space<vmem_shared>>) target(%dma_start3A_74 : memref<48x128xf32, #tpu.memory_space<vmem>>) target_semaphore(%run_scoped3A : memref<!tpu.dma_semaphore, #tpu.memory_space<semaphore_mem>>)
      %dma_wait3A = arith.constant 0 : i32
      %dma_wait3A_77 = arith.constant 0 : i32
      %dma_wait3A_78 = tpu.memref_slice %arg9[%dma_wait3A, %dma_wait3A_77] : memref<128x128xf32, #tpu.memory_space<vmem>> -> memref<48x128xf32, #tpu.memory_space<vmem>>
      %dma_wait3A_79 = arith.constant 0 : i32
      %dma_wait3A_80 = tpu.memref_slice %arg11[%add3A_62, %dma_wait3A_79] : memref<10008x128xf32, #tpu.memory_space<vmem_shared>> -> memref<48x128xf32, #tpu.memory_space<vmem_shared>>
      %dma_wait3A_81 = arith.constant 0 : i32
      %dma_wait3A_82 = arith.constant 0 : i32
      %dma_wait3A_83 = tpu.memref_slice %arg9[%dma_wait3A_81, %dma_wait3A_82] : memref<128x128xf32, #tpu.memory_space<vmem>> -> memref<48x128xf32, #tpu.memory_space<vmem>>
      %dma_wait3A_84 = arith.constant 0 : i32
      %dma_wait3A_85 = tpu.memref_slice %arg11[%add3A_62, %dma_wait3A_84] : memref<10008x128xf32, #tpu.memory_space<vmem_shared>> -> memref<48x128xf32, #tpu.memory_space<vmem_shared>>
      tpu.wait_dma2 semaphore(%run_scoped3A : memref<!tpu.dma_semaphore, #tpu.memory_space<semaphore_mem>>) src(%dma_wait3A_85 : memref<48x128xf32, #tpu.memory_space<vmem_shared>>) dst(%dma_wait3A_83 : memref<48x128xf32, #tpu.memory_space<vmem>>)
      tpu.yield
    }) : () -> ()
    "tpu.region"() ({
      %run_scoped3A = tpu.sem_alloc : memref<!tpu.dma_semaphore, #tpu.memory_space<semaphore_mem>>
      %dma_start3A = arith.constant 0 : i32
      %dma_start3A_68 = arith.constant 0 : i32
      %dma_start3A_69 = tpu.memref_slice %arg9[%dma_start3A, %dma_start3A_68] : memref<128x128xf32, #tpu.memory_space<vmem>> -> memref<48x128xf32, #tpu.memory_space<vmem>>
      %dma_start3A_70 = arith.constant 0 : i32
      %dma_start3A_71 = tpu.memref_slice %arg6[%arg0, %add3A_62, %dma_start3A_70] : memref<2x10008x128xf32, #tpu.memory_space<hbm>> -> memref<1x48x128xf32, #tpu.memory_space<hbm>>
      %dma_start3A_72 = tpu.memref_squeeze %dma_start3A_71 : memref<1x48x128xf32, #tpu.memory_space<hbm>> -> memref<48x128xf32, #tpu.memory_space<hbm>>
      %dma_start3A_73 = arith.constant 0 : i32
      %dma_start3A_74 = tpu.memref_slice %arg6[%arg0, %add3A_62, %dma_start3A_73] : memref<2x10008x128xf32, #tpu.memory_space<hbm>> -> memref<1x48x128xf32, #tpu.memory_space<hbm>>
      %dma_start3A_75 = tpu.memref_squeeze %dma_start3A_74 : memref<1x48x128xf32, #tpu.memory_space<hbm>> -> memref<48x128xf32, #tpu.memory_space<hbm>>
      %dma_start3A_76 = arith.constant 0 : i32
      %dma_start3A_77 = arith.constant 0 : i32
      %dma_start3A_78 = tpu.memref_slice %arg9[%dma_start3A_76, %dma_start3A_77] : memref<128x128xf32, #tpu.memory_space<vmem>> -> memref<48x128xf32, #tpu.memory_space<vmem>>
      tpu.enqueue_dma source(%dma_start3A_78 : memref<48x128xf32, #tpu.memory_space<vmem>>) target(%dma_start3A_75 : memref<48x128xf32, #tpu.memory_space<hbm>>) target_semaphore(%run_scoped3A : memref<!tpu.dma_semaphore, #tpu.memory_space<semaphore_mem>>)
      %dma_wait3A = arith.constant 0 : i32
      %dma_wait3A_79 = arith.constant 0 : i32
      %dma_wait3A_80 = tpu.memref_slice %arg9[%dma_wait3A, %dma_wait3A_79] : memref<128x128xf32, #tpu.memory_space<vmem>> -> memref<48x128xf32, #tpu.memory_space<vmem>>
      %dma_wait3A_81 = arith.constant 0 : i32
      %dma_wait3A_82 = tpu.memref_slice %arg6[%arg0, %add3A_62, %dma_wait3A_81] : memref<2x10008x128xf32, #tpu.memory_space<hbm>> -> memref<1x48x128xf32, #tpu.memory_space<hbm>>
      %dma_wait3A_83 = tpu.memref_squeeze %dma_wait3A_82 : memref<1x48x128xf32, #tpu.memory_space<hbm>> -> memref<48x128xf32, #tpu.memory_space<hbm>>
      %dma_wait3A_84 = arith.constant 0 : i32
      %dma_wait3A_85 = tpu.memref_slice %arg6[%arg0, %add3A_62, %dma_wait3A_84] : memref<2x10008x128xf32, #tpu.memory_space<hbm>> -> memref<1x48x128xf32, #tpu.memory_space<hbm>>
      %dma_wait3A_86 = tpu.memref_squeeze %dma_wait3A_85 : memref<1x48x128xf32, #tpu.memory_space<hbm>> -> memref<48x128xf32, #tpu.memory_space<hbm>>
      %dma_wait3A_87 = arith.constant 0 : i32
      %dma_wait3A_88 = arith.constant 0 : i32
      %dma_wait3A_89 = tpu.memref_slice %arg9[%dma_wait3A_87, %dma_wait3A_88] : memref<128x128xf32, #tpu.memory_space<vmem>> -> memref<48x128xf32, #tpu.memory_space<vmem>>
      tpu.wait_dma2 semaphore(%run_scoped3A : memref<!tpu.dma_semaphore, #tpu.memory_space<semaphore_mem>>) src(%dma_wait3A_89 : memref<48x128xf32, #tpu.memory_space<vmem>>) dst(%dma_wait3A_86 : memref<48x128xf32, #tpu.memory_space<hbm>>)
      tpu.yield
    }) : () -> ()
    %eq3A_63 = arith.constant 15 : i32
    %eq3A_64 = arith.cmpi eq, %arg1, %eq3A_63 : i32
    %convert_element_type3A_65 = arith.extui %eq3A_64 : i1 to i32
    %cond3A_66 = arith.constant 0 : i32
    %cond3A_67 = arith.cmpi ne, %convert_element_type3A_65, %cond3A_66 : i32
    scf.if %cond3A_67 {
      "tpu.region"() ({
        %run_scoped3A = tpu.sem_alloc : memref<!tpu.dma_semaphore, #tpu.memory_space<semaphore_mem>>
        %dma_start3A = arith.constant 0 : i32
        %dma_start3A_68 = arith.constant 0 : i32
        %dma_start3A_69 = tpu.memref_slice %arg9[%dma_start3A, %dma_start3A_68] : memref<128x128xf32, #tpu.memory_space<vmem>> -> memref<16x128xf32, #tpu.memory_space<vmem>>
        %dma_start3A_70 = arith.constant 9984 : i32
        %dma_start3A_71 = arith.constant 0 : i32
        %dma_start3A_72 = tpu.memref_slice %arg11[%dma_start3A_70, %dma_start3A_71] : memref<10008x128xf32, #tpu.memory_space<vmem_shared>> -> memref<16x128xf32, #tpu.memory_space<vmem_shared>>
        %dma_start3A_73 = arith.constant 0 : i32
        %dma_start3A_74 = arith.constant 0 : i32
        %dma_start3A_75 = tpu.memref_slice %arg9[%dma_start3A_73, %dma_start3A_74] : memref<128x128xf32, #tpu.memory_space<vmem>> -> memref<16x128xf32, #tpu.memory_space<vmem>>
        %dma_start3A_76 = arith.constant 9984 : i32
        %dma_start3A_77 = arith.constant 0 : i32
        %dma_start3A_78 = tpu.memref_slice %arg11[%dma_start3A_76, %dma_start3A_77] : memref<10008x128xf32, #tpu.memory_space<vmem_shared>> -> memref<16x128xf32, #tpu.memory_space<vmem_shared>>
        tpu.enqueue_dma source(%dma_start3A_78 : memref<16x128xf32, #tpu.memory_space<vmem_shared>>) target(%dma_start3A_75 : memref<16x128xf32, #tpu.memory_space<vmem>>) target_semaphore(%run_scoped3A : memref<!tpu.dma_semaphore, #tpu.memory_space<semaphore_mem>>)
        %dma_wait3A = arith.constant 0 : i32
        %dma_wait3A_79 = arith.constant 0 : i32
        %dma_wait3A_80 = tpu.memref_slice %arg9[%dma_wait3A, %dma_wait3A_79] : memref<128x128xf32, #tpu.memory_space<vmem>> -> memref<16x128xf32, #tpu.memory_space<vmem>>
        %dma_wait3A_81 = arith.constant 9984 : i32
        %dma_wait3A_82 = arith.constant 0 : i32
        %dma_wait3A_83 = tpu.memref_slice %arg11[%dma_wait3A_81, %dma_wait3A_82] : memref<10008x128xf32, #tpu.memory_space<vmem_shared>> -> memref<16x128xf32, #tpu.memory_space<vmem_shared>>
        %dma_wait3A_84 = arith.constant 0 : i32
        %dma_wait3A_85 = arith.constant 0 : i32
        %dma_wait3A_86 = tpu.memref_slice %arg9[%dma_wait3A_84, %dma_wait3A_85] : memref<128x128xf32, #tpu.memory_space<vmem>> -> memref<16x128xf32, #tpu.memory_space<vmem>>
        %dma_wait3A_87 = arith.constant 9984 : i32
        %dma_wait3A_88 = arith.constant 0 : i32
        %dma_wait3A_89 = tpu.memref_slice %arg11[%dma_wait3A_87, %dma_wait3A_88] : memref<10008x128xf32, #tpu.memory_space<vmem_shared>> -> memref<16x128xf32, #tpu.memory_space<vmem_shared>>
        tpu.wait_dma2 semaphore(%run_scoped3A : memref<!tpu.dma_semaphore, #tpu.memory_space<semaphore_mem>>) src(%dma_wait3A_89 : memref<16x128xf32, #tpu.memory_space<vmem_shared>>) dst(%dma_wait3A_86 : memref<16x128xf32, #tpu.memory_space<vmem>>)
        tpu.yield
      }) : () -> ()
      "tpu.region"() ({
        %run_scoped3A = tpu.sem_alloc : memref<!tpu.dma_semaphore, #tpu.memory_space<semaphore_mem>>
        %dma_start3A = arith.constant 0 : i32
        %dma_start3A_68 = arith.constant 0 : i32
        %dma_start3A_69 = tpu.memref_slice %arg9[%dma_start3A, %dma_start3A_68] : memref<128x128xf32, #tpu.memory_space<vmem>> -> memref<16x128xf32, #tpu.memory_space<vmem>>
        %dma_start3A_70 = arith.constant 9984 : i32
        %dma_start3A_71 = arith.constant 0 : i32
        %dma_start3A_72 = tpu.memref_slice %arg6[%arg0, %dma_start3A_70, %dma_start3A_71] : memref<2x10008x128xf32, #tpu.memory_space<hbm>> -> memref<1x16x128xf32, #tpu.memory_space<hbm>>
        %dma_start3A_73 = tpu.memref_squeeze %dma_start3A_72 : memref<1x16x128xf32, #tpu.memory_space<hbm>> -> memref<16x128xf32, #tpu.memory_space<hbm>>
        %dma_start3A_74 = arith.constant 9984 : i32
        %dma_start3A_75 = arith.constant 0 : i32
        %dma_start3A_76 = tpu.memref_slice %arg6[%arg0, %dma_start3A_74, %dma_start3A_75] : memref<2x10008x128xf32, #tpu.memory_space<hbm>> -> memref<1x16x128xf32, #tpu.memory_space<hbm>>
        %dma_start3A_77 = tpu.memref_squeeze %dma_start3A_76 : memref<1x16x128xf32, #tpu.memory_space<hbm>> -> memref<16x128xf32, #tpu.memory_space<hbm>>
        %dma_start3A_78 = arith.constant 0 : i32
        %dma_start3A_79 = arith.constant 0 : i32
        %dma_start3A_80 = tpu.memref_slice %arg9[%dma_start3A_78, %dma_start3A_79] : memref<128x128xf32, #tpu.memory_space<vmem>> -> memref<16x128xf32, #tpu.memory_space<vmem>>
        tpu.enqueue_dma source(%dma_start3A_80 : memref<16x128xf32, #tpu.memory_space<vmem>>) target(%dma_start3A_77 : memref<16x128xf32, #tpu.memory_space<hbm>>) target_semaphore(%run_scoped3A : memref<!tpu.dma_semaphore, #tpu.memory_space<semaphore_mem>>)
        %dma_wait3A = arith.constant 0 : i32
        %dma_wait3A_81 = arith.constant 0 : i32
        %dma_wait3A_82 = tpu.memref_slice %arg9[%dma_wait3A, %dma_wait3A_81] : memref<128x128xf32, #tpu.memory_space<vmem>> -> memref<16x128xf32, #tpu.memory_space<vmem>>
        %dma_wait3A_83 = arith.constant 9984 : i32
        %dma_wait3A_84 = arith.constant 0 : i32
        %dma_wait3A_85 = tpu.memref_slice %arg6[%arg0, %dma_wait3A_83, %dma_wait3A_84] : memref<2x10008x128xf32, #tpu.memory_space<hbm>> -> memref<1x16x128xf32, #tpu.memory_space<hbm>>
        %dma_wait3A_86 = tpu.memref_squeeze %dma_wait3A_85 : memref<1x16x128xf32, #tpu.memory_space<hbm>> -> memref<16x128xf32, #tpu.memory_space<hbm>>
        %dma_wait3A_87 = arith.constant 9984 : i32
        %dma_wait3A_88 = arith.constant 0 : i32
        %dma_wait3A_89 = tpu.memref_slice %arg6[%arg0, %dma_wait3A_87, %dma_wait3A_88] : memref<2x10008x128xf32, #tpu.memory_space<hbm>> -> memref<1x16x128xf32, #tpu.memory_space<hbm>>
        %dma_wait3A_90 = tpu.memref_squeeze %dma_wait3A_89 : memref<1x16x128xf32, #tpu.memory_space<hbm>> -> memref<16x128xf32, #tpu.memory_space<hbm>>
        %dma_wait3A_91 = arith.constant 0 : i32
        %dma_wait3A_92 = arith.constant 0 : i32
        %dma_wait3A_93 = tpu.memref_slice %arg9[%dma_wait3A_91, %dma_wait3A_92] : memref<128x128xf32, #tpu.memory_space<vmem>> -> memref<16x128xf32, #tpu.memory_space<vmem>>
        tpu.wait_dma2 semaphore(%run_scoped3A : memref<!tpu.dma_semaphore, #tpu.memory_space<semaphore_mem>>) src(%dma_wait3A_93 : memref<16x128xf32, #tpu.memory_space<vmem>>) dst(%dma_wait3A_90 : memref<16x128xf32, #tpu.memory_space<hbm>>)
        tpu.yield
      }) : () -> ()
    } else {
    }
    return
  }
}

#map = affine_map<(d0, d1) -> (0, 0)>
#map1 = affine_map<(d0, d1) -> (0, 0, 0)>
module attributes {stable_mosaic.version = 14 : i64} {
  func.func @_sc_body(%arg0: i32, %arg1: i32, %arg2: memref<10000x128xf32, #tpu.memory_space<hbm>>, %arg3: memref<32x80x128xi32, #tpu.memory_space<hbm>>, %arg4: memref<32x80x128xi32, #tpu.memory_space<hbm>>, %arg5: memref<128x128xf32, #tpu.memory_space<hbm>>, %arg6: memref<2x10008x128xf32, #tpu.memory_space<hbm>>, %arg7: memref<128xi32, #tpu.memory_space<vmem>>, %arg8: memref<128xi32, #tpu.memory_space<vmem>>, %arg9: memref<128x128xf32, #tpu.memory_space<vmem>>, %arg10: memref<!tpu.dma_semaphore, #tpu.memory_space<semaphore_mem>>, %arg11: memref<10008x128xf32, #tpu.memory_space<vmem_shared>>) attributes {dimension_semantics = [#tpu.dimension_semantics<core_parallel>, #tpu.dimension_semantics<subcore_parallel>], iteration_bounds = array<i64: 2, 16>, scalar_prefetch = 0 : i64, scratch_operands = 5 : i64, tpu.core_type = #tpu.core_type<sc_vector_subcore>, window_params = [{transform_indices = #map}, {transform_indices = #map1}, {transform_indices = #map1}, {transform_indices = #map}, {transform_indices = #map1}]} {
    %mul3A = arith.constant 2 : i32
    %mul3A_0 = arith.muli %arg1, %mul3A : i32
    %add3A = arith.addi %mul3A_0, %arg0 : i32
    %mul3A_1 = arith.constant 624 : i32
    %mul3A_2 = arith.muli %arg1, %mul3A_1 : i32
    "tpu.region"() ({
      %run_scoped3A = tpu.sem_alloc : memref<!tpu.dma_semaphore, #tpu.memory_space<semaphore_mem>>
      tpu.enqueue_dma source(%arg5 : memref<128x128xf32, #tpu.memory_space<hbm>>) target(%arg9 : memref<128x128xf32, #tpu.memory_space<vmem>>) target_semaphore(%run_scoped3A : memref<!tpu.dma_semaphore, #tpu.memory_space<semaphore_mem>>)
      tpu.wait_dma2 semaphore(%run_scoped3A : memref<!tpu.dma_semaphore, #tpu.memory_space<semaphore_mem>>) src(%arg5 : memref<128x128xf32, #tpu.memory_space<hbm>>) dst(%arg9 : memref<128x128xf32, #tpu.memory_space<vmem>>)
      tpu.yield
    }) : () -> ()
    %add3A_3 = arith.constant 0 : i32
    %add3A_4 = arith.addi %mul3A_2, %add3A_3 : i32
    "tpu.region"() ({
      %run_scoped3A = tpu.sem_alloc : memref<!tpu.dma_semaphore, #tpu.memory_space<semaphore_mem>>
      %dma_start3A = arith.constant 0 : i32
      %dma_start3A_68 = arith.constant 0 : i32
      %dma_start3A_69 = tpu.memref_slice %arg9[%dma_start3A, %dma_start3A_68] : memref<128x128xf32, #tpu.memory_space<vmem>> -> memref<48x128xf32, #tpu.memory_space<vmem>>
      %dma_start3A_70 = arith.constant 0 : i32
      %dma_start3A_71 = tpu.memref_slice %arg11[%add3A_4, %dma_start3A_70] : memref<10008x128xf32, #tpu.memory_space<vmem_shared>> -> memref<48x128xf32, #tpu.memory_space<vmem_shared>>
      %dma_start3A_72 = arith.constant 0 : i32
      %dma_start3A_73 = tpu.memref_slice %arg11[%add3A_4, %dma_start3A_72] : memref<10008x128xf32, #tpu.memory_space<vmem_shared>> -> memref<48x128xf32, #tpu.memory_space<vmem_shared>>
      %dma_start3A_74 = arith.constant 0 : i32
      %dma_start3A_75 = arith.constant 0 : i32
      %dma_start3A_76 = tpu.memref_slice %arg9[%dma_start3A_74, %dma_start3A_75] : memref<128x128xf32, #tpu.memory_space<vmem>> -> memref<48x128xf32, #tpu.memory_space<vmem>>
      tpu.enqueue_dma source(%dma_start3A_76 : memref<48x128xf32, #tpu.memory_space<vmem>>) target(%dma_start3A_73 : memref<48x128xf32, #tpu.memory_space<vmem_shared>>) target_semaphore(%run_scoped3A : memref<!tpu.dma_semaphore, #tpu.memory_space<semaphore_mem>>)
      %dma_wait3A = arith.constant 0 : i32
      %dma_wait3A_77 = arith.constant 0 : i32
      %dma_wait3A_78 = tpu.memref_slice %arg9[%dma_wait3A, %dma_wait3A_77] : memref<128x128xf32, #tpu.memory_space<vmem>> -> memref<48x128xf32, #tpu.memory_space<vmem>>
      %dma_wait3A_79 = arith.constant 0 : i32
      %dma_wait3A_80 = tpu.memref_slice %arg11[%add3A_4, %dma_wait3A_79] : memref<10008x128xf32, #tpu.memory_space<vmem_shared>> -> memref<48x128xf32, #tpu.memory_space<vmem_shared>>
      %dma_wait3A_81 = arith.constant 0 : i32
      %dma_wait3A_82 = tpu.memref_slice %arg11[%add3A_4, %dma_wait3A_81] : memref<10008x128xf32, #tpu.memory_space<vmem_shared>> -> memref<48x128xf32, #tpu.memory_space<vmem_shared>>
      %dma_wait3A_83 = arith.constant 0 : i32
      %dma_wait3A_84 = arith.constant 0 : i32
      %dma_wait3A_85 = tpu.memref_slice %arg9[%dma_wait3A_83, %dma_wait3A_84] : memref<128x128xf32, #tpu.memory_space<vmem>> -> memref<48x128xf32, #tpu.memory_space<vmem>>
      tpu.wait_dma2 semaphore(%run_scoped3A : memref<!tpu.dma_semaphore, #tpu.memory_space<semaphore_mem>>) src(%dma_wait3A_85 : memref<48x128xf32, #tpu.memory_space<vmem>>) dst(%dma_wait3A_82 : memref<48x128xf32, #tpu.memory_space<vmem_shared>>)
      tpu.yield
    }) : () -> ()
    %add3A_5 = arith.constant 48 : i32
    %add3A_6 = arith.addi %mul3A_2, %add3A_5 : i32
    "tpu.region"() ({
      %run_scoped3A = tpu.sem_alloc : memref<!tpu.dma_semaphore, #tpu.memory_space<semaphore_mem>>
      %dma_start3A = arith.constant 0 : i32
      %dma_start3A_68 = arith.constant 0 : i32
      %dma_start3A_69 = tpu.memref_slice %arg9[%dma_start3A, %dma_start3A_68] : memref<128x128xf32, #tpu.memory_space<vmem>> -> memref<48x128xf32, #tpu.memory_space<vmem>>
      %dma_start3A_70 = arith.constant 0 : i32
      %dma_start3A_71 = tpu.memref_slice %arg11[%add3A_6, %dma_start3A_70] : memref<10008x128xf32, #tpu.memory_space<vmem_shared>> -> memref<48x128xf32, #tpu.memory_space<vmem_shared>>
      %dma_start3A_72 = arith.constant 0 : i32
      %dma_start3A_73 = tpu.memref_slice %arg11[%add3A_6, %dma_start3A_72] : memref<10008x128xf32, #tpu.memory_space<vmem_shared>> -> memref<48x128xf32, #tpu.memory_space<vmem_shared>>
      %dma_start3A_74 = arith.constant 0 : i32
      %dma_start3A_75 = arith.constant 0 : i32
      %dma_start3A_76 = tpu.memref_slice %arg9[%dma_start3A_74, %dma_start3A_75] : memref<128x128xf32, #tpu.memory_space<vmem>> -> memref<48x128xf32, #tpu.memory_space<vmem>>
      tpu.enqueue_dma source(%dma_start3A_76 : memref<48x128xf32, #tpu.memory_space<vmem>>) target(%dma_start3A_73 : memref<48x128xf32, #tpu.memory_space<vmem_shared>>) target_semaphore(%run_scoped3A : memref<!tpu.dma_semaphore, #tpu.memory_space<semaphore_mem>>)
      %dma_wait3A = arith.constant 0 : i32
      %dma_wait3A_77 = arith.constant 0 : i32
      %dma_wait3A_78 = tpu.memref_slice %arg9[%dma_wait3A, %dma_wait3A_77] : memref<128x128xf32, #tpu.memory_space<vmem>> -> memref<48x128xf32, #tpu.memory_space<vmem>>
      %dma_wait3A_79 = arith.constant 0 : i32
      %dma_wait3A_80 = tpu.memref_slice %arg11[%add3A_6, %dma_wait3A_79] : memref<10008x128xf32, #tpu.memory_space<vmem_shared>> -> memref<48x128xf32, #tpu.memory_space<vmem_shared>>
      %dma_wait3A_81 = arith.constant 0 : i32
      %dma_wait3A_82 = tpu.memref_slice %arg11[%add3A_6, %dma_wait3A_81] : memref<10008x128xf32, #tpu.memory_space<vmem_shared>> -> memref<48x128xf32, #tpu.memory_space<vmem_shared>>
      %dma_wait3A_83 = arith.constant 0 : i32
      %dma_wait3A_84 = arith.constant 0 : i32
      %dma_wait3A_85 = tpu.memref_slice %arg9[%dma_wait3A_83, %dma_wait3A_84] : memref<128x128xf32, #tpu.memory_space<vmem>> -> memref<48x128xf32, #tpu.memory_space<vmem>>
      tpu.wait_dma2 semaphore(%run_scoped3A : memref<!tpu.dma_semaphore, #tpu.memory_space<semaphore_mem>>) src(%dma_wait3A_85 : memref<48x128xf32, #tpu.memory_space<vmem>>) dst(%dma_wait3A_82 : memref<48x128xf32, #tpu.memory_space<vmem_shared>>)
      tpu.yield
    }) : () -> ()
    %add3A_7 = arith.constant 96 : i32
    %add3A_8 = arith.addi %mul3A_2, %add3A_7 : i32
    "tpu.region"() ({
      %run_scoped3A = tpu.sem_alloc : memref<!tpu.dma_semaphore, #tpu.memory_space<semaphore_mem>>
      %dma_start3A = arith.constant 0 : i32
      %dma_start3A_68 = arith.constant 0 : i32
      %dma_start3A_69 = tpu.memref_slice %arg9[%dma_start3A, %dma_start3A_68] : memref<128x128xf32, #tpu.memory_space<vmem>> -> memref<48x128xf32, #tpu.memory_space<vmem>>
      %dma_start3A_70 = arith.constant 0 : i32
      %dma_start3A_71 = tpu.memref_slice %arg11[%add3A_8, %dma_start3A_70] : memref<10008x128xf32, #tpu.memory_space<vmem_shared>> -> memref<48x128xf32, #tpu.memory_space<vmem_shared>>
      %dma_start3A_72 = arith.constant 0 : i32
      %dma_start3A_73 = tpu.memref_slice %arg11[%add3A_8, %dma_start3A_72] : memref<10008x128xf32, #tpu.memory_space<vmem_shared>> -> memref<48x128xf32, #tpu.memory_space<vmem_shared>>
      %dma_start3A_74 = arith.constant 0 : i32
      %dma_start3A_75 = arith.constant 0 : i32
      %dma_start3A_76 = tpu.memref_slice %arg9[%dma_start3A_74, %dma_start3A_75] : memref<128x128xf32, #tpu.memory_space<vmem>> -> memref<48x128xf32, #tpu.memory_space<vmem>>
      tpu.enqueue_dma source(%dma_start3A_76 : memref<48x128xf32, #tpu.memory_space<vmem>>) target(%dma_start3A_73 : memref<48x128xf32, #tpu.memory_space<vmem_shared>>) target_semaphore(%run_scoped3A : memref<!tpu.dma_semaphore, #tpu.memory_space<semaphore_mem>>)
      %dma_wait3A = arith.constant 0 : i32
      %dma_wait3A_77 = arith.constant 0 : i32
      %dma_wait3A_78 = tpu.memref_slice %arg9[%dma_wait3A, %dma_wait3A_77] : memref<128x128xf32, #tpu.memory_space<vmem>> -> memref<48x128xf32, #tpu.memory_space<vmem>>
      %dma_wait3A_79 = arith.constant 0 : i32
      %dma_wait3A_80 = tpu.memref_slice %arg11[%add3A_8, %dma_wait3A_79] : memref<10008x128xf32, #tpu.memory_space<vmem_shared>> -> memref<48x128xf32, #tpu.memory_space<vmem_shared>>
      %dma_wait3A_81 = arith.constant 0 : i32
      %dma_wait3A_82 = tpu.memref_slice %arg11[%add3A_8, %dma_wait3A_81] : memref<10008x128xf32, #tpu.memory_space<vmem_shared>> -> memref<48x128xf32, #tpu.memory_space<vmem_shared>>
      %dma_wait3A_83 = arith.constant 0 : i32
      %dma_wait3A_84 = arith.constant 0 : i32
      %dma_wait3A_85 = tpu.memref_slice %arg9[%dma_wait3A_83, %dma_wait3A_84] : memref<128x128xf32, #tpu.memory_space<vmem>> -> memref<48x128xf32, #tpu.memory_space<vmem>>
      tpu.wait_dma2 semaphore(%run_scoped3A : memref<!tpu.dma_semaphore, #tpu.memory_space<semaphore_mem>>) src(%dma_wait3A_85 : memref<48x128xf32, #tpu.memory_space<vmem>>) dst(%dma_wait3A_82 : memref<48x128xf32, #tpu.memory_space<vmem_shared>>)
      tpu.yield
    }) : () -> ()
    %add3A_9 = arith.constant 144 : i32
    %add3A_10 = arith.addi %mul3A_2, %add3A_9 : i32
    "tpu.region"() ({
      %run_scoped3A = tpu.sem_alloc : memref<!tpu.dma_semaphore, #tpu.memory_space<semaphore_mem>>
      %dma_start3A = arith.constant 0 : i32
      %dma_start3A_68 = arith.constant 0 : i32
      %dma_start3A_69 = tpu.memref_slice %arg9[%dma_start3A, %dma_start3A_68] : memref<128x128xf32, #tpu.memory_space<vmem>> -> memref<48x128xf32, #tpu.memory_space<vmem>>
      %dma_start3A_70 = arith.constant 0 : i32
      %dma_start3A_71 = tpu.memref_slice %arg11[%add3A_10, %dma_start3A_70] : memref<10008x128xf32, #tpu.memory_space<vmem_shared>> -> memref<48x128xf32, #tpu.memory_space<vmem_shared>>
      %dma_start3A_72 = arith.constant 0 : i32
      %dma_start3A_73 = tpu.memref_slice %arg11[%add3A_10, %dma_start3A_72] : memref<10008x128xf32, #tpu.memory_space<vmem_shared>> -> memref<48x128xf32, #tpu.memory_space<vmem_shared>>
      %dma_start3A_74 = arith.constant 0 : i32
      %dma_start3A_75 = arith.constant 0 : i32
      %dma_start3A_76 = tpu.memref_slice %arg9[%dma_start3A_74, %dma_start3A_75] : memref<128x128xf32, #tpu.memory_space<vmem>> -> memref<48x128xf32, #tpu.memory_space<vmem>>
      tpu.enqueue_dma source(%dma_start3A_76 : memref<48x128xf32, #tpu.memory_space<vmem>>) target(%dma_start3A_73 : memref<48x128xf32, #tpu.memory_space<vmem_shared>>) target_semaphore(%run_scoped3A : memref<!tpu.dma_semaphore, #tpu.memory_space<semaphore_mem>>)
      %dma_wait3A = arith.constant 0 : i32
      %dma_wait3A_77 = arith.constant 0 : i32
      %dma_wait3A_78 = tpu.memref_slice %arg9[%dma_wait3A, %dma_wait3A_77] : memref<128x128xf32, #tpu.memory_space<vmem>> -> memref<48x128xf32, #tpu.memory_space<vmem>>
      %dma_wait3A_79 = arith.constant 0 : i32
      %dma_wait3A_80 = tpu.memref_slice %arg11[%add3A_10, %dma_wait3A_79] : memref<10008x128xf32, #tpu.memory_space<vmem_shared>> -> memref<48x128xf32, #tpu.memory_space<vmem_shared>>
      %dma_wait3A_81 = arith.constant 0 : i32
      %dma_wait3A_82 = tpu.memref_slice %arg11[%add3A_10, %dma_wait3A_81] : memref<10008x128xf32, #tpu.memory_space<vmem_shared>> -> memref<48x128xf32, #tpu.memory_space<vmem_shared>>
      %dma_wait3A_83 = arith.constant 0 : i32
      %dma_wait3A_84 = arith.constant 0 : i32
      %dma_wait3A_85 = tpu.memref_slice %arg9[%dma_wait3A_83, %dma_wait3A_84] : memref<128x128xf32, #tpu.memory_space<vmem>> -> memref<48x128xf32, #tpu.memory_space<vmem>>
      tpu.wait_dma2 semaphore(%run_scoped3A : memref<!tpu.dma_semaphore, #tpu.memory_space<semaphore_mem>>) src(%dma_wait3A_85 : memref<48x128xf32, #tpu.memory_space<vmem>>) dst(%dma_wait3A_82 : memref<48x128xf32, #tpu.memory_space<vmem_shared>>)
      tpu.yield
    }) : () -> ()
    %add3A_11 = arith.constant 192 : i32
    %add3A_12 = arith.addi %mul3A_2, %add3A_11 : i32
    "tpu.region"() ({
      %run_scoped3A = tpu.sem_alloc : memref<!tpu.dma_semaphore, #tpu.memory_space<semaphore_mem>>
      %dma_start3A = arith.constant 0 : i32
      %dma_start3A_68 = arith.constant 0 : i32
      %dma_start3A_69 = tpu.memref_slice %arg9[%dma_start3A, %dma_start3A_68] : memref<128x128xf32, #tpu.memory_space<vmem>> -> memref<48x128xf32, #tpu.memory_space<vmem>>
      %dma_start3A_70 = arith.constant 0 : i32
      %dma_start3A_71 = tpu.memref_slice %arg11[%add3A_12, %dma_start3A_70] : memref<10008x128xf32, #tpu.memory_space<vmem_shared>> -> memref<48x128xf32, #tpu.memory_space<vmem_shared>>
      %dma_start3A_72 = arith.constant 0 : i32
      %dma_start3A_73 = tpu.memref_slice %arg11[%add3A_12, %dma_start3A_72] : memref<10008x128xf32, #tpu.memory_space<vmem_shared>> -> memref<48x128xf32, #tpu.memory_space<vmem_shared>>
      %dma_start3A_74 = arith.constant 0 : i32
      %dma_start3A_75 = arith.constant 0 : i32
      %dma_start3A_76 = tpu.memref_slice %arg9[%dma_start3A_74, %dma_start3A_75] : memref<128x128xf32, #tpu.memory_space<vmem>> -> memref<48x128xf32, #tpu.memory_space<vmem>>
      tpu.enqueue_dma source(%dma_start3A_76 : memref<48x128xf32, #tpu.memory_space<vmem>>) target(%dma_start3A_73 : memref<48x128xf32, #tpu.memory_space<vmem_shared>>) target_semaphore(%run_scoped3A : memref<!tpu.dma_semaphore, #tpu.memory_space<semaphore_mem>>)
      %dma_wait3A = arith.constant 0 : i32
      %dma_wait3A_77 = arith.constant 0 : i32
      %dma_wait3A_78 = tpu.memref_slice %arg9[%dma_wait3A, %dma_wait3A_77] : memref<128x128xf32, #tpu.memory_space<vmem>> -> memref<48x128xf32, #tpu.memory_space<vmem>>
      %dma_wait3A_79 = arith.constant 0 : i32
      %dma_wait3A_80 = tpu.memref_slice %arg11[%add3A_12, %dma_wait3A_79] : memref<10008x128xf32, #tpu.memory_space<vmem_shared>> -> memref<48x128xf32, #tpu.memory_space<vmem_shared>>
      %dma_wait3A_81 = arith.constant 0 : i32
      %dma_wait3A_82 = tpu.memref_slice %arg11[%add3A_12, %dma_wait3A_81] : memref<10008x128xf32, #tpu.memory_space<vmem_shared>> -> memref<48x128xf32, #tpu.memory_space<vmem_shared>>
      %dma_wait3A_83 = arith.constant 0 : i32
      %dma_wait3A_84 = arith.constant 0 : i32
      %dma_wait3A_85 = tpu.memref_slice %arg9[%dma_wait3A_83, %dma_wait3A_84] : memref<128x128xf32, #tpu.memory_space<vmem>> -> memref<48x128xf32, #tpu.memory_space<vmem>>
      tpu.wait_dma2 semaphore(%run_scoped3A : memref<!tpu.dma_semaphore, #tpu.memory_space<semaphore_mem>>) src(%dma_wait3A_85 : memref<48x128xf32, #tpu.memory_space<vmem>>) dst(%dma_wait3A_82 : memref<48x128xf32, #tpu.memory_space<vmem_shared>>)
      tpu.yield
    }) : () -> ()
    %add3A_13 = arith.constant 240 : i32
    %add3A_14 = arith.addi %mul3A_2, %add3A_13 : i32
    "tpu.region"() ({
      %run_scoped3A = tpu.sem_alloc : memref<!tpu.dma_semaphore, #tpu.memory_space<semaphore_mem>>
      %dma_start3A = arith.constant 0 : i32
      %dma_start3A_68 = arith.constant 0 : i32
      %dma_start3A_69 = tpu.memref_slice %arg9[%dma_start3A, %dma_start3A_68] : memref<128x128xf32, #tpu.memory_space<vmem>> -> memref<48x128xf32, #tpu.memory_space<vmem>>
      %dma_start3A_70 = arith.constant 0 : i32
      %dma_start3A_71 = tpu.memref_slice %arg11[%add3A_14, %dma_start3A_70] : memref<10008x128xf32, #tpu.memory_space<vmem_shared>> -> memref<48x128xf32, #tpu.memory_space<vmem_shared>>
      %dma_start3A_72 = arith.constant 0 : i32
      %dma_start3A_73 = tpu.memref_slice %arg11[%add3A_14, %dma_start3A_72] : memref<10008x128xf32, #tpu.memory_space<vmem_shared>> -> memref<48x128xf32, #tpu.memory_space<vmem_shared>>
      %dma_start3A_74 = arith.constant 0 : i32
      %dma_start3A_75 = arith.constant 0 : i32
      %dma_start3A_76 = tpu.memref_slice %arg9[%dma_start3A_74, %dma_start3A_75] : memref<128x128xf32, #tpu.memory_space<vmem>> -> memref<48x128xf32, #tpu.memory_space<vmem>>
      tpu.enqueue_dma source(%dma_start3A_76 : memref<48x128xf32, #tpu.memory_space<vmem>>) target(%dma_start3A_73 : memref<48x128xf32, #tpu.memory_space<vmem_shared>>) target_semaphore(%run_scoped3A : memref<!tpu.dma_semaphore, #tpu.memory_space<semaphore_mem>>)
      %dma_wait3A = arith.constant 0 : i32
      %dma_wait3A_77 = arith.constant 0 : i32
      %dma_wait3A_78 = tpu.memref_slice %arg9[%dma_wait3A, %dma_wait3A_77] : memref<128x128xf32, #tpu.memory_space<vmem>> -> memref<48x128xf32, #tpu.memory_space<vmem>>
      %dma_wait3A_79 = arith.constant 0 : i32
      %dma_wait3A_80 = tpu.memref_slice %arg11[%add3A_14, %dma_wait3A_79] : memref<10008x128xf32, #tpu.memory_space<vmem_shared>> -> memref<48x128xf32, #tpu.memory_space<vmem_shared>>
      %dma_wait3A_81 = arith.constant 0 : i32
      %dma_wait3A_82 = tpu.memref_slice %arg11[%add3A_14, %dma_wait3A_81] : memref<10008x128xf32, #tpu.memory_space<vmem_shared>> -> memref<48x128xf32, #tpu.memory_space<vmem_shared>>
      %dma_wait3A_83 = arith.constant 0 : i32
      %dma_wait3A_84 = arith.constant 0 : i32
      %dma_wait3A_85 = tpu.memref_slice %arg9[%dma_wait3A_83, %dma_wait3A_84] : memref<128x128xf32, #tpu.memory_space<vmem>> -> memref<48x128xf32, #tpu.memory_space<vmem>>
      tpu.wait_dma2 semaphore(%run_scoped3A : memref<!tpu.dma_semaphore, #tpu.memory_space<semaphore_mem>>) src(%dma_wait3A_85 : memref<48x128xf32, #tpu.memory_space<vmem>>) dst(%dma_wait3A_82 : memref<48x128xf32, #tpu.memory_space<vmem_shared>>)
      tpu.yield
    }) : () -> ()
    %add3A_15 = arith.constant 288 : i32
    %add3A_16 = arith.addi %mul3A_2, %add3A_15 : i32
    "tpu.region"() ({
      %run_scoped3A = tpu.sem_alloc : memref<!tpu.dma_semaphore, #tpu.memory_space<semaphore_mem>>
      %dma_start3A = arith.constant 0 : i32
      %dma_start3A_68 = arith.constant 0 : i32
      %dma_start3A_69 = tpu.memref_slice %arg9[%dma_start3A, %dma_start3A_68] : memref<128x128xf32, #tpu.memory_space<vmem>> -> memref<48x128xf32, #tpu.memory_space<vmem>>
      %dma_start3A_70 = arith.constant 0 : i32
      %dma_start3A_71 = tpu.memref_slice %arg11[%add3A_16, %dma_start3A_70] : memref<10008x128xf32, #tpu.memory_space<vmem_shared>> -> memref<48x128xf32, #tpu.memory_space<vmem_shared>>
      %dma_start3A_72 = arith.constant 0 : i32
      %dma_start3A_73 = tpu.memref_slice %arg11[%add3A_16, %dma_start3A_72] : memref<10008x128xf32, #tpu.memory_space<vmem_shared>> -> memref<48x128xf32, #tpu.memory_space<vmem_shared>>
      %dma_start3A_74 = arith.constant 0 : i32
      %dma_start3A_75 = arith.constant 0 : i32
      %dma_start3A_76 = tpu.memref_slice %arg9[%dma_start3A_74, %dma_start3A_75] : memref<128x128xf32, #tpu.memory_space<vmem>> -> memref<48x128xf32, #tpu.memory_space<vmem>>
      tpu.enqueue_dma source(%dma_start3A_76 : memref<48x128xf32, #tpu.memory_space<vmem>>) target(%dma_start3A_73 : memref<48x128xf32, #tpu.memory_space<vmem_shared>>) target_semaphore(%run_scoped3A : memref<!tpu.dma_semaphore, #tpu.memory_space<semaphore_mem>>)
      %dma_wait3A = arith.constant 0 : i32
      %dma_wait3A_77 = arith.constant 0 : i32
      %dma_wait3A_78 = tpu.memref_slice %arg9[%dma_wait3A, %dma_wait3A_77] : memref<128x128xf32, #tpu.memory_space<vmem>> -> memref<48x128xf32, #tpu.memory_space<vmem>>
      %dma_wait3A_79 = arith.constant 0 : i32
      %dma_wait3A_80 = tpu.memref_slice %arg11[%add3A_16, %dma_wait3A_79] : memref<10008x128xf32, #tpu.memory_space<vmem_shared>> -> memref<48x128xf32, #tpu.memory_space<vmem_shared>>
      %dma_wait3A_81 = arith.constant 0 : i32
      %dma_wait3A_82 = tpu.memref_slice %arg11[%add3A_16, %dma_wait3A_81] : memref<10008x128xf32, #tpu.memory_space<vmem_shared>> -> memref<48x128xf32, #tpu.memory_space<vmem_shared>>
      %dma_wait3A_83 = arith.constant 0 : i32
      %dma_wait3A_84 = arith.constant 0 : i32
      %dma_wait3A_85 = tpu.memref_slice %arg9[%dma_wait3A_83, %dma_wait3A_84] : memref<128x128xf32, #tpu.memory_space<vmem>> -> memref<48x128xf32, #tpu.memory_space<vmem>>
      tpu.wait_dma2 semaphore(%run_scoped3A : memref<!tpu.dma_semaphore, #tpu.memory_space<semaphore_mem>>) src(%dma_wait3A_85 : memref<48x128xf32, #tpu.memory_space<vmem>>) dst(%dma_wait3A_82 : memref<48x128xf32, #tpu.memory_space<vmem_shared>>)
      tpu.yield
    }) : () -> ()
    %add3A_17 = arith.constant 336 : i32
    %add3A_18 = arith.addi %mul3A_2, %add3A_17 : i32
    "tpu.region"() ({
      %run_scoped3A = tpu.sem_alloc : memref<!tpu.dma_semaphore, #tpu.memory_space<semaphore_mem>>
      %dma_start3A = arith.constant 0 : i32
      %dma_start3A_68 = arith.constant 0 : i32
      %dma_start3A_69 = tpu.memref_slice %arg9[%dma_start3A, %dma_start3A_68] : memref<128x128xf32, #tpu.memory_space<vmem>> -> memref<48x128xf32, #tpu.memory_space<vmem>>
      %dma_start3A_70 = arith.constant 0 : i32
      %dma_start3A_71 = tpu.memref_slice %arg11[%add3A_18, %dma_start3A_70] : memref<10008x128xf32, #tpu.memory_space<vmem_shared>> -> memref<48x128xf32, #tpu.memory_space<vmem_shared>>
      %dma_start3A_72 = arith.constant 0 : i32
      %dma_start3A_73 = tpu.memref_slice %arg11[%add3A_18, %dma_start3A_72] : memref<10008x128xf32, #tpu.memory_space<vmem_shared>> -> memref<48x128xf32, #tpu.memory_space<vmem_shared>>
      %dma_start3A_74 = arith.constant 0 : i32
      %dma_start3A_75 = arith.constant 0 : i32
      %dma_start3A_76 = tpu.memref_slice %arg9[%dma_start3A_74, %dma_start3A_75] : memref<128x128xf32, #tpu.memory_space<vmem>> -> memref<48x128xf32, #tpu.memory_space<vmem>>
      tpu.enqueue_dma source(%dma_start3A_76 : memref<48x128xf32, #tpu.memory_space<vmem>>) target(%dma_start3A_73 : memref<48x128xf32, #tpu.memory_space<vmem_shared>>) target_semaphore(%run_scoped3A : memref<!tpu.dma_semaphore, #tpu.memory_space<semaphore_mem>>)
      %dma_wait3A = arith.constant 0 : i32
      %dma_wait3A_77 = arith.constant 0 : i32
      %dma_wait3A_78 = tpu.memref_slice %arg9[%dma_wait3A, %dma_wait3A_77] : memref<128x128xf32, #tpu.memory_space<vmem>> -> memref<48x128xf32, #tpu.memory_space<vmem>>
      %dma_wait3A_79 = arith.constant 0 : i32
      %dma_wait3A_80 = tpu.memref_slice %arg11[%add3A_18, %dma_wait3A_79] : memref<10008x128xf32, #tpu.memory_space<vmem_shared>> -> memref<48x128xf32, #tpu.memory_space<vmem_shared>>
      %dma_wait3A_81 = arith.constant 0 : i32
      %dma_wait3A_82 = tpu.memref_slice %arg11[%add3A_18, %dma_wait3A_81] : memref<10008x128xf32, #tpu.memory_space<vmem_shared>> -> memref<48x128xf32, #tpu.memory_space<vmem_shared>>
      %dma_wait3A_83 = arith.constant 0 : i32
      %dma_wait3A_84 = arith.constant 0 : i32
      %dma_wait3A_85 = tpu.memref_slice %arg9[%dma_wait3A_83, %dma_wait3A_84] : memref<128x128xf32, #tpu.memory_space<vmem>> -> memref<48x128xf32, #tpu.memory_space<vmem>>
      tpu.wait_dma2 semaphore(%run_scoped3A : memref<!tpu.dma_semaphore, #tpu.memory_space<semaphore_mem>>) src(%dma_wait3A_85 : memref<48x128xf32, #tpu.memory_space<vmem>>) dst(%dma_wait3A_82 : memref<48x128xf32, #tpu.memory_space<vmem_shared>>)
      tpu.yield
    }) : () -> ()
    %add3A_19 = arith.constant 384 : i32
    %add3A_20 = arith.addi %mul3A_2, %add3A_19 : i32
    "tpu.region"() ({
      %run_scoped3A = tpu.sem_alloc : memref<!tpu.dma_semaphore, #tpu.memory_space<semaphore_mem>>
      %dma_start3A = arith.constant 0 : i32
      %dma_start3A_68 = arith.constant 0 : i32
      %dma_start3A_69 = tpu.memref_slice %arg9[%dma_start3A, %dma_start3A_68] : memref<128x128xf32, #tpu.memory_space<vmem>> -> memref<48x128xf32, #tpu.memory_space<vmem>>
      %dma_start3A_70 = arith.constant 0 : i32
      %dma_start3A_71 = tpu.memref_slice %arg11[%add3A_20, %dma_start3A_70] : memref<10008x128xf32, #tpu.memory_space<vmem_shared>> -> memref<48x128xf32, #tpu.memory_space<vmem_shared>>
      %dma_start3A_72 = arith.constant 0 : i32
      %dma_start3A_73 = tpu.memref_slice %arg11[%add3A_20, %dma_start3A_72] : memref<10008x128xf32, #tpu.memory_space<vmem_shared>> -> memref<48x128xf32, #tpu.memory_space<vmem_shared>>
      %dma_start3A_74 = arith.constant 0 : i32
      %dma_start3A_75 = arith.constant 0 : i32
      %dma_start3A_76 = tpu.memref_slice %arg9[%dma_start3A_74, %dma_start3A_75] : memref<128x128xf32, #tpu.memory_space<vmem>> -> memref<48x128xf32, #tpu.memory_space<vmem>>
      tpu.enqueue_dma source(%dma_start3A_76 : memref<48x128xf32, #tpu.memory_space<vmem>>) target(%dma_start3A_73 : memref<48x128xf32, #tpu.memory_space<vmem_shared>>) target_semaphore(%run_scoped3A : memref<!tpu.dma_semaphore, #tpu.memory_space<semaphore_mem>>)
      %dma_wait3A = arith.constant 0 : i32
      %dma_wait3A_77 = arith.constant 0 : i32
      %dma_wait3A_78 = tpu.memref_slice %arg9[%dma_wait3A, %dma_wait3A_77] : memref<128x128xf32, #tpu.memory_space<vmem>> -> memref<48x128xf32, #tpu.memory_space<vmem>>
      %dma_wait3A_79 = arith.constant 0 : i32
      %dma_wait3A_80 = tpu.memref_slice %arg11[%add3A_20, %dma_wait3A_79] : memref<10008x128xf32, #tpu.memory_space<vmem_shared>> -> memref<48x128xf32, #tpu.memory_space<vmem_shared>>
      %dma_wait3A_81 = arith.constant 0 : i32
      %dma_wait3A_82 = tpu.memref_slice %arg11[%add3A_20, %dma_wait3A_81] : memref<10008x128xf32, #tpu.memory_space<vmem_shared>> -> memref<48x128xf32, #tpu.memory_space<vmem_shared>>
      %dma_wait3A_83 = arith.constant 0 : i32
      %dma_wait3A_84 = arith.constant 0 : i32
      %dma_wait3A_85 = tpu.memref_slice %arg9[%dma_wait3A_83, %dma_wait3A_84] : memref<128x128xf32, #tpu.memory_space<vmem>> -> memref<48x128xf32, #tpu.memory_space<vmem>>
      tpu.wait_dma2 semaphore(%run_scoped3A : memref<!tpu.dma_semaphore, #tpu.memory_space<semaphore_mem>>) src(%dma_wait3A_85 : memref<48x128xf32, #tpu.memory_space<vmem>>) dst(%dma_wait3A_82 : memref<48x128xf32, #tpu.memory_space<vmem_shared>>)
      tpu.yield
    }) : () -> ()
    %add3A_21 = arith.constant 432 : i32
    %add3A_22 = arith.addi %mul3A_2, %add3A_21 : i32
    "tpu.region"() ({
      %run_scoped3A = tpu.sem_alloc : memref<!tpu.dma_semaphore, #tpu.memory_space<semaphore_mem>>
      %dma_start3A = arith.constant 0 : i32
      %dma_start3A_68 = arith.constant 0 : i32
      %dma_start3A_69 = tpu.memref_slice %arg9[%dma_start3A, %dma_start3A_68] : memref<128x128xf32, #tpu.memory_space<vmem>> -> memref<48x128xf32, #tpu.memory_space<vmem>>
      %dma_start3A_70 = arith.constant 0 : i32
      %dma_start3A_71 = tpu.memref_slice %arg11[%add3A_22, %dma_start3A_70] : memref<10008x128xf32, #tpu.memory_space<vmem_shared>> -> memref<48x128xf32, #tpu.memory_space<vmem_shared>>
      %dma_start3A_72 = arith.constant 0 : i32
      %dma_start3A_73 = tpu.memref_slice %arg11[%add3A_22, %dma_start3A_72] : memref<10008x128xf32, #tpu.memory_space<vmem_shared>> -> memref<48x128xf32, #tpu.memory_space<vmem_shared>>
      %dma_start3A_74 = arith.constant 0 : i32
      %dma_start3A_75 = arith.constant 0 : i32
      %dma_start3A_76 = tpu.memref_slice %arg9[%dma_start3A_74, %dma_start3A_75] : memref<128x128xf32, #tpu.memory_space<vmem>> -> memref<48x128xf32, #tpu.memory_space<vmem>>
      tpu.enqueue_dma source(%dma_start3A_76 : memref<48x128xf32, #tpu.memory_space<vmem>>) target(%dma_start3A_73 : memref<48x128xf32, #tpu.memory_space<vmem_shared>>) target_semaphore(%run_scoped3A : memref<!tpu.dma_semaphore, #tpu.memory_space<semaphore_mem>>)
      %dma_wait3A = arith.constant 0 : i32
      %dma_wait3A_77 = arith.constant 0 : i32
      %dma_wait3A_78 = tpu.memref_slice %arg9[%dma_wait3A, %dma_wait3A_77] : memref<128x128xf32, #tpu.memory_space<vmem>> -> memref<48x128xf32, #tpu.memory_space<vmem>>
      %dma_wait3A_79 = arith.constant 0 : i32
      %dma_wait3A_80 = tpu.memref_slice %arg11[%add3A_22, %dma_wait3A_79] : memref<10008x128xf32, #tpu.memory_space<vmem_shared>> -> memref<48x128xf32, #tpu.memory_space<vmem_shared>>
      %dma_wait3A_81 = arith.constant 0 : i32
      %dma_wait3A_82 = tpu.memref_slice %arg11[%add3A_22, %dma_wait3A_81] : memref<10008x128xf32, #tpu.memory_space<vmem_shared>> -> memref<48x128xf32, #tpu.memory_space<vmem_shared>>
      %dma_wait3A_83 = arith.constant 0 : i32
      %dma_wait3A_84 = arith.constant 0 : i32
      %dma_wait3A_85 = tpu.memref_slice %arg9[%dma_wait3A_83, %dma_wait3A_84] : memref<128x128xf32, #tpu.memory_space<vmem>> -> memref<48x128xf32, #tpu.memory_space<vmem>>
      tpu.wait_dma2 semaphore(%run_scoped3A : memref<!tpu.dma_semaphore, #tpu.memory_space<semaphore_mem>>) src(%dma_wait3A_85 : memref<48x128xf32, #tpu.memory_space<vmem>>) dst(%dma_wait3A_82 : memref<48x128xf32, #tpu.memory_space<vmem_shared>>)
      tpu.yield
    }) : () -> ()
    %add3A_23 = arith.constant 480 : i32
    %add3A_24 = arith.addi %mul3A_2, %add3A_23 : i32
    "tpu.region"() ({
      %run_scoped3A = tpu.sem_alloc : memref<!tpu.dma_semaphore, #tpu.memory_space<semaphore_mem>>
      %dma_start3A = arith.constant 0 : i32
      %dma_start3A_68 = arith.constant 0 : i32
      %dma_start3A_69 = tpu.memref_slice %arg9[%dma_start3A, %dma_start3A_68] : memref<128x128xf32, #tpu.memory_space<vmem>> -> memref<48x128xf32, #tpu.memory_space<vmem>>
      %dma_start3A_70 = arith.constant 0 : i32
      %dma_start3A_71 = tpu.memref_slice %arg11[%add3A_24, %dma_start3A_70] : memref<10008x128xf32, #tpu.memory_space<vmem_shared>> -> memref<48x128xf32, #tpu.memory_space<vmem_shared>>
      %dma_start3A_72 = arith.constant 0 : i32
      %dma_start3A_73 = tpu.memref_slice %arg11[%add3A_24, %dma_start3A_72] : memref<10008x128xf32, #tpu.memory_space<vmem_shared>> -> memref<48x128xf32, #tpu.memory_space<vmem_shared>>
      %dma_start3A_74 = arith.constant 0 : i32
      %dma_start3A_75 = arith.constant 0 : i32
      %dma_start3A_76 = tpu.memref_slice %arg9[%dma_start3A_74, %dma_start3A_75] : memref<128x128xf32, #tpu.memory_space<vmem>> -> memref<48x128xf32, #tpu.memory_space<vmem>>
      tpu.enqueue_dma source(%dma_start3A_76 : memref<48x128xf32, #tpu.memory_space<vmem>>) target(%dma_start3A_73 : memref<48x128xf32, #tpu.memory_space<vmem_shared>>) target_semaphore(%run_scoped3A : memref<!tpu.dma_semaphore, #tpu.memory_space<semaphore_mem>>)
      %dma_wait3A = arith.constant 0 : i32
      %dma_wait3A_77 = arith.constant 0 : i32
      %dma_wait3A_78 = tpu.memref_slice %arg9[%dma_wait3A, %dma_wait3A_77] : memref<128x128xf32, #tpu.memory_space<vmem>> -> memref<48x128xf32, #tpu.memory_space<vmem>>
      %dma_wait3A_79 = arith.constant 0 : i32
      %dma_wait3A_80 = tpu.memref_slice %arg11[%add3A_24, %dma_wait3A_79] : memref<10008x128xf32, #tpu.memory_space<vmem_shared>> -> memref<48x128xf32, #tpu.memory_space<vmem_shared>>
      %dma_wait3A_81 = arith.constant 0 : i32
      %dma_wait3A_82 = tpu.memref_slice %arg11[%add3A_24, %dma_wait3A_81] : memref<10008x128xf32, #tpu.memory_space<vmem_shared>> -> memref<48x128xf32, #tpu.memory_space<vmem_shared>>
      %dma_wait3A_83 = arith.constant 0 : i32
      %dma_wait3A_84 = arith.constant 0 : i32
      %dma_wait3A_85 = tpu.memref_slice %arg9[%dma_wait3A_83, %dma_wait3A_84] : memref<128x128xf32, #tpu.memory_space<vmem>> -> memref<48x128xf32, #tpu.memory_space<vmem>>
      tpu.wait_dma2 semaphore(%run_scoped3A : memref<!tpu.dma_semaphore, #tpu.memory_space<semaphore_mem>>) src(%dma_wait3A_85 : memref<48x128xf32, #tpu.memory_space<vmem>>) dst(%dma_wait3A_82 : memref<48x128xf32, #tpu.memory_space<vmem_shared>>)
      tpu.yield
    }) : () -> ()
    %add3A_25 = arith.constant 528 : i32
    %add3A_26 = arith.addi %mul3A_2, %add3A_25 : i32
    "tpu.region"() ({
      %run_scoped3A = tpu.sem_alloc : memref<!tpu.dma_semaphore, #tpu.memory_space<semaphore_mem>>
      %dma_start3A = arith.constant 0 : i32
      %dma_start3A_68 = arith.constant 0 : i32
      %dma_start3A_69 = tpu.memref_slice %arg9[%dma_start3A, %dma_start3A_68] : memref<128x128xf32, #tpu.memory_space<vmem>> -> memref<48x128xf32, #tpu.memory_space<vmem>>
      %dma_start3A_70 = arith.constant 0 : i32
      %dma_start3A_71 = tpu.memref_slice %arg11[%add3A_26, %dma_start3A_70] : memref<10008x128xf32, #tpu.memory_space<vmem_shared>> -> memref<48x128xf32, #tpu.memory_space<vmem_shared>>
      %dma_start3A_72 = arith.constant 0 : i32
      %dma_start3A_73 = tpu.memref_slice %arg11[%add3A_26, %dma_start3A_72] : memref<10008x128xf32, #tpu.memory_space<vmem_shared>> -> memref<48x128xf32, #tpu.memory_space<vmem_shared>>
      %dma_start3A_74 = arith.constant 0 : i32
      %dma_start3A_75 = arith.constant 0 : i32
      %dma_start3A_76 = tpu.memref_slice %arg9[%dma_start3A_74, %dma_start3A_75] : memref<128x128xf32, #tpu.memory_space<vmem>> -> memref<48x128xf32, #tpu.memory_space<vmem>>
      tpu.enqueue_dma source(%dma_start3A_76 : memref<48x128xf32, #tpu.memory_space<vmem>>) target(%dma_start3A_73 : memref<48x128xf32, #tpu.memory_space<vmem_shared>>) target_semaphore(%run_scoped3A : memref<!tpu.dma_semaphore, #tpu.memory_space<semaphore_mem>>)
      %dma_wait3A = arith.constant 0 : i32
      %dma_wait3A_77 = arith.constant 0 : i32
      %dma_wait3A_78 = tpu.memref_slice %arg9[%dma_wait3A, %dma_wait3A_77] : memref<128x128xf32, #tpu.memory_space<vmem>> -> memref<48x128xf32, #tpu.memory_space<vmem>>
      %dma_wait3A_79 = arith.constant 0 : i32
      %dma_wait3A_80 = tpu.memref_slice %arg11[%add3A_26, %dma_wait3A_79] : memref<10008x128xf32, #tpu.memory_space<vmem_shared>> -> memref<48x128xf32, #tpu.memory_space<vmem_shared>>
      %dma_wait3A_81 = arith.constant 0 : i32
      %dma_wait3A_82 = tpu.memref_slice %arg11[%add3A_26, %dma_wait3A_81] : memref<10008x128xf32, #tpu.memory_space<vmem_shared>> -> memref<48x128xf32, #tpu.memory_space<vmem_shared>>
      %dma_wait3A_83 = arith.constant 0 : i32
      %dma_wait3A_84 = arith.constant 0 : i32
      %dma_wait3A_85 = tpu.memref_slice %arg9[%dma_wait3A_83, %dma_wait3A_84] : memref<128x128xf32, #tpu.memory_space<vmem>> -> memref<48x128xf32, #tpu.memory_space<vmem>>
      tpu.wait_dma2 semaphore(%run_scoped3A : memref<!tpu.dma_semaphore, #tpu.memory_space<semaphore_mem>>) src(%dma_wait3A_85 : memref<48x128xf32, #tpu.memory_space<vmem>>) dst(%dma_wait3A_82 : memref<48x128xf32, #tpu.memory_space<vmem_shared>>)
      tpu.yield
    }) : () -> ()
    %add3A_27 = arith.constant 576 : i32
    %add3A_28 = arith.addi %mul3A_2, %add3A_27 : i32
    "tpu.region"() ({
      %run_scoped3A = tpu.sem_alloc : memref<!tpu.dma_semaphore, #tpu.memory_space<semaphore_mem>>
      %dma_start3A = arith.constant 0 : i32
      %dma_start3A_68 = arith.constant 0 : i32
      %dma_start3A_69 = tpu.memref_slice %arg9[%dma_start3A, %dma_start3A_68] : memref<128x128xf32, #tpu.memory_space<vmem>> -> memref<48x128xf32, #tpu.memory_space<vmem>>
      %dma_start3A_70 = arith.constant 0 : i32
      %dma_start3A_71 = tpu.memref_slice %arg11[%add3A_28, %dma_start3A_70] : memref<10008x128xf32, #tpu.memory_space<vmem_shared>> -> memref<48x128xf32, #tpu.memory_space<vmem_shared>>
      %dma_start3A_72 = arith.constant 0 : i32
      %dma_start3A_73 = tpu.memref_slice %arg11[%add3A_28, %dma_start3A_72] : memref<10008x128xf32, #tpu.memory_space<vmem_shared>> -> memref<48x128xf32, #tpu.memory_space<vmem_shared>>
      %dma_start3A_74 = arith.constant 0 : i32
      %dma_start3A_75 = arith.constant 0 : i32
      %dma_start3A_76 = tpu.memref_slice %arg9[%dma_start3A_74, %dma_start3A_75] : memref<128x128xf32, #tpu.memory_space<vmem>> -> memref<48x128xf32, #tpu.memory_space<vmem>>
      tpu.enqueue_dma source(%dma_start3A_76 : memref<48x128xf32, #tpu.memory_space<vmem>>) target(%dma_start3A_73 : memref<48x128xf32, #tpu.memory_space<vmem_shared>>) target_semaphore(%run_scoped3A : memref<!tpu.dma_semaphore, #tpu.memory_space<semaphore_mem>>)
      %dma_wait3A = arith.constant 0 : i32
      %dma_wait3A_77 = arith.constant 0 : i32
      %dma_wait3A_78 = tpu.memref_slice %arg9[%dma_wait3A, %dma_wait3A_77] : memref<128x128xf32, #tpu.memory_space<vmem>> -> memref<48x128xf32, #tpu.memory_space<vmem>>
      %dma_wait3A_79 = arith.constant 0 : i32
      %dma_wait3A_80 = tpu.memref_slice %arg11[%add3A_28, %dma_wait3A_79] : memref<10008x128xf32, #tpu.memory_space<vmem_shared>> -> memref<48x128xf32, #tpu.memory_space<vmem_shared>>
      %dma_wait3A_81 = arith.constant 0 : i32
      %dma_wait3A_82 = tpu.memref_slice %arg11[%add3A_28, %dma_wait3A_81] : memref<10008x128xf32, #tpu.memory_space<vmem_shared>> -> memref<48x128xf32, #tpu.memory_space<vmem_shared>>
      %dma_wait3A_83 = arith.constant 0 : i32
      %dma_wait3A_84 = arith.constant 0 : i32
      %dma_wait3A_85 = tpu.memref_slice %arg9[%dma_wait3A_83, %dma_wait3A_84] : memref<128x128xf32, #tpu.memory_space<vmem>> -> memref<48x128xf32, #tpu.memory_space<vmem>>
      tpu.wait_dma2 semaphore(%run_scoped3A : memref<!tpu.dma_semaphore, #tpu.memory_space<semaphore_mem>>) src(%dma_wait3A_85 : memref<48x128xf32, #tpu.memory_space<vmem>>) dst(%dma_wait3A_82 : memref<48x128xf32, #tpu.memory_space<vmem_shared>>)
      tpu.yield
    }) : () -> ()
    %eq3A = arith.constant 15 : i32
    %eq3A_29 = arith.cmpi eq, %arg1, %eq3A : i32
    %convert_element_type3A = arith.extui %eq3A_29 : i1 to i32
    %cond3A = arith.constant 0 : i32
    %cond3A_30 = arith.cmpi ne, %convert_element_type3A, %cond3A : i32
    scf.if %cond3A_30 {
      "tpu.region"() ({
        %run_scoped3A = tpu.sem_alloc : memref<!tpu.dma_semaphore, #tpu.memory_space<semaphore_mem>>
        %dma_start3A = arith.constant 0 : i32
        %dma_start3A_68 = arith.constant 0 : i32
        %dma_start3A_69 = tpu.memref_slice %arg9[%dma_start3A, %dma_start3A_68] : memref<128x128xf32, #tpu.memory_space<vmem>> -> memref<24x128xf32, #tpu.memory_space<vmem>>
        %dma_start3A_70 = arith.constant 9984 : i32
        %dma_start3A_71 = arith.constant 0 : i32
        %dma_start3A_72 = tpu.memref_slice %arg11[%dma_start3A_70, %dma_start3A_71] : memref<10008x128xf32, #tpu.memory_space<vmem_shared>> -> memref<24x128xf32, #tpu.memory_space<vmem_shared>>
        %dma_start3A_73 = arith.constant 9984 : i32
        %dma_start3A_74 = arith.constant 0 : i32
        %dma_start3A_75 = tpu.memref_slice %arg11[%dma_start3A_73, %dma_start3A_74] : memref<10008x128xf32, #tpu.memory_space<vmem_shared>> -> memref<24x128xf32, #tpu.memory_space<vmem_shared>>
        %dma_start3A_76 = arith.constant 0 : i32
        %dma_start3A_77 = arith.constant 0 : i32
        %dma_start3A_78 = tpu.memref_slice %arg9[%dma_start3A_76, %dma_start3A_77] : memref<128x128xf32, #tpu.memory_space<vmem>> -> memref<24x128xf32, #tpu.memory_space<vmem>>
        tpu.enqueue_dma source(%dma_start3A_78 : memref<24x128xf32, #tpu.memory_space<vmem>>) target(%dma_start3A_75 : memref<24x128xf32, #tpu.memory_space<vmem_shared>>) target_semaphore(%run_scoped3A : memref<!tpu.dma_semaphore, #tpu.memory_space<semaphore_mem>>)
        %dma_wait3A = arith.constant 0 : i32
        %dma_wait3A_79 = arith.constant 0 : i32
        %dma_wait3A_80 = tpu.memref_slice %arg9[%dma_wait3A, %dma_wait3A_79] : memref<128x128xf32, #tpu.memory_space<vmem>> -> memref<24x128xf32, #tpu.memory_space<vmem>>
        %dma_wait3A_81 = arith.constant 9984 : i32
        %dma_wait3A_82 = arith.constant 0 : i32
        %dma_wait3A_83 = tpu.memref_slice %arg11[%dma_wait3A_81, %dma_wait3A_82] : memref<10008x128xf32, #tpu.memory_space<vmem_shared>> -> memref<24x128xf32, #tpu.memory_space<vmem_shared>>
        %dma_wait3A_84 = arith.constant 9984 : i32
        %dma_wait3A_85 = arith.constant 0 : i32
        %dma_wait3A_86 = tpu.memref_slice %arg11[%dma_wait3A_84, %dma_wait3A_85] : memref<10008x128xf32, #tpu.memory_space<vmem_shared>> -> memref<24x128xf32, #tpu.memory_space<vmem_shared>>
        %dma_wait3A_87 = arith.constant 0 : i32
        %dma_wait3A_88 = arith.constant 0 : i32
        %dma_wait3A_89 = tpu.memref_slice %arg9[%dma_wait3A_87, %dma_wait3A_88] : memref<128x128xf32, #tpu.memory_space<vmem>> -> memref<24x128xf32, #tpu.memory_space<vmem>>
        tpu.wait_dma2 semaphore(%run_scoped3A : memref<!tpu.dma_semaphore, #tpu.memory_space<semaphore_mem>>) src(%dma_wait3A_89 : memref<24x128xf32, #tpu.memory_space<vmem>>) dst(%dma_wait3A_86 : memref<24x128xf32, #tpu.memory_space<vmem_shared>>)
        tpu.yield
      }) : () -> ()
    } else {
    }
    %barrier3A = arith.constant 0 : index
    tpu.barrier barrier_id(%barrier3A)
    %scan3A = arith.constant 0 : i32
    %scan3A_31 = arith.constant 0 : i32
    %scan3A_32 = arith.constant 80 : i32
    %scan3A_33 = arith.addi %scan3A_31, %scan3A_32 : i32
    %scan3A_34 = arith.constant 1 : i32
    scf.for %scan3A_68 = %scan3A_31 to %scan3A_33 step %scan3A_34  : i32 {
      "tpu.region"() ({
        %run_scoped3A = tpu.sem_alloc : memref<!tpu.dma_semaphore, #tpu.memory_space<semaphore_mem>>
        %dma_start3A_73 = arith.constant 0 : i32
        %dma_start3A_74 = tpu.memref_slice %arg3[%add3A, %scan3A_68, %dma_start3A_73] : memref<32x80x128xi32, #tpu.memory_space<hbm>> -> memref<1x1x128xi32, #tpu.memory_space<hbm>>
        %dma_start3A_75 = tpu.memref_squeeze %dma_start3A_74 : memref<1x1x128xi32, #tpu.memory_space<hbm>> -> memref<128xi32, #tpu.memory_space<hbm>>
        %dma_start3A_76 = arith.constant 0 : i32
        %dma_start3A_77 = tpu.memref_slice %arg3[%add3A, %scan3A_68, %dma_start3A_76] : memref<32x80x128xi32, #tpu.memory_space<hbm>> -> memref<1x1x128xi32, #tpu.memory_space<hbm>>
        %dma_start3A_78 = tpu.memref_squeeze %dma_start3A_77 : memref<1x1x128xi32, #tpu.memory_space<hbm>> -> memref<128xi32, #tpu.memory_space<hbm>>
        tpu.enqueue_dma source(%dma_start3A_78 : memref<128xi32, #tpu.memory_space<hbm>>) target(%arg7 : memref<128xi32, #tpu.memory_space<vmem>>) target_semaphore(%run_scoped3A : memref<!tpu.dma_semaphore, #tpu.memory_space<semaphore_mem>>)
        %dma_wait3A_79 = arith.constant 0 : i32
        %dma_wait3A_80 = tpu.memref_slice %arg3[%add3A, %scan3A_68, %dma_wait3A_79] : memref<32x80x128xi32, #tpu.memory_space<hbm>> -> memref<1x1x128xi32, #tpu.memory_space<hbm>>
        %dma_wait3A_81 = tpu.memref_squeeze %dma_wait3A_80 : memref<1x1x128xi32, #tpu.memory_space<hbm>> -> memref<128xi32, #tpu.memory_space<hbm>>
        %dma_wait3A_82 = arith.constant 0 : i32
        %dma_wait3A_83 = tpu.memref_slice %arg3[%add3A, %scan3A_68, %dma_wait3A_82] : memref<32x80x128xi32, #tpu.memory_space<hbm>> -> memref<1x1x128xi32, #tpu.memory_space<hbm>>
        %dma_wait3A_84 = tpu.memref_squeeze %dma_wait3A_83 : memref<1x1x128xi32, #tpu.memory_space<hbm>> -> memref<128xi32, #tpu.memory_space<hbm>>
        tpu.wait_dma2 semaphore(%run_scoped3A : memref<!tpu.dma_semaphore, #tpu.memory_space<semaphore_mem>>) src(%dma_wait3A_84 : memref<128xi32, #tpu.memory_space<hbm>>) dst(%arg7 : memref<128xi32, #tpu.memory_space<vmem>>)
        tpu.yield
      }) : () -> ()
      "tpu.region"() ({
        %run_scoped3A = tpu.sem_alloc : memref<!tpu.dma_semaphore, #tpu.memory_space<semaphore_mem>>
        %dma_start3A_73 = arith.constant 0 : i32
        %dma_start3A_74 = tpu.memref_slice %arg4[%add3A, %scan3A_68, %dma_start3A_73] : memref<32x80x128xi32, #tpu.memory_space<hbm>> -> memref<1x1x128xi32, #tpu.memory_space<hbm>>
        %dma_start3A_75 = tpu.memref_squeeze %dma_start3A_74 : memref<1x1x128xi32, #tpu.memory_space<hbm>> -> memref<128xi32, #tpu.memory_space<hbm>>
        %dma_start3A_76 = arith.constant 0 : i32
        %dma_start3A_77 = tpu.memref_slice %arg4[%add3A, %scan3A_68, %dma_start3A_76] : memref<32x80x128xi32, #tpu.memory_space<hbm>> -> memref<1x1x128xi32, #tpu.memory_space<hbm>>
        %dma_start3A_78 = tpu.memref_squeeze %dma_start3A_77 : memref<1x1x128xi32, #tpu.memory_space<hbm>> -> memref<128xi32, #tpu.memory_space<hbm>>
        tpu.enqueue_dma source(%dma_start3A_78 : memref<128xi32, #tpu.memory_space<hbm>>) target(%arg8 : memref<128xi32, #tpu.memory_space<vmem>>) target_semaphore(%run_scoped3A : memref<!tpu.dma_semaphore, #tpu.memory_space<semaphore_mem>>)
        %dma_wait3A_79 = arith.constant 0 : i32
        %dma_wait3A_80 = tpu.memref_slice %arg4[%add3A, %scan3A_68, %dma_wait3A_79] : memref<32x80x128xi32, #tpu.memory_space<hbm>> -> memref<1x1x128xi32, #tpu.memory_space<hbm>>
        %dma_wait3A_81 = tpu.memref_squeeze %dma_wait3A_80 : memref<1x1x128xi32, #tpu.memory_space<hbm>> -> memref<128xi32, #tpu.memory_space<hbm>>
        %dma_wait3A_82 = arith.constant 0 : i32
        %dma_wait3A_83 = tpu.memref_slice %arg4[%add3A, %scan3A_68, %dma_wait3A_82] : memref<32x80x128xi32, #tpu.memory_space<hbm>> -> memref<1x1x128xi32, #tpu.memory_space<hbm>>
        %dma_wait3A_84 = tpu.memref_squeeze %dma_wait3A_83 : memref<1x1x128xi32, #tpu.memory_space<hbm>> -> memref<128xi32, #tpu.memory_space<hbm>>
        tpu.wait_dma2 semaphore(%run_scoped3A : memref<!tpu.dma_semaphore, #tpu.memory_space<semaphore_mem>>) src(%dma_wait3A_84 : memref<128xi32, #tpu.memory_space<hbm>>) dst(%arg8 : memref<128xi32, #tpu.memory_space<vmem>>)
        tpu.yield
      }) : () -> ()
      %dma_start3A = arith.constant 0 : i32
      %dma_start3A_69 = arith.constant 0 : i32
      %dma_start3A_70 = tpu.memref_slice %arg2[%dma_start3A, %dma_start3A_69] : memref<10000x128xf32, #tpu.memory_space<hbm>> -> memref<10000x128xf32, #tpu.memory_space<hbm>>
      tpu.enqueue_indirect_dma source(%dma_start3A_70 : memref<10000x128xf32, #tpu.memory_space<hbm>>) target(%arg9 : memref<128x128xf32, #tpu.memory_space<vmem>>) offsets(%arg7 : memref<128xi32, #tpu.memory_space<vmem>>) semaphore(%arg10 : memref<!tpu.dma_semaphore, #tpu.memory_space<semaphore_mem>>)
      %dma_wait3A = arith.constant 0 : i32
      %dma_wait3A_71 = arith.constant 0 : i32
      %dma_wait3A_72 = tpu.memref_slice %arg2[%dma_wait3A, %dma_wait3A_71] : memref<10000x128xf32, #tpu.memory_space<hbm>> -> memref<10000x128xf32, #tpu.memory_space<hbm>>
      tpu.wait_indirect_dma semaphore(%arg10 : memref<!tpu.dma_semaphore, #tpu.memory_space<semaphore_mem>>) src(%dma_wait3A_72 : memref<10000x128xf32, #tpu.memory_space<hbm>>) dst(%arg9 : memref<128x128xf32, #tpu.memory_space<vmem>>)
      "tpu.region"() ({
        %run_scoped3A = tpu.sem_alloc : memref<!tpu.dma_semaphore, #tpu.memory_space<semaphore_mem>>
        %dma_start3A_73 = arith.constant 0 : i32
        %dma_start3A_74 = arith.constant 0 : i32
        %dma_start3A_75 = tpu.memref_slice %arg11[%dma_start3A_73, %dma_start3A_74] : memref<10008x128xf32, #tpu.memory_space<vmem_shared>> -> memref<10008x128xf32, #tpu.memory_space<vmem_shared>>
        tpu.enqueue_indirect_dma source(%arg9 : memref<128x128xf32, #tpu.memory_space<vmem>>) target(%dma_start3A_75 : memref<10008x128xf32, #tpu.memory_space<vmem_shared>>) offsets(%arg8 : memref<128xi32, #tpu.memory_space<vmem>>) semaphore(%run_scoped3A : memref<!tpu.dma_semaphore, #tpu.memory_space<semaphore_mem>>) {add = true}
        %dma_wait3A_76 = arith.constant 0 : i32
        %dma_wait3A_77 = arith.constant 0 : i32
        %dma_wait3A_78 = tpu.memref_slice %arg11[%dma_wait3A_76, %dma_wait3A_77] : memref<10008x128xf32, #tpu.memory_space<vmem_shared>> -> memref<10008x128xf32, #tpu.memory_space<vmem_shared>>
        tpu.wait_indirect_dma semaphore(%run_scoped3A : memref<!tpu.dma_semaphore, #tpu.memory_space<semaphore_mem>>) src(%arg9 : memref<128x128xf32, #tpu.memory_space<vmem>>) dst(%dma_wait3A_78 : memref<10008x128xf32, #tpu.memory_space<vmem_shared>>)
        tpu.yield
      }) : () -> ()
    }
    %scan3A_35 = arith.constant 80 : i32
    %barrier3A_36 = arith.constant 0 : index
    tpu.barrier barrier_id(%barrier3A_36)
    %add3A_37 = arith.constant 0 : i32
    %add3A_38 = arith.addi %mul3A_2, %add3A_37 : i32
    "tpu.region"() ({
      %run_scoped3A = tpu.sem_alloc : memref<!tpu.dma_semaphore, #tpu.memory_space<semaphore_mem>>
      %dma_start3A = arith.constant 0 : i32
      %dma_start3A_68 = arith.constant 0 : i32
      %dma_start3A_69 = tpu.memref_slice %arg9[%dma_start3A, %dma_start3A_68] : memref<128x128xf32, #tpu.memory_space<vmem>> -> memref<48x128xf32, #tpu.memory_space<vmem>>
      %dma_start3A_70 = arith.constant 0 : i32
      %dma_start3A_71 = tpu.memref_slice %arg11[%add3A_38, %dma_start3A_70] : memref<10008x128xf32, #tpu.memory_space<vmem_shared>> -> memref<48x128xf32, #tpu.memory_space<vmem_shared>>
      %dma_start3A_72 = arith.constant 0 : i32
      %dma_start3A_73 = arith.constant 0 : i32
      %dma_start3A_74 = tpu.memref_slice %arg9[%dma_start3A_72, %dma_start3A_73] : memref<128x128xf32, #tpu.memory_space<vmem>> -> memref<48x128xf32, #tpu.memory_space<vmem>>
      %dma_start3A_75 = arith.constant 0 : i32
      %dma_start3A_76 = tpu.memref_slice %arg11[%add3A_38, %dma_start3A_75] : memref<10008x128xf32, #tpu.memory_space<vmem_shared>> -> memref<48x128xf32, #tpu.memory_space<vmem_shared>>
      tpu.enqueue_dma source(%dma_start3A_76 : memref<48x128xf32, #tpu.memory_space<vmem_shared>>) target(%dma_start3A_74 : memref<48x128xf32, #tpu.memory_space<vmem>>) target_semaphore(%run_scoped3A : memref<!tpu.dma_semaphore, #tpu.memory_space<semaphore_mem>>)
      %dma_wait3A = arith.constant 0 : i32
      %dma_wait3A_77 = arith.constant 0 : i32
      %dma_wait3A_78 = tpu.memref_slice %arg9[%dma_wait3A, %dma_wait3A_77] : memref<128x128xf32, #tpu.memory_space<vmem>> -> memref<48x128xf32, #tpu.memory_space<vmem>>
      %dma_wait3A_79 = arith.constant 0 : i32
      %dma_wait3A_80 = tpu.memref_slice %arg11[%add3A_38, %dma_wait3A_79] : memref<10008x128xf32, #tpu.memory_space<vmem_shared>> -> memref<48x128xf32, #tpu.memory_space<vmem_shared>>
      %dma_wait3A_81 = arith.constant 0 : i32
      %dma_wait3A_82 = arith.constant 0 : i32
      %dma_wait3A_83 = tpu.memref_slice %arg9[%dma_wait3A_81, %dma_wait3A_82] : memref<128x128xf32, #tpu.memory_space<vmem>> -> memref<48x128xf32, #tpu.memory_space<vmem>>
      %dma_wait3A_84 = arith.constant 0 : i32
      %dma_wait3A_85 = tpu.memref_slice %arg11[%add3A_38, %dma_wait3A_84] : memref<10008x128xf32, #tpu.memory_space<vmem_shared>> -> memref<48x128xf32, #tpu.memory_space<vmem_shared>>
      tpu.wait_dma2 semaphore(%run_scoped3A : memref<!tpu.dma_semaphore, #tpu.memory_space<semaphore_mem>>) src(%dma_wait3A_85 : memref<48x128xf32, #tpu.memory_space<vmem_shared>>) dst(%dma_wait3A_83 : memref<48x128xf32, #tpu.memory_space<vmem>>)
      tpu.yield
    }) : () -> ()
    "tpu.region"() ({
      %run_scoped3A = tpu.sem_alloc : memref<!tpu.dma_semaphore, #tpu.memory_space<semaphore_mem>>
      %dma_start3A = arith.constant 0 : i32
      %dma_start3A_68 = arith.constant 0 : i32
      %dma_start3A_69 = tpu.memref_slice %arg9[%dma_start3A, %dma_start3A_68] : memref<128x128xf32, #tpu.memory_space<vmem>> -> memref<48x128xf32, #tpu.memory_space<vmem>>
      %dma_start3A_70 = arith.constant 0 : i32
      %dma_start3A_71 = tpu.memref_slice %arg6[%arg0, %add3A_38, %dma_start3A_70] : memref<2x10008x128xf32, #tpu.memory_space<hbm>> -> memref<1x48x128xf32, #tpu.memory_space<hbm>>
      %dma_start3A_72 = tpu.memref_squeeze %dma_start3A_71 : memref<1x48x128xf32, #tpu.memory_space<hbm>> -> memref<48x128xf32, #tpu.memory_space<hbm>>
      %dma_start3A_73 = arith.constant 0 : i32
      %dma_start3A_74 = tpu.memref_slice %arg6[%arg0, %add3A_38, %dma_start3A_73] : memref<2x10008x128xf32, #tpu.memory_space<hbm>> -> memref<1x48x128xf32, #tpu.memory_space<hbm>>
      %dma_start3A_75 = tpu.memref_squeeze %dma_start3A_74 : memref<1x48x128xf32, #tpu.memory_space<hbm>> -> memref<48x128xf32, #tpu.memory_space<hbm>>
      %dma_start3A_76 = arith.constant 0 : i32
      %dma_start3A_77 = arith.constant 0 : i32
      %dma_start3A_78 = tpu.memref_slice %arg9[%dma_start3A_76, %dma_start3A_77] : memref<128x128xf32, #tpu.memory_space<vmem>> -> memref<48x128xf32, #tpu.memory_space<vmem>>
      tpu.enqueue_dma source(%dma_start3A_78 : memref<48x128xf32, #tpu.memory_space<vmem>>) target(%dma_start3A_75 : memref<48x128xf32, #tpu.memory_space<hbm>>) target_semaphore(%run_scoped3A : memref<!tpu.dma_semaphore, #tpu.memory_space<semaphore_mem>>)
      %dma_wait3A = arith.constant 0 : i32
      %dma_wait3A_79 = arith.constant 0 : i32
      %dma_wait3A_80 = tpu.memref_slice %arg9[%dma_wait3A, %dma_wait3A_79] : memref<128x128xf32, #tpu.memory_space<vmem>> -> memref<48x128xf32, #tpu.memory_space<vmem>>
      %dma_wait3A_81 = arith.constant 0 : i32
      %dma_wait3A_82 = tpu.memref_slice %arg6[%arg0, %add3A_38, %dma_wait3A_81] : memref<2x10008x128xf32, #tpu.memory_space<hbm>> -> memref<1x48x128xf32, #tpu.memory_space<hbm>>
      %dma_wait3A_83 = tpu.memref_squeeze %dma_wait3A_82 : memref<1x48x128xf32, #tpu.memory_space<hbm>> -> memref<48x128xf32, #tpu.memory_space<hbm>>
      %dma_wait3A_84 = arith.constant 0 : i32
      %dma_wait3A_85 = tpu.memref_slice %arg6[%arg0, %add3A_38, %dma_wait3A_84] : memref<2x10008x128xf32, #tpu.memory_space<hbm>> -> memref<1x48x128xf32, #tpu.memory_space<hbm>>
      %dma_wait3A_86 = tpu.memref_squeeze %dma_wait3A_85 : memref<1x48x128xf32, #tpu.memory_space<hbm>> -> memref<48x128xf32, #tpu.memory_space<hbm>>
      %dma_wait3A_87 = arith.constant 0 : i32
      %dma_wait3A_88 = arith.constant 0 : i32
      %dma_wait3A_89 = tpu.memref_slice %arg9[%dma_wait3A_87, %dma_wait3A_88] : memref<128x128xf32, #tpu.memory_space<vmem>> -> memref<48x128xf32, #tpu.memory_space<vmem>>
      tpu.wait_dma2 semaphore(%run_scoped3A : memref<!tpu.dma_semaphore, #tpu.memory_space<semaphore_mem>>) src(%dma_wait3A_89 : memref<48x128xf32, #tpu.memory_space<vmem>>) dst(%dma_wait3A_86 : memref<48x128xf32, #tpu.memory_space<hbm>>)
      tpu.yield
    }) : () -> ()
    %add3A_39 = arith.constant 48 : i32
    %add3A_40 = arith.addi %mul3A_2, %add3A_39 : i32
    "tpu.region"() ({
      %run_scoped3A = tpu.sem_alloc : memref<!tpu.dma_semaphore, #tpu.memory_space<semaphore_mem>>
      %dma_start3A = arith.constant 0 : i32
      %dma_start3A_68 = arith.constant 0 : i32
      %dma_start3A_69 = tpu.memref_slice %arg9[%dma_start3A, %dma_start3A_68] : memref<128x128xf32, #tpu.memory_space<vmem>> -> memref<48x128xf32, #tpu.memory_space<vmem>>
      %dma_start3A_70 = arith.constant 0 : i32
      %dma_start3A_71 = tpu.memref_slice %arg11[%add3A_40, %dma_start3A_70] : memref<10008x128xf32, #tpu.memory_space<vmem_shared>> -> memref<48x128xf32, #tpu.memory_space<vmem_shared>>
      %dma_start3A_72 = arith.constant 0 : i32
      %dma_start3A_73 = arith.constant 0 : i32
      %dma_start3A_74 = tpu.memref_slice %arg9[%dma_start3A_72, %dma_start3A_73] : memref<128x128xf32, #tpu.memory_space<vmem>> -> memref<48x128xf32, #tpu.memory_space<vmem>>
      %dma_start3A_75 = arith.constant 0 : i32
      %dma_start3A_76 = tpu.memref_slice %arg11[%add3A_40, %dma_start3A_75] : memref<10008x128xf32, #tpu.memory_space<vmem_shared>> -> memref<48x128xf32, #tpu.memory_space<vmem_shared>>
      tpu.enqueue_dma source(%dma_start3A_76 : memref<48x128xf32, #tpu.memory_space<vmem_shared>>) target(%dma_start3A_74 : memref<48x128xf32, #tpu.memory_space<vmem>>) target_semaphore(%run_scoped3A : memref<!tpu.dma_semaphore, #tpu.memory_space<semaphore_mem>>)
      %dma_wait3A = arith.constant 0 : i32
      %dma_wait3A_77 = arith.constant 0 : i32
      %dma_wait3A_78 = tpu.memref_slice %arg9[%dma_wait3A, %dma_wait3A_77] : memref<128x128xf32, #tpu.memory_space<vmem>> -> memref<48x128xf32, #tpu.memory_space<vmem>>
      %dma_wait3A_79 = arith.constant 0 : i32
      %dma_wait3A_80 = tpu.memref_slice %arg11[%add3A_40, %dma_wait3A_79] : memref<10008x128xf32, #tpu.memory_space<vmem_shared>> -> memref<48x128xf32, #tpu.memory_space<vmem_shared>>
      %dma_wait3A_81 = arith.constant 0 : i32
      %dma_wait3A_82 = arith.constant 0 : i32
      %dma_wait3A_83 = tpu.memref_slice %arg9[%dma_wait3A_81, %dma_wait3A_82] : memref<128x128xf32, #tpu.memory_space<vmem>> -> memref<48x128xf32, #tpu.memory_space<vmem>>
      %dma_wait3A_84 = arith.constant 0 : i32
      %dma_wait3A_85 = tpu.memref_slice %arg11[%add3A_40, %dma_wait3A_84] : memref<10008x128xf32, #tpu.memory_space<vmem_shared>> -> memref<48x128xf32, #tpu.memory_space<vmem_shared>>
      tpu.wait_dma2 semaphore(%run_scoped3A : memref<!tpu.dma_semaphore, #tpu.memory_space<semaphore_mem>>) src(%dma_wait3A_85 : memref<48x128xf32, #tpu.memory_space<vmem_shared>>) dst(%dma_wait3A_83 : memref<48x128xf32, #tpu.memory_space<vmem>>)
      tpu.yield
    }) : () -> ()
    "tpu.region"() ({
      %run_scoped3A = tpu.sem_alloc : memref<!tpu.dma_semaphore, #tpu.memory_space<semaphore_mem>>
      %dma_start3A = arith.constant 0 : i32
      %dma_start3A_68 = arith.constant 0 : i32
      %dma_start3A_69 = tpu.memref_slice %arg9[%dma_start3A, %dma_start3A_68] : memref<128x128xf32, #tpu.memory_space<vmem>> -> memref<48x128xf32, #tpu.memory_space<vmem>>
      %dma_start3A_70 = arith.constant 0 : i32
      %dma_start3A_71 = tpu.memref_slice %arg6[%arg0, %add3A_40, %dma_start3A_70] : memref<2x10008x128xf32, #tpu.memory_space<hbm>> -> memref<1x48x128xf32, #tpu.memory_space<hbm>>
      %dma_start3A_72 = tpu.memref_squeeze %dma_start3A_71 : memref<1x48x128xf32, #tpu.memory_space<hbm>> -> memref<48x128xf32, #tpu.memory_space<hbm>>
      %dma_start3A_73 = arith.constant 0 : i32
      %dma_start3A_74 = tpu.memref_slice %arg6[%arg0, %add3A_40, %dma_start3A_73] : memref<2x10008x128xf32, #tpu.memory_space<hbm>> -> memref<1x48x128xf32, #tpu.memory_space<hbm>>
      %dma_start3A_75 = tpu.memref_squeeze %dma_start3A_74 : memref<1x48x128xf32, #tpu.memory_space<hbm>> -> memref<48x128xf32, #tpu.memory_space<hbm>>
      %dma_start3A_76 = arith.constant 0 : i32
      %dma_start3A_77 = arith.constant 0 : i32
      %dma_start3A_78 = tpu.memref_slice %arg9[%dma_start3A_76, %dma_start3A_77] : memref<128x128xf32, #tpu.memory_space<vmem>> -> memref<48x128xf32, #tpu.memory_space<vmem>>
      tpu.enqueue_dma source(%dma_start3A_78 : memref<48x128xf32, #tpu.memory_space<vmem>>) target(%dma_start3A_75 : memref<48x128xf32, #tpu.memory_space<hbm>>) target_semaphore(%run_scoped3A : memref<!tpu.dma_semaphore, #tpu.memory_space<semaphore_mem>>)
      %dma_wait3A = arith.constant 0 : i32
      %dma_wait3A_79 = arith.constant 0 : i32
      %dma_wait3A_80 = tpu.memref_slice %arg9[%dma_wait3A, %dma_wait3A_79] : memref<128x128xf32, #tpu.memory_space<vmem>> -> memref<48x128xf32, #tpu.memory_space<vmem>>
      %dma_wait3A_81 = arith.constant 0 : i32
      %dma_wait3A_82 = tpu.memref_slice %arg6[%arg0, %add3A_40, %dma_wait3A_81] : memref<2x10008x128xf32, #tpu.memory_space<hbm>> -> memref<1x48x128xf32, #tpu.memory_space<hbm>>
      %dma_wait3A_83 = tpu.memref_squeeze %dma_wait3A_82 : memref<1x48x128xf32, #tpu.memory_space<hbm>> -> memref<48x128xf32, #tpu.memory_space<hbm>>
      %dma_wait3A_84 = arith.constant 0 : i32
      %dma_wait3A_85 = tpu.memref_slice %arg6[%arg0, %add3A_40, %dma_wait3A_84] : memref<2x10008x128xf32, #tpu.memory_space<hbm>> -> memref<1x48x128xf32, #tpu.memory_space<hbm>>
      %dma_wait3A_86 = tpu.memref_squeeze %dma_wait3A_85 : memref<1x48x128xf32, #tpu.memory_space<hbm>> -> memref<48x128xf32, #tpu.memory_space<hbm>>
      %dma_wait3A_87 = arith.constant 0 : i32
      %dma_wait3A_88 = arith.constant 0 : i32
      %dma_wait3A_89 = tpu.memref_slice %arg9[%dma_wait3A_87, %dma_wait3A_88] : memref<128x128xf32, #tpu.memory_space<vmem>> -> memref<48x128xf32, #tpu.memory_space<vmem>>
      tpu.wait_dma2 semaphore(%run_scoped3A : memref<!tpu.dma_semaphore, #tpu.memory_space<semaphore_mem>>) src(%dma_wait3A_89 : memref<48x128xf32, #tpu.memory_space<vmem>>) dst(%dma_wait3A_86 : memref<48x128xf32, #tpu.memory_space<hbm>>)
      tpu.yield
    }) : () -> ()
    %add3A_41 = arith.constant 96 : i32
    %add3A_42 = arith.addi %mul3A_2, %add3A_41 : i32
    "tpu.region"() ({
      %run_scoped3A = tpu.sem_alloc : memref<!tpu.dma_semaphore, #tpu.memory_space<semaphore_mem>>
      %dma_start3A = arith.constant 0 : i32
      %dma_start3A_68 = arith.constant 0 : i32
      %dma_start3A_69 = tpu.memref_slice %arg9[%dma_start3A, %dma_start3A_68] : memref<128x128xf32, #tpu.memory_space<vmem>> -> memref<48x128xf32, #tpu.memory_space<vmem>>
      %dma_start3A_70 = arith.constant 0 : i32
      %dma_start3A_71 = tpu.memref_slice %arg11[%add3A_42, %dma_start3A_70] : memref<10008x128xf32, #tpu.memory_space<vmem_shared>> -> memref<48x128xf32, #tpu.memory_space<vmem_shared>>
      %dma_start3A_72 = arith.constant 0 : i32
      %dma_start3A_73 = arith.constant 0 : i32
      %dma_start3A_74 = tpu.memref_slice %arg9[%dma_start3A_72, %dma_start3A_73] : memref<128x128xf32, #tpu.memory_space<vmem>> -> memref<48x128xf32, #tpu.memory_space<vmem>>
      %dma_start3A_75 = arith.constant 0 : i32
      %dma_start3A_76 = tpu.memref_slice %arg11[%add3A_42, %dma_start3A_75] : memref<10008x128xf32, #tpu.memory_space<vmem_shared>> -> memref<48x128xf32, #tpu.memory_space<vmem_shared>>
      tpu.enqueue_dma source(%dma_start3A_76 : memref<48x128xf32, #tpu.memory_space<vmem_shared>>) target(%dma_start3A_74 : memref<48x128xf32, #tpu.memory_space<vmem>>) target_semaphore(%run_scoped3A : memref<!tpu.dma_semaphore, #tpu.memory_space<semaphore_mem>>)
      %dma_wait3A = arith.constant 0 : i32
      %dma_wait3A_77 = arith.constant 0 : i32
      %dma_wait3A_78 = tpu.memref_slice %arg9[%dma_wait3A, %dma_wait3A_77] : memref<128x128xf32, #tpu.memory_space<vmem>> -> memref<48x128xf32, #tpu.memory_space<vmem>>
      %dma_wait3A_79 = arith.constant 0 : i32
      %dma_wait3A_80 = tpu.memref_slice %arg11[%add3A_42, %dma_wait3A_79] : memref<10008x128xf32, #tpu.memory_space<vmem_shared>> -> memref<48x128xf32, #tpu.memory_space<vmem_shared>>
      %dma_wait3A_81 = arith.constant 0 : i32
      %dma_wait3A_82 = arith.constant 0 : i32
      %dma_wait3A_83 = tpu.memref_slice %arg9[%dma_wait3A_81, %dma_wait3A_82] : memref<128x128xf32, #tpu.memory_space<vmem>> -> memref<48x128xf32, #tpu.memory_space<vmem>>
      %dma_wait3A_84 = arith.constant 0 : i32
      %dma_wait3A_85 = tpu.memref_slice %arg11[%add3A_42, %dma_wait3A_84] : memref<10008x128xf32, #tpu.memory_space<vmem_shared>> -> memref<48x128xf32, #tpu.memory_space<vmem_shared>>
      tpu.wait_dma2 semaphore(%run_scoped3A : memref<!tpu.dma_semaphore, #tpu.memory_space<semaphore_mem>>) src(%dma_wait3A_85 : memref<48x128xf32, #tpu.memory_space<vmem_shared>>) dst(%dma_wait3A_83 : memref<48x128xf32, #tpu.memory_space<vmem>>)
      tpu.yield
    }) : () -> ()
    "tpu.region"() ({
      %run_scoped3A = tpu.sem_alloc : memref<!tpu.dma_semaphore, #tpu.memory_space<semaphore_mem>>
      %dma_start3A = arith.constant 0 : i32
      %dma_start3A_68 = arith.constant 0 : i32
      %dma_start3A_69 = tpu.memref_slice %arg9[%dma_start3A, %dma_start3A_68] : memref<128x128xf32, #tpu.memory_space<vmem>> -> memref<48x128xf32, #tpu.memory_space<vmem>>
      %dma_start3A_70 = arith.constant 0 : i32
      %dma_start3A_71 = tpu.memref_slice %arg6[%arg0, %add3A_42, %dma_start3A_70] : memref<2x10008x128xf32, #tpu.memory_space<hbm>> -> memref<1x48x128xf32, #tpu.memory_space<hbm>>
      %dma_start3A_72 = tpu.memref_squeeze %dma_start3A_71 : memref<1x48x128xf32, #tpu.memory_space<hbm>> -> memref<48x128xf32, #tpu.memory_space<hbm>>
      %dma_start3A_73 = arith.constant 0 : i32
      %dma_start3A_74 = tpu.memref_slice %arg6[%arg0, %add3A_42, %dma_start3A_73] : memref<2x10008x128xf32, #tpu.memory_space<hbm>> -> memref<1x48x128xf32, #tpu.memory_space<hbm>>
      %dma_start3A_75 = tpu.memref_squeeze %dma_start3A_74 : memref<1x48x128xf32, #tpu.memory_space<hbm>> -> memref<48x128xf32, #tpu.memory_space<hbm>>
      %dma_start3A_76 = arith.constant 0 : i32
      %dma_start3A_77 = arith.constant 0 : i32
      %dma_start3A_78 = tpu.memref_slice %arg9[%dma_start3A_76, %dma_start3A_77] : memref<128x128xf32, #tpu.memory_space<vmem>> -> memref<48x128xf32, #tpu.memory_space<vmem>>
      tpu.enqueue_dma source(%dma_start3A_78 : memref<48x128xf32, #tpu.memory_space<vmem>>) target(%dma_start3A_75 : memref<48x128xf32, #tpu.memory_space<hbm>>) target_semaphore(%run_scoped3A : memref<!tpu.dma_semaphore, #tpu.memory_space<semaphore_mem>>)
      %dma_wait3A = arith.constant 0 : i32
      %dma_wait3A_79 = arith.constant 0 : i32
      %dma_wait3A_80 = tpu.memref_slice %arg9[%dma_wait3A, %dma_wait3A_79] : memref<128x128xf32, #tpu.memory_space<vmem>> -> memref<48x128xf32, #tpu.memory_space<vmem>>
      %dma_wait3A_81 = arith.constant 0 : i32
      %dma_wait3A_82 = tpu.memref_slice %arg6[%arg0, %add3A_42, %dma_wait3A_81] : memref<2x10008x128xf32, #tpu.memory_space<hbm>> -> memref<1x48x128xf32, #tpu.memory_space<hbm>>
      %dma_wait3A_83 = tpu.memref_squeeze %dma_wait3A_82 : memref<1x48x128xf32, #tpu.memory_space<hbm>> -> memref<48x128xf32, #tpu.memory_space<hbm>>
      %dma_wait3A_84 = arith.constant 0 : i32
      %dma_wait3A_85 = tpu.memref_slice %arg6[%arg0, %add3A_42, %dma_wait3A_84] : memref<2x10008x128xf32, #tpu.memory_space<hbm>> -> memref<1x48x128xf32, #tpu.memory_space<hbm>>
      %dma_wait3A_86 = tpu.memref_squeeze %dma_wait3A_85 : memref<1x48x128xf32, #tpu.memory_space<hbm>> -> memref<48x128xf32, #tpu.memory_space<hbm>>
      %dma_wait3A_87 = arith.constant 0 : i32
      %dma_wait3A_88 = arith.constant 0 : i32
      %dma_wait3A_89 = tpu.memref_slice %arg9[%dma_wait3A_87, %dma_wait3A_88] : memref<128x128xf32, #tpu.memory_space<vmem>> -> memref<48x128xf32, #tpu.memory_space<vmem>>
      tpu.wait_dma2 semaphore(%run_scoped3A : memref<!tpu.dma_semaphore, #tpu.memory_space<semaphore_mem>>) src(%dma_wait3A_89 : memref<48x128xf32, #tpu.memory_space<vmem>>) dst(%dma_wait3A_86 : memref<48x128xf32, #tpu.memory_space<hbm>>)
      tpu.yield
    }) : () -> ()
    %add3A_43 = arith.constant 144 : i32
    %add3A_44 = arith.addi %mul3A_2, %add3A_43 : i32
    "tpu.region"() ({
      %run_scoped3A = tpu.sem_alloc : memref<!tpu.dma_semaphore, #tpu.memory_space<semaphore_mem>>
      %dma_start3A = arith.constant 0 : i32
      %dma_start3A_68 = arith.constant 0 : i32
      %dma_start3A_69 = tpu.memref_slice %arg9[%dma_start3A, %dma_start3A_68] : memref<128x128xf32, #tpu.memory_space<vmem>> -> memref<48x128xf32, #tpu.memory_space<vmem>>
      %dma_start3A_70 = arith.constant 0 : i32
      %dma_start3A_71 = tpu.memref_slice %arg11[%add3A_44, %dma_start3A_70] : memref<10008x128xf32, #tpu.memory_space<vmem_shared>> -> memref<48x128xf32, #tpu.memory_space<vmem_shared>>
      %dma_start3A_72 = arith.constant 0 : i32
      %dma_start3A_73 = arith.constant 0 : i32
      %dma_start3A_74 = tpu.memref_slice %arg9[%dma_start3A_72, %dma_start3A_73] : memref<128x128xf32, #tpu.memory_space<vmem>> -> memref<48x128xf32, #tpu.memory_space<vmem>>
      %dma_start3A_75 = arith.constant 0 : i32
      %dma_start3A_76 = tpu.memref_slice %arg11[%add3A_44, %dma_start3A_75] : memref<10008x128xf32, #tpu.memory_space<vmem_shared>> -> memref<48x128xf32, #tpu.memory_space<vmem_shared>>
      tpu.enqueue_dma source(%dma_start3A_76 : memref<48x128xf32, #tpu.memory_space<vmem_shared>>) target(%dma_start3A_74 : memref<48x128xf32, #tpu.memory_space<vmem>>) target_semaphore(%run_scoped3A : memref<!tpu.dma_semaphore, #tpu.memory_space<semaphore_mem>>)
      %dma_wait3A = arith.constant 0 : i32
      %dma_wait3A_77 = arith.constant 0 : i32
      %dma_wait3A_78 = tpu.memref_slice %arg9[%dma_wait3A, %dma_wait3A_77] : memref<128x128xf32, #tpu.memory_space<vmem>> -> memref<48x128xf32, #tpu.memory_space<vmem>>
      %dma_wait3A_79 = arith.constant 0 : i32
      %dma_wait3A_80 = tpu.memref_slice %arg11[%add3A_44, %dma_wait3A_79] : memref<10008x128xf32, #tpu.memory_space<vmem_shared>> -> memref<48x128xf32, #tpu.memory_space<vmem_shared>>
      %dma_wait3A_81 = arith.constant 0 : i32
      %dma_wait3A_82 = arith.constant 0 : i32
      %dma_wait3A_83 = tpu.memref_slice %arg9[%dma_wait3A_81, %dma_wait3A_82] : memref<128x128xf32, #tpu.memory_space<vmem>> -> memref<48x128xf32, #tpu.memory_space<vmem>>
      %dma_wait3A_84 = arith.constant 0 : i32
      %dma_wait3A_85 = tpu.memref_slice %arg11[%add3A_44, %dma_wait3A_84] : memref<10008x128xf32, #tpu.memory_space<vmem_shared>> -> memref<48x128xf32, #tpu.memory_space<vmem_shared>>
      tpu.wait_dma2 semaphore(%run_scoped3A : memref<!tpu.dma_semaphore, #tpu.memory_space<semaphore_mem>>) src(%dma_wait3A_85 : memref<48x128xf32, #tpu.memory_space<vmem_shared>>) dst(%dma_wait3A_83 : memref<48x128xf32, #tpu.memory_space<vmem>>)
      tpu.yield
    }) : () -> ()
    "tpu.region"() ({
      %run_scoped3A = tpu.sem_alloc : memref<!tpu.dma_semaphore, #tpu.memory_space<semaphore_mem>>
      %dma_start3A = arith.constant 0 : i32
      %dma_start3A_68 = arith.constant 0 : i32
      %dma_start3A_69 = tpu.memref_slice %arg9[%dma_start3A, %dma_start3A_68] : memref<128x128xf32, #tpu.memory_space<vmem>> -> memref<48x128xf32, #tpu.memory_space<vmem>>
      %dma_start3A_70 = arith.constant 0 : i32
      %dma_start3A_71 = tpu.memref_slice %arg6[%arg0, %add3A_44, %dma_start3A_70] : memref<2x10008x128xf32, #tpu.memory_space<hbm>> -> memref<1x48x128xf32, #tpu.memory_space<hbm>>
      %dma_start3A_72 = tpu.memref_squeeze %dma_start3A_71 : memref<1x48x128xf32, #tpu.memory_space<hbm>> -> memref<48x128xf32, #tpu.memory_space<hbm>>
      %dma_start3A_73 = arith.constant 0 : i32
      %dma_start3A_74 = tpu.memref_slice %arg6[%arg0, %add3A_44, %dma_start3A_73] : memref<2x10008x128xf32, #tpu.memory_space<hbm>> -> memref<1x48x128xf32, #tpu.memory_space<hbm>>
      %dma_start3A_75 = tpu.memref_squeeze %dma_start3A_74 : memref<1x48x128xf32, #tpu.memory_space<hbm>> -> memref<48x128xf32, #tpu.memory_space<hbm>>
      %dma_start3A_76 = arith.constant 0 : i32
      %dma_start3A_77 = arith.constant 0 : i32
      %dma_start3A_78 = tpu.memref_slice %arg9[%dma_start3A_76, %dma_start3A_77] : memref<128x128xf32, #tpu.memory_space<vmem>> -> memref<48x128xf32, #tpu.memory_space<vmem>>
      tpu.enqueue_dma source(%dma_start3A_78 : memref<48x128xf32, #tpu.memory_space<vmem>>) target(%dma_start3A_75 : memref<48x128xf32, #tpu.memory_space<hbm>>) target_semaphore(%run_scoped3A : memref<!tpu.dma_semaphore, #tpu.memory_space<semaphore_mem>>)
      %dma_wait3A = arith.constant 0 : i32
      %dma_wait3A_79 = arith.constant 0 : i32
      %dma_wait3A_80 = tpu.memref_slice %arg9[%dma_wait3A, %dma_wait3A_79] : memref<128x128xf32, #tpu.memory_space<vmem>> -> memref<48x128xf32, #tpu.memory_space<vmem>>
      %dma_wait3A_81 = arith.constant 0 : i32
      %dma_wait3A_82 = tpu.memref_slice %arg6[%arg0, %add3A_44, %dma_wait3A_81] : memref<2x10008x128xf32, #tpu.memory_space<hbm>> -> memref<1x48x128xf32, #tpu.memory_space<hbm>>
      %dma_wait3A_83 = tpu.memref_squeeze %dma_wait3A_82 : memref<1x48x128xf32, #tpu.memory_space<hbm>> -> memref<48x128xf32, #tpu.memory_space<hbm>>
      %dma_wait3A_84 = arith.constant 0 : i32
      %dma_wait3A_85 = tpu.memref_slice %arg6[%arg0, %add3A_44, %dma_wait3A_84] : memref<2x10008x128xf32, #tpu.memory_space<hbm>> -> memref<1x48x128xf32, #tpu.memory_space<hbm>>
      %dma_wait3A_86 = tpu.memref_squeeze %dma_wait3A_85 : memref<1x48x128xf32, #tpu.memory_space<hbm>> -> memref<48x128xf32, #tpu.memory_space<hbm>>
      %dma_wait3A_87 = arith.constant 0 : i32
      %dma_wait3A_88 = arith.constant 0 : i32
      %dma_wait3A_89 = tpu.memref_slice %arg9[%dma_wait3A_87, %dma_wait3A_88] : memref<128x128xf32, #tpu.memory_space<vmem>> -> memref<48x128xf32, #tpu.memory_space<vmem>>
      tpu.wait_dma2 semaphore(%run_scoped3A : memref<!tpu.dma_semaphore, #tpu.memory_space<semaphore_mem>>) src(%dma_wait3A_89 : memref<48x128xf32, #tpu.memory_space<vmem>>) dst(%dma_wait3A_86 : memref<48x128xf32, #tpu.memory_space<hbm>>)
      tpu.yield
    }) : () -> ()
    %add3A_45 = arith.constant 192 : i32
    %add3A_46 = arith.addi %mul3A_2, %add3A_45 : i32
    "tpu.region"() ({
      %run_scoped3A = tpu.sem_alloc : memref<!tpu.dma_semaphore, #tpu.memory_space<semaphore_mem>>
      %dma_start3A = arith.constant 0 : i32
      %dma_start3A_68 = arith.constant 0 : i32
      %dma_start3A_69 = tpu.memref_slice %arg9[%dma_start3A, %dma_start3A_68] : memref<128x128xf32, #tpu.memory_space<vmem>> -> memref<48x128xf32, #tpu.memory_space<vmem>>
      %dma_start3A_70 = arith.constant 0 : i32
      %dma_start3A_71 = tpu.memref_slice %arg11[%add3A_46, %dma_start3A_70] : memref<10008x128xf32, #tpu.memory_space<vmem_shared>> -> memref<48x128xf32, #tpu.memory_space<vmem_shared>>
      %dma_start3A_72 = arith.constant 0 : i32
      %dma_start3A_73 = arith.constant 0 : i32
      %dma_start3A_74 = tpu.memref_slice %arg9[%dma_start3A_72, %dma_start3A_73] : memref<128x128xf32, #tpu.memory_space<vmem>> -> memref<48x128xf32, #tpu.memory_space<vmem>>
      %dma_start3A_75 = arith.constant 0 : i32
      %dma_start3A_76 = tpu.memref_slice %arg11[%add3A_46, %dma_start3A_75] : memref<10008x128xf32, #tpu.memory_space<vmem_shared>> -> memref<48x128xf32, #tpu.memory_space<vmem_shared>>
      tpu.enqueue_dma source(%dma_start3A_76 : memref<48x128xf32, #tpu.memory_space<vmem_shared>>) target(%dma_start3A_74 : memref<48x128xf32, #tpu.memory_space<vmem>>) target_semaphore(%run_scoped3A : memref<!tpu.dma_semaphore, #tpu.memory_space<semaphore_mem>>)
      %dma_wait3A = arith.constant 0 : i32
      %dma_wait3A_77 = arith.constant 0 : i32
      %dma_wait3A_78 = tpu.memref_slice %arg9[%dma_wait3A, %dma_wait3A_77] : memref<128x128xf32, #tpu.memory_space<vmem>> -> memref<48x128xf32, #tpu.memory_space<vmem>>
      %dma_wait3A_79 = arith.constant 0 : i32
      %dma_wait3A_80 = tpu.memref_slice %arg11[%add3A_46, %dma_wait3A_79] : memref<10008x128xf32, #tpu.memory_space<vmem_shared>> -> memref<48x128xf32, #tpu.memory_space<vmem_shared>>
      %dma_wait3A_81 = arith.constant 0 : i32
      %dma_wait3A_82 = arith.constant 0 : i32
      %dma_wait3A_83 = tpu.memref_slice %arg9[%dma_wait3A_81, %dma_wait3A_82] : memref<128x128xf32, #tpu.memory_space<vmem>> -> memref<48x128xf32, #tpu.memory_space<vmem>>
      %dma_wait3A_84 = arith.constant 0 : i32
      %dma_wait3A_85 = tpu.memref_slice %arg11[%add3A_46, %dma_wait3A_84] : memref<10008x128xf32, #tpu.memory_space<vmem_shared>> -> memref<48x128xf32, #tpu.memory_space<vmem_shared>>
      tpu.wait_dma2 semaphore(%run_scoped3A : memref<!tpu.dma_semaphore, #tpu.memory_space<semaphore_mem>>) src(%dma_wait3A_85 : memref<48x128xf32, #tpu.memory_space<vmem_shared>>) dst(%dma_wait3A_83 : memref<48x128xf32, #tpu.memory_space<vmem>>)
      tpu.yield
    }) : () -> ()
    "tpu.region"() ({
      %run_scoped3A = tpu.sem_alloc : memref<!tpu.dma_semaphore, #tpu.memory_space<semaphore_mem>>
      %dma_start3A = arith.constant 0 : i32
      %dma_start3A_68 = arith.constant 0 : i32
      %dma_start3A_69 = tpu.memref_slice %arg9[%dma_start3A, %dma_start3A_68] : memref<128x128xf32, #tpu.memory_space<vmem>> -> memref<48x128xf32, #tpu.memory_space<vmem>>
      %dma_start3A_70 = arith.constant 0 : i32
      %dma_start3A_71 = tpu.memref_slice %arg6[%arg0, %add3A_46, %dma_start3A_70] : memref<2x10008x128xf32, #tpu.memory_space<hbm>> -> memref<1x48x128xf32, #tpu.memory_space<hbm>>
      %dma_start3A_72 = tpu.memref_squeeze %dma_start3A_71 : memref<1x48x128xf32, #tpu.memory_space<hbm>> -> memref<48x128xf32, #tpu.memory_space<hbm>>
      %dma_start3A_73 = arith.constant 0 : i32
      %dma_start3A_74 = tpu.memref_slice %arg6[%arg0, %add3A_46, %dma_start3A_73] : memref<2x10008x128xf32, #tpu.memory_space<hbm>> -> memref<1x48x128xf32, #tpu.memory_space<hbm>>
      %dma_start3A_75 = tpu.memref_squeeze %dma_start3A_74 : memref<1x48x128xf32, #tpu.memory_space<hbm>> -> memref<48x128xf32, #tpu.memory_space<hbm>>
      %dma_start3A_76 = arith.constant 0 : i32
      %dma_start3A_77 = arith.constant 0 : i32
      %dma_start3A_78 = tpu.memref_slice %arg9[%dma_start3A_76, %dma_start3A_77] : memref<128x128xf32, #tpu.memory_space<vmem>> -> memref<48x128xf32, #tpu.memory_space<vmem>>
      tpu.enqueue_dma source(%dma_start3A_78 : memref<48x128xf32, #tpu.memory_space<vmem>>) target(%dma_start3A_75 : memref<48x128xf32, #tpu.memory_space<hbm>>) target_semaphore(%run_scoped3A : memref<!tpu.dma_semaphore, #tpu.memory_space<semaphore_mem>>)
      %dma_wait3A = arith.constant 0 : i32
      %dma_wait3A_79 = arith.constant 0 : i32
      %dma_wait3A_80 = tpu.memref_slice %arg9[%dma_wait3A, %dma_wait3A_79] : memref<128x128xf32, #tpu.memory_space<vmem>> -> memref<48x128xf32, #tpu.memory_space<vmem>>
      %dma_wait3A_81 = arith.constant 0 : i32
      %dma_wait3A_82 = tpu.memref_slice %arg6[%arg0, %add3A_46, %dma_wait3A_81] : memref<2x10008x128xf32, #tpu.memory_space<hbm>> -> memref<1x48x128xf32, #tpu.memory_space<hbm>>
      %dma_wait3A_83 = tpu.memref_squeeze %dma_wait3A_82 : memref<1x48x128xf32, #tpu.memory_space<hbm>> -> memref<48x128xf32, #tpu.memory_space<hbm>>
      %dma_wait3A_84 = arith.constant 0 : i32
      %dma_wait3A_85 = tpu.memref_slice %arg6[%arg0, %add3A_46, %dma_wait3A_84] : memref<2x10008x128xf32, #tpu.memory_space<hbm>> -> memref<1x48x128xf32, #tpu.memory_space<hbm>>
      %dma_wait3A_86 = tpu.memref_squeeze %dma_wait3A_85 : memref<1x48x128xf32, #tpu.memory_space<hbm>> -> memref<48x128xf32, #tpu.memory_space<hbm>>
      %dma_wait3A_87 = arith.constant 0 : i32
      %dma_wait3A_88 = arith.constant 0 : i32
      %dma_wait3A_89 = tpu.memref_slice %arg9[%dma_wait3A_87, %dma_wait3A_88] : memref<128x128xf32, #tpu.memory_space<vmem>> -> memref<48x128xf32, #tpu.memory_space<vmem>>
      tpu.wait_dma2 semaphore(%run_scoped3A : memref<!tpu.dma_semaphore, #tpu.memory_space<semaphore_mem>>) src(%dma_wait3A_89 : memref<48x128xf32, #tpu.memory_space<vmem>>) dst(%dma_wait3A_86 : memref<48x128xf32, #tpu.memory_space<hbm>>)
      tpu.yield
    }) : () -> ()
    %add3A_47 = arith.constant 240 : i32
    %add3A_48 = arith.addi %mul3A_2, %add3A_47 : i32
    "tpu.region"() ({
      %run_scoped3A = tpu.sem_alloc : memref<!tpu.dma_semaphore, #tpu.memory_space<semaphore_mem>>
      %dma_start3A = arith.constant 0 : i32
      %dma_start3A_68 = arith.constant 0 : i32
      %dma_start3A_69 = tpu.memref_slice %arg9[%dma_start3A, %dma_start3A_68] : memref<128x128xf32, #tpu.memory_space<vmem>> -> memref<48x128xf32, #tpu.memory_space<vmem>>
      %dma_start3A_70 = arith.constant 0 : i32
      %dma_start3A_71 = tpu.memref_slice %arg11[%add3A_48, %dma_start3A_70] : memref<10008x128xf32, #tpu.memory_space<vmem_shared>> -> memref<48x128xf32, #tpu.memory_space<vmem_shared>>
      %dma_start3A_72 = arith.constant 0 : i32
      %dma_start3A_73 = arith.constant 0 : i32
      %dma_start3A_74 = tpu.memref_slice %arg9[%dma_start3A_72, %dma_start3A_73] : memref<128x128xf32, #tpu.memory_space<vmem>> -> memref<48x128xf32, #tpu.memory_space<vmem>>
      %dma_start3A_75 = arith.constant 0 : i32
      %dma_start3A_76 = tpu.memref_slice %arg11[%add3A_48, %dma_start3A_75] : memref<10008x128xf32, #tpu.memory_space<vmem_shared>> -> memref<48x128xf32, #tpu.memory_space<vmem_shared>>
      tpu.enqueue_dma source(%dma_start3A_76 : memref<48x128xf32, #tpu.memory_space<vmem_shared>>) target(%dma_start3A_74 : memref<48x128xf32, #tpu.memory_space<vmem>>) target_semaphore(%run_scoped3A : memref<!tpu.dma_semaphore, #tpu.memory_space<semaphore_mem>>)
      %dma_wait3A = arith.constant 0 : i32
      %dma_wait3A_77 = arith.constant 0 : i32
      %dma_wait3A_78 = tpu.memref_slice %arg9[%dma_wait3A, %dma_wait3A_77] : memref<128x128xf32, #tpu.memory_space<vmem>> -> memref<48x128xf32, #tpu.memory_space<vmem>>
      %dma_wait3A_79 = arith.constant 0 : i32
      %dma_wait3A_80 = tpu.memref_slice %arg11[%add3A_48, %dma_wait3A_79] : memref<10008x128xf32, #tpu.memory_space<vmem_shared>> -> memref<48x128xf32, #tpu.memory_space<vmem_shared>>
      %dma_wait3A_81 = arith.constant 0 : i32
      %dma_wait3A_82 = arith.constant 0 : i32
      %dma_wait3A_83 = tpu.memref_slice %arg9[%dma_wait3A_81, %dma_wait3A_82] : memref<128x128xf32, #tpu.memory_space<vmem>> -> memref<48x128xf32, #tpu.memory_space<vmem>>
      %dma_wait3A_84 = arith.constant 0 : i32
      %dma_wait3A_85 = tpu.memref_slice %arg11[%add3A_48, %dma_wait3A_84] : memref<10008x128xf32, #tpu.memory_space<vmem_shared>> -> memref<48x128xf32, #tpu.memory_space<vmem_shared>>
      tpu.wait_dma2 semaphore(%run_scoped3A : memref<!tpu.dma_semaphore, #tpu.memory_space<semaphore_mem>>) src(%dma_wait3A_85 : memref<48x128xf32, #tpu.memory_space<vmem_shared>>) dst(%dma_wait3A_83 : memref<48x128xf32, #tpu.memory_space<vmem>>)
      tpu.yield
    }) : () -> ()
    "tpu.region"() ({
      %run_scoped3A = tpu.sem_alloc : memref<!tpu.dma_semaphore, #tpu.memory_space<semaphore_mem>>
      %dma_start3A = arith.constant 0 : i32
      %dma_start3A_68 = arith.constant 0 : i32
      %dma_start3A_69 = tpu.memref_slice %arg9[%dma_start3A, %dma_start3A_68] : memref<128x128xf32, #tpu.memory_space<vmem>> -> memref<48x128xf32, #tpu.memory_space<vmem>>
      %dma_start3A_70 = arith.constant 0 : i32
      %dma_start3A_71 = tpu.memref_slice %arg6[%arg0, %add3A_48, %dma_start3A_70] : memref<2x10008x128xf32, #tpu.memory_space<hbm>> -> memref<1x48x128xf32, #tpu.memory_space<hbm>>
      %dma_start3A_72 = tpu.memref_squeeze %dma_start3A_71 : memref<1x48x128xf32, #tpu.memory_space<hbm>> -> memref<48x128xf32, #tpu.memory_space<hbm>>
      %dma_start3A_73 = arith.constant 0 : i32
      %dma_start3A_74 = tpu.memref_slice %arg6[%arg0, %add3A_48, %dma_start3A_73] : memref<2x10008x128xf32, #tpu.memory_space<hbm>> -> memref<1x48x128xf32, #tpu.memory_space<hbm>>
      %dma_start3A_75 = tpu.memref_squeeze %dma_start3A_74 : memref<1x48x128xf32, #tpu.memory_space<hbm>> -> memref<48x128xf32, #tpu.memory_space<hbm>>
      %dma_start3A_76 = arith.constant 0 : i32
      %dma_start3A_77 = arith.constant 0 : i32
      %dma_start3A_78 = tpu.memref_slice %arg9[%dma_start3A_76, %dma_start3A_77] : memref<128x128xf32, #tpu.memory_space<vmem>> -> memref<48x128xf32, #tpu.memory_space<vmem>>
      tpu.enqueue_dma source(%dma_start3A_78 : memref<48x128xf32, #tpu.memory_space<vmem>>) target(%dma_start3A_75 : memref<48x128xf32, #tpu.memory_space<hbm>>) target_semaphore(%run_scoped3A : memref<!tpu.dma_semaphore, #tpu.memory_space<semaphore_mem>>)
      %dma_wait3A = arith.constant 0 : i32
      %dma_wait3A_79 = arith.constant 0 : i32
      %dma_wait3A_80 = tpu.memref_slice %arg9[%dma_wait3A, %dma_wait3A_79] : memref<128x128xf32, #tpu.memory_space<vmem>> -> memref<48x128xf32, #tpu.memory_space<vmem>>
      %dma_wait3A_81 = arith.constant 0 : i32
      %dma_wait3A_82 = tpu.memref_slice %arg6[%arg0, %add3A_48, %dma_wait3A_81] : memref<2x10008x128xf32, #tpu.memory_space<hbm>> -> memref<1x48x128xf32, #tpu.memory_space<hbm>>
      %dma_wait3A_83 = tpu.memref_squeeze %dma_wait3A_82 : memref<1x48x128xf32, #tpu.memory_space<hbm>> -> memref<48x128xf32, #tpu.memory_space<hbm>>
      %dma_wait3A_84 = arith.constant 0 : i32
      %dma_wait3A_85 = tpu.memref_slice %arg6[%arg0, %add3A_48, %dma_wait3A_84] : memref<2x10008x128xf32, #tpu.memory_space<hbm>> -> memref<1x48x128xf32, #tpu.memory_space<hbm>>
      %dma_wait3A_86 = tpu.memref_squeeze %dma_wait3A_85 : memref<1x48x128xf32, #tpu.memory_space<hbm>> -> memref<48x128xf32, #tpu.memory_space<hbm>>
      %dma_wait3A_87 = arith.constant 0 : i32
      %dma_wait3A_88 = arith.constant 0 : i32
      %dma_wait3A_89 = tpu.memref_slice %arg9[%dma_wait3A_87, %dma_wait3A_88] : memref<128x128xf32, #tpu.memory_space<vmem>> -> memref<48x128xf32, #tpu.memory_space<vmem>>
      tpu.wait_dma2 semaphore(%run_scoped3A : memref<!tpu.dma_semaphore, #tpu.memory_space<semaphore_mem>>) src(%dma_wait3A_89 : memref<48x128xf32, #tpu.memory_space<vmem>>) dst(%dma_wait3A_86 : memref<48x128xf32, #tpu.memory_space<hbm>>)
      tpu.yield
    }) : () -> ()
    %add3A_49 = arith.constant 288 : i32
    %add3A_50 = arith.addi %mul3A_2, %add3A_49 : i32
    "tpu.region"() ({
      %run_scoped3A = tpu.sem_alloc : memref<!tpu.dma_semaphore, #tpu.memory_space<semaphore_mem>>
      %dma_start3A = arith.constant 0 : i32
      %dma_start3A_68 = arith.constant 0 : i32
      %dma_start3A_69 = tpu.memref_slice %arg9[%dma_start3A, %dma_start3A_68] : memref<128x128xf32, #tpu.memory_space<vmem>> -> memref<48x128xf32, #tpu.memory_space<vmem>>
      %dma_start3A_70 = arith.constant 0 : i32
      %dma_start3A_71 = tpu.memref_slice %arg11[%add3A_50, %dma_start3A_70] : memref<10008x128xf32, #tpu.memory_space<vmem_shared>> -> memref<48x128xf32, #tpu.memory_space<vmem_shared>>
      %dma_start3A_72 = arith.constant 0 : i32
      %dma_start3A_73 = arith.constant 0 : i32
      %dma_start3A_74 = tpu.memref_slice %arg9[%dma_start3A_72, %dma_start3A_73] : memref<128x128xf32, #tpu.memory_space<vmem>> -> memref<48x128xf32, #tpu.memory_space<vmem>>
      %dma_start3A_75 = arith.constant 0 : i32
      %dma_start3A_76 = tpu.memref_slice %arg11[%add3A_50, %dma_start3A_75] : memref<10008x128xf32, #tpu.memory_space<vmem_shared>> -> memref<48x128xf32, #tpu.memory_space<vmem_shared>>
      tpu.enqueue_dma source(%dma_start3A_76 : memref<48x128xf32, #tpu.memory_space<vmem_shared>>) target(%dma_start3A_74 : memref<48x128xf32, #tpu.memory_space<vmem>>) target_semaphore(%run_scoped3A : memref<!tpu.dma_semaphore, #tpu.memory_space<semaphore_mem>>)
      %dma_wait3A = arith.constant 0 : i32
      %dma_wait3A_77 = arith.constant 0 : i32
      %dma_wait3A_78 = tpu.memref_slice %arg9[%dma_wait3A, %dma_wait3A_77] : memref<128x128xf32, #tpu.memory_space<vmem>> -> memref<48x128xf32, #tpu.memory_space<vmem>>
      %dma_wait3A_79 = arith.constant 0 : i32
      %dma_wait3A_80 = tpu.memref_slice %arg11[%add3A_50, %dma_wait3A_79] : memref<10008x128xf32, #tpu.memory_space<vmem_shared>> -> memref<48x128xf32, #tpu.memory_space<vmem_shared>>
      %dma_wait3A_81 = arith.constant 0 : i32
      %dma_wait3A_82 = arith.constant 0 : i32
      %dma_wait3A_83 = tpu.memref_slice %arg9[%dma_wait3A_81, %dma_wait3A_82] : memref<128x128xf32, #tpu.memory_space<vmem>> -> memref<48x128xf32, #tpu.memory_space<vmem>>
      %dma_wait3A_84 = arith.constant 0 : i32
      %dma_wait3A_85 = tpu.memref_slice %arg11[%add3A_50, %dma_wait3A_84] : memref<10008x128xf32, #tpu.memory_space<vmem_shared>> -> memref<48x128xf32, #tpu.memory_space<vmem_shared>>
      tpu.wait_dma2 semaphore(%run_scoped3A : memref<!tpu.dma_semaphore, #tpu.memory_space<semaphore_mem>>) src(%dma_wait3A_85 : memref<48x128xf32, #tpu.memory_space<vmem_shared>>) dst(%dma_wait3A_83 : memref<48x128xf32, #tpu.memory_space<vmem>>)
      tpu.yield
    }) : () -> ()
    "tpu.region"() ({
      %run_scoped3A = tpu.sem_alloc : memref<!tpu.dma_semaphore, #tpu.memory_space<semaphore_mem>>
      %dma_start3A = arith.constant 0 : i32
      %dma_start3A_68 = arith.constant 0 : i32
      %dma_start3A_69 = tpu.memref_slice %arg9[%dma_start3A, %dma_start3A_68] : memref<128x128xf32, #tpu.memory_space<vmem>> -> memref<48x128xf32, #tpu.memory_space<vmem>>
      %dma_start3A_70 = arith.constant 0 : i32
      %dma_start3A_71 = tpu.memref_slice %arg6[%arg0, %add3A_50, %dma_start3A_70] : memref<2x10008x128xf32, #tpu.memory_space<hbm>> -> memref<1x48x128xf32, #tpu.memory_space<hbm>>
      %dma_start3A_72 = tpu.memref_squeeze %dma_start3A_71 : memref<1x48x128xf32, #tpu.memory_space<hbm>> -> memref<48x128xf32, #tpu.memory_space<hbm>>
      %dma_start3A_73 = arith.constant 0 : i32
      %dma_start3A_74 = tpu.memref_slice %arg6[%arg0, %add3A_50, %dma_start3A_73] : memref<2x10008x128xf32, #tpu.memory_space<hbm>> -> memref<1x48x128xf32, #tpu.memory_space<hbm>>
      %dma_start3A_75 = tpu.memref_squeeze %dma_start3A_74 : memref<1x48x128xf32, #tpu.memory_space<hbm>> -> memref<48x128xf32, #tpu.memory_space<hbm>>
      %dma_start3A_76 = arith.constant 0 : i32
      %dma_start3A_77 = arith.constant 0 : i32
      %dma_start3A_78 = tpu.memref_slice %arg9[%dma_start3A_76, %dma_start3A_77] : memref<128x128xf32, #tpu.memory_space<vmem>> -> memref<48x128xf32, #tpu.memory_space<vmem>>
      tpu.enqueue_dma source(%dma_start3A_78 : memref<48x128xf32, #tpu.memory_space<vmem>>) target(%dma_start3A_75 : memref<48x128xf32, #tpu.memory_space<hbm>>) target_semaphore(%run_scoped3A : memref<!tpu.dma_semaphore, #tpu.memory_space<semaphore_mem>>)
      %dma_wait3A = arith.constant 0 : i32
      %dma_wait3A_79 = arith.constant 0 : i32
      %dma_wait3A_80 = tpu.memref_slice %arg9[%dma_wait3A, %dma_wait3A_79] : memref<128x128xf32, #tpu.memory_space<vmem>> -> memref<48x128xf32, #tpu.memory_space<vmem>>
      %dma_wait3A_81 = arith.constant 0 : i32
      %dma_wait3A_82 = tpu.memref_slice %arg6[%arg0, %add3A_50, %dma_wait3A_81] : memref<2x10008x128xf32, #tpu.memory_space<hbm>> -> memref<1x48x128xf32, #tpu.memory_space<hbm>>
      %dma_wait3A_83 = tpu.memref_squeeze %dma_wait3A_82 : memref<1x48x128xf32, #tpu.memory_space<hbm>> -> memref<48x128xf32, #tpu.memory_space<hbm>>
      %dma_wait3A_84 = arith.constant 0 : i32
      %dma_wait3A_85 = tpu.memref_slice %arg6[%arg0, %add3A_50, %dma_wait3A_84] : memref<2x10008x128xf32, #tpu.memory_space<hbm>> -> memref<1x48x128xf32, #tpu.memory_space<hbm>>
      %dma_wait3A_86 = tpu.memref_squeeze %dma_wait3A_85 : memref<1x48x128xf32, #tpu.memory_space<hbm>> -> memref<48x128xf32, #tpu.memory_space<hbm>>
      %dma_wait3A_87 = arith.constant 0 : i32
      %dma_wait3A_88 = arith.constant 0 : i32
      %dma_wait3A_89 = tpu.memref_slice %arg9[%dma_wait3A_87, %dma_wait3A_88] : memref<128x128xf32, #tpu.memory_space<vmem>> -> memref<48x128xf32, #tpu.memory_space<vmem>>
      tpu.wait_dma2 semaphore(%run_scoped3A : memref<!tpu.dma_semaphore, #tpu.memory_space<semaphore_mem>>) src(%dma_wait3A_89 : memref<48x128xf32, #tpu.memory_space<vmem>>) dst(%dma_wait3A_86 : memref<48x128xf32, #tpu.memory_space<hbm>>)
      tpu.yield
    }) : () -> ()
    %add3A_51 = arith.constant 336 : i32
    %add3A_52 = arith.addi %mul3A_2, %add3A_51 : i32
    "tpu.region"() ({
      %run_scoped3A = tpu.sem_alloc : memref<!tpu.dma_semaphore, #tpu.memory_space<semaphore_mem>>
      %dma_start3A = arith.constant 0 : i32
      %dma_start3A_68 = arith.constant 0 : i32
      %dma_start3A_69 = tpu.memref_slice %arg9[%dma_start3A, %dma_start3A_68] : memref<128x128xf32, #tpu.memory_space<vmem>> -> memref<48x128xf32, #tpu.memory_space<vmem>>
      %dma_start3A_70 = arith.constant 0 : i32
      %dma_start3A_71 = tpu.memref_slice %arg11[%add3A_52, %dma_start3A_70] : memref<10008x128xf32, #tpu.memory_space<vmem_shared>> -> memref<48x128xf32, #tpu.memory_space<vmem_shared>>
      %dma_start3A_72 = arith.constant 0 : i32
      %dma_start3A_73 = arith.constant 0 : i32
      %dma_start3A_74 = tpu.memref_slice %arg9[%dma_start3A_72, %dma_start3A_73] : memref<128x128xf32, #tpu.memory_space<vmem>> -> memref<48x128xf32, #tpu.memory_space<vmem>>
      %dma_start3A_75 = arith.constant 0 : i32
      %dma_start3A_76 = tpu.memref_slice %arg11[%add3A_52, %dma_start3A_75] : memref<10008x128xf32, #tpu.memory_space<vmem_shared>> -> memref<48x128xf32, #tpu.memory_space<vmem_shared>>
      tpu.enqueue_dma source(%dma_start3A_76 : memref<48x128xf32, #tpu.memory_space<vmem_shared>>) target(%dma_start3A_74 : memref<48x128xf32, #tpu.memory_space<vmem>>) target_semaphore(%run_scoped3A : memref<!tpu.dma_semaphore, #tpu.memory_space<semaphore_mem>>)
      %dma_wait3A = arith.constant 0 : i32
      %dma_wait3A_77 = arith.constant 0 : i32
      %dma_wait3A_78 = tpu.memref_slice %arg9[%dma_wait3A, %dma_wait3A_77] : memref<128x128xf32, #tpu.memory_space<vmem>> -> memref<48x128xf32, #tpu.memory_space<vmem>>
      %dma_wait3A_79 = arith.constant 0 : i32
      %dma_wait3A_80 = tpu.memref_slice %arg11[%add3A_52, %dma_wait3A_79] : memref<10008x128xf32, #tpu.memory_space<vmem_shared>> -> memref<48x128xf32, #tpu.memory_space<vmem_shared>>
      %dma_wait3A_81 = arith.constant 0 : i32
      %dma_wait3A_82 = arith.constant 0 : i32
      %dma_wait3A_83 = tpu.memref_slice %arg9[%dma_wait3A_81, %dma_wait3A_82] : memref<128x128xf32, #tpu.memory_space<vmem>> -> memref<48x128xf32, #tpu.memory_space<vmem>>
      %dma_wait3A_84 = arith.constant 0 : i32
      %dma_wait3A_85 = tpu.memref_slice %arg11[%add3A_52, %dma_wait3A_84] : memref<10008x128xf32, #tpu.memory_space<vmem_shared>> -> memref<48x128xf32, #tpu.memory_space<vmem_shared>>
      tpu.wait_dma2 semaphore(%run_scoped3A : memref<!tpu.dma_semaphore, #tpu.memory_space<semaphore_mem>>) src(%dma_wait3A_85 : memref<48x128xf32, #tpu.memory_space<vmem_shared>>) dst(%dma_wait3A_83 : memref<48x128xf32, #tpu.memory_space<vmem>>)
      tpu.yield
    }) : () -> ()
    "tpu.region"() ({
      %run_scoped3A = tpu.sem_alloc : memref<!tpu.dma_semaphore, #tpu.memory_space<semaphore_mem>>
      %dma_start3A = arith.constant 0 : i32
      %dma_start3A_68 = arith.constant 0 : i32
      %dma_start3A_69 = tpu.memref_slice %arg9[%dma_start3A, %dma_start3A_68] : memref<128x128xf32, #tpu.memory_space<vmem>> -> memref<48x128xf32, #tpu.memory_space<vmem>>
      %dma_start3A_70 = arith.constant 0 : i32
      %dma_start3A_71 = tpu.memref_slice %arg6[%arg0, %add3A_52, %dma_start3A_70] : memref<2x10008x128xf32, #tpu.memory_space<hbm>> -> memref<1x48x128xf32, #tpu.memory_space<hbm>>
      %dma_start3A_72 = tpu.memref_squeeze %dma_start3A_71 : memref<1x48x128xf32, #tpu.memory_space<hbm>> -> memref<48x128xf32, #tpu.memory_space<hbm>>
      %dma_start3A_73 = arith.constant 0 : i32
      %dma_start3A_74 = tpu.memref_slice %arg6[%arg0, %add3A_52, %dma_start3A_73] : memref<2x10008x128xf32, #tpu.memory_space<hbm>> -> memref<1x48x128xf32, #tpu.memory_space<hbm>>
      %dma_start3A_75 = tpu.memref_squeeze %dma_start3A_74 : memref<1x48x128xf32, #tpu.memory_space<hbm>> -> memref<48x128xf32, #tpu.memory_space<hbm>>
      %dma_start3A_76 = arith.constant 0 : i32
      %dma_start3A_77 = arith.constant 0 : i32
      %dma_start3A_78 = tpu.memref_slice %arg9[%dma_start3A_76, %dma_start3A_77] : memref<128x128xf32, #tpu.memory_space<vmem>> -> memref<48x128xf32, #tpu.memory_space<vmem>>
      tpu.enqueue_dma source(%dma_start3A_78 : memref<48x128xf32, #tpu.memory_space<vmem>>) target(%dma_start3A_75 : memref<48x128xf32, #tpu.memory_space<hbm>>) target_semaphore(%run_scoped3A : memref<!tpu.dma_semaphore, #tpu.memory_space<semaphore_mem>>)
      %dma_wait3A = arith.constant 0 : i32
      %dma_wait3A_79 = arith.constant 0 : i32
      %dma_wait3A_80 = tpu.memref_slice %arg9[%dma_wait3A, %dma_wait3A_79] : memref<128x128xf32, #tpu.memory_space<vmem>> -> memref<48x128xf32, #tpu.memory_space<vmem>>
      %dma_wait3A_81 = arith.constant 0 : i32
      %dma_wait3A_82 = tpu.memref_slice %arg6[%arg0, %add3A_52, %dma_wait3A_81] : memref<2x10008x128xf32, #tpu.memory_space<hbm>> -> memref<1x48x128xf32, #tpu.memory_space<hbm>>
      %dma_wait3A_83 = tpu.memref_squeeze %dma_wait3A_82 : memref<1x48x128xf32, #tpu.memory_space<hbm>> -> memref<48x128xf32, #tpu.memory_space<hbm>>
      %dma_wait3A_84 = arith.constant 0 : i32
      %dma_wait3A_85 = tpu.memref_slice %arg6[%arg0, %add3A_52, %dma_wait3A_84] : memref<2x10008x128xf32, #tpu.memory_space<hbm>> -> memref<1x48x128xf32, #tpu.memory_space<hbm>>
      %dma_wait3A_86 = tpu.memref_squeeze %dma_wait3A_85 : memref<1x48x128xf32, #tpu.memory_space<hbm>> -> memref<48x128xf32, #tpu.memory_space<hbm>>
      %dma_wait3A_87 = arith.constant 0 : i32
      %dma_wait3A_88 = arith.constant 0 : i32
      %dma_wait3A_89 = tpu.memref_slice %arg9[%dma_wait3A_87, %dma_wait3A_88] : memref<128x128xf32, #tpu.memory_space<vmem>> -> memref<48x128xf32, #tpu.memory_space<vmem>>
      tpu.wait_dma2 semaphore(%run_scoped3A : memref<!tpu.dma_semaphore, #tpu.memory_space<semaphore_mem>>) src(%dma_wait3A_89 : memref<48x128xf32, #tpu.memory_space<vmem>>) dst(%dma_wait3A_86 : memref<48x128xf32, #tpu.memory_space<hbm>>)
      tpu.yield
    }) : () -> ()
    %add3A_53 = arith.constant 384 : i32
    %add3A_54 = arith.addi %mul3A_2, %add3A_53 : i32
    "tpu.region"() ({
      %run_scoped3A = tpu.sem_alloc : memref<!tpu.dma_semaphore, #tpu.memory_space<semaphore_mem>>
      %dma_start3A = arith.constant 0 : i32
      %dma_start3A_68 = arith.constant 0 : i32
      %dma_start3A_69 = tpu.memref_slice %arg9[%dma_start3A, %dma_start3A_68] : memref<128x128xf32, #tpu.memory_space<vmem>> -> memref<48x128xf32, #tpu.memory_space<vmem>>
      %dma_start3A_70 = arith.constant 0 : i32
      %dma_start3A_71 = tpu.memref_slice %arg11[%add3A_54, %dma_start3A_70] : memref<10008x128xf32, #tpu.memory_space<vmem_shared>> -> memref<48x128xf32, #tpu.memory_space<vmem_shared>>
      %dma_start3A_72 = arith.constant 0 : i32
      %dma_start3A_73 = arith.constant 0 : i32
      %dma_start3A_74 = tpu.memref_slice %arg9[%dma_start3A_72, %dma_start3A_73] : memref<128x128xf32, #tpu.memory_space<vmem>> -> memref<48x128xf32, #tpu.memory_space<vmem>>
      %dma_start3A_75 = arith.constant 0 : i32
      %dma_start3A_76 = tpu.memref_slice %arg11[%add3A_54, %dma_start3A_75] : memref<10008x128xf32, #tpu.memory_space<vmem_shared>> -> memref<48x128xf32, #tpu.memory_space<vmem_shared>>
      tpu.enqueue_dma source(%dma_start3A_76 : memref<48x128xf32, #tpu.memory_space<vmem_shared>>) target(%dma_start3A_74 : memref<48x128xf32, #tpu.memory_space<vmem>>) target_semaphore(%run_scoped3A : memref<!tpu.dma_semaphore, #tpu.memory_space<semaphore_mem>>)
      %dma_wait3A = arith.constant 0 : i32
      %dma_wait3A_77 = arith.constant 0 : i32
      %dma_wait3A_78 = tpu.memref_slice %arg9[%dma_wait3A, %dma_wait3A_77] : memref<128x128xf32, #tpu.memory_space<vmem>> -> memref<48x128xf32, #tpu.memory_space<vmem>>
      %dma_wait3A_79 = arith.constant 0 : i32
      %dma_wait3A_80 = tpu.memref_slice %arg11[%add3A_54, %dma_wait3A_79] : memref<10008x128xf32, #tpu.memory_space<vmem_shared>> -> memref<48x128xf32, #tpu.memory_space<vmem_shared>>
      %dma_wait3A_81 = arith.constant 0 : i32
      %dma_wait3A_82 = arith.constant 0 : i32
      %dma_wait3A_83 = tpu.memref_slice %arg9[%dma_wait3A_81, %dma_wait3A_82] : memref<128x128xf32, #tpu.memory_space<vmem>> -> memref<48x128xf32, #tpu.memory_space<vmem>>
      %dma_wait3A_84 = arith.constant 0 : i32
      %dma_wait3A_85 = tpu.memref_slice %arg11[%add3A_54, %dma_wait3A_84] : memref<10008x128xf32, #tpu.memory_space<vmem_shared>> -> memref<48x128xf32, #tpu.memory_space<vmem_shared>>
      tpu.wait_dma2 semaphore(%run_scoped3A : memref<!tpu.dma_semaphore, #tpu.memory_space<semaphore_mem>>) src(%dma_wait3A_85 : memref<48x128xf32, #tpu.memory_space<vmem_shared>>) dst(%dma_wait3A_83 : memref<48x128xf32, #tpu.memory_space<vmem>>)
      tpu.yield
    }) : () -> ()
    "tpu.region"() ({
      %run_scoped3A = tpu.sem_alloc : memref<!tpu.dma_semaphore, #tpu.memory_space<semaphore_mem>>
      %dma_start3A = arith.constant 0 : i32
      %dma_start3A_68 = arith.constant 0 : i32
      %dma_start3A_69 = tpu.memref_slice %arg9[%dma_start3A, %dma_start3A_68] : memref<128x128xf32, #tpu.memory_space<vmem>> -> memref<48x128xf32, #tpu.memory_space<vmem>>
      %dma_start3A_70 = arith.constant 0 : i32
      %dma_start3A_71 = tpu.memref_slice %arg6[%arg0, %add3A_54, %dma_start3A_70] : memref<2x10008x128xf32, #tpu.memory_space<hbm>> -> memref<1x48x128xf32, #tpu.memory_space<hbm>>
      %dma_start3A_72 = tpu.memref_squeeze %dma_start3A_71 : memref<1x48x128xf32, #tpu.memory_space<hbm>> -> memref<48x128xf32, #tpu.memory_space<hbm>>
      %dma_start3A_73 = arith.constant 0 : i32
      %dma_start3A_74 = tpu.memref_slice %arg6[%arg0, %add3A_54, %dma_start3A_73] : memref<2x10008x128xf32, #tpu.memory_space<hbm>> -> memref<1x48x128xf32, #tpu.memory_space<hbm>>
      %dma_start3A_75 = tpu.memref_squeeze %dma_start3A_74 : memref<1x48x128xf32, #tpu.memory_space<hbm>> -> memref<48x128xf32, #tpu.memory_space<hbm>>
      %dma_start3A_76 = arith.constant 0 : i32
      %dma_start3A_77 = arith.constant 0 : i32
      %dma_start3A_78 = tpu.memref_slice %arg9[%dma_start3A_76, %dma_start3A_77] : memref<128x128xf32, #tpu.memory_space<vmem>> -> memref<48x128xf32, #tpu.memory_space<vmem>>
      tpu.enqueue_dma source(%dma_start3A_78 : memref<48x128xf32, #tpu.memory_space<vmem>>) target(%dma_start3A_75 : memref<48x128xf32, #tpu.memory_space<hbm>>) target_semaphore(%run_scoped3A : memref<!tpu.dma_semaphore, #tpu.memory_space<semaphore_mem>>)
      %dma_wait3A = arith.constant 0 : i32
      %dma_wait3A_79 = arith.constant 0 : i32
      %dma_wait3A_80 = tpu.memref_slice %arg9[%dma_wait3A, %dma_wait3A_79] : memref<128x128xf32, #tpu.memory_space<vmem>> -> memref<48x128xf32, #tpu.memory_space<vmem>>
      %dma_wait3A_81 = arith.constant 0 : i32
      %dma_wait3A_82 = tpu.memref_slice %arg6[%arg0, %add3A_54, %dma_wait3A_81] : memref<2x10008x128xf32, #tpu.memory_space<hbm>> -> memref<1x48x128xf32, #tpu.memory_space<hbm>>
      %dma_wait3A_83 = tpu.memref_squeeze %dma_wait3A_82 : memref<1x48x128xf32, #tpu.memory_space<hbm>> -> memref<48x128xf32, #tpu.memory_space<hbm>>
      %dma_wait3A_84 = arith.constant 0 : i32
      %dma_wait3A_85 = tpu.memref_slice %arg6[%arg0, %add3A_54, %dma_wait3A_84] : memref<2x10008x128xf32, #tpu.memory_space<hbm>> -> memref<1x48x128xf32, #tpu.memory_space<hbm>>
      %dma_wait3A_86 = tpu.memref_squeeze %dma_wait3A_85 : memref<1x48x128xf32, #tpu.memory_space<hbm>> -> memref<48x128xf32, #tpu.memory_space<hbm>>
      %dma_wait3A_87 = arith.constant 0 : i32
      %dma_wait3A_88 = arith.constant 0 : i32
      %dma_wait3A_89 = tpu.memref_slice %arg9[%dma_wait3A_87, %dma_wait3A_88] : memref<128x128xf32, #tpu.memory_space<vmem>> -> memref<48x128xf32, #tpu.memory_space<vmem>>
      tpu.wait_dma2 semaphore(%run_scoped3A : memref<!tpu.dma_semaphore, #tpu.memory_space<semaphore_mem>>) src(%dma_wait3A_89 : memref<48x128xf32, #tpu.memory_space<vmem>>) dst(%dma_wait3A_86 : memref<48x128xf32, #tpu.memory_space<hbm>>)
      tpu.yield
    }) : () -> ()
    %add3A_55 = arith.constant 432 : i32
    %add3A_56 = arith.addi %mul3A_2, %add3A_55 : i32
    "tpu.region"() ({
      %run_scoped3A = tpu.sem_alloc : memref<!tpu.dma_semaphore, #tpu.memory_space<semaphore_mem>>
      %dma_start3A = arith.constant 0 : i32
      %dma_start3A_68 = arith.constant 0 : i32
      %dma_start3A_69 = tpu.memref_slice %arg9[%dma_start3A, %dma_start3A_68] : memref<128x128xf32, #tpu.memory_space<vmem>> -> memref<48x128xf32, #tpu.memory_space<vmem>>
      %dma_start3A_70 = arith.constant 0 : i32
      %dma_start3A_71 = tpu.memref_slice %arg11[%add3A_56, %dma_start3A_70] : memref<10008x128xf32, #tpu.memory_space<vmem_shared>> -> memref<48x128xf32, #tpu.memory_space<vmem_shared>>
      %dma_start3A_72 = arith.constant 0 : i32
      %dma_start3A_73 = arith.constant 0 : i32
      %dma_start3A_74 = tpu.memref_slice %arg9[%dma_start3A_72, %dma_start3A_73] : memref<128x128xf32, #tpu.memory_space<vmem>> -> memref<48x128xf32, #tpu.memory_space<vmem>>
      %dma_start3A_75 = arith.constant 0 : i32
      %dma_start3A_76 = tpu.memref_slice %arg11[%add3A_56, %dma_start3A_75] : memref<10008x128xf32, #tpu.memory_space<vmem_shared>> -> memref<48x128xf32, #tpu.memory_space<vmem_shared>>
      tpu.enqueue_dma source(%dma_start3A_76 : memref<48x128xf32, #tpu.memory_space<vmem_shared>>) target(%dma_start3A_74 : memref<48x128xf32, #tpu.memory_space<vmem>>) target_semaphore(%run_scoped3A : memref<!tpu.dma_semaphore, #tpu.memory_space<semaphore_mem>>)
      %dma_wait3A = arith.constant 0 : i32
      %dma_wait3A_77 = arith.constant 0 : i32
      %dma_wait3A_78 = tpu.memref_slice %arg9[%dma_wait3A, %dma_wait3A_77] : memref<128x128xf32, #tpu.memory_space<vmem>> -> memref<48x128xf32, #tpu.memory_space<vmem>>
      %dma_wait3A_79 = arith.constant 0 : i32
      %dma_wait3A_80 = tpu.memref_slice %arg11[%add3A_56, %dma_wait3A_79] : memref<10008x128xf32, #tpu.memory_space<vmem_shared>> -> memref<48x128xf32, #tpu.memory_space<vmem_shared>>
      %dma_wait3A_81 = arith.constant 0 : i32
      %dma_wait3A_82 = arith.constant 0 : i32
      %dma_wait3A_83 = tpu.memref_slice %arg9[%dma_wait3A_81, %dma_wait3A_82] : memref<128x128xf32, #tpu.memory_space<vmem>> -> memref<48x128xf32, #tpu.memory_space<vmem>>
      %dma_wait3A_84 = arith.constant 0 : i32
      %dma_wait3A_85 = tpu.memref_slice %arg11[%add3A_56, %dma_wait3A_84] : memref<10008x128xf32, #tpu.memory_space<vmem_shared>> -> memref<48x128xf32, #tpu.memory_space<vmem_shared>>
      tpu.wait_dma2 semaphore(%run_scoped3A : memref<!tpu.dma_semaphore, #tpu.memory_space<semaphore_mem>>) src(%dma_wait3A_85 : memref<48x128xf32, #tpu.memory_space<vmem_shared>>) dst(%dma_wait3A_83 : memref<48x128xf32, #tpu.memory_space<vmem>>)
      tpu.yield
    }) : () -> ()
    "tpu.region"() ({
      %run_scoped3A = tpu.sem_alloc : memref<!tpu.dma_semaphore, #tpu.memory_space<semaphore_mem>>
      %dma_start3A = arith.constant 0 : i32
      %dma_start3A_68 = arith.constant 0 : i32
      %dma_start3A_69 = tpu.memref_slice %arg9[%dma_start3A, %dma_start3A_68] : memref<128x128xf32, #tpu.memory_space<vmem>> -> memref<48x128xf32, #tpu.memory_space<vmem>>
      %dma_start3A_70 = arith.constant 0 : i32
      %dma_start3A_71 = tpu.memref_slice %arg6[%arg0, %add3A_56, %dma_start3A_70] : memref<2x10008x128xf32, #tpu.memory_space<hbm>> -> memref<1x48x128xf32, #tpu.memory_space<hbm>>
      %dma_start3A_72 = tpu.memref_squeeze %dma_start3A_71 : memref<1x48x128xf32, #tpu.memory_space<hbm>> -> memref<48x128xf32, #tpu.memory_space<hbm>>
      %dma_start3A_73 = arith.constant 0 : i32
      %dma_start3A_74 = tpu.memref_slice %arg6[%arg0, %add3A_56, %dma_start3A_73] : memref<2x10008x128xf32, #tpu.memory_space<hbm>> -> memref<1x48x128xf32, #tpu.memory_space<hbm>>
      %dma_start3A_75 = tpu.memref_squeeze %dma_start3A_74 : memref<1x48x128xf32, #tpu.memory_space<hbm>> -> memref<48x128xf32, #tpu.memory_space<hbm>>
      %dma_start3A_76 = arith.constant 0 : i32
      %dma_start3A_77 = arith.constant 0 : i32
      %dma_start3A_78 = tpu.memref_slice %arg9[%dma_start3A_76, %dma_start3A_77] : memref<128x128xf32, #tpu.memory_space<vmem>> -> memref<48x128xf32, #tpu.memory_space<vmem>>
      tpu.enqueue_dma source(%dma_start3A_78 : memref<48x128xf32, #tpu.memory_space<vmem>>) target(%dma_start3A_75 : memref<48x128xf32, #tpu.memory_space<hbm>>) target_semaphore(%run_scoped3A : memref<!tpu.dma_semaphore, #tpu.memory_space<semaphore_mem>>)
      %dma_wait3A = arith.constant 0 : i32
      %dma_wait3A_79 = arith.constant 0 : i32
      %dma_wait3A_80 = tpu.memref_slice %arg9[%dma_wait3A, %dma_wait3A_79] : memref<128x128xf32, #tpu.memory_space<vmem>> -> memref<48x128xf32, #tpu.memory_space<vmem>>
      %dma_wait3A_81 = arith.constant 0 : i32
      %dma_wait3A_82 = tpu.memref_slice %arg6[%arg0, %add3A_56, %dma_wait3A_81] : memref<2x10008x128xf32, #tpu.memory_space<hbm>> -> memref<1x48x128xf32, #tpu.memory_space<hbm>>
      %dma_wait3A_83 = tpu.memref_squeeze %dma_wait3A_82 : memref<1x48x128xf32, #tpu.memory_space<hbm>> -> memref<48x128xf32, #tpu.memory_space<hbm>>
      %dma_wait3A_84 = arith.constant 0 : i32
      %dma_wait3A_85 = tpu.memref_slice %arg6[%arg0, %add3A_56, %dma_wait3A_84] : memref<2x10008x128xf32, #tpu.memory_space<hbm>> -> memref<1x48x128xf32, #tpu.memory_space<hbm>>
      %dma_wait3A_86 = tpu.memref_squeeze %dma_wait3A_85 : memref<1x48x128xf32, #tpu.memory_space<hbm>> -> memref<48x128xf32, #tpu.memory_space<hbm>>
      %dma_wait3A_87 = arith.constant 0 : i32
      %dma_wait3A_88 = arith.constant 0 : i32
      %dma_wait3A_89 = tpu.memref_slice %arg9[%dma_wait3A_87, %dma_wait3A_88] : memref<128x128xf32, #tpu.memory_space<vmem>> -> memref<48x128xf32, #tpu.memory_space<vmem>>
      tpu.wait_dma2 semaphore(%run_scoped3A : memref<!tpu.dma_semaphore, #tpu.memory_space<semaphore_mem>>) src(%dma_wait3A_89 : memref<48x128xf32, #tpu.memory_space<vmem>>) dst(%dma_wait3A_86 : memref<48x128xf32, #tpu.memory_space<hbm>>)
      tpu.yield
    }) : () -> ()
    %add3A_57 = arith.constant 480 : i32
    %add3A_58 = arith.addi %mul3A_2, %add3A_57 : i32
    "tpu.region"() ({
      %run_scoped3A = tpu.sem_alloc : memref<!tpu.dma_semaphore, #tpu.memory_space<semaphore_mem>>
      %dma_start3A = arith.constant 0 : i32
      %dma_start3A_68 = arith.constant 0 : i32
      %dma_start3A_69 = tpu.memref_slice %arg9[%dma_start3A, %dma_start3A_68] : memref<128x128xf32, #tpu.memory_space<vmem>> -> memref<48x128xf32, #tpu.memory_space<vmem>>
      %dma_start3A_70 = arith.constant 0 : i32
      %dma_start3A_71 = tpu.memref_slice %arg11[%add3A_58, %dma_start3A_70] : memref<10008x128xf32, #tpu.memory_space<vmem_shared>> -> memref<48x128xf32, #tpu.memory_space<vmem_shared>>
      %dma_start3A_72 = arith.constant 0 : i32
      %dma_start3A_73 = arith.constant 0 : i32
      %dma_start3A_74 = tpu.memref_slice %arg9[%dma_start3A_72, %dma_start3A_73] : memref<128x128xf32, #tpu.memory_space<vmem>> -> memref<48x128xf32, #tpu.memory_space<vmem>>
      %dma_start3A_75 = arith.constant 0 : i32
      %dma_start3A_76 = tpu.memref_slice %arg11[%add3A_58, %dma_start3A_75] : memref<10008x128xf32, #tpu.memory_space<vmem_shared>> -> memref<48x128xf32, #tpu.memory_space<vmem_shared>>
      tpu.enqueue_dma source(%dma_start3A_76 : memref<48x128xf32, #tpu.memory_space<vmem_shared>>) target(%dma_start3A_74 : memref<48x128xf32, #tpu.memory_space<vmem>>) target_semaphore(%run_scoped3A : memref<!tpu.dma_semaphore, #tpu.memory_space<semaphore_mem>>)
      %dma_wait3A = arith.constant 0 : i32
      %dma_wait3A_77 = arith.constant 0 : i32
      %dma_wait3A_78 = tpu.memref_slice %arg9[%dma_wait3A, %dma_wait3A_77] : memref<128x128xf32, #tpu.memory_space<vmem>> -> memref<48x128xf32, #tpu.memory_space<vmem>>
      %dma_wait3A_79 = arith.constant 0 : i32
      %dma_wait3A_80 = tpu.memref_slice %arg11[%add3A_58, %dma_wait3A_79] : memref<10008x128xf32, #tpu.memory_space<vmem_shared>> -> memref<48x128xf32, #tpu.memory_space<vmem_shared>>
      %dma_wait3A_81 = arith.constant 0 : i32
      %dma_wait3A_82 = arith.constant 0 : i32
      %dma_wait3A_83 = tpu.memref_slice %arg9[%dma_wait3A_81, %dma_wait3A_82] : memref<128x128xf32, #tpu.memory_space<vmem>> -> memref<48x128xf32, #tpu.memory_space<vmem>>
      %dma_wait3A_84 = arith.constant 0 : i32
      %dma_wait3A_85 = tpu.memref_slice %arg11[%add3A_58, %dma_wait3A_84] : memref<10008x128xf32, #tpu.memory_space<vmem_shared>> -> memref<48x128xf32, #tpu.memory_space<vmem_shared>>
      tpu.wait_dma2 semaphore(%run_scoped3A : memref<!tpu.dma_semaphore, #tpu.memory_space<semaphore_mem>>) src(%dma_wait3A_85 : memref<48x128xf32, #tpu.memory_space<vmem_shared>>) dst(%dma_wait3A_83 : memref<48x128xf32, #tpu.memory_space<vmem>>)
      tpu.yield
    }) : () -> ()
    "tpu.region"() ({
      %run_scoped3A = tpu.sem_alloc : memref<!tpu.dma_semaphore, #tpu.memory_space<semaphore_mem>>
      %dma_start3A = arith.constant 0 : i32
      %dma_start3A_68 = arith.constant 0 : i32
      %dma_start3A_69 = tpu.memref_slice %arg9[%dma_start3A, %dma_start3A_68] : memref<128x128xf32, #tpu.memory_space<vmem>> -> memref<48x128xf32, #tpu.memory_space<vmem>>
      %dma_start3A_70 = arith.constant 0 : i32
      %dma_start3A_71 = tpu.memref_slice %arg6[%arg0, %add3A_58, %dma_start3A_70] : memref<2x10008x128xf32, #tpu.memory_space<hbm>> -> memref<1x48x128xf32, #tpu.memory_space<hbm>>
      %dma_start3A_72 = tpu.memref_squeeze %dma_start3A_71 : memref<1x48x128xf32, #tpu.memory_space<hbm>> -> memref<48x128xf32, #tpu.memory_space<hbm>>
      %dma_start3A_73 = arith.constant 0 : i32
      %dma_start3A_74 = tpu.memref_slice %arg6[%arg0, %add3A_58, %dma_start3A_73] : memref<2x10008x128xf32, #tpu.memory_space<hbm>> -> memref<1x48x128xf32, #tpu.memory_space<hbm>>
      %dma_start3A_75 = tpu.memref_squeeze %dma_start3A_74 : memref<1x48x128xf32, #tpu.memory_space<hbm>> -> memref<48x128xf32, #tpu.memory_space<hbm>>
      %dma_start3A_76 = arith.constant 0 : i32
      %dma_start3A_77 = arith.constant 0 : i32
      %dma_start3A_78 = tpu.memref_slice %arg9[%dma_start3A_76, %dma_start3A_77] : memref<128x128xf32, #tpu.memory_space<vmem>> -> memref<48x128xf32, #tpu.memory_space<vmem>>
      tpu.enqueue_dma source(%dma_start3A_78 : memref<48x128xf32, #tpu.memory_space<vmem>>) target(%dma_start3A_75 : memref<48x128xf32, #tpu.memory_space<hbm>>) target_semaphore(%run_scoped3A : memref<!tpu.dma_semaphore, #tpu.memory_space<semaphore_mem>>)
      %dma_wait3A = arith.constant 0 : i32
      %dma_wait3A_79 = arith.constant 0 : i32
      %dma_wait3A_80 = tpu.memref_slice %arg9[%dma_wait3A, %dma_wait3A_79] : memref<128x128xf32, #tpu.memory_space<vmem>> -> memref<48x128xf32, #tpu.memory_space<vmem>>
      %dma_wait3A_81 = arith.constant 0 : i32
      %dma_wait3A_82 = tpu.memref_slice %arg6[%arg0, %add3A_58, %dma_wait3A_81] : memref<2x10008x128xf32, #tpu.memory_space<hbm>> -> memref<1x48x128xf32, #tpu.memory_space<hbm>>
      %dma_wait3A_83 = tpu.memref_squeeze %dma_wait3A_82 : memref<1x48x128xf32, #tpu.memory_space<hbm>> -> memref<48x128xf32, #tpu.memory_space<hbm>>
      %dma_wait3A_84 = arith.constant 0 : i32
      %dma_wait3A_85 = tpu.memref_slice %arg6[%arg0, %add3A_58, %dma_wait3A_84] : memref<2x10008x128xf32, #tpu.memory_space<hbm>> -> memref<1x48x128xf32, #tpu.memory_space<hbm>>
      %dma_wait3A_86 = tpu.memref_squeeze %dma_wait3A_85 : memref<1x48x128xf32, #tpu.memory_space<hbm>> -> memref<48x128xf32, #tpu.memory_space<hbm>>
      %dma_wait3A_87 = arith.constant 0 : i32
      %dma_wait3A_88 = arith.constant 0 : i32
      %dma_wait3A_89 = tpu.memref_slice %arg9[%dma_wait3A_87, %dma_wait3A_88] : memref<128x128xf32, #tpu.memory_space<vmem>> -> memref<48x128xf32, #tpu.memory_space<vmem>>
      tpu.wait_dma2 semaphore(%run_scoped3A : memref<!tpu.dma_semaphore, #tpu.memory_space<semaphore_mem>>) src(%dma_wait3A_89 : memref<48x128xf32, #tpu.memory_space<vmem>>) dst(%dma_wait3A_86 : memref<48x128xf32, #tpu.memory_space<hbm>>)
      tpu.yield
    }) : () -> ()
    %add3A_59 = arith.constant 528 : i32
    %add3A_60 = arith.addi %mul3A_2, %add3A_59 : i32
    "tpu.region"() ({
      %run_scoped3A = tpu.sem_alloc : memref<!tpu.dma_semaphore, #tpu.memory_space<semaphore_mem>>
      %dma_start3A = arith.constant 0 : i32
      %dma_start3A_68 = arith.constant 0 : i32
      %dma_start3A_69 = tpu.memref_slice %arg9[%dma_start3A, %dma_start3A_68] : memref<128x128xf32, #tpu.memory_space<vmem>> -> memref<48x128xf32, #tpu.memory_space<vmem>>
      %dma_start3A_70 = arith.constant 0 : i32
      %dma_start3A_71 = tpu.memref_slice %arg11[%add3A_60, %dma_start3A_70] : memref<10008x128xf32, #tpu.memory_space<vmem_shared>> -> memref<48x128xf32, #tpu.memory_space<vmem_shared>>
      %dma_start3A_72 = arith.constant 0 : i32
      %dma_start3A_73 = arith.constant 0 : i32
      %dma_start3A_74 = tpu.memref_slice %arg9[%dma_start3A_72, %dma_start3A_73] : memref<128x128xf32, #tpu.memory_space<vmem>> -> memref<48x128xf32, #tpu.memory_space<vmem>>
      %dma_start3A_75 = arith.constant 0 : i32
      %dma_start3A_76 = tpu.memref_slice %arg11[%add3A_60, %dma_start3A_75] : memref<10008x128xf32, #tpu.memory_space<vmem_shared>> -> memref<48x128xf32, #tpu.memory_space<vmem_shared>>
      tpu.enqueue_dma source(%dma_start3A_76 : memref<48x128xf32, #tpu.memory_space<vmem_shared>>) target(%dma_start3A_74 : memref<48x128xf32, #tpu.memory_space<vmem>>) target_semaphore(%run_scoped3A : memref<!tpu.dma_semaphore, #tpu.memory_space<semaphore_mem>>)
      %dma_wait3A = arith.constant 0 : i32
      %dma_wait3A_77 = arith.constant 0 : i32
      %dma_wait3A_78 = tpu.memref_slice %arg9[%dma_wait3A, %dma_wait3A_77] : memref<128x128xf32, #tpu.memory_space<vmem>> -> memref<48x128xf32, #tpu.memory_space<vmem>>
      %dma_wait3A_79 = arith.constant 0 : i32
      %dma_wait3A_80 = tpu.memref_slice %arg11[%add3A_60, %dma_wait3A_79] : memref<10008x128xf32, #tpu.memory_space<vmem_shared>> -> memref<48x128xf32, #tpu.memory_space<vmem_shared>>
      %dma_wait3A_81 = arith.constant 0 : i32
      %dma_wait3A_82 = arith.constant 0 : i32
      %dma_wait3A_83 = tpu.memref_slice %arg9[%dma_wait3A_81, %dma_wait3A_82] : memref<128x128xf32, #tpu.memory_space<vmem>> -> memref<48x128xf32, #tpu.memory_space<vmem>>
      %dma_wait3A_84 = arith.constant 0 : i32
      %dma_wait3A_85 = tpu.memref_slice %arg11[%add3A_60, %dma_wait3A_84] : memref<10008x128xf32, #tpu.memory_space<vmem_shared>> -> memref<48x128xf32, #tpu.memory_space<vmem_shared>>
      tpu.wait_dma2 semaphore(%run_scoped3A : memref<!tpu.dma_semaphore, #tpu.memory_space<semaphore_mem>>) src(%dma_wait3A_85 : memref<48x128xf32, #tpu.memory_space<vmem_shared>>) dst(%dma_wait3A_83 : memref<48x128xf32, #tpu.memory_space<vmem>>)
      tpu.yield
    }) : () -> ()
    "tpu.region"() ({
      %run_scoped3A = tpu.sem_alloc : memref<!tpu.dma_semaphore, #tpu.memory_space<semaphore_mem>>
      %dma_start3A = arith.constant 0 : i32
      %dma_start3A_68 = arith.constant 0 : i32
      %dma_start3A_69 = tpu.memref_slice %arg9[%dma_start3A, %dma_start3A_68] : memref<128x128xf32, #tpu.memory_space<vmem>> -> memref<48x128xf32, #tpu.memory_space<vmem>>
      %dma_start3A_70 = arith.constant 0 : i32
      %dma_start3A_71 = tpu.memref_slice %arg6[%arg0, %add3A_60, %dma_start3A_70] : memref<2x10008x128xf32, #tpu.memory_space<hbm>> -> memref<1x48x128xf32, #tpu.memory_space<hbm>>
      %dma_start3A_72 = tpu.memref_squeeze %dma_start3A_71 : memref<1x48x128xf32, #tpu.memory_space<hbm>> -> memref<48x128xf32, #tpu.memory_space<hbm>>
      %dma_start3A_73 = arith.constant 0 : i32
      %dma_start3A_74 = tpu.memref_slice %arg6[%arg0, %add3A_60, %dma_start3A_73] : memref<2x10008x128xf32, #tpu.memory_space<hbm>> -> memref<1x48x128xf32, #tpu.memory_space<hbm>>
      %dma_start3A_75 = tpu.memref_squeeze %dma_start3A_74 : memref<1x48x128xf32, #tpu.memory_space<hbm>> -> memref<48x128xf32, #tpu.memory_space<hbm>>
      %dma_start3A_76 = arith.constant 0 : i32
      %dma_start3A_77 = arith.constant 0 : i32
      %dma_start3A_78 = tpu.memref_slice %arg9[%dma_start3A_76, %dma_start3A_77] : memref<128x128xf32, #tpu.memory_space<vmem>> -> memref<48x128xf32, #tpu.memory_space<vmem>>
      tpu.enqueue_dma source(%dma_start3A_78 : memref<48x128xf32, #tpu.memory_space<vmem>>) target(%dma_start3A_75 : memref<48x128xf32, #tpu.memory_space<hbm>>) target_semaphore(%run_scoped3A : memref<!tpu.dma_semaphore, #tpu.memory_space<semaphore_mem>>)
      %dma_wait3A = arith.constant 0 : i32
      %dma_wait3A_79 = arith.constant 0 : i32
      %dma_wait3A_80 = tpu.memref_slice %arg9[%dma_wait3A, %dma_wait3A_79] : memref<128x128xf32, #tpu.memory_space<vmem>> -> memref<48x128xf32, #tpu.memory_space<vmem>>
      %dma_wait3A_81 = arith.constant 0 : i32
      %dma_wait3A_82 = tpu.memref_slice %arg6[%arg0, %add3A_60, %dma_wait3A_81] : memref<2x10008x128xf32, #tpu.memory_space<hbm>> -> memref<1x48x128xf32, #tpu.memory_space<hbm>>
      %dma_wait3A_83 = tpu.memref_squeeze %dma_wait3A_82 : memref<1x48x128xf32, #tpu.memory_space<hbm>> -> memref<48x128xf32, #tpu.memory_space<hbm>>
      %dma_wait3A_84 = arith.constant 0 : i32
      %dma_wait3A_85 = tpu.memref_slice %arg6[%arg0, %add3A_60, %dma_wait3A_84] : memref<2x10008x128xf32, #tpu.memory_space<hbm>> -> memref<1x48x128xf32, #tpu.memory_space<hbm>>
      %dma_wait3A_86 = tpu.memref_squeeze %dma_wait3A_85 : memref<1x48x128xf32, #tpu.memory_space<hbm>> -> memref<48x128xf32, #tpu.memory_space<hbm>>
      %dma_wait3A_87 = arith.constant 0 : i32
      %dma_wait3A_88 = arith.constant 0 : i32
      %dma_wait3A_89 = tpu.memref_slice %arg9[%dma_wait3A_87, %dma_wait3A_88] : memref<128x128xf32, #tpu.memory_space<vmem>> -> memref<48x128xf32, #tpu.memory_space<vmem>>
      tpu.wait_dma2 semaphore(%run_scoped3A : memref<!tpu.dma_semaphore, #tpu.memory_space<semaphore_mem>>) src(%dma_wait3A_89 : memref<48x128xf32, #tpu.memory_space<vmem>>) dst(%dma_wait3A_86 : memref<48x128xf32, #tpu.memory_space<hbm>>)
      tpu.yield
    }) : () -> ()
    %add3A_61 = arith.constant 576 : i32
    %add3A_62 = arith.addi %mul3A_2, %add3A_61 : i32
    "tpu.region"() ({
      %run_scoped3A = tpu.sem_alloc : memref<!tpu.dma_semaphore, #tpu.memory_space<semaphore_mem>>
      %dma_start3A = arith.constant 0 : i32
      %dma_start3A_68 = arith.constant 0 : i32
      %dma_start3A_69 = tpu.memref_slice %arg9[%dma_start3A, %dma_start3A_68] : memref<128x128xf32, #tpu.memory_space<vmem>> -> memref<48x128xf32, #tpu.memory_space<vmem>>
      %dma_start3A_70 = arith.constant 0 : i32
      %dma_start3A_71 = tpu.memref_slice %arg11[%add3A_62, %dma_start3A_70] : memref<10008x128xf32, #tpu.memory_space<vmem_shared>> -> memref<48x128xf32, #tpu.memory_space<vmem_shared>>
      %dma_start3A_72 = arith.constant 0 : i32
      %dma_start3A_73 = arith.constant 0 : i32
      %dma_start3A_74 = tpu.memref_slice %arg9[%dma_start3A_72, %dma_start3A_73] : memref<128x128xf32, #tpu.memory_space<vmem>> -> memref<48x128xf32, #tpu.memory_space<vmem>>
      %dma_start3A_75 = arith.constant 0 : i32
      %dma_start3A_76 = tpu.memref_slice %arg11[%add3A_62, %dma_start3A_75] : memref<10008x128xf32, #tpu.memory_space<vmem_shared>> -> memref<48x128xf32, #tpu.memory_space<vmem_shared>>
      tpu.enqueue_dma source(%dma_start3A_76 : memref<48x128xf32, #tpu.memory_space<vmem_shared>>) target(%dma_start3A_74 : memref<48x128xf32, #tpu.memory_space<vmem>>) target_semaphore(%run_scoped3A : memref<!tpu.dma_semaphore, #tpu.memory_space<semaphore_mem>>)
      %dma_wait3A = arith.constant 0 : i32
      %dma_wait3A_77 = arith.constant 0 : i32
      %dma_wait3A_78 = tpu.memref_slice %arg9[%dma_wait3A, %dma_wait3A_77] : memref<128x128xf32, #tpu.memory_space<vmem>> -> memref<48x128xf32, #tpu.memory_space<vmem>>
      %dma_wait3A_79 = arith.constant 0 : i32
      %dma_wait3A_80 = tpu.memref_slice %arg11[%add3A_62, %dma_wait3A_79] : memref<10008x128xf32, #tpu.memory_space<vmem_shared>> -> memref<48x128xf32, #tpu.memory_space<vmem_shared>>
      %dma_wait3A_81 = arith.constant 0 : i32
      %dma_wait3A_82 = arith.constant 0 : i32
      %dma_wait3A_83 = tpu.memref_slice %arg9[%dma_wait3A_81, %dma_wait3A_82] : memref<128x128xf32, #tpu.memory_space<vmem>> -> memref<48x128xf32, #tpu.memory_space<vmem>>
      %dma_wait3A_84 = arith.constant 0 : i32
      %dma_wait3A_85 = tpu.memref_slice %arg11[%add3A_62, %dma_wait3A_84] : memref<10008x128xf32, #tpu.memory_space<vmem_shared>> -> memref<48x128xf32, #tpu.memory_space<vmem_shared>>
      tpu.wait_dma2 semaphore(%run_scoped3A : memref<!tpu.dma_semaphore, #tpu.memory_space<semaphore_mem>>) src(%dma_wait3A_85 : memref<48x128xf32, #tpu.memory_space<vmem_shared>>) dst(%dma_wait3A_83 : memref<48x128xf32, #tpu.memory_space<vmem>>)
      tpu.yield
    }) : () -> ()
    "tpu.region"() ({
      %run_scoped3A = tpu.sem_alloc : memref<!tpu.dma_semaphore, #tpu.memory_space<semaphore_mem>>
      %dma_start3A = arith.constant 0 : i32
      %dma_start3A_68 = arith.constant 0 : i32
      %dma_start3A_69 = tpu.memref_slice %arg9[%dma_start3A, %dma_start3A_68] : memref<128x128xf32, #tpu.memory_space<vmem>> -> memref<48x128xf32, #tpu.memory_space<vmem>>
      %dma_start3A_70 = arith.constant 0 : i32
      %dma_start3A_71 = tpu.memref_slice %arg6[%arg0, %add3A_62, %dma_start3A_70] : memref<2x10008x128xf32, #tpu.memory_space<hbm>> -> memref<1x48x128xf32, #tpu.memory_space<hbm>>
      %dma_start3A_72 = tpu.memref_squeeze %dma_start3A_71 : memref<1x48x128xf32, #tpu.memory_space<hbm>> -> memref<48x128xf32, #tpu.memory_space<hbm>>
      %dma_start3A_73 = arith.constant 0 : i32
      %dma_start3A_74 = tpu.memref_slice %arg6[%arg0, %add3A_62, %dma_start3A_73] : memref<2x10008x128xf32, #tpu.memory_space<hbm>> -> memref<1x48x128xf32, #tpu.memory_space<hbm>>
      %dma_start3A_75 = tpu.memref_squeeze %dma_start3A_74 : memref<1x48x128xf32, #tpu.memory_space<hbm>> -> memref<48x128xf32, #tpu.memory_space<hbm>>
      %dma_start3A_76 = arith.constant 0 : i32
      %dma_start3A_77 = arith.constant 0 : i32
      %dma_start3A_78 = tpu.memref_slice %arg9[%dma_start3A_76, %dma_start3A_77] : memref<128x128xf32, #tpu.memory_space<vmem>> -> memref<48x128xf32, #tpu.memory_space<vmem>>
      tpu.enqueue_dma source(%dma_start3A_78 : memref<48x128xf32, #tpu.memory_space<vmem>>) target(%dma_start3A_75 : memref<48x128xf32, #tpu.memory_space<hbm>>) target_semaphore(%run_scoped3A : memref<!tpu.dma_semaphore, #tpu.memory_space<semaphore_mem>>)
      %dma_wait3A = arith.constant 0 : i32
      %dma_wait3A_79 = arith.constant 0 : i32
      %dma_wait3A_80 = tpu.memref_slice %arg9[%dma_wait3A, %dma_wait3A_79] : memref<128x128xf32, #tpu.memory_space<vmem>> -> memref<48x128xf32, #tpu.memory_space<vmem>>
      %dma_wait3A_81 = arith.constant 0 : i32
      %dma_wait3A_82 = tpu.memref_slice %arg6[%arg0, %add3A_62, %dma_wait3A_81] : memref<2x10008x128xf32, #tpu.memory_space<hbm>> -> memref<1x48x128xf32, #tpu.memory_space<hbm>>
      %dma_wait3A_83 = tpu.memref_squeeze %dma_wait3A_82 : memref<1x48x128xf32, #tpu.memory_space<hbm>> -> memref<48x128xf32, #tpu.memory_space<hbm>>
      %dma_wait3A_84 = arith.constant 0 : i32
      %dma_wait3A_85 = tpu.memref_slice %arg6[%arg0, %add3A_62, %dma_wait3A_84] : memref<2x10008x128xf32, #tpu.memory_space<hbm>> -> memref<1x48x128xf32, #tpu.memory_space<hbm>>
      %dma_wait3A_86 = tpu.memref_squeeze %dma_wait3A_85 : memref<1x48x128xf32, #tpu.memory_space<hbm>> -> memref<48x128xf32, #tpu.memory_space<hbm>>
      %dma_wait3A_87 = arith.constant 0 : i32
      %dma_wait3A_88 = arith.constant 0 : i32
      %dma_wait3A_89 = tpu.memref_slice %arg9[%dma_wait3A_87, %dma_wait3A_88] : memref<128x128xf32, #tpu.memory_space<vmem>> -> memref<48x128xf32, #tpu.memory_space<vmem>>
      tpu.wait_dma2 semaphore(%run_scoped3A : memref<!tpu.dma_semaphore, #tpu.memory_space<semaphore_mem>>) src(%dma_wait3A_89 : memref<48x128xf32, #tpu.memory_space<vmem>>) dst(%dma_wait3A_86 : memref<48x128xf32, #tpu.memory_space<hbm>>)
      tpu.yield
    }) : () -> ()
    %eq3A_63 = arith.constant 15 : i32
    %eq3A_64 = arith.cmpi eq, %arg1, %eq3A_63 : i32
    %convert_element_type3A_65 = arith.extui %eq3A_64 : i1 to i32
    %cond3A_66 = arith.constant 0 : i32
    %cond3A_67 = arith.cmpi ne, %convert_element_type3A_65, %cond3A_66 : i32
    scf.if %cond3A_67 {
      "tpu.region"() ({
        %run_scoped3A = tpu.sem_alloc : memref<!tpu.dma_semaphore, #tpu.memory_space<semaphore_mem>>
        %dma_start3A = arith.constant 0 : i32
        %dma_start3A_68 = arith.constant 0 : i32
        %dma_start3A_69 = tpu.memref_slice %arg9[%dma_start3A, %dma_start3A_68] : memref<128x128xf32, #tpu.memory_space<vmem>> -> memref<16x128xf32, #tpu.memory_space<vmem>>
        %dma_start3A_70 = arith.constant 9984 : i32
        %dma_start3A_71 = arith.constant 0 : i32
        %dma_start3A_72 = tpu.memref_slice %arg11[%dma_start3A_70, %dma_start3A_71] : memref<10008x128xf32, #tpu.memory_space<vmem_shared>> -> memref<16x128xf32, #tpu.memory_space<vmem_shared>>
        %dma_start3A_73 = arith.constant 0 : i32
        %dma_start3A_74 = arith.constant 0 : i32
        %dma_start3A_75 = tpu.memref_slice %arg9[%dma_start3A_73, %dma_start3A_74] : memref<128x128xf32, #tpu.memory_space<vmem>> -> memref<16x128xf32, #tpu.memory_space<vmem>>
        %dma_start3A_76 = arith.constant 9984 : i32
        %dma_start3A_77 = arith.constant 0 : i32
        %dma_start3A_78 = tpu.memref_slice %arg11[%dma_start3A_76, %dma_start3A_77] : memref<10008x128xf32, #tpu.memory_space<vmem_shared>> -> memref<16x128xf32, #tpu.memory_space<vmem_shared>>
        tpu.enqueue_dma source(%dma_start3A_78 : memref<16x128xf32, #tpu.memory_space<vmem_shared>>) target(%dma_start3A_75 : memref<16x128xf32, #tpu.memory_space<vmem>>) target_semaphore(%run_scoped3A : memref<!tpu.dma_semaphore, #tpu.memory_space<semaphore_mem>>)
        %dma_wait3A = arith.constant 0 : i32
        %dma_wait3A_79 = arith.constant 0 : i32
        %dma_wait3A_80 = tpu.memref_slice %arg9[%dma_wait3A, %dma_wait3A_79] : memref<128x128xf32, #tpu.memory_space<vmem>> -> memref<16x128xf32, #tpu.memory_space<vmem>>
        %dma_wait3A_81 = arith.constant 9984 : i32
        %dma_wait3A_82 = arith.constant 0 : i32
        %dma_wait3A_83 = tpu.memref_slice %arg11[%dma_wait3A_81, %dma_wait3A_82] : memref<10008x128xf32, #tpu.memory_space<vmem_shared>> -> memref<16x128xf32, #tpu.memory_space<vmem_shared>>
        %dma_wait3A_84 = arith.constant 0 : i32
        %dma_wait3A_85 = arith.constant 0 : i32
        %dma_wait3A_86 = tpu.memref_slice %arg9[%dma_wait3A_84, %dma_wait3A_85] : memref<128x128xf32, #tpu.memory_space<vmem>> -> memref<16x128xf32, #tpu.memory_space<vmem>>
        %dma_wait3A_87 = arith.constant 9984 : i32
        %dma_wait3A_88 = arith.constant 0 : i32
        %dma_wait3A_89 = tpu.memref_slice %arg11[%dma_wait3A_87, %dma_wait3A_88] : memref<10008x128xf32, #tpu.memory_space<vmem_shared>> -> memref<16x128xf32, #tpu.memory_space<vmem_shared>>
        tpu.wait_dma2 semaphore(%run_scoped3A : memref<!tpu.dma_semaphore, #tpu.memory_space<semaphore_mem>>) src(%dma_wait3A_89 : memref<16x128xf32, #tpu.memory_space<vmem_shared>>) dst(%dma_wait3A_86 : memref<16x128xf32, #tpu.memory_space<vmem>>)
        tpu.yield
      }) : () -> ()
      "tpu.region"() ({
        %run_scoped3A = tpu.sem_alloc : memref<!tpu.dma_semaphore, #tpu.memory_space<semaphore_mem>>
        %dma_start3A = arith.constant 0 : i32
        %dma_start3A_68 = arith.constant 0 : i32
        %dma_start3A_69 = tpu.memref_slice %arg9[%dma_start3A, %dma_start3A_68] : memref<128x128xf32, #tpu.memory_space<vmem>> -> memref<16x128xf32, #tpu.memory_space<vmem>>
        %dma_start3A_70 = arith.constant 9984 : i32
        %dma_start3A_71 = arith.constant 0 : i32
        %dma_start3A_72 = tpu.memref_slice %arg6[%arg0, %dma_start3A_70, %dma_start3A_71] : memref<2x10008x128xf32, #tpu.memory_space<hbm>> -> memref<1x16x128xf32, #tpu.memory_space<hbm>>
        %dma_start3A_73 = tpu.memref_squeeze %dma_start3A_72 : memref<1x16x128xf32, #tpu.memory_space<hbm>> -> memref<16x128xf32, #tpu.memory_space<hbm>>
        %dma_start3A_74 = arith.constant 9984 : i32
        %dma_start3A_75 = arith.constant 0 : i32
        %dma_start3A_76 = tpu.memref_slice %arg6[%arg0, %dma_start3A_74, %dma_start3A_75] : memref<2x10008x128xf32, #tpu.memory_space<hbm>> -> memref<1x16x128xf32, #tpu.memory_space<hbm>>
        %dma_start3A_77 = tpu.memref_squeeze %dma_start3A_76 : memref<1x16x128xf32, #tpu.memory_space<hbm>> -> memref<16x128xf32, #tpu.memory_space<hbm>>
        %dma_start3A_78 = arith.constant 0 : i32
        %dma_start3A_79 = arith.constant 0 : i32
        %dma_start3A_80 = tpu.memref_slice %arg9[%dma_start3A_78, %dma_start3A_79] : memref<128x128xf32, #tpu.memory_space<vmem>> -> memref<16x128xf32, #tpu.memory_space<vmem>>
        tpu.enqueue_dma source(%dma_start3A_80 : memref<16x128xf32, #tpu.memory_space<vmem>>) target(%dma_start3A_77 : memref<16x128xf32, #tpu.memory_space<hbm>>) target_semaphore(%run_scoped3A : memref<!tpu.dma_semaphore, #tpu.memory_space<semaphore_mem>>)
        %dma_wait3A = arith.constant 0 : i32
        %dma_wait3A_81 = arith.constant 0 : i32
        %dma_wait3A_82 = tpu.memref_slice %arg9[%dma_wait3A, %dma_wait3A_81] : memref<128x128xf32, #tpu.memory_space<vmem>> -> memref<16x128xf32, #tpu.memory_space<vmem>>
        %dma_wait3A_83 = arith.constant 9984 : i32
        %dma_wait3A_84 = arith.constant 0 : i32
        %dma_wait3A_85 = tpu.memref_slice %arg6[%arg0, %dma_wait3A_83, %dma_wait3A_84] : memref<2x10008x128xf32, #tpu.memory_space<hbm>> -> memref<1x16x128xf32, #tpu.memory_space<hbm>>
        %dma_wait3A_86 = tpu.memref_squeeze %dma_wait3A_85 : memref<1x16x128xf32, #tpu.memory_space<hbm>> -> memref<16x128xf32, #tpu.memory_space<hbm>>
        %dma_wait3A_87 = arith.constant 9984 : i32
        %dma_wait3A_88 = arith.constant 0 : i32
        %dma_wait3A_89 = tpu.memref_slice %arg6[%arg0, %dma_wait3A_87, %dma_wait3A_88] : memref<2x10008x128xf32, #tpu.memory_space<hbm>> -> memref<1x16x128xf32, #tpu.memory_space<hbm>>
        %dma_wait3A_90 = tpu.memref_squeeze %dma_wait3A_89 : memref<1x16x128xf32, #tpu.memory_space<hbm>> -> memref<16x128xf32, #tpu.memory_space<hbm>>
        %dma_wait3A_91 = arith.constant 0 : i32
        %dma_wait3A_92 = arith.constant 0 : i32
        %dma_wait3A_93 = tpu.memref_slice %arg9[%dma_wait3A_91, %dma_wait3A_92] : memref<128x128xf32, #tpu.memory_space<vmem>> -> memref<16x128xf32, #tpu.memory_space<vmem>>
        tpu.wait_dma2 semaphore(%run_scoped3A : memref<!tpu.dma_semaphore, #tpu.memory_space<semaphore_mem>>) src(%dma_wait3A_93 : memref<16x128xf32, #tpu.memory_space<vmem>>) dst(%dma_wait3A_90 : memref<16x128xf32, #tpu.memory_space<hbm>>)
        tpu.yield
      }) : () -> ()
    } else {
    }
    return
  }
}

#map = affine_map<(d0, d1) -> (0, 0)>
#map1 = affine_map<(d0, d1) -> (0, 0, 0)>
module attributes {stable_mosaic.version = 14 : i64} {
  func.func @_sc_body(%arg0: i32, %arg1: i32, %arg2: memref<10000x128xf32, #tpu.memory_space<hbm>>, %arg3: memref<32x80x128xi32, #tpu.memory_space<hbm>>, %arg4: memref<32x80x128xi32, #tpu.memory_space<hbm>>, %arg5: memref<128x128xf32, #tpu.memory_space<hbm>>, %arg6: memref<2x10008x128xf32, #tpu.memory_space<hbm>>, %arg7: memref<128xi32, #tpu.memory_space<vmem>>, %arg8: memref<128xi32, #tpu.memory_space<vmem>>, %arg9: memref<128x128xf32, #tpu.memory_space<vmem>>, %arg10: memref<!tpu.dma_semaphore, #tpu.memory_space<semaphore_mem>>, %arg11: memref<10008x128xf32, #tpu.memory_space<vmem_shared>>) attributes {dimension_semantics = [#tpu.dimension_semantics<core_parallel>, #tpu.dimension_semantics<subcore_parallel>], iteration_bounds = array<i64: 2, 16>, scalar_prefetch = 0 : i64, scratch_operands = 5 : i64, tpu.core_type = #tpu.core_type<sc_vector_subcore>, window_params = [{transform_indices = #map}, {transform_indices = #map1}, {transform_indices = #map1}, {transform_indices = #map}, {transform_indices = #map1}]} {
    %mul3A = arith.constant 2 : i32
    %mul3A_0 = arith.muli %arg1, %mul3A : i32
    %add3A = arith.addi %mul3A_0, %arg0 : i32
    %mul3A_1 = arith.constant 624 : i32
    %mul3A_2 = arith.muli %arg1, %mul3A_1 : i32
    "tpu.region"() ({
      %run_scoped3A = tpu.sem_alloc : memref<!tpu.dma_semaphore, #tpu.memory_space<semaphore_mem>>
      tpu.enqueue_dma source(%arg5 : memref<128x128xf32, #tpu.memory_space<hbm>>) target(%arg9 : memref<128x128xf32, #tpu.memory_space<vmem>>) target_semaphore(%run_scoped3A : memref<!tpu.dma_semaphore, #tpu.memory_space<semaphore_mem>>)
      tpu.wait_dma2 semaphore(%run_scoped3A : memref<!tpu.dma_semaphore, #tpu.memory_space<semaphore_mem>>) src(%arg5 : memref<128x128xf32, #tpu.memory_space<hbm>>) dst(%arg9 : memref<128x128xf32, #tpu.memory_space<vmem>>)
      tpu.yield
    }) : () -> ()
    %add3A_3 = arith.constant 0 : i32
    %add3A_4 = arith.addi %mul3A_2, %add3A_3 : i32
    "tpu.region"() ({
      %run_scoped3A = tpu.sem_alloc : memref<!tpu.dma_semaphore, #tpu.memory_space<semaphore_mem>>
      %dma_start3A = arith.constant 0 : i32
      %dma_start3A_68 = arith.constant 0 : i32
      %dma_start3A_69 = tpu.memref_slice %arg9[%dma_start3A, %dma_start3A_68] : memref<128x128xf32, #tpu.memory_space<vmem>> -> memref<48x128xf32, #tpu.memory_space<vmem>>
      %dma_start3A_70 = arith.constant 0 : i32
      %dma_start3A_71 = tpu.memref_slice %arg11[%add3A_4, %dma_start3A_70] : memref<10008x128xf32, #tpu.memory_space<vmem_shared>> -> memref<48x128xf32, #tpu.memory_space<vmem_shared>>
      %dma_start3A_72 = arith.constant 0 : i32
      %dma_start3A_73 = tpu.memref_slice %arg11[%add3A_4, %dma_start3A_72] : memref<10008x128xf32, #tpu.memory_space<vmem_shared>> -> memref<48x128xf32, #tpu.memory_space<vmem_shared>>
      %dma_start3A_74 = arith.constant 0 : i32
      %dma_start3A_75 = arith.constant 0 : i32
      %dma_start3A_76 = tpu.memref_slice %arg9[%dma_start3A_74, %dma_start3A_75] : memref<128x128xf32, #tpu.memory_space<vmem>> -> memref<48x128xf32, #tpu.memory_space<vmem>>
      tpu.enqueue_dma source(%dma_start3A_76 : memref<48x128xf32, #tpu.memory_space<vmem>>) target(%dma_start3A_73 : memref<48x128xf32, #tpu.memory_space<vmem_shared>>) target_semaphore(%run_scoped3A : memref<!tpu.dma_semaphore, #tpu.memory_space<semaphore_mem>>)
      %dma_wait3A = arith.constant 0 : i32
      %dma_wait3A_77 = arith.constant 0 : i32
      %dma_wait3A_78 = tpu.memref_slice %arg9[%dma_wait3A, %dma_wait3A_77] : memref<128x128xf32, #tpu.memory_space<vmem>> -> memref<48x128xf32, #tpu.memory_space<vmem>>
      %dma_wait3A_79 = arith.constant 0 : i32
      %dma_wait3A_80 = tpu.memref_slice %arg11[%add3A_4, %dma_wait3A_79] : memref<10008x128xf32, #tpu.memory_space<vmem_shared>> -> memref<48x128xf32, #tpu.memory_space<vmem_shared>>
      %dma_wait3A_81 = arith.constant 0 : i32
      %dma_wait3A_82 = tpu.memref_slice %arg11[%add3A_4, %dma_wait3A_81] : memref<10008x128xf32, #tpu.memory_space<vmem_shared>> -> memref<48x128xf32, #tpu.memory_space<vmem_shared>>
      %dma_wait3A_83 = arith.constant 0 : i32
      %dma_wait3A_84 = arith.constant 0 : i32
      %dma_wait3A_85 = tpu.memref_slice %arg9[%dma_wait3A_83, %dma_wait3A_84] : memref<128x128xf32, #tpu.memory_space<vmem>> -> memref<48x128xf32, #tpu.memory_space<vmem>>
      tpu.wait_dma2 semaphore(%run_scoped3A : memref<!tpu.dma_semaphore, #tpu.memory_space<semaphore_mem>>) src(%dma_wait3A_85 : memref<48x128xf32, #tpu.memory_space<vmem>>) dst(%dma_wait3A_82 : memref<48x128xf32, #tpu.memory_space<vmem_shared>>)
      tpu.yield
    }) : () -> ()
    %add3A_5 = arith.constant 48 : i32
    %add3A_6 = arith.addi %mul3A_2, %add3A_5 : i32
    "tpu.region"() ({
      %run_scoped3A = tpu.sem_alloc : memref<!tpu.dma_semaphore, #tpu.memory_space<semaphore_mem>>
      %dma_start3A = arith.constant 0 : i32
      %dma_start3A_68 = arith.constant 0 : i32
      %dma_start3A_69 = tpu.memref_slice %arg9[%dma_start3A, %dma_start3A_68] : memref<128x128xf32, #tpu.memory_space<vmem>> -> memref<48x128xf32, #tpu.memory_space<vmem>>
      %dma_start3A_70 = arith.constant 0 : i32
      %dma_start3A_71 = tpu.memref_slice %arg11[%add3A_6, %dma_start3A_70] : memref<10008x128xf32, #tpu.memory_space<vmem_shared>> -> memref<48x128xf32, #tpu.memory_space<vmem_shared>>
      %dma_start3A_72 = arith.constant 0 : i32
      %dma_start3A_73 = tpu.memref_slice %arg11[%add3A_6, %dma_start3A_72] : memref<10008x128xf32, #tpu.memory_space<vmem_shared>> -> memref<48x128xf32, #tpu.memory_space<vmem_shared>>
      %dma_start3A_74 = arith.constant 0 : i32
      %dma_start3A_75 = arith.constant 0 : i32
      %dma_start3A_76 = tpu.memref_slice %arg9[%dma_start3A_74, %dma_start3A_75] : memref<128x128xf32, #tpu.memory_space<vmem>> -> memref<48x128xf32, #tpu.memory_space<vmem>>
      tpu.enqueue_dma source(%dma_start3A_76 : memref<48x128xf32, #tpu.memory_space<vmem>>) target(%dma_start3A_73 : memref<48x128xf32, #tpu.memory_space<vmem_shared>>) target_semaphore(%run_scoped3A : memref<!tpu.dma_semaphore, #tpu.memory_space<semaphore_mem>>)
      %dma_wait3A = arith.constant 0 : i32
      %dma_wait3A_77 = arith.constant 0 : i32
      %dma_wait3A_78 = tpu.memref_slice %arg9[%dma_wait3A, %dma_wait3A_77] : memref<128x128xf32, #tpu.memory_space<vmem>> -> memref<48x128xf32, #tpu.memory_space<vmem>>
      %dma_wait3A_79 = arith.constant 0 : i32
      %dma_wait3A_80 = tpu.memref_slice %arg11[%add3A_6, %dma_wait3A_79] : memref<10008x128xf32, #tpu.memory_space<vmem_shared>> -> memref<48x128xf32, #tpu.memory_space<vmem_shared>>
      %dma_wait3A_81 = arith.constant 0 : i32
      %dma_wait3A_82 = tpu.memref_slice %arg11[%add3A_6, %dma_wait3A_81] : memref<10008x128xf32, #tpu.memory_space<vmem_shared>> -> memref<48x128xf32, #tpu.memory_space<vmem_shared>>
      %dma_wait3A_83 = arith.constant 0 : i32
      %dma_wait3A_84 = arith.constant 0 : i32
      %dma_wait3A_85 = tpu.memref_slice %arg9[%dma_wait3A_83, %dma_wait3A_84] : memref<128x128xf32, #tpu.memory_space<vmem>> -> memref<48x128xf32, #tpu.memory_space<vmem>>
      tpu.wait_dma2 semaphore(%run_scoped3A : memref<!tpu.dma_semaphore, #tpu.memory_space<semaphore_mem>>) src(%dma_wait3A_85 : memref<48x128xf32, #tpu.memory_space<vmem>>) dst(%dma_wait3A_82 : memref<48x128xf32, #tpu.memory_space<vmem_shared>>)
      tpu.yield
    }) : () -> ()
    %add3A_7 = arith.constant 96 : i32
    %add3A_8 = arith.addi %mul3A_2, %add3A_7 : i32
    "tpu.region"() ({
      %run_scoped3A = tpu.sem_alloc : memref<!tpu.dma_semaphore, #tpu.memory_space<semaphore_mem>>
      %dma_start3A = arith.constant 0 : i32
      %dma_start3A_68 = arith.constant 0 : i32
      %dma_start3A_69 = tpu.memref_slice %arg9[%dma_start3A, %dma_start3A_68] : memref<128x128xf32, #tpu.memory_space<vmem>> -> memref<48x128xf32, #tpu.memory_space<vmem>>
      %dma_start3A_70 = arith.constant 0 : i32
      %dma_start3A_71 = tpu.memref_slice %arg11[%add3A_8, %dma_start3A_70] : memref<10008x128xf32, #tpu.memory_space<vmem_shared>> -> memref<48x128xf32, #tpu.memory_space<vmem_shared>>
      %dma_start3A_72 = arith.constant 0 : i32
      %dma_start3A_73 = tpu.memref_slice %arg11[%add3A_8, %dma_start3A_72] : memref<10008x128xf32, #tpu.memory_space<vmem_shared>> -> memref<48x128xf32, #tpu.memory_space<vmem_shared>>
      %dma_start3A_74 = arith.constant 0 : i32
      %dma_start3A_75 = arith.constant 0 : i32
      %dma_start3A_76 = tpu.memref_slice %arg9[%dma_start3A_74, %dma_start3A_75] : memref<128x128xf32, #tpu.memory_space<vmem>> -> memref<48x128xf32, #tpu.memory_space<vmem>>
      tpu.enqueue_dma source(%dma_start3A_76 : memref<48x128xf32, #tpu.memory_space<vmem>>) target(%dma_start3A_73 : memref<48x128xf32, #tpu.memory_space<vmem_shared>>) target_semaphore(%run_scoped3A : memref<!tpu.dma_semaphore, #tpu.memory_space<semaphore_mem>>)
      %dma_wait3A = arith.constant 0 : i32
      %dma_wait3A_77 = arith.constant 0 : i32
      %dma_wait3A_78 = tpu.memref_slice %arg9[%dma_wait3A, %dma_wait3A_77] : memref<128x128xf32, #tpu.memory_space<vmem>> -> memref<48x128xf32, #tpu.memory_space<vmem>>
      %dma_wait3A_79 = arith.constant 0 : i32
      %dma_wait3A_80 = tpu.memref_slice %arg11[%add3A_8, %dma_wait3A_79] : memref<10008x128xf32, #tpu.memory_space<vmem_shared>> -> memref<48x128xf32, #tpu.memory_space<vmem_shared>>
      %dma_wait3A_81 = arith.constant 0 : i32
      %dma_wait3A_82 = tpu.memref_slice %arg11[%add3A_8, %dma_wait3A_81] : memref<10008x128xf32, #tpu.memory_space<vmem_shared>> -> memref<48x128xf32, #tpu.memory_space<vmem_shared>>
      %dma_wait3A_83 = arith.constant 0 : i32
      %dma_wait3A_84 = arith.constant 0 : i32
      %dma_wait3A_85 = tpu.memref_slice %arg9[%dma_wait3A_83, %dma_wait3A_84] : memref<128x128xf32, #tpu.memory_space<vmem>> -> memref<48x128xf32, #tpu.memory_space<vmem>>
      tpu.wait_dma2 semaphore(%run_scoped3A : memref<!tpu.dma_semaphore, #tpu.memory_space<semaphore_mem>>) src(%dma_wait3A_85 : memref<48x128xf32, #tpu.memory_space<vmem>>) dst(%dma_wait3A_82 : memref<48x128xf32, #tpu.memory_space<vmem_shared>>)
      tpu.yield
    }) : () -> ()
    %add3A_9 = arith.constant 144 : i32
    %add3A_10 = arith.addi %mul3A_2, %add3A_9 : i32
    "tpu.region"() ({
      %run_scoped3A = tpu.sem_alloc : memref<!tpu.dma_semaphore, #tpu.memory_space<semaphore_mem>>
      %dma_start3A = arith.constant 0 : i32
      %dma_start3A_68 = arith.constant 0 : i32
      %dma_start3A_69 = tpu.memref_slice %arg9[%dma_start3A, %dma_start3A_68] : memref<128x128xf32, #tpu.memory_space<vmem>> -> memref<48x128xf32, #tpu.memory_space<vmem>>
      %dma_start3A_70 = arith.constant 0 : i32
      %dma_start3A_71 = tpu.memref_slice %arg11[%add3A_10, %dma_start3A_70] : memref<10008x128xf32, #tpu.memory_space<vmem_shared>> -> memref<48x128xf32, #tpu.memory_space<vmem_shared>>
      %dma_start3A_72 = arith.constant 0 : i32
      %dma_start3A_73 = tpu.memref_slice %arg11[%add3A_10, %dma_start3A_72] : memref<10008x128xf32, #tpu.memory_space<vmem_shared>> -> memref<48x128xf32, #tpu.memory_space<vmem_shared>>
      %dma_start3A_74 = arith.constant 0 : i32
      %dma_start3A_75 = arith.constant 0 : i32
      %dma_start3A_76 = tpu.memref_slice %arg9[%dma_start3A_74, %dma_start3A_75] : memref<128x128xf32, #tpu.memory_space<vmem>> -> memref<48x128xf32, #tpu.memory_space<vmem>>
      tpu.enqueue_dma source(%dma_start3A_76 : memref<48x128xf32, #tpu.memory_space<vmem>>) target(%dma_start3A_73 : memref<48x128xf32, #tpu.memory_space<vmem_shared>>) target_semaphore(%run_scoped3A : memref<!tpu.dma_semaphore, #tpu.memory_space<semaphore_mem>>)
      %dma_wait3A = arith.constant 0 : i32
      %dma_wait3A_77 = arith.constant 0 : i32
      %dma_wait3A_78 = tpu.memref_slice %arg9[%dma_wait3A, %dma_wait3A_77] : memref<128x128xf32, #tpu.memory_space<vmem>> -> memref<48x128xf32, #tpu.memory_space<vmem>>
      %dma_wait3A_79 = arith.constant 0 : i32
      %dma_wait3A_80 = tpu.memref_slice %arg11[%add3A_10, %dma_wait3A_79] : memref<10008x128xf32, #tpu.memory_space<vmem_shared>> -> memref<48x128xf32, #tpu.memory_space<vmem_shared>>
      %dma_wait3A_81 = arith.constant 0 : i32
      %dma_wait3A_82 = tpu.memref_slice %arg11[%add3A_10, %dma_wait3A_81] : memref<10008x128xf32, #tpu.memory_space<vmem_shared>> -> memref<48x128xf32, #tpu.memory_space<vmem_shared>>
      %dma_wait3A_83 = arith.constant 0 : i32
      %dma_wait3A_84 = arith.constant 0 : i32
      %dma_wait3A_85 = tpu.memref_slice %arg9[%dma_wait3A_83, %dma_wait3A_84] : memref<128x128xf32, #tpu.memory_space<vmem>> -> memref<48x128xf32, #tpu.memory_space<vmem>>
      tpu.wait_dma2 semaphore(%run_scoped3A : memref<!tpu.dma_semaphore, #tpu.memory_space<semaphore_mem>>) src(%dma_wait3A_85 : memref<48x128xf32, #tpu.memory_space<vmem>>) dst(%dma_wait3A_82 : memref<48x128xf32, #tpu.memory_space<vmem_shared>>)
      tpu.yield
    }) : () -> ()
    %add3A_11 = arith.constant 192 : i32
    %add3A_12 = arith.addi %mul3A_2, %add3A_11 : i32
    "tpu.region"() ({
      %run_scoped3A = tpu.sem_alloc : memref<!tpu.dma_semaphore, #tpu.memory_space<semaphore_mem>>
      %dma_start3A = arith.constant 0 : i32
      %dma_start3A_68 = arith.constant 0 : i32
      %dma_start3A_69 = tpu.memref_slice %arg9[%dma_start3A, %dma_start3A_68] : memref<128x128xf32, #tpu.memory_space<vmem>> -> memref<48x128xf32, #tpu.memory_space<vmem>>
      %dma_start3A_70 = arith.constant 0 : i32
      %dma_start3A_71 = tpu.memref_slice %arg11[%add3A_12, %dma_start3A_70] : memref<10008x128xf32, #tpu.memory_space<vmem_shared>> -> memref<48x128xf32, #tpu.memory_space<vmem_shared>>
      %dma_start3A_72 = arith.constant 0 : i32
      %dma_start3A_73 = tpu.memref_slice %arg11[%add3A_12, %dma_start3A_72] : memref<10008x128xf32, #tpu.memory_space<vmem_shared>> -> memref<48x128xf32, #tpu.memory_space<vmem_shared>>
      %dma_start3A_74 = arith.constant 0 : i32
      %dma_start3A_75 = arith.constant 0 : i32
      %dma_start3A_76 = tpu.memref_slice %arg9[%dma_start3A_74, %dma_start3A_75] : memref<128x128xf32, #tpu.memory_space<vmem>> -> memref<48x128xf32, #tpu.memory_space<vmem>>
      tpu.enqueue_dma source(%dma_start3A_76 : memref<48x128xf32, #tpu.memory_space<vmem>>) target(%dma_start3A_73 : memref<48x128xf32, #tpu.memory_space<vmem_shared>>) target_semaphore(%run_scoped3A : memref<!tpu.dma_semaphore, #tpu.memory_space<semaphore_mem>>)
      %dma_wait3A = arith.constant 0 : i32
      %dma_wait3A_77 = arith.constant 0 : i32
      %dma_wait3A_78 = tpu.memref_slice %arg9[%dma_wait3A, %dma_wait3A_77] : memref<128x128xf32, #tpu.memory_space<vmem>> -> memref<48x128xf32, #tpu.memory_space<vmem>>
      %dma_wait3A_79 = arith.constant 0 : i32
      %dma_wait3A_80 = tpu.memref_slice %arg11[%add3A_12, %dma_wait3A_79] : memref<10008x128xf32, #tpu.memory_space<vmem_shared>> -> memref<48x128xf32, #tpu.memory_space<vmem_shared>>
      %dma_wait3A_81 = arith.constant 0 : i32
      %dma_wait3A_82 = tpu.memref_slice %arg11[%add3A_12, %dma_wait3A_81] : memref<10008x128xf32, #tpu.memory_space<vmem_shared>> -> memref<48x128xf32, #tpu.memory_space<vmem_shared>>
      %dma_wait3A_83 = arith.constant 0 : i32
      %dma_wait3A_84 = arith.constant 0 : i32
      %dma_wait3A_85 = tpu.memref_slice %arg9[%dma_wait3A_83, %dma_wait3A_84] : memref<128x128xf32, #tpu.memory_space<vmem>> -> memref<48x128xf32, #tpu.memory_space<vmem>>
      tpu.wait_dma2 semaphore(%run_scoped3A : memref<!tpu.dma_semaphore, #tpu.memory_space<semaphore_mem>>) src(%dma_wait3A_85 : memref<48x128xf32, #tpu.memory_space<vmem>>) dst(%dma_wait3A_82 : memref<48x128xf32, #tpu.memory_space<vmem_shared>>)
      tpu.yield
    }) : () -> ()
    %add3A_13 = arith.constant 240 : i32
    %add3A_14 = arith.addi %mul3A_2, %add3A_13 : i32
    "tpu.region"() ({
      %run_scoped3A = tpu.sem_alloc : memref<!tpu.dma_semaphore, #tpu.memory_space<semaphore_mem>>
      %dma_start3A = arith.constant 0 : i32
      %dma_start3A_68 = arith.constant 0 : i32
      %dma_start3A_69 = tpu.memref_slice %arg9[%dma_start3A, %dma_start3A_68] : memref<128x128xf32, #tpu.memory_space<vmem>> -> memref<48x128xf32, #tpu.memory_space<vmem>>
      %dma_start3A_70 = arith.constant 0 : i32
      %dma_start3A_71 = tpu.memref_slice %arg11[%add3A_14, %dma_start3A_70] : memref<10008x128xf32, #tpu.memory_space<vmem_shared>> -> memref<48x128xf32, #tpu.memory_space<vmem_shared>>
      %dma_start3A_72 = arith.constant 0 : i32
      %dma_start3A_73 = tpu.memref_slice %arg11[%add3A_14, %dma_start3A_72] : memref<10008x128xf32, #tpu.memory_space<vmem_shared>> -> memref<48x128xf32, #tpu.memory_space<vmem_shared>>
      %dma_start3A_74 = arith.constant 0 : i32
      %dma_start3A_75 = arith.constant 0 : i32
      %dma_start3A_76 = tpu.memref_slice %arg9[%dma_start3A_74, %dma_start3A_75] : memref<128x128xf32, #tpu.memory_space<vmem>> -> memref<48x128xf32, #tpu.memory_space<vmem>>
      tpu.enqueue_dma source(%dma_start3A_76 : memref<48x128xf32, #tpu.memory_space<vmem>>) target(%dma_start3A_73 : memref<48x128xf32, #tpu.memory_space<vmem_shared>>) target_semaphore(%run_scoped3A : memref<!tpu.dma_semaphore, #tpu.memory_space<semaphore_mem>>)
      %dma_wait3A = arith.constant 0 : i32
      %dma_wait3A_77 = arith.constant 0 : i32
      %dma_wait3A_78 = tpu.memref_slice %arg9[%dma_wait3A, %dma_wait3A_77] : memref<128x128xf32, #tpu.memory_space<vmem>> -> memref<48x128xf32, #tpu.memory_space<vmem>>
      %dma_wait3A_79 = arith.constant 0 : i32
      %dma_wait3A_80 = tpu.memref_slice %arg11[%add3A_14, %dma_wait3A_79] : memref<10008x128xf32, #tpu.memory_space<vmem_shared>> -> memref<48x128xf32, #tpu.memory_space<vmem_shared>>
      %dma_wait3A_81 = arith.constant 0 : i32
      %dma_wait3A_82 = tpu.memref_slice %arg11[%add3A_14, %dma_wait3A_81] : memref<10008x128xf32, #tpu.memory_space<vmem_shared>> -> memref<48x128xf32, #tpu.memory_space<vmem_shared>>
      %dma_wait3A_83 = arith.constant 0 : i32
      %dma_wait3A_84 = arith.constant 0 : i32
      %dma_wait3A_85 = tpu.memref_slice %arg9[%dma_wait3A_83, %dma_wait3A_84] : memref<128x128xf32, #tpu.memory_space<vmem>> -> memref<48x128xf32, #tpu.memory_space<vmem>>
      tpu.wait_dma2 semaphore(%run_scoped3A : memref<!tpu.dma_semaphore, #tpu.memory_space<semaphore_mem>>) src(%dma_wait3A_85 : memref<48x128xf32, #tpu.memory_space<vmem>>) dst(%dma_wait3A_82 : memref<48x128xf32, #tpu.memory_space<vmem_shared>>)
      tpu.yield
    }) : () -> ()
    %add3A_15 = arith.constant 288 : i32
    %add3A_16 = arith.addi %mul3A_2, %add3A_15 : i32
    "tpu.region"() ({
      %run_scoped3A = tpu.sem_alloc : memref<!tpu.dma_semaphore, #tpu.memory_space<semaphore_mem>>
      %dma_start3A = arith.constant 0 : i32
      %dma_start3A_68 = arith.constant 0 : i32
      %dma_start3A_69 = tpu.memref_slice %arg9[%dma_start3A, %dma_start3A_68] : memref<128x128xf32, #tpu.memory_space<vmem>> -> memref<48x128xf32, #tpu.memory_space<vmem>>
      %dma_start3A_70 = arith.constant 0 : i32
      %dma_start3A_71 = tpu.memref_slice %arg11[%add3A_16, %dma_start3A_70] : memref<10008x128xf32, #tpu.memory_space<vmem_shared>> -> memref<48x128xf32, #tpu.memory_space<vmem_shared>>
      %dma_start3A_72 = arith.constant 0 : i32
      %dma_start3A_73 = tpu.memref_slice %arg11[%add3A_16, %dma_start3A_72] : memref<10008x128xf32, #tpu.memory_space<vmem_shared>> -> memref<48x128xf32, #tpu.memory_space<vmem_shared>>
      %dma_start3A_74 = arith.constant 0 : i32
      %dma_start3A_75 = arith.constant 0 : i32
      %dma_start3A_76 = tpu.memref_slice %arg9[%dma_start3A_74, %dma_start3A_75] : memref<128x128xf32, #tpu.memory_space<vmem>> -> memref<48x128xf32, #tpu.memory_space<vmem>>
      tpu.enqueue_dma source(%dma_start3A_76 : memref<48x128xf32, #tpu.memory_space<vmem>>) target(%dma_start3A_73 : memref<48x128xf32, #tpu.memory_space<vmem_shared>>) target_semaphore(%run_scoped3A : memref<!tpu.dma_semaphore, #tpu.memory_space<semaphore_mem>>)
      %dma_wait3A = arith.constant 0 : i32
      %dma_wait3A_77 = arith.constant 0 : i32
      %dma_wait3A_78 = tpu.memref_slice %arg9[%dma_wait3A, %dma_wait3A_77] : memref<128x128xf32, #tpu.memory_space<vmem>> -> memref<48x128xf32, #tpu.memory_space<vmem>>
      %dma_wait3A_79 = arith.constant 0 : i32
      %dma_wait3A_80 = tpu.memref_slice %arg11[%add3A_16, %dma_wait3A_79] : memref<10008x128xf32, #tpu.memory_space<vmem_shared>> -> memref<48x128xf32, #tpu.memory_space<vmem_shared>>
      %dma_wait3A_81 = arith.constant 0 : i32
      %dma_wait3A_82 = tpu.memref_slice %arg11[%add3A_16, %dma_wait3A_81] : memref<10008x128xf32, #tpu.memory_space<vmem_shared>> -> memref<48x128xf32, #tpu.memory_space<vmem_shared>>
      %dma_wait3A_83 = arith.constant 0 : i32
      %dma_wait3A_84 = arith.constant 0 : i32
      %dma_wait3A_85 = tpu.memref_slice %arg9[%dma_wait3A_83, %dma_wait3A_84] : memref<128x128xf32, #tpu.memory_space<vmem>> -> memref<48x128xf32, #tpu.memory_space<vmem>>
      tpu.wait_dma2 semaphore(%run_scoped3A : memref<!tpu.dma_semaphore, #tpu.memory_space<semaphore_mem>>) src(%dma_wait3A_85 : memref<48x128xf32, #tpu.memory_space<vmem>>) dst(%dma_wait3A_82 : memref<48x128xf32, #tpu.memory_space<vmem_shared>>)
      tpu.yield
    }) : () -> ()
    %add3A_17 = arith.constant 336 : i32
    %add3A_18 = arith.addi %mul3A_2, %add3A_17 : i32
    "tpu.region"() ({
      %run_scoped3A = tpu.sem_alloc : memref<!tpu.dma_semaphore, #tpu.memory_space<semaphore_mem>>
      %dma_start3A = arith.constant 0 : i32
      %dma_start3A_68 = arith.constant 0 : i32
      %dma_start3A_69 = tpu.memref_slice %arg9[%dma_start3A, %dma_start3A_68] : memref<128x128xf32, #tpu.memory_space<vmem>> -> memref<48x128xf32, #tpu.memory_space<vmem>>
      %dma_start3A_70 = arith.constant 0 : i32
      %dma_start3A_71 = tpu.memref_slice %arg11[%add3A_18, %dma_start3A_70] : memref<10008x128xf32, #tpu.memory_space<vmem_shared>> -> memref<48x128xf32, #tpu.memory_space<vmem_shared>>
      %dma_start3A_72 = arith.constant 0 : i32
      %dma_start3A_73 = tpu.memref_slice %arg11[%add3A_18, %dma_start3A_72] : memref<10008x128xf32, #tpu.memory_space<vmem_shared>> -> memref<48x128xf32, #tpu.memory_space<vmem_shared>>
      %dma_start3A_74 = arith.constant 0 : i32
      %dma_start3A_75 = arith.constant 0 : i32
      %dma_start3A_76 = tpu.memref_slice %arg9[%dma_start3A_74, %dma_start3A_75] : memref<128x128xf32, #tpu.memory_space<vmem>> -> memref<48x128xf32, #tpu.memory_space<vmem>>
      tpu.enqueue_dma source(%dma_start3A_76 : memref<48x128xf32, #tpu.memory_space<vmem>>) target(%dma_start3A_73 : memref<48x128xf32, #tpu.memory_space<vmem_shared>>) target_semaphore(%run_scoped3A : memref<!tpu.dma_semaphore, #tpu.memory_space<semaphore_mem>>)
      %dma_wait3A = arith.constant 0 : i32
      %dma_wait3A_77 = arith.constant 0 : i32
      %dma_wait3A_78 = tpu.memref_slice %arg9[%dma_wait3A, %dma_wait3A_77] : memref<128x128xf32, #tpu.memory_space<vmem>> -> memref<48x128xf32, #tpu.memory_space<vmem>>
      %dma_wait3A_79 = arith.constant 0 : i32
      %dma_wait3A_80 = tpu.memref_slice %arg11[%add3A_18, %dma_wait3A_79] : memref<10008x128xf32, #tpu.memory_space<vmem_shared>> -> memref<48x128xf32, #tpu.memory_space<vmem_shared>>
      %dma_wait3A_81 = arith.constant 0 : i32
      %dma_wait3A_82 = tpu.memref_slice %arg11[%add3A_18, %dma_wait3A_81] : memref<10008x128xf32, #tpu.memory_space<vmem_shared>> -> memref<48x128xf32, #tpu.memory_space<vmem_shared>>
      %dma_wait3A_83 = arith.constant 0 : i32
      %dma_wait3A_84 = arith.constant 0 : i32
      %dma_wait3A_85 = tpu.memref_slice %arg9[%dma_wait3A_83, %dma_wait3A_84] : memref<128x128xf32, #tpu.memory_space<vmem>> -> memref<48x128xf32, #tpu.memory_space<vmem>>
      tpu.wait_dma2 semaphore(%run_scoped3A : memref<!tpu.dma_semaphore, #tpu.memory_space<semaphore_mem>>) src(%dma_wait3A_85 : memref<48x128xf32, #tpu.memory_space<vmem>>) dst(%dma_wait3A_82 : memref<48x128xf32, #tpu.memory_space<vmem_shared>>)
      tpu.yield
    }) : () -> ()
    %add3A_19 = arith.constant 384 : i32
    %add3A_20 = arith.addi %mul3A_2, %add3A_19 : i32
    "tpu.region"() ({
      %run_scoped3A = tpu.sem_alloc : memref<!tpu.dma_semaphore, #tpu.memory_space<semaphore_mem>>
      %dma_start3A = arith.constant 0 : i32
      %dma_start3A_68 = arith.constant 0 : i32
      %dma_start3A_69 = tpu.memref_slice %arg9[%dma_start3A, %dma_start3A_68] : memref<128x128xf32, #tpu.memory_space<vmem>> -> memref<48x128xf32, #tpu.memory_space<vmem>>
      %dma_start3A_70 = arith.constant 0 : i32
      %dma_start3A_71 = tpu.memref_slice %arg11[%add3A_20, %dma_start3A_70] : memref<10008x128xf32, #tpu.memory_space<vmem_shared>> -> memref<48x128xf32, #tpu.memory_space<vmem_shared>>
      %dma_start3A_72 = arith.constant 0 : i32
      %dma_start3A_73 = tpu.memref_slice %arg11[%add3A_20, %dma_start3A_72] : memref<10008x128xf32, #tpu.memory_space<vmem_shared>> -> memref<48x128xf32, #tpu.memory_space<vmem_shared>>
      %dma_start3A_74 = arith.constant 0 : i32
      %dma_start3A_75 = arith.constant 0 : i32
      %dma_start3A_76 = tpu.memref_slice %arg9[%dma_start3A_74, %dma_start3A_75] : memref<128x128xf32, #tpu.memory_space<vmem>> -> memref<48x128xf32, #tpu.memory_space<vmem>>
      tpu.enqueue_dma source(%dma_start3A_76 : memref<48x128xf32, #tpu.memory_space<vmem>>) target(%dma_start3A_73 : memref<48x128xf32, #tpu.memory_space<vmem_shared>>) target_semaphore(%run_scoped3A : memref<!tpu.dma_semaphore, #tpu.memory_space<semaphore_mem>>)
      %dma_wait3A = arith.constant 0 : i32
      %dma_wait3A_77 = arith.constant 0 : i32
      %dma_wait3A_78 = tpu.memref_slice %arg9[%dma_wait3A, %dma_wait3A_77] : memref<128x128xf32, #tpu.memory_space<vmem>> -> memref<48x128xf32, #tpu.memory_space<vmem>>
      %dma_wait3A_79 = arith.constant 0 : i32
      %dma_wait3A_80 = tpu.memref_slice %arg11[%add3A_20, %dma_wait3A_79] : memref<10008x128xf32, #tpu.memory_space<vmem_shared>> -> memref<48x128xf32, #tpu.memory_space<vmem_shared>>
      %dma_wait3A_81 = arith.constant 0 : i32
      %dma_wait3A_82 = tpu.memref_slice %arg11[%add3A_20, %dma_wait3A_81] : memref<10008x128xf32, #tpu.memory_space<vmem_shared>> -> memref<48x128xf32, #tpu.memory_space<vmem_shared>>
      %dma_wait3A_83 = arith.constant 0 : i32
      %dma_wait3A_84 = arith.constant 0 : i32
      %dma_wait3A_85 = tpu.memref_slice %arg9[%dma_wait3A_83, %dma_wait3A_84] : memref<128x128xf32, #tpu.memory_space<vmem>> -> memref<48x128xf32, #tpu.memory_space<vmem>>
      tpu.wait_dma2 semaphore(%run_scoped3A : memref<!tpu.dma_semaphore, #tpu.memory_space<semaphore_mem>>) src(%dma_wait3A_85 : memref<48x128xf32, #tpu.memory_space<vmem>>) dst(%dma_wait3A_82 : memref<48x128xf32, #tpu.memory_space<vmem_shared>>)
      tpu.yield
    }) : () -> ()
    %add3A_21 = arith.constant 432 : i32
    %add3A_22 = arith.addi %mul3A_2, %add3A_21 : i32
    "tpu.region"() ({
      %run_scoped3A = tpu.sem_alloc : memref<!tpu.dma_semaphore, #tpu.memory_space<semaphore_mem>>
      %dma_start3A = arith.constant 0 : i32
      %dma_start3A_68 = arith.constant 0 : i32
      %dma_start3A_69 = tpu.memref_slice %arg9[%dma_start3A, %dma_start3A_68] : memref<128x128xf32, #tpu.memory_space<vmem>> -> memref<48x128xf32, #tpu.memory_space<vmem>>
      %dma_start3A_70 = arith.constant 0 : i32
      %dma_start3A_71 = tpu.memref_slice %arg11[%add3A_22, %dma_start3A_70] : memref<10008x128xf32, #tpu.memory_space<vmem_shared>> -> memref<48x128xf32, #tpu.memory_space<vmem_shared>>
      %dma_start3A_72 = arith.constant 0 : i32
      %dma_start3A_73 = tpu.memref_slice %arg11[%add3A_22, %dma_start3A_72] : memref<10008x128xf32, #tpu.memory_space<vmem_shared>> -> memref<48x128xf32, #tpu.memory_space<vmem_shared>>
      %dma_start3A_74 = arith.constant 0 : i32
      %dma_start3A_75 = arith.constant 0 : i32
      %dma_start3A_76 = tpu.memref_slice %arg9[%dma_start3A_74, %dma_start3A_75] : memref<128x128xf32, #tpu.memory_space<vmem>> -> memref<48x128xf32, #tpu.memory_space<vmem>>
      tpu.enqueue_dma source(%dma_start3A_76 : memref<48x128xf32, #tpu.memory_space<vmem>>) target(%dma_start3A_73 : memref<48x128xf32, #tpu.memory_space<vmem_shared>>) target_semaphore(%run_scoped3A : memref<!tpu.dma_semaphore, #tpu.memory_space<semaphore_mem>>)
      %dma_wait3A = arith.constant 0 : i32
      %dma_wait3A_77 = arith.constant 0 : i32
      %dma_wait3A_78 = tpu.memref_slice %arg9[%dma_wait3A, %dma_wait3A_77] : memref<128x128xf32, #tpu.memory_space<vmem>> -> memref<48x128xf32, #tpu.memory_space<vmem>>
      %dma_wait3A_79 = arith.constant 0 : i32
      %dma_wait3A_80 = tpu.memref_slice %arg11[%add3A_22, %dma_wait3A_79] : memref<10008x128xf32, #tpu.memory_space<vmem_shared>> -> memref<48x128xf32, #tpu.memory_space<vmem_shared>>
      %dma_wait3A_81 = arith.constant 0 : i32
      %dma_wait3A_82 = tpu.memref_slice %arg11[%add3A_22, %dma_wait3A_81] : memref<10008x128xf32, #tpu.memory_space<vmem_shared>> -> memref<48x128xf32, #tpu.memory_space<vmem_shared>>
      %dma_wait3A_83 = arith.constant 0 : i32
      %dma_wait3A_84 = arith.constant 0 : i32
      %dma_wait3A_85 = tpu.memref_slice %arg9[%dma_wait3A_83, %dma_wait3A_84] : memref<128x128xf32, #tpu.memory_space<vmem>> -> memref<48x128xf32, #tpu.memory_space<vmem>>
      tpu.wait_dma2 semaphore(%run_scoped3A : memref<!tpu.dma_semaphore, #tpu.memory_space<semaphore_mem>>) src(%dma_wait3A_85 : memref<48x128xf32, #tpu.memory_space<vmem>>) dst(%dma_wait3A_82 : memref<48x128xf32, #tpu.memory_space<vmem_shared>>)
      tpu.yield
    }) : () -> ()
    %add3A_23 = arith.constant 480 : i32
    %add3A_24 = arith.addi %mul3A_2, %add3A_23 : i32
    "tpu.region"() ({
      %run_scoped3A = tpu.sem_alloc : memref<!tpu.dma_semaphore, #tpu.memory_space<semaphore_mem>>
      %dma_start3A = arith.constant 0 : i32
      %dma_start3A_68 = arith.constant 0 : i32
      %dma_start3A_69 = tpu.memref_slice %arg9[%dma_start3A, %dma_start3A_68] : memref<128x128xf32, #tpu.memory_space<vmem>> -> memref<48x128xf32, #tpu.memory_space<vmem>>
      %dma_start3A_70 = arith.constant 0 : i32
      %dma_start3A_71 = tpu.memref_slice %arg11[%add3A_24, %dma_start3A_70] : memref<10008x128xf32, #tpu.memory_space<vmem_shared>> -> memref<48x128xf32, #tpu.memory_space<vmem_shared>>
      %dma_start3A_72 = arith.constant 0 : i32
      %dma_start3A_73 = tpu.memref_slice %arg11[%add3A_24, %dma_start3A_72] : memref<10008x128xf32, #tpu.memory_space<vmem_shared>> -> memref<48x128xf32, #tpu.memory_space<vmem_shared>>
      %dma_start3A_74 = arith.constant 0 : i32
      %dma_start3A_75 = arith.constant 0 : i32
      %dma_start3A_76 = tpu.memref_slice %arg9[%dma_start3A_74, %dma_start3A_75] : memref<128x128xf32, #tpu.memory_space<vmem>> -> memref<48x128xf32, #tpu.memory_space<vmem>>
      tpu.enqueue_dma source(%dma_start3A_76 : memref<48x128xf32, #tpu.memory_space<vmem>>) target(%dma_start3A_73 : memref<48x128xf32, #tpu.memory_space<vmem_shared>>) target_semaphore(%run_scoped3A : memref<!tpu.dma_semaphore, #tpu.memory_space<semaphore_mem>>)
      %dma_wait3A = arith.constant 0 : i32
      %dma_wait3A_77 = arith.constant 0 : i32
      %dma_wait3A_78 = tpu.memref_slice %arg9[%dma_wait3A, %dma_wait3A_77] : memref<128x128xf32, #tpu.memory_space<vmem>> -> memref<48x128xf32, #tpu.memory_space<vmem>>
      %dma_wait3A_79 = arith.constant 0 : i32
      %dma_wait3A_80 = tpu.memref_slice %arg11[%add3A_24, %dma_wait3A_79] : memref<10008x128xf32, #tpu.memory_space<vmem_shared>> -> memref<48x128xf32, #tpu.memory_space<vmem_shared>>
      %dma_wait3A_81 = arith.constant 0 : i32
      %dma_wait3A_82 = tpu.memref_slice %arg11[%add3A_24, %dma_wait3A_81] : memref<10008x128xf32, #tpu.memory_space<vmem_shared>> -> memref<48x128xf32, #tpu.memory_space<vmem_shared>>
      %dma_wait3A_83 = arith.constant 0 : i32
      %dma_wait3A_84 = arith.constant 0 : i32
      %dma_wait3A_85 = tpu.memref_slice %arg9[%dma_wait3A_83, %dma_wait3A_84] : memref<128x128xf32, #tpu.memory_space<vmem>> -> memref<48x128xf32, #tpu.memory_space<vmem>>
      tpu.wait_dma2 semaphore(%run_scoped3A : memref<!tpu.dma_semaphore, #tpu.memory_space<semaphore_mem>>) src(%dma_wait3A_85 : memref<48x128xf32, #tpu.memory_space<vmem>>) dst(%dma_wait3A_82 : memref<48x128xf32, #tpu.memory_space<vmem_shared>>)
      tpu.yield
    }) : () -> ()
    %add3A_25 = arith.constant 528 : i32
    %add3A_26 = arith.addi %mul3A_2, %add3A_25 : i32
    "tpu.region"() ({
      %run_scoped3A = tpu.sem_alloc : memref<!tpu.dma_semaphore, #tpu.memory_space<semaphore_mem>>
      %dma_start3A = arith.constant 0 : i32
      %dma_start3A_68 = arith.constant 0 : i32
      %dma_start3A_69 = tpu.memref_slice %arg9[%dma_start3A, %dma_start3A_68] : memref<128x128xf32, #tpu.memory_space<vmem>> -> memref<48x128xf32, #tpu.memory_space<vmem>>
      %dma_start3A_70 = arith.constant 0 : i32
      %dma_start3A_71 = tpu.memref_slice %arg11[%add3A_26, %dma_start3A_70] : memref<10008x128xf32, #tpu.memory_space<vmem_shared>> -> memref<48x128xf32, #tpu.memory_space<vmem_shared>>
      %dma_start3A_72 = arith.constant 0 : i32
      %dma_start3A_73 = tpu.memref_slice %arg11[%add3A_26, %dma_start3A_72] : memref<10008x128xf32, #tpu.memory_space<vmem_shared>> -> memref<48x128xf32, #tpu.memory_space<vmem_shared>>
      %dma_start3A_74 = arith.constant 0 : i32
      %dma_start3A_75 = arith.constant 0 : i32
      %dma_start3A_76 = tpu.memref_slice %arg9[%dma_start3A_74, %dma_start3A_75] : memref<128x128xf32, #tpu.memory_space<vmem>> -> memref<48x128xf32, #tpu.memory_space<vmem>>
      tpu.enqueue_dma source(%dma_start3A_76 : memref<48x128xf32, #tpu.memory_space<vmem>>) target(%dma_start3A_73 : memref<48x128xf32, #tpu.memory_space<vmem_shared>>) target_semaphore(%run_scoped3A : memref<!tpu.dma_semaphore, #tpu.memory_space<semaphore_mem>>)
      %dma_wait3A = arith.constant 0 : i32
      %dma_wait3A_77 = arith.constant 0 : i32
      %dma_wait3A_78 = tpu.memref_slice %arg9[%dma_wait3A, %dma_wait3A_77] : memref<128x128xf32, #tpu.memory_space<vmem>> -> memref<48x128xf32, #tpu.memory_space<vmem>>
      %dma_wait3A_79 = arith.constant 0 : i32
      %dma_wait3A_80 = tpu.memref_slice %arg11[%add3A_26, %dma_wait3A_79] : memref<10008x128xf32, #tpu.memory_space<vmem_shared>> -> memref<48x128xf32, #tpu.memory_space<vmem_shared>>
      %dma_wait3A_81 = arith.constant 0 : i32
      %dma_wait3A_82 = tpu.memref_slice %arg11[%add3A_26, %dma_wait3A_81] : memref<10008x128xf32, #tpu.memory_space<vmem_shared>> -> memref<48x128xf32, #tpu.memory_space<vmem_shared>>
      %dma_wait3A_83 = arith.constant 0 : i32
      %dma_wait3A_84 = arith.constant 0 : i32
      %dma_wait3A_85 = tpu.memref_slice %arg9[%dma_wait3A_83, %dma_wait3A_84] : memref<128x128xf32, #tpu.memory_space<vmem>> -> memref<48x128xf32, #tpu.memory_space<vmem>>
      tpu.wait_dma2 semaphore(%run_scoped3A : memref<!tpu.dma_semaphore, #tpu.memory_space<semaphore_mem>>) src(%dma_wait3A_85 : memref<48x128xf32, #tpu.memory_space<vmem>>) dst(%dma_wait3A_82 : memref<48x128xf32, #tpu.memory_space<vmem_shared>>)
      tpu.yield
    }) : () -> ()
    %add3A_27 = arith.constant 576 : i32
    %add3A_28 = arith.addi %mul3A_2, %add3A_27 : i32
    "tpu.region"() ({
      %run_scoped3A = tpu.sem_alloc : memref<!tpu.dma_semaphore, #tpu.memory_space<semaphore_mem>>
      %dma_start3A = arith.constant 0 : i32
      %dma_start3A_68 = arith.constant 0 : i32
      %dma_start3A_69 = tpu.memref_slice %arg9[%dma_start3A, %dma_start3A_68] : memref<128x128xf32, #tpu.memory_space<vmem>> -> memref<48x128xf32, #tpu.memory_space<vmem>>
      %dma_start3A_70 = arith.constant 0 : i32
      %dma_start3A_71 = tpu.memref_slice %arg11[%add3A_28, %dma_start3A_70] : memref<10008x128xf32, #tpu.memory_space<vmem_shared>> -> memref<48x128xf32, #tpu.memory_space<vmem_shared>>
      %dma_start3A_72 = arith.constant 0 : i32
      %dma_start3A_73 = tpu.memref_slice %arg11[%add3A_28, %dma_start3A_72] : memref<10008x128xf32, #tpu.memory_space<vmem_shared>> -> memref<48x128xf32, #tpu.memory_space<vmem_shared>>
      %dma_start3A_74 = arith.constant 0 : i32
      %dma_start3A_75 = arith.constant 0 : i32
      %dma_start3A_76 = tpu.memref_slice %arg9[%dma_start3A_74, %dma_start3A_75] : memref<128x128xf32, #tpu.memory_space<vmem>> -> memref<48x128xf32, #tpu.memory_space<vmem>>
      tpu.enqueue_dma source(%dma_start3A_76 : memref<48x128xf32, #tpu.memory_space<vmem>>) target(%dma_start3A_73 : memref<48x128xf32, #tpu.memory_space<vmem_shared>>) target_semaphore(%run_scoped3A : memref<!tpu.dma_semaphore, #tpu.memory_space<semaphore_mem>>)
      %dma_wait3A = arith.constant 0 : i32
      %dma_wait3A_77 = arith.constant 0 : i32
      %dma_wait3A_78 = tpu.memref_slice %arg9[%dma_wait3A, %dma_wait3A_77] : memref<128x128xf32, #tpu.memory_space<vmem>> -> memref<48x128xf32, #tpu.memory_space<vmem>>
      %dma_wait3A_79 = arith.constant 0 : i32
      %dma_wait3A_80 = tpu.memref_slice %arg11[%add3A_28, %dma_wait3A_79] : memref<10008x128xf32, #tpu.memory_space<vmem_shared>> -> memref<48x128xf32, #tpu.memory_space<vmem_shared>>
      %dma_wait3A_81 = arith.constant 0 : i32
      %dma_wait3A_82 = tpu.memref_slice %arg11[%add3A_28, %dma_wait3A_81] : memref<10008x128xf32, #tpu.memory_space<vmem_shared>> -> memref<48x128xf32, #tpu.memory_space<vmem_shared>>
      %dma_wait3A_83 = arith.constant 0 : i32
      %dma_wait3A_84 = arith.constant 0 : i32
      %dma_wait3A_85 = tpu.memref_slice %arg9[%dma_wait3A_83, %dma_wait3A_84] : memref<128x128xf32, #tpu.memory_space<vmem>> -> memref<48x128xf32, #tpu.memory_space<vmem>>
      tpu.wait_dma2 semaphore(%run_scoped3A : memref<!tpu.dma_semaphore, #tpu.memory_space<semaphore_mem>>) src(%dma_wait3A_85 : memref<48x128xf32, #tpu.memory_space<vmem>>) dst(%dma_wait3A_82 : memref<48x128xf32, #tpu.memory_space<vmem_shared>>)
      tpu.yield
    }) : () -> ()
    %eq3A = arith.constant 15 : i32
    %eq3A_29 = arith.cmpi eq, %arg1, %eq3A : i32
    %convert_element_type3A = arith.extui %eq3A_29 : i1 to i32
    %cond3A = arith.constant 0 : i32
    %cond3A_30 = arith.cmpi ne, %convert_element_type3A, %cond3A : i32
    scf.if %cond3A_30 {
      "tpu.region"() ({
        %run_scoped3A = tpu.sem_alloc : memref<!tpu.dma_semaphore, #tpu.memory_space<semaphore_mem>>
        %dma_start3A = arith.constant 0 : i32
        %dma_start3A_68 = arith.constant 0 : i32
        %dma_start3A_69 = tpu.memref_slice %arg9[%dma_start3A, %dma_start3A_68] : memref<128x128xf32, #tpu.memory_space<vmem>> -> memref<24x128xf32, #tpu.memory_space<vmem>>
        %dma_start3A_70 = arith.constant 9984 : i32
        %dma_start3A_71 = arith.constant 0 : i32
        %dma_start3A_72 = tpu.memref_slice %arg11[%dma_start3A_70, %dma_start3A_71] : memref<10008x128xf32, #tpu.memory_space<vmem_shared>> -> memref<24x128xf32, #tpu.memory_space<vmem_shared>>
        %dma_start3A_73 = arith.constant 9984 : i32
        %dma_start3A_74 = arith.constant 0 : i32
        %dma_start3A_75 = tpu.memref_slice %arg11[%dma_start3A_73, %dma_start3A_74] : memref<10008x128xf32, #tpu.memory_space<vmem_shared>> -> memref<24x128xf32, #tpu.memory_space<vmem_shared>>
        %dma_start3A_76 = arith.constant 0 : i32
        %dma_start3A_77 = arith.constant 0 : i32
        %dma_start3A_78 = tpu.memref_slice %arg9[%dma_start3A_76, %dma_start3A_77] : memref<128x128xf32, #tpu.memory_space<vmem>> -> memref<24x128xf32, #tpu.memory_space<vmem>>
        tpu.enqueue_dma source(%dma_start3A_78 : memref<24x128xf32, #tpu.memory_space<vmem>>) target(%dma_start3A_75 : memref<24x128xf32, #tpu.memory_space<vmem_shared>>) target_semaphore(%run_scoped3A : memref<!tpu.dma_semaphore, #tpu.memory_space<semaphore_mem>>)
        %dma_wait3A = arith.constant 0 : i32
        %dma_wait3A_79 = arith.constant 0 : i32
        %dma_wait3A_80 = tpu.memref_slice %arg9[%dma_wait3A, %dma_wait3A_79] : memref<128x128xf32, #tpu.memory_space<vmem>> -> memref<24x128xf32, #tpu.memory_space<vmem>>
        %dma_wait3A_81 = arith.constant 9984 : i32
        %dma_wait3A_82 = arith.constant 0 : i32
        %dma_wait3A_83 = tpu.memref_slice %arg11[%dma_wait3A_81, %dma_wait3A_82] : memref<10008x128xf32, #tpu.memory_space<vmem_shared>> -> memref<24x128xf32, #tpu.memory_space<vmem_shared>>
        %dma_wait3A_84 = arith.constant 9984 : i32
        %dma_wait3A_85 = arith.constant 0 : i32
        %dma_wait3A_86 = tpu.memref_slice %arg11[%dma_wait3A_84, %dma_wait3A_85] : memref<10008x128xf32, #tpu.memory_space<vmem_shared>> -> memref<24x128xf32, #tpu.memory_space<vmem_shared>>
        %dma_wait3A_87 = arith.constant 0 : i32
        %dma_wait3A_88 = arith.constant 0 : i32
        %dma_wait3A_89 = tpu.memref_slice %arg9[%dma_wait3A_87, %dma_wait3A_88] : memref<128x128xf32, #tpu.memory_space<vmem>> -> memref<24x128xf32, #tpu.memory_space<vmem>>
        tpu.wait_dma2 semaphore(%run_scoped3A : memref<!tpu.dma_semaphore, #tpu.memory_space<semaphore_mem>>) src(%dma_wait3A_89 : memref<24x128xf32, #tpu.memory_space<vmem>>) dst(%dma_wait3A_86 : memref<24x128xf32, #tpu.memory_space<vmem_shared>>)
        tpu.yield
      }) : () -> ()
    } else {
    }
    %barrier3A = arith.constant 0 : index
    tpu.barrier barrier_id(%barrier3A)
    %scan3A = arith.constant 0 : i32
    %scan3A_31 = arith.constant 0 : i32
    %scan3A_32 = arith.constant 80 : i32
    %scan3A_33 = arith.addi %scan3A_31, %scan3A_32 : i32
    %scan3A_34 = arith.constant 1 : i32
    scf.for %scan3A_68 = %scan3A_31 to %scan3A_33 step %scan3A_34  : i32 {
      "tpu.region"() ({
        %run_scoped3A = tpu.sem_alloc : memref<!tpu.dma_semaphore, #tpu.memory_space<semaphore_mem>>
        %dma_start3A_73 = arith.constant 0 : i32
        %dma_start3A_74 = tpu.memref_slice %arg3[%add3A, %scan3A_68, %dma_start3A_73] : memref<32x80x128xi32, #tpu.memory_space<hbm>> -> memref<1x1x128xi32, #tpu.memory_space<hbm>>
        %dma_start3A_75 = tpu.memref_squeeze %dma_start3A_74 : memref<1x1x128xi32, #tpu.memory_space<hbm>> -> memref<128xi32, #tpu.memory_space<hbm>>
        %dma_start3A_76 = arith.constant 0 : i32
        %dma_start3A_77 = tpu.memref_slice %arg3[%add3A, %scan3A_68, %dma_start3A_76] : memref<32x80x128xi32, #tpu.memory_space<hbm>> -> memref<1x1x128xi32, #tpu.memory_space<hbm>>
        %dma_start3A_78 = tpu.memref_squeeze %dma_start3A_77 : memref<1x1x128xi32, #tpu.memory_space<hbm>> -> memref<128xi32, #tpu.memory_space<hbm>>
        tpu.enqueue_dma source(%dma_start3A_78 : memref<128xi32, #tpu.memory_space<hbm>>) target(%arg7 : memref<128xi32, #tpu.memory_space<vmem>>) target_semaphore(%run_scoped3A : memref<!tpu.dma_semaphore, #tpu.memory_space<semaphore_mem>>)
        %dma_wait3A_79 = arith.constant 0 : i32
        %dma_wait3A_80 = tpu.memref_slice %arg3[%add3A, %scan3A_68, %dma_wait3A_79] : memref<32x80x128xi32, #tpu.memory_space<hbm>> -> memref<1x1x128xi32, #tpu.memory_space<hbm>>
        %dma_wait3A_81 = tpu.memref_squeeze %dma_wait3A_80 : memref<1x1x128xi32, #tpu.memory_space<hbm>> -> memref<128xi32, #tpu.memory_space<hbm>>
        %dma_wait3A_82 = arith.constant 0 : i32
        %dma_wait3A_83 = tpu.memref_slice %arg3[%add3A, %scan3A_68, %dma_wait3A_82] : memref<32x80x128xi32, #tpu.memory_space<hbm>> -> memref<1x1x128xi32, #tpu.memory_space<hbm>>
        %dma_wait3A_84 = tpu.memref_squeeze %dma_wait3A_83 : memref<1x1x128xi32, #tpu.memory_space<hbm>> -> memref<128xi32, #tpu.memory_space<hbm>>
        tpu.wait_dma2 semaphore(%run_scoped3A : memref<!tpu.dma_semaphore, #tpu.memory_space<semaphore_mem>>) src(%dma_wait3A_84 : memref<128xi32, #tpu.memory_space<hbm>>) dst(%arg7 : memref<128xi32, #tpu.memory_space<vmem>>)
        tpu.yield
      }) : () -> ()
      "tpu.region"() ({
        %run_scoped3A = tpu.sem_alloc : memref<!tpu.dma_semaphore, #tpu.memory_space<semaphore_mem>>
        %dma_start3A_73 = arith.constant 0 : i32
        %dma_start3A_74 = tpu.memref_slice %arg4[%add3A, %scan3A_68, %dma_start3A_73] : memref<32x80x128xi32, #tpu.memory_space<hbm>> -> memref<1x1x128xi32, #tpu.memory_space<hbm>>
        %dma_start3A_75 = tpu.memref_squeeze %dma_start3A_74 : memref<1x1x128xi32, #tpu.memory_space<hbm>> -> memref<128xi32, #tpu.memory_space<hbm>>
        %dma_start3A_76 = arith.constant 0 : i32
        %dma_start3A_77 = tpu.memref_slice %arg4[%add3A, %scan3A_68, %dma_start3A_76] : memref<32x80x128xi32, #tpu.memory_space<hbm>> -> memref<1x1x128xi32, #tpu.memory_space<hbm>>
        %dma_start3A_78 = tpu.memref_squeeze %dma_start3A_77 : memref<1x1x128xi32, #tpu.memory_space<hbm>> -> memref<128xi32, #tpu.memory_space<hbm>>
        tpu.enqueue_dma source(%dma_start3A_78 : memref<128xi32, #tpu.memory_space<hbm>>) target(%arg8 : memref<128xi32, #tpu.memory_space<vmem>>) target_semaphore(%run_scoped3A : memref<!tpu.dma_semaphore, #tpu.memory_space<semaphore_mem>>)
        %dma_wait3A_79 = arith.constant 0 : i32
        %dma_wait3A_80 = tpu.memref_slice %arg4[%add3A, %scan3A_68, %dma_wait3A_79] : memref<32x80x128xi32, #tpu.memory_space<hbm>> -> memref<1x1x128xi32, #tpu.memory_space<hbm>>
        %dma_wait3A_81 = tpu.memref_squeeze %dma_wait3A_80 : memref<1x1x128xi32, #tpu.memory_space<hbm>> -> memref<128xi32, #tpu.memory_space<hbm>>
        %dma_wait3A_82 = arith.constant 0 : i32
        %dma_wait3A_83 = tpu.memref_slice %arg4[%add3A, %scan3A_68, %dma_wait3A_82] : memref<32x80x128xi32, #tpu.memory_space<hbm>> -> memref<1x1x128xi32, #tpu.memory_space<hbm>>
        %dma_wait3A_84 = tpu.memref_squeeze %dma_wait3A_83 : memref<1x1x128xi32, #tpu.memory_space<hbm>> -> memref<128xi32, #tpu.memory_space<hbm>>
        tpu.wait_dma2 semaphore(%run_scoped3A : memref<!tpu.dma_semaphore, #tpu.memory_space<semaphore_mem>>) src(%dma_wait3A_84 : memref<128xi32, #tpu.memory_space<hbm>>) dst(%arg8 : memref<128xi32, #tpu.memory_space<vmem>>)
        tpu.yield
      }) : () -> ()
      %dma_start3A = arith.constant 0 : i32
      %dma_start3A_69 = arith.constant 0 : i32
      %dma_start3A_70 = tpu.memref_slice %arg2[%dma_start3A, %dma_start3A_69] : memref<10000x128xf32, #tpu.memory_space<hbm>> -> memref<10000x128xf32, #tpu.memory_space<hbm>>
      tpu.enqueue_indirect_dma source(%dma_start3A_70 : memref<10000x128xf32, #tpu.memory_space<hbm>>) target(%arg9 : memref<128x128xf32, #tpu.memory_space<vmem>>) offsets(%arg7 : memref<128xi32, #tpu.memory_space<vmem>>) semaphore(%arg10 : memref<!tpu.dma_semaphore, #tpu.memory_space<semaphore_mem>>)
      %dma_wait3A = arith.constant 0 : i32
      %dma_wait3A_71 = arith.constant 0 : i32
      %dma_wait3A_72 = tpu.memref_slice %arg2[%dma_wait3A, %dma_wait3A_71] : memref<10000x128xf32, #tpu.memory_space<hbm>> -> memref<10000x128xf32, #tpu.memory_space<hbm>>
      tpu.wait_indirect_dma semaphore(%arg10 : memref<!tpu.dma_semaphore, #tpu.memory_space<semaphore_mem>>) src(%dma_wait3A_72 : memref<10000x128xf32, #tpu.memory_space<hbm>>) dst(%arg9 : memref<128x128xf32, #tpu.memory_space<vmem>>)
      "tpu.region"() ({
        %run_scoped3A = tpu.sem_alloc : memref<!tpu.dma_semaphore, #tpu.memory_space<semaphore_mem>>
        %dma_start3A_73 = arith.constant 0 : i32
        %dma_start3A_74 = arith.constant 0 : i32
        %dma_start3A_75 = tpu.memref_slice %arg11[%dma_start3A_73, %dma_start3A_74] : memref<10008x128xf32, #tpu.memory_space<vmem_shared>> -> memref<10008x128xf32, #tpu.memory_space<vmem_shared>>
        tpu.enqueue_indirect_dma source(%arg9 : memref<128x128xf32, #tpu.memory_space<vmem>>) target(%dma_start3A_75 : memref<10008x128xf32, #tpu.memory_space<vmem_shared>>) offsets(%arg8 : memref<128xi32, #tpu.memory_space<vmem>>) semaphore(%run_scoped3A : memref<!tpu.dma_semaphore, #tpu.memory_space<semaphore_mem>>) {add = true}
        %dma_wait3A_76 = arith.constant 0 : i32
        %dma_wait3A_77 = arith.constant 0 : i32
        %dma_wait3A_78 = tpu.memref_slice %arg11[%dma_wait3A_76, %dma_wait3A_77] : memref<10008x128xf32, #tpu.memory_space<vmem_shared>> -> memref<10008x128xf32, #tpu.memory_space<vmem_shared>>
        tpu.wait_indirect_dma semaphore(%run_scoped3A : memref<!tpu.dma_semaphore, #tpu.memory_space<semaphore_mem>>) src(%arg9 : memref<128x128xf32, #tpu.memory_space<vmem>>) dst(%dma_wait3A_78 : memref<10008x128xf32, #tpu.memory_space<vmem_shared>>)
        tpu.yield
      }) : () -> ()
    }
    %scan3A_35 = arith.constant 80 : i32
    %barrier3A_36 = arith.constant 0 : index
    tpu.barrier barrier_id(%barrier3A_36)
    %add3A_37 = arith.constant 0 : i32
    %add3A_38 = arith.addi %mul3A_2, %add3A_37 : i32
    "tpu.region"() ({
      %run_scoped3A = tpu.sem_alloc : memref<!tpu.dma_semaphore, #tpu.memory_space<semaphore_mem>>
      %dma_start3A = arith.constant 0 : i32
      %dma_start3A_68 = arith.constant 0 : i32
      %dma_start3A_69 = tpu.memref_slice %arg9[%dma_start3A, %dma_start3A_68] : memref<128x128xf32, #tpu.memory_space<vmem>> -> memref<48x128xf32, #tpu.memory_space<vmem>>
      %dma_start3A_70 = arith.constant 0 : i32
      %dma_start3A_71 = tpu.memref_slice %arg11[%add3A_38, %dma_start3A_70] : memref<10008x128xf32, #tpu.memory_space<vmem_shared>> -> memref<48x128xf32, #tpu.memory_space<vmem_shared>>
      %dma_start3A_72 = arith.constant 0 : i32
      %dma_start3A_73 = arith.constant 0 : i32
      %dma_start3A_74 = tpu.memref_slice %arg9[%dma_start3A_72, %dma_start3A_73] : memref<128x128xf32, #tpu.memory_space<vmem>> -> memref<48x128xf32, #tpu.memory_space<vmem>>
      %dma_start3A_75 = arith.constant 0 : i32
      %dma_start3A_76 = tpu.memref_slice %arg11[%add3A_38, %dma_start3A_75] : memref<10008x128xf32, #tpu.memory_space<vmem_shared>> -> memref<48x128xf32, #tpu.memory_space<vmem_shared>>
      tpu.enqueue_dma source(%dma_start3A_76 : memref<48x128xf32, #tpu.memory_space<vmem_shared>>) target(%dma_start3A_74 : memref<48x128xf32, #tpu.memory_space<vmem>>) target_semaphore(%run_scoped3A : memref<!tpu.dma_semaphore, #tpu.memory_space<semaphore_mem>>)
      %dma_wait3A = arith.constant 0 : i32
      %dma_wait3A_77 = arith.constant 0 : i32
      %dma_wait3A_78 = tpu.memref_slice %arg9[%dma_wait3A, %dma_wait3A_77] : memref<128x128xf32, #tpu.memory_space<vmem>> -> memref<48x128xf32, #tpu.memory_space<vmem>>
      %dma_wait3A_79 = arith.constant 0 : i32
      %dma_wait3A_80 = tpu.memref_slice %arg11[%add3A_38, %dma_wait3A_79] : memref<10008x128xf32, #tpu.memory_space<vmem_shared>> -> memref<48x128xf32, #tpu.memory_space<vmem_shared>>
      %dma_wait3A_81 = arith.constant 0 : i32
      %dma_wait3A_82 = arith.constant 0 : i32
      %dma_wait3A_83 = tpu.memref_slice %arg9[%dma_wait3A_81, %dma_wait3A_82] : memref<128x128xf32, #tpu.memory_space<vmem>> -> memref<48x128xf32, #tpu.memory_space<vmem>>
      %dma_wait3A_84 = arith.constant 0 : i32
      %dma_wait3A_85 = tpu.memref_slice %arg11[%add3A_38, %dma_wait3A_84] : memref<10008x128xf32, #tpu.memory_space<vmem_shared>> -> memref<48x128xf32, #tpu.memory_space<vmem_shared>>
      tpu.wait_dma2 semaphore(%run_scoped3A : memref<!tpu.dma_semaphore, #tpu.memory_space<semaphore_mem>>) src(%dma_wait3A_85 : memref<48x128xf32, #tpu.memory_space<vmem_shared>>) dst(%dma_wait3A_83 : memref<48x128xf32, #tpu.memory_space<vmem>>)
      tpu.yield
    }) : () -> ()
    "tpu.region"() ({
      %run_scoped3A = tpu.sem_alloc : memref<!tpu.dma_semaphore, #tpu.memory_space<semaphore_mem>>
      %dma_start3A = arith.constant 0 : i32
      %dma_start3A_68 = arith.constant 0 : i32
      %dma_start3A_69 = tpu.memref_slice %arg9[%dma_start3A, %dma_start3A_68] : memref<128x128xf32, #tpu.memory_space<vmem>> -> memref<48x128xf32, #tpu.memory_space<vmem>>
      %dma_start3A_70 = arith.constant 0 : i32
      %dma_start3A_71 = tpu.memref_slice %arg6[%arg0, %add3A_38, %dma_start3A_70] : memref<2x10008x128xf32, #tpu.memory_space<hbm>> -> memref<1x48x128xf32, #tpu.memory_space<hbm>>
      %dma_start3A_72 = tpu.memref_squeeze %dma_start3A_71 : memref<1x48x128xf32, #tpu.memory_space<hbm>> -> memref<48x128xf32, #tpu.memory_space<hbm>>
      %dma_start3A_73 = arith.constant 0 : i32
      %dma_start3A_74 = tpu.memref_slice %arg6[%arg0, %add3A_38, %dma_start3A_73] : memref<2x10008x128xf32, #tpu.memory_space<hbm>> -> memref<1x48x128xf32, #tpu.memory_space<hbm>>
      %dma_start3A_75 = tpu.memref_squeeze %dma_start3A_74 : memref<1x48x128xf32, #tpu.memory_space<hbm>> -> memref<48x128xf32, #tpu.memory_space<hbm>>
      %dma_start3A_76 = arith.constant 0 : i32
      %dma_start3A_77 = arith.constant 0 : i32
      %dma_start3A_78 = tpu.memref_slice %arg9[%dma_start3A_76, %dma_start3A_77] : memref<128x128xf32, #tpu.memory_space<vmem>> -> memref<48x128xf32, #tpu.memory_space<vmem>>
      tpu.enqueue_dma source(%dma_start3A_78 : memref<48x128xf32, #tpu.memory_space<vmem>>) target(%dma_start3A_75 : memref<48x128xf32, #tpu.memory_space<hbm>>) target_semaphore(%run_scoped3A : memref<!tpu.dma_semaphore, #tpu.memory_space<semaphore_mem>>)
      %dma_wait3A = arith.constant 0 : i32
      %dma_wait3A_79 = arith.constant 0 : i32
      %dma_wait3A_80 = tpu.memref_slice %arg9[%dma_wait3A, %dma_wait3A_79] : memref<128x128xf32, #tpu.memory_space<vmem>> -> memref<48x128xf32, #tpu.memory_space<vmem>>
      %dma_wait3A_81 = arith.constant 0 : i32
      %dma_wait3A_82 = tpu.memref_slice %arg6[%arg0, %add3A_38, %dma_wait3A_81] : memref<2x10008x128xf32, #tpu.memory_space<hbm>> -> memref<1x48x128xf32, #tpu.memory_space<hbm>>
      %dma_wait3A_83 = tpu.memref_squeeze %dma_wait3A_82 : memref<1x48x128xf32, #tpu.memory_space<hbm>> -> memref<48x128xf32, #tpu.memory_space<hbm>>
      %dma_wait3A_84 = arith.constant 0 : i32
      %dma_wait3A_85 = tpu.memref_slice %arg6[%arg0, %add3A_38, %dma_wait3A_84] : memref<2x10008x128xf32, #tpu.memory_space<hbm>> -> memref<1x48x128xf32, #tpu.memory_space<hbm>>
      %dma_wait3A_86 = tpu.memref_squeeze %dma_wait3A_85 : memref<1x48x128xf32, #tpu.memory_space<hbm>> -> memref<48x128xf32, #tpu.memory_space<hbm>>
      %dma_wait3A_87 = arith.constant 0 : i32
      %dma_wait3A_88 = arith.constant 0 : i32
      %dma_wait3A_89 = tpu.memref_slice %arg9[%dma_wait3A_87, %dma_wait3A_88] : memref<128x128xf32, #tpu.memory_space<vmem>> -> memref<48x128xf32, #tpu.memory_space<vmem>>
      tpu.wait_dma2 semaphore(%run_scoped3A : memref<!tpu.dma_semaphore, #tpu.memory_space<semaphore_mem>>) src(%dma_wait3A_89 : memref<48x128xf32, #tpu.memory_space<vmem>>) dst(%dma_wait3A_86 : memref<48x128xf32, #tpu.memory_space<hbm>>)
      tpu.yield
    }) : () -> ()
    %add3A_39 = arith.constant 48 : i32
    %add3A_40 = arith.addi %mul3A_2, %add3A_39 : i32
    "tpu.region"() ({
      %run_scoped3A = tpu.sem_alloc : memref<!tpu.dma_semaphore, #tpu.memory_space<semaphore_mem>>
      %dma_start3A = arith.constant 0 : i32
      %dma_start3A_68 = arith.constant 0 : i32
      %dma_start3A_69 = tpu.memref_slice %arg9[%dma_start3A, %dma_start3A_68] : memref<128x128xf32, #tpu.memory_space<vmem>> -> memref<48x128xf32, #tpu.memory_space<vmem>>
      %dma_start3A_70 = arith.constant 0 : i32
      %dma_start3A_71 = tpu.memref_slice %arg11[%add3A_40, %dma_start3A_70] : memref<10008x128xf32, #tpu.memory_space<vmem_shared>> -> memref<48x128xf32, #tpu.memory_space<vmem_shared>>
      %dma_start3A_72 = arith.constant 0 : i32
      %dma_start3A_73 = arith.constant 0 : i32
      %dma_start3A_74 = tpu.memref_slice %arg9[%dma_start3A_72, %dma_start3A_73] : memref<128x128xf32, #tpu.memory_space<vmem>> -> memref<48x128xf32, #tpu.memory_space<vmem>>
      %dma_start3A_75 = arith.constant 0 : i32
      %dma_start3A_76 = tpu.memref_slice %arg11[%add3A_40, %dma_start3A_75] : memref<10008x128xf32, #tpu.memory_space<vmem_shared>> -> memref<48x128xf32, #tpu.memory_space<vmem_shared>>
      tpu.enqueue_dma source(%dma_start3A_76 : memref<48x128xf32, #tpu.memory_space<vmem_shared>>) target(%dma_start3A_74 : memref<48x128xf32, #tpu.memory_space<vmem>>) target_semaphore(%run_scoped3A : memref<!tpu.dma_semaphore, #tpu.memory_space<semaphore_mem>>)
      %dma_wait3A = arith.constant 0 : i32
      %dma_wait3A_77 = arith.constant 0 : i32
      %dma_wait3A_78 = tpu.memref_slice %arg9[%dma_wait3A, %dma_wait3A_77] : memref<128x128xf32, #tpu.memory_space<vmem>> -> memref<48x128xf32, #tpu.memory_space<vmem>>
      %dma_wait3A_79 = arith.constant 0 : i32
      %dma_wait3A_80 = tpu.memref_slice %arg11[%add3A_40, %dma_wait3A_79] : memref<10008x128xf32, #tpu.memory_space<vmem_shared>> -> memref<48x128xf32, #tpu.memory_space<vmem_shared>>
      %dma_wait3A_81 = arith.constant 0 : i32
      %dma_wait3A_82 = arith.constant 0 : i32
      %dma_wait3A_83 = tpu.memref_slice %arg9[%dma_wait3A_81, %dma_wait3A_82] : memref<128x128xf32, #tpu.memory_space<vmem>> -> memref<48x128xf32, #tpu.memory_space<vmem>>
      %dma_wait3A_84 = arith.constant 0 : i32
      %dma_wait3A_85 = tpu.memref_slice %arg11[%add3A_40, %dma_wait3A_84] : memref<10008x128xf32, #tpu.memory_space<vmem_shared>> -> memref<48x128xf32, #tpu.memory_space<vmem_shared>>
      tpu.wait_dma2 semaphore(%run_scoped3A : memref<!tpu.dma_semaphore, #tpu.memory_space<semaphore_mem>>) src(%dma_wait3A_85 : memref<48x128xf32, #tpu.memory_space<vmem_shared>>) dst(%dma_wait3A_83 : memref<48x128xf32, #tpu.memory_space<vmem>>)
      tpu.yield
    }) : () -> ()
    "tpu.region"() ({
      %run_scoped3A = tpu.sem_alloc : memref<!tpu.dma_semaphore, #tpu.memory_space<semaphore_mem>>
      %dma_start3A = arith.constant 0 : i32
      %dma_start3A_68 = arith.constant 0 : i32
      %dma_start3A_69 = tpu.memref_slice %arg9[%dma_start3A, %dma_start3A_68] : memref<128x128xf32, #tpu.memory_space<vmem>> -> memref<48x128xf32, #tpu.memory_space<vmem>>
      %dma_start3A_70 = arith.constant 0 : i32
      %dma_start3A_71 = tpu.memref_slice %arg6[%arg0, %add3A_40, %dma_start3A_70] : memref<2x10008x128xf32, #tpu.memory_space<hbm>> -> memref<1x48x128xf32, #tpu.memory_space<hbm>>
      %dma_start3A_72 = tpu.memref_squeeze %dma_start3A_71 : memref<1x48x128xf32, #tpu.memory_space<hbm>> -> memref<48x128xf32, #tpu.memory_space<hbm>>
      %dma_start3A_73 = arith.constant 0 : i32
      %dma_start3A_74 = tpu.memref_slice %arg6[%arg0, %add3A_40, %dma_start3A_73] : memref<2x10008x128xf32, #tpu.memory_space<hbm>> -> memref<1x48x128xf32, #tpu.memory_space<hbm>>
      %dma_start3A_75 = tpu.memref_squeeze %dma_start3A_74 : memref<1x48x128xf32, #tpu.memory_space<hbm>> -> memref<48x128xf32, #tpu.memory_space<hbm>>
      %dma_start3A_76 = arith.constant 0 : i32
      %dma_start3A_77 = arith.constant 0 : i32
      %dma_start3A_78 = tpu.memref_slice %arg9[%dma_start3A_76, %dma_start3A_77] : memref<128x128xf32, #tpu.memory_space<vmem>> -> memref<48x128xf32, #tpu.memory_space<vmem>>
      tpu.enqueue_dma source(%dma_start3A_78 : memref<48x128xf32, #tpu.memory_space<vmem>>) target(%dma_start3A_75 : memref<48x128xf32, #tpu.memory_space<hbm>>) target_semaphore(%run_scoped3A : memref<!tpu.dma_semaphore, #tpu.memory_space<semaphore_mem>>)
      %dma_wait3A = arith.constant 0 : i32
      %dma_wait3A_79 = arith.constant 0 : i32
      %dma_wait3A_80 = tpu.memref_slice %arg9[%dma_wait3A, %dma_wait3A_79] : memref<128x128xf32, #tpu.memory_space<vmem>> -> memref<48x128xf32, #tpu.memory_space<vmem>>
      %dma_wait3A_81 = arith.constant 0 : i32
      %dma_wait3A_82 = tpu.memref_slice %arg6[%arg0, %add3A_40, %dma_wait3A_81] : memref<2x10008x128xf32, #tpu.memory_space<hbm>> -> memref<1x48x128xf32, #tpu.memory_space<hbm>>
      %dma_wait3A_83 = tpu.memref_squeeze %dma_wait3A_82 : memref<1x48x128xf32, #tpu.memory_space<hbm>> -> memref<48x128xf32, #tpu.memory_space<hbm>>
      %dma_wait3A_84 = arith.constant 0 : i32
      %dma_wait3A_85 = tpu.memref_slice %arg6[%arg0, %add3A_40, %dma_wait3A_84] : memref<2x10008x128xf32, #tpu.memory_space<hbm>> -> memref<1x48x128xf32, #tpu.memory_space<hbm>>
      %dma_wait3A_86 = tpu.memref_squeeze %dma_wait3A_85 : memref<1x48x128xf32, #tpu.memory_space<hbm>> -> memref<48x128xf32, #tpu.memory_space<hbm>>
      %dma_wait3A_87 = arith.constant 0 : i32
      %dma_wait3A_88 = arith.constant 0 : i32
      %dma_wait3A_89 = tpu.memref_slice %arg9[%dma_wait3A_87, %dma_wait3A_88] : memref<128x128xf32, #tpu.memory_space<vmem>> -> memref<48x128xf32, #tpu.memory_space<vmem>>
      tpu.wait_dma2 semaphore(%run_scoped3A : memref<!tpu.dma_semaphore, #tpu.memory_space<semaphore_mem>>) src(%dma_wait3A_89 : memref<48x128xf32, #tpu.memory_space<vmem>>) dst(%dma_wait3A_86 : memref<48x128xf32, #tpu.memory_space<hbm>>)
      tpu.yield
    }) : () -> ()
    %add3A_41 = arith.constant 96 : i32
    %add3A_42 = arith.addi %mul3A_2, %add3A_41 : i32
    "tpu.region"() ({
      %run_scoped3A = tpu.sem_alloc : memref<!tpu.dma_semaphore, #tpu.memory_space<semaphore_mem>>
      %dma_start3A = arith.constant 0 : i32
      %dma_start3A_68 = arith.constant 0 : i32
      %dma_start3A_69 = tpu.memref_slice %arg9[%dma_start3A, %dma_start3A_68] : memref<128x128xf32, #tpu.memory_space<vmem>> -> memref<48x128xf32, #tpu.memory_space<vmem>>
      %dma_start3A_70 = arith.constant 0 : i32
      %dma_start3A_71 = tpu.memref_slice %arg11[%add3A_42, %dma_start3A_70] : memref<10008x128xf32, #tpu.memory_space<vmem_shared>> -> memref<48x128xf32, #tpu.memory_space<vmem_shared>>
      %dma_start3A_72 = arith.constant 0 : i32
      %dma_start3A_73 = arith.constant 0 : i32
      %dma_start3A_74 = tpu.memref_slice %arg9[%dma_start3A_72, %dma_start3A_73] : memref<128x128xf32, #tpu.memory_space<vmem>> -> memref<48x128xf32, #tpu.memory_space<vmem>>
      %dma_start3A_75 = arith.constant 0 : i32
      %dma_start3A_76 = tpu.memref_slice %arg11[%add3A_42, %dma_start3A_75] : memref<10008x128xf32, #tpu.memory_space<vmem_shared>> -> memref<48x128xf32, #tpu.memory_space<vmem_shared>>
      tpu.enqueue_dma source(%dma_start3A_76 : memref<48x128xf32, #tpu.memory_space<vmem_shared>>) target(%dma_start3A_74 : memref<48x128xf32, #tpu.memory_space<vmem>>) target_semaphore(%run_scoped3A : memref<!tpu.dma_semaphore, #tpu.memory_space<semaphore_mem>>)
      %dma_wait3A = arith.constant 0 : i32
      %dma_wait3A_77 = arith.constant 0 : i32
      %dma_wait3A_78 = tpu.memref_slice %arg9[%dma_wait3A, %dma_wait3A_77] : memref<128x128xf32, #tpu.memory_space<vmem>> -> memref<48x128xf32, #tpu.memory_space<vmem>>
      %dma_wait3A_79 = arith.constant 0 : i32
      %dma_wait3A_80 = tpu.memref_slice %arg11[%add3A_42, %dma_wait3A_79] : memref<10008x128xf32, #tpu.memory_space<vmem_shared>> -> memref<48x128xf32, #tpu.memory_space<vmem_shared>>
      %dma_wait3A_81 = arith.constant 0 : i32
      %dma_wait3A_82 = arith.constant 0 : i32
      %dma_wait3A_83 = tpu.memref_slice %arg9[%dma_wait3A_81, %dma_wait3A_82] : memref<128x128xf32, #tpu.memory_space<vmem>> -> memref<48x128xf32, #tpu.memory_space<vmem>>
      %dma_wait3A_84 = arith.constant 0 : i32
      %dma_wait3A_85 = tpu.memref_slice %arg11[%add3A_42, %dma_wait3A_84] : memref<10008x128xf32, #tpu.memory_space<vmem_shared>> -> memref<48x128xf32, #tpu.memory_space<vmem_shared>>
      tpu.wait_dma2 semaphore(%run_scoped3A : memref<!tpu.dma_semaphore, #tpu.memory_space<semaphore_mem>>) src(%dma_wait3A_85 : memref<48x128xf32, #tpu.memory_space<vmem_shared>>) dst(%dma_wait3A_83 : memref<48x128xf32, #tpu.memory_space<vmem>>)
      tpu.yield
    }) : () -> ()
    "tpu.region"() ({
      %run_scoped3A = tpu.sem_alloc : memref<!tpu.dma_semaphore, #tpu.memory_space<semaphore_mem>>
      %dma_start3A = arith.constant 0 : i32
      %dma_start3A_68 = arith.constant 0 : i32
      %dma_start3A_69 = tpu.memref_slice %arg9[%dma_start3A, %dma_start3A_68] : memref<128x128xf32, #tpu.memory_space<vmem>> -> memref<48x128xf32, #tpu.memory_space<vmem>>
      %dma_start3A_70 = arith.constant 0 : i32
      %dma_start3A_71 = tpu.memref_slice %arg6[%arg0, %add3A_42, %dma_start3A_70] : memref<2x10008x128xf32, #tpu.memory_space<hbm>> -> memref<1x48x128xf32, #tpu.memory_space<hbm>>
      %dma_start3A_72 = tpu.memref_squeeze %dma_start3A_71 : memref<1x48x128xf32, #tpu.memory_space<hbm>> -> memref<48x128xf32, #tpu.memory_space<hbm>>
      %dma_start3A_73 = arith.constant 0 : i32
      %dma_start3A_74 = tpu.memref_slice %arg6[%arg0, %add3A_42, %dma_start3A_73] : memref<2x10008x128xf32, #tpu.memory_space<hbm>> -> memref<1x48x128xf32, #tpu.memory_space<hbm>>
      %dma_start3A_75 = tpu.memref_squeeze %dma_start3A_74 : memref<1x48x128xf32, #tpu.memory_space<hbm>> -> memref<48x128xf32, #tpu.memory_space<hbm>>
      %dma_start3A_76 = arith.constant 0 : i32
      %dma_start3A_77 = arith.constant 0 : i32
      %dma_start3A_78 = tpu.memref_slice %arg9[%dma_start3A_76, %dma_start3A_77] : memref<128x128xf32, #tpu.memory_space<vmem>> -> memref<48x128xf32, #tpu.memory_space<vmem>>
      tpu.enqueue_dma source(%dma_start3A_78 : memref<48x128xf32, #tpu.memory_space<vmem>>) target(%dma_start3A_75 : memref<48x128xf32, #tpu.memory_space<hbm>>) target_semaphore(%run_scoped3A : memref<!tpu.dma_semaphore, #tpu.memory_space<semaphore_mem>>)
      %dma_wait3A = arith.constant 0 : i32
      %dma_wait3A_79 = arith.constant 0 : i32
      %dma_wait3A_80 = tpu.memref_slice %arg9[%dma_wait3A, %dma_wait3A_79] : memref<128x128xf32, #tpu.memory_space<vmem>> -> memref<48x128xf32, #tpu.memory_space<vmem>>
      %dma_wait3A_81 = arith.constant 0 : i32
      %dma_wait3A_82 = tpu.memref_slice %arg6[%arg0, %add3A_42, %dma_wait3A_81] : memref<2x10008x128xf32, #tpu.memory_space<hbm>> -> memref<1x48x128xf32, #tpu.memory_space<hbm>>
      %dma_wait3A_83 = tpu.memref_squeeze %dma_wait3A_82 : memref<1x48x128xf32, #tpu.memory_space<hbm>> -> memref<48x128xf32, #tpu.memory_space<hbm>>
      %dma_wait3A_84 = arith.constant 0 : i32
      %dma_wait3A_85 = tpu.memref_slice %arg6[%arg0, %add3A_42, %dma_wait3A_84] : memref<2x10008x128xf32, #tpu.memory_space<hbm>> -> memref<1x48x128xf32, #tpu.memory_space<hbm>>
      %dma_wait3A_86 = tpu.memref_squeeze %dma_wait3A_85 : memref<1x48x128xf32, #tpu.memory_space<hbm>> -> memref<48x128xf32, #tpu.memory_space<hbm>>
      %dma_wait3A_87 = arith.constant 0 : i32
      %dma_wait3A_88 = arith.constant 0 : i32
      %dma_wait3A_89 = tpu.memref_slice %arg9[%dma_wait3A_87, %dma_wait3A_88] : memref<128x128xf32, #tpu.memory_space<vmem>> -> memref<48x128xf32, #tpu.memory_space<vmem>>
      tpu.wait_dma2 semaphore(%run_scoped3A : memref<!tpu.dma_semaphore, #tpu.memory_space<semaphore_mem>>) src(%dma_wait3A_89 : memref<48x128xf32, #tpu.memory_space<vmem>>) dst(%dma_wait3A_86 : memref<48x128xf32, #tpu.memory_space<hbm>>)
      tpu.yield
    }) : () -> ()
    %add3A_43 = arith.constant 144 : i32
    %add3A_44 = arith.addi %mul3A_2, %add3A_43 : i32
    "tpu.region"() ({
      %run_scoped3A = tpu.sem_alloc : memref<!tpu.dma_semaphore, #tpu.memory_space<semaphore_mem>>
      %dma_start3A = arith.constant 0 : i32
      %dma_start3A_68 = arith.constant 0 : i32
      %dma_start3A_69 = tpu.memref_slice %arg9[%dma_start3A, %dma_start3A_68] : memref<128x128xf32, #tpu.memory_space<vmem>> -> memref<48x128xf32, #tpu.memory_space<vmem>>
      %dma_start3A_70 = arith.constant 0 : i32
      %dma_start3A_71 = tpu.memref_slice %arg11[%add3A_44, %dma_start3A_70] : memref<10008x128xf32, #tpu.memory_space<vmem_shared>> -> memref<48x128xf32, #tpu.memory_space<vmem_shared>>
      %dma_start3A_72 = arith.constant 0 : i32
      %dma_start3A_73 = arith.constant 0 : i32
      %dma_start3A_74 = tpu.memref_slice %arg9[%dma_start3A_72, %dma_start3A_73] : memref<128x128xf32, #tpu.memory_space<vmem>> -> memref<48x128xf32, #tpu.memory_space<vmem>>
      %dma_start3A_75 = arith.constant 0 : i32
      %dma_start3A_76 = tpu.memref_slice %arg11[%add3A_44, %dma_start3A_75] : memref<10008x128xf32, #tpu.memory_space<vmem_shared>> -> memref<48x128xf32, #tpu.memory_space<vmem_shared>>
      tpu.enqueue_dma source(%dma_start3A_76 : memref<48x128xf32, #tpu.memory_space<vmem_shared>>) target(%dma_start3A_74 : memref<48x128xf32, #tpu.memory_space<vmem>>) target_semaphore(%run_scoped3A : memref<!tpu.dma_semaphore, #tpu.memory_space<semaphore_mem>>)
      %dma_wait3A = arith.constant 0 : i32
      %dma_wait3A_77 = arith.constant 0 : i32
      %dma_wait3A_78 = tpu.memref_slice %arg9[%dma_wait3A, %dma_wait3A_77] : memref<128x128xf32, #tpu.memory_space<vmem>> -> memref<48x128xf32, #tpu.memory_space<vmem>>
      %dma_wait3A_79 = arith.constant 0 : i32
      %dma_wait3A_80 = tpu.memref_slice %arg11[%add3A_44, %dma_wait3A_79] : memref<10008x128xf32, #tpu.memory_space<vmem_shared>> -> memref<48x128xf32, #tpu.memory_space<vmem_shared>>
      %dma_wait3A_81 = arith.constant 0 : i32
      %dma_wait3A_82 = arith.constant 0 : i32
      %dma_wait3A_83 = tpu.memref_slice %arg9[%dma_wait3A_81, %dma_wait3A_82] : memref<128x128xf32, #tpu.memory_space<vmem>> -> memref<48x128xf32, #tpu.memory_space<vmem>>
      %dma_wait3A_84 = arith.constant 0 : i32
      %dma_wait3A_85 = tpu.memref_slice %arg11[%add3A_44, %dma_wait3A_84] : memref<10008x128xf32, #tpu.memory_space<vmem_shared>> -> memref<48x128xf32, #tpu.memory_space<vmem_shared>>
      tpu.wait_dma2 semaphore(%run_scoped3A : memref<!tpu.dma_semaphore, #tpu.memory_space<semaphore_mem>>) src(%dma_wait3A_85 : memref<48x128xf32, #tpu.memory_space<vmem_shared>>) dst(%dma_wait3A_83 : memref<48x128xf32, #tpu.memory_space<vmem>>)
      tpu.yield
    }) : () -> ()
    "tpu.region"() ({
      %run_scoped3A = tpu.sem_alloc : memref<!tpu.dma_semaphore, #tpu.memory_space<semaphore_mem>>
      %dma_start3A = arith.constant 0 : i32
      %dma_start3A_68 = arith.constant 0 : i32
      %dma_start3A_69 = tpu.memref_slice %arg9[%dma_start3A, %dma_start3A_68] : memref<128x128xf32, #tpu.memory_space<vmem>> -> memref<48x128xf32, #tpu.memory_space<vmem>>
      %dma_start3A_70 = arith.constant 0 : i32
      %dma_start3A_71 = tpu.memref_slice %arg6[%arg0, %add3A_44, %dma_start3A_70] : memref<2x10008x128xf32, #tpu.memory_space<hbm>> -> memref<1x48x128xf32, #tpu.memory_space<hbm>>
      %dma_start3A_72 = tpu.memref_squeeze %dma_start3A_71 : memref<1x48x128xf32, #tpu.memory_space<hbm>> -> memref<48x128xf32, #tpu.memory_space<hbm>>
      %dma_start3A_73 = arith.constant 0 : i32
      %dma_start3A_74 = tpu.memref_slice %arg6[%arg0, %add3A_44, %dma_start3A_73] : memref<2x10008x128xf32, #tpu.memory_space<hbm>> -> memref<1x48x128xf32, #tpu.memory_space<hbm>>
      %dma_start3A_75 = tpu.memref_squeeze %dma_start3A_74 : memref<1x48x128xf32, #tpu.memory_space<hbm>> -> memref<48x128xf32, #tpu.memory_space<hbm>>
      %dma_start3A_76 = arith.constant 0 : i32
      %dma_start3A_77 = arith.constant 0 : i32
      %dma_start3A_78 = tpu.memref_slice %arg9[%dma_start3A_76, %dma_start3A_77] : memref<128x128xf32, #tpu.memory_space<vmem>> -> memref<48x128xf32, #tpu.memory_space<vmem>>
      tpu.enqueue_dma source(%dma_start3A_78 : memref<48x128xf32, #tpu.memory_space<vmem>>) target(%dma_start3A_75 : memref<48x128xf32, #tpu.memory_space<hbm>>) target_semaphore(%run_scoped3A : memref<!tpu.dma_semaphore, #tpu.memory_space<semaphore_mem>>)
      %dma_wait3A = arith.constant 0 : i32
      %dma_wait3A_79 = arith.constant 0 : i32
      %dma_wait3A_80 = tpu.memref_slice %arg9[%dma_wait3A, %dma_wait3A_79] : memref<128x128xf32, #tpu.memory_space<vmem>> -> memref<48x128xf32, #tpu.memory_space<vmem>>
      %dma_wait3A_81 = arith.constant 0 : i32
      %dma_wait3A_82 = tpu.memref_slice %arg6[%arg0, %add3A_44, %dma_wait3A_81] : memref<2x10008x128xf32, #tpu.memory_space<hbm>> -> memref<1x48x128xf32, #tpu.memory_space<hbm>>
      %dma_wait3A_83 = tpu.memref_squeeze %dma_wait3A_82 : memref<1x48x128xf32, #tpu.memory_space<hbm>> -> memref<48x128xf32, #tpu.memory_space<hbm>>
      %dma_wait3A_84 = arith.constant 0 : i32
      %dma_wait3A_85 = tpu.memref_slice %arg6[%arg0, %add3A_44, %dma_wait3A_84] : memref<2x10008x128xf32, #tpu.memory_space<hbm>> -> memref<1x48x128xf32, #tpu.memory_space<hbm>>
      %dma_wait3A_86 = tpu.memref_squeeze %dma_wait3A_85 : memref<1x48x128xf32, #tpu.memory_space<hbm>> -> memref<48x128xf32, #tpu.memory_space<hbm>>
      %dma_wait3A_87 = arith.constant 0 : i32
      %dma_wait3A_88 = arith.constant 0 : i32
      %dma_wait3A_89 = tpu.memref_slice %arg9[%dma_wait3A_87, %dma_wait3A_88] : memref<128x128xf32, #tpu.memory_space<vmem>> -> memref<48x128xf32, #tpu.memory_space<vmem>>
      tpu.wait_dma2 semaphore(%run_scoped3A : memref<!tpu.dma_semaphore, #tpu.memory_space<semaphore_mem>>) src(%dma_wait3A_89 : memref<48x128xf32, #tpu.memory_space<vmem>>) dst(%dma_wait3A_86 : memref<48x128xf32, #tpu.memory_space<hbm>>)
      tpu.yield
    }) : () -> ()
    %add3A_45 = arith.constant 192 : i32
    %add3A_46 = arith.addi %mul3A_2, %add3A_45 : i32
    "tpu.region"() ({
      %run_scoped3A = tpu.sem_alloc : memref<!tpu.dma_semaphore, #tpu.memory_space<semaphore_mem>>
      %dma_start3A = arith.constant 0 : i32
      %dma_start3A_68 = arith.constant 0 : i32
      %dma_start3A_69 = tpu.memref_slice %arg9[%dma_start3A, %dma_start3A_68] : memref<128x128xf32, #tpu.memory_space<vmem>> -> memref<48x128xf32, #tpu.memory_space<vmem>>
      %dma_start3A_70 = arith.constant 0 : i32
      %dma_start3A_71 = tpu.memref_slice %arg11[%add3A_46, %dma_start3A_70] : memref<10008x128xf32, #tpu.memory_space<vmem_shared>> -> memref<48x128xf32, #tpu.memory_space<vmem_shared>>
      %dma_start3A_72 = arith.constant 0 : i32
      %dma_start3A_73 = arith.constant 0 : i32
      %dma_start3A_74 = tpu.memref_slice %arg9[%dma_start3A_72, %dma_start3A_73] : memref<128x128xf32, #tpu.memory_space<vmem>> -> memref<48x128xf32, #tpu.memory_space<vmem>>
      %dma_start3A_75 = arith.constant 0 : i32
      %dma_start3A_76 = tpu.memref_slice %arg11[%add3A_46, %dma_start3A_75] : memref<10008x128xf32, #tpu.memory_space<vmem_shared>> -> memref<48x128xf32, #tpu.memory_space<vmem_shared>>
      tpu.enqueue_dma source(%dma_start3A_76 : memref<48x128xf32, #tpu.memory_space<vmem_shared>>) target(%dma_start3A_74 : memref<48x128xf32, #tpu.memory_space<vmem>>) target_semaphore(%run_scoped3A : memref<!tpu.dma_semaphore, #tpu.memory_space<semaphore_mem>>)
      %dma_wait3A = arith.constant 0 : i32
      %dma_wait3A_77 = arith.constant 0 : i32
      %dma_wait3A_78 = tpu.memref_slice %arg9[%dma_wait3A, %dma_wait3A_77] : memref<128x128xf32, #tpu.memory_space<vmem>> -> memref<48x128xf32, #tpu.memory_space<vmem>>
      %dma_wait3A_79 = arith.constant 0 : i32
      %dma_wait3A_80 = tpu.memref_slice %arg11[%add3A_46, %dma_wait3A_79] : memref<10008x128xf32, #tpu.memory_space<vmem_shared>> -> memref<48x128xf32, #tpu.memory_space<vmem_shared>>
      %dma_wait3A_81 = arith.constant 0 : i32
      %dma_wait3A_82 = arith.constant 0 : i32
      %dma_wait3A_83 = tpu.memref_slice %arg9[%dma_wait3A_81, %dma_wait3A_82] : memref<128x128xf32, #tpu.memory_space<vmem>> -> memref<48x128xf32, #tpu.memory_space<vmem>>
      %dma_wait3A_84 = arith.constant 0 : i32
      %dma_wait3A_85 = tpu.memref_slice %arg11[%add3A_46, %dma_wait3A_84] : memref<10008x128xf32, #tpu.memory_space<vmem_shared>> -> memref<48x128xf32, #tpu.memory_space<vmem_shared>>
      tpu.wait_dma2 semaphore(%run_scoped3A : memref<!tpu.dma_semaphore, #tpu.memory_space<semaphore_mem>>) src(%dma_wait3A_85 : memref<48x128xf32, #tpu.memory_space<vmem_shared>>) dst(%dma_wait3A_83 : memref<48x128xf32, #tpu.memory_space<vmem>>)
      tpu.yield
    }) : () -> ()
    "tpu.region"() ({
      %run_scoped3A = tpu.sem_alloc : memref<!tpu.dma_semaphore, #tpu.memory_space<semaphore_mem>>
      %dma_start3A = arith.constant 0 : i32
      %dma_start3A_68 = arith.constant 0 : i32
      %dma_start3A_69 = tpu.memref_slice %arg9[%dma_start3A, %dma_start3A_68] : memref<128x128xf32, #tpu.memory_space<vmem>> -> memref<48x128xf32, #tpu.memory_space<vmem>>
      %dma_start3A_70 = arith.constant 0 : i32
      %dma_start3A_71 = tpu.memref_slice %arg6[%arg0, %add3A_46, %dma_start3A_70] : memref<2x10008x128xf32, #tpu.memory_space<hbm>> -> memref<1x48x128xf32, #tpu.memory_space<hbm>>
      %dma_start3A_72 = tpu.memref_squeeze %dma_start3A_71 : memref<1x48x128xf32, #tpu.memory_space<hbm>> -> memref<48x128xf32, #tpu.memory_space<hbm>>
      %dma_start3A_73 = arith.constant 0 : i32
      %dma_start3A_74 = tpu.memref_slice %arg6[%arg0, %add3A_46, %dma_start3A_73] : memref<2x10008x128xf32, #tpu.memory_space<hbm>> -> memref<1x48x128xf32, #tpu.memory_space<hbm>>
      %dma_start3A_75 = tpu.memref_squeeze %dma_start3A_74 : memref<1x48x128xf32, #tpu.memory_space<hbm>> -> memref<48x128xf32, #tpu.memory_space<hbm>>
      %dma_start3A_76 = arith.constant 0 : i32
      %dma_start3A_77 = arith.constant 0 : i32
      %dma_start3A_78 = tpu.memref_slice %arg9[%dma_start3A_76, %dma_start3A_77] : memref<128x128xf32, #tpu.memory_space<vmem>> -> memref<48x128xf32, #tpu.memory_space<vmem>>
      tpu.enqueue_dma source(%dma_start3A_78 : memref<48x128xf32, #tpu.memory_space<vmem>>) target(%dma_start3A_75 : memref<48x128xf32, #tpu.memory_space<hbm>>) target_semaphore(%run_scoped3A : memref<!tpu.dma_semaphore, #tpu.memory_space<semaphore_mem>>)
      %dma_wait3A = arith.constant 0 : i32
      %dma_wait3A_79 = arith.constant 0 : i32
      %dma_wait3A_80 = tpu.memref_slice %arg9[%dma_wait3A, %dma_wait3A_79] : memref<128x128xf32, #tpu.memory_space<vmem>> -> memref<48x128xf32, #tpu.memory_space<vmem>>
      %dma_wait3A_81 = arith.constant 0 : i32
      %dma_wait3A_82 = tpu.memref_slice %arg6[%arg0, %add3A_46, %dma_wait3A_81] : memref<2x10008x128xf32, #tpu.memory_space<hbm>> -> memref<1x48x128xf32, #tpu.memory_space<hbm>>
      %dma_wait3A_83 = tpu.memref_squeeze %dma_wait3A_82 : memref<1x48x128xf32, #tpu.memory_space<hbm>> -> memref<48x128xf32, #tpu.memory_space<hbm>>
      %dma_wait3A_84 = arith.constant 0 : i32
      %dma_wait3A_85 = tpu.memref_slice %arg6[%arg0, %add3A_46, %dma_wait3A_84] : memref<2x10008x128xf32, #tpu.memory_space<hbm>> -> memref<1x48x128xf32, #tpu.memory_space<hbm>>
      %dma_wait3A_86 = tpu.memref_squeeze %dma_wait3A_85 : memref<1x48x128xf32, #tpu.memory_space<hbm>> -> memref<48x128xf32, #tpu.memory_space<hbm>>
      %dma_wait3A_87 = arith.constant 0 : i32
      %dma_wait3A_88 = arith.constant 0 : i32
      %dma_wait3A_89 = tpu.memref_slice %arg9[%dma_wait3A_87, %dma_wait3A_88] : memref<128x128xf32, #tpu.memory_space<vmem>> -> memref<48x128xf32, #tpu.memory_space<vmem>>
      tpu.wait_dma2 semaphore(%run_scoped3A : memref<!tpu.dma_semaphore, #tpu.memory_space<semaphore_mem>>) src(%dma_wait3A_89 : memref<48x128xf32, #tpu.memory_space<vmem>>) dst(%dma_wait3A_86 : memref<48x128xf32, #tpu.memory_space<hbm>>)
      tpu.yield
    }) : () -> ()
    %add3A_47 = arith.constant 240 : i32
    %add3A_48 = arith.addi %mul3A_2, %add3A_47 : i32
    "tpu.region"() ({
      %run_scoped3A = tpu.sem_alloc : memref<!tpu.dma_semaphore, #tpu.memory_space<semaphore_mem>>
      %dma_start3A = arith.constant 0 : i32
      %dma_start3A_68 = arith.constant 0 : i32
      %dma_start3A_69 = tpu.memref_slice %arg9[%dma_start3A, %dma_start3A_68] : memref<128x128xf32, #tpu.memory_space<vmem>> -> memref<48x128xf32, #tpu.memory_space<vmem>>
      %dma_start3A_70 = arith.constant 0 : i32
      %dma_start3A_71 = tpu.memref_slice %arg11[%add3A_48, %dma_start3A_70] : memref<10008x128xf32, #tpu.memory_space<vmem_shared>> -> memref<48x128xf32, #tpu.memory_space<vmem_shared>>
      %dma_start3A_72 = arith.constant 0 : i32
      %dma_start3A_73 = arith.constant 0 : i32
      %dma_start3A_74 = tpu.memref_slice %arg9[%dma_start3A_72, %dma_start3A_73] : memref<128x128xf32, #tpu.memory_space<vmem>> -> memref<48x128xf32, #tpu.memory_space<vmem>>
      %dma_start3A_75 = arith.constant 0 : i32
      %dma_start3A_76 = tpu.memref_slice %arg11[%add3A_48, %dma_start3A_75] : memref<10008x128xf32, #tpu.memory_space<vmem_shared>> -> memref<48x128xf32, #tpu.memory_space<vmem_shared>>
      tpu.enqueue_dma source(%dma_start3A_76 : memref<48x128xf32, #tpu.memory_space<vmem_shared>>) target(%dma_start3A_74 : memref<48x128xf32, #tpu.memory_space<vmem>>) target_semaphore(%run_scoped3A : memref<!tpu.dma_semaphore, #tpu.memory_space<semaphore_mem>>)
      %dma_wait3A = arith.constant 0 : i32
      %dma_wait3A_77 = arith.constant 0 : i32
      %dma_wait3A_78 = tpu.memref_slice %arg9[%dma_wait3A, %dma_wait3A_77] : memref<128x128xf32, #tpu.memory_space<vmem>> -> memref<48x128xf32, #tpu.memory_space<vmem>>
      %dma_wait3A_79 = arith.constant 0 : i32
      %dma_wait3A_80 = tpu.memref_slice %arg11[%add3A_48, %dma_wait3A_79] : memref<10008x128xf32, #tpu.memory_space<vmem_shared>> -> memref<48x128xf32, #tpu.memory_space<vmem_shared>>
      %dma_wait3A_81 = arith.constant 0 : i32
      %dma_wait3A_82 = arith.constant 0 : i32
      %dma_wait3A_83 = tpu.memref_slice %arg9[%dma_wait3A_81, %dma_wait3A_82] : memref<128x128xf32, #tpu.memory_space<vmem>> -> memref<48x128xf32, #tpu.memory_space<vmem>>
      %dma_wait3A_84 = arith.constant 0 : i32
      %dma_wait3A_85 = tpu.memref_slice %arg11[%add3A_48, %dma_wait3A_84] : memref<10008x128xf32, #tpu.memory_space<vmem_shared>> -> memref<48x128xf32, #tpu.memory_space<vmem_shared>>
      tpu.wait_dma2 semaphore(%run_scoped3A : memref<!tpu.dma_semaphore, #tpu.memory_space<semaphore_mem>>) src(%dma_wait3A_85 : memref<48x128xf32, #tpu.memory_space<vmem_shared>>) dst(%dma_wait3A_83 : memref<48x128xf32, #tpu.memory_space<vmem>>)
      tpu.yield
    }) : () -> ()
    "tpu.region"() ({
      %run_scoped3A = tpu.sem_alloc : memref<!tpu.dma_semaphore, #tpu.memory_space<semaphore_mem>>
      %dma_start3A = arith.constant 0 : i32
      %dma_start3A_68 = arith.constant 0 : i32
      %dma_start3A_69 = tpu.memref_slice %arg9[%dma_start3A, %dma_start3A_68] : memref<128x128xf32, #tpu.memory_space<vmem>> -> memref<48x128xf32, #tpu.memory_space<vmem>>
      %dma_start3A_70 = arith.constant 0 : i32
      %dma_start3A_71 = tpu.memref_slice %arg6[%arg0, %add3A_48, %dma_start3A_70] : memref<2x10008x128xf32, #tpu.memory_space<hbm>> -> memref<1x48x128xf32, #tpu.memory_space<hbm>>
      %dma_start3A_72 = tpu.memref_squeeze %dma_start3A_71 : memref<1x48x128xf32, #tpu.memory_space<hbm>> -> memref<48x128xf32, #tpu.memory_space<hbm>>
      %dma_start3A_73 = arith.constant 0 : i32
      %dma_start3A_74 = tpu.memref_slice %arg6[%arg0, %add3A_48, %dma_start3A_73] : memref<2x10008x128xf32, #tpu.memory_space<hbm>> -> memref<1x48x128xf32, #tpu.memory_space<hbm>>
      %dma_start3A_75 = tpu.memref_squeeze %dma_start3A_74 : memref<1x48x128xf32, #tpu.memory_space<hbm>> -> memref<48x128xf32, #tpu.memory_space<hbm>>
      %dma_start3A_76 = arith.constant 0 : i32
      %dma_start3A_77 = arith.constant 0 : i32
      %dma_start3A_78 = tpu.memref_slice %arg9[%dma_start3A_76, %dma_start3A_77] : memref<128x128xf32, #tpu.memory_space<vmem>> -> memref<48x128xf32, #tpu.memory_space<vmem>>
      tpu.enqueue_dma source(%dma_start3A_78 : memref<48x128xf32, #tpu.memory_space<vmem>>) target(%dma_start3A_75 : memref<48x128xf32, #tpu.memory_space<hbm>>) target_semaphore(%run_scoped3A : memref<!tpu.dma_semaphore, #tpu.memory_space<semaphore_mem>>)
      %dma_wait3A = arith.constant 0 : i32
      %dma_wait3A_79 = arith.constant 0 : i32
      %dma_wait3A_80 = tpu.memref_slice %arg9[%dma_wait3A, %dma_wait3A_79] : memref<128x128xf32, #tpu.memory_space<vmem>> -> memref<48x128xf32, #tpu.memory_space<vmem>>
      %dma_wait3A_81 = arith.constant 0 : i32
      %dma_wait3A_82 = tpu.memref_slice %arg6[%arg0, %add3A_48, %dma_wait3A_81] : memref<2x10008x128xf32, #tpu.memory_space<hbm>> -> memref<1x48x128xf32, #tpu.memory_space<hbm>>
      %dma_wait3A_83 = tpu.memref_squeeze %dma_wait3A_82 : memref<1x48x128xf32, #tpu.memory_space<hbm>> -> memref<48x128xf32, #tpu.memory_space<hbm>>
      %dma_wait3A_84 = arith.constant 0 : i32
      %dma_wait3A_85 = tpu.memref_slice %arg6[%arg0, %add3A_48, %dma_wait3A_84] : memref<2x10008x128xf32, #tpu.memory_space<hbm>> -> memref<1x48x128xf32, #tpu.memory_space<hbm>>
      %dma_wait3A_86 = tpu.memref_squeeze %dma_wait3A_85 : memref<1x48x128xf32, #tpu.memory_space<hbm>> -> memref<48x128xf32, #tpu.memory_space<hbm>>
      %dma_wait3A_87 = arith.constant 0 : i32
      %dma_wait3A_88 = arith.constant 0 : i32
      %dma_wait3A_89 = tpu.memref_slice %arg9[%dma_wait3A_87, %dma_wait3A_88] : memref<128x128xf32, #tpu.memory_space<vmem>> -> memref<48x128xf32, #tpu.memory_space<vmem>>
      tpu.wait_dma2 semaphore(%run_scoped3A : memref<!tpu.dma_semaphore, #tpu.memory_space<semaphore_mem>>) src(%dma_wait3A_89 : memref<48x128xf32, #tpu.memory_space<vmem>>) dst(%dma_wait3A_86 : memref<48x128xf32, #tpu.memory_space<hbm>>)
      tpu.yield
    }) : () -> ()
    %add3A_49 = arith.constant 288 : i32
    %add3A_50 = arith.addi %mul3A_2, %add3A_49 : i32
    "tpu.region"() ({
      %run_scoped3A = tpu.sem_alloc : memref<!tpu.dma_semaphore, #tpu.memory_space<semaphore_mem>>
      %dma_start3A = arith.constant 0 : i32
      %dma_start3A_68 = arith.constant 0 : i32
      %dma_start3A_69 = tpu.memref_slice %arg9[%dma_start3A, %dma_start3A_68] : memref<128x128xf32, #tpu.memory_space<vmem>> -> memref<48x128xf32, #tpu.memory_space<vmem>>
      %dma_start3A_70 = arith.constant 0 : i32
      %dma_start3A_71 = tpu.memref_slice %arg11[%add3A_50, %dma_start3A_70] : memref<10008x128xf32, #tpu.memory_space<vmem_shared>> -> memref<48x128xf32, #tpu.memory_space<vmem_shared>>
      %dma_start3A_72 = arith.constant 0 : i32
      %dma_start3A_73 = arith.constant 0 : i32
      %dma_start3A_74 = tpu.memref_slice %arg9[%dma_start3A_72, %dma_start3A_73] : memref<128x128xf32, #tpu.memory_space<vmem>> -> memref<48x128xf32, #tpu.memory_space<vmem>>
      %dma_start3A_75 = arith.constant 0 : i32
      %dma_start3A_76 = tpu.memref_slice %arg11[%add3A_50, %dma_start3A_75] : memref<10008x128xf32, #tpu.memory_space<vmem_shared>> -> memref<48x128xf32, #tpu.memory_space<vmem_shared>>
      tpu.enqueue_dma source(%dma_start3A_76 : memref<48x128xf32, #tpu.memory_space<vmem_shared>>) target(%dma_start3A_74 : memref<48x128xf32, #tpu.memory_space<vmem>>) target_semaphore(%run_scoped3A : memref<!tpu.dma_semaphore, #tpu.memory_space<semaphore_mem>>)
      %dma_wait3A = arith.constant 0 : i32
      %dma_wait3A_77 = arith.constant 0 : i32
      %dma_wait3A_78 = tpu.memref_slice %arg9[%dma_wait3A, %dma_wait3A_77] : memref<128x128xf32, #tpu.memory_space<vmem>> -> memref<48x128xf32, #tpu.memory_space<vmem>>
      %dma_wait3A_79 = arith.constant 0 : i32
      %dma_wait3A_80 = tpu.memref_slice %arg11[%add3A_50, %dma_wait3A_79] : memref<10008x128xf32, #tpu.memory_space<vmem_shared>> -> memref<48x128xf32, #tpu.memory_space<vmem_shared>>
      %dma_wait3A_81 = arith.constant 0 : i32
      %dma_wait3A_82 = arith.constant 0 : i32
      %dma_wait3A_83 = tpu.memref_slice %arg9[%dma_wait3A_81, %dma_wait3A_82] : memref<128x128xf32, #tpu.memory_space<vmem>> -> memref<48x128xf32, #tpu.memory_space<vmem>>
      %dma_wait3A_84 = arith.constant 0 : i32
      %dma_wait3A_85 = tpu.memref_slice %arg11[%add3A_50, %dma_wait3A_84] : memref<10008x128xf32, #tpu.memory_space<vmem_shared>> -> memref<48x128xf32, #tpu.memory_space<vmem_shared>>
      tpu.wait_dma2 semaphore(%run_scoped3A : memref<!tpu.dma_semaphore, #tpu.memory_space<semaphore_mem>>) src(%dma_wait3A_85 : memref<48x128xf32, #tpu.memory_space<vmem_shared>>) dst(%dma_wait3A_83 : memref<48x128xf32, #tpu.memory_space<vmem>>)
      tpu.yield
    }) : () -> ()
    "tpu.region"() ({
      %run_scoped3A = tpu.sem_alloc : memref<!tpu.dma_semaphore, #tpu.memory_space<semaphore_mem>>
      %dma_start3A = arith.constant 0 : i32
      %dma_start3A_68 = arith.constant 0 : i32
      %dma_start3A_69 = tpu.memref_slice %arg9[%dma_start3A, %dma_start3A_68] : memref<128x128xf32, #tpu.memory_space<vmem>> -> memref<48x128xf32, #tpu.memory_space<vmem>>
      %dma_start3A_70 = arith.constant 0 : i32
      %dma_start3A_71 = tpu.memref_slice %arg6[%arg0, %add3A_50, %dma_start3A_70] : memref<2x10008x128xf32, #tpu.memory_space<hbm>> -> memref<1x48x128xf32, #tpu.memory_space<hbm>>
      %dma_start3A_72 = tpu.memref_squeeze %dma_start3A_71 : memref<1x48x128xf32, #tpu.memory_space<hbm>> -> memref<48x128xf32, #tpu.memory_space<hbm>>
      %dma_start3A_73 = arith.constant 0 : i32
      %dma_start3A_74 = tpu.memref_slice %arg6[%arg0, %add3A_50, %dma_start3A_73] : memref<2x10008x128xf32, #tpu.memory_space<hbm>> -> memref<1x48x128xf32, #tpu.memory_space<hbm>>
      %dma_start3A_75 = tpu.memref_squeeze %dma_start3A_74 : memref<1x48x128xf32, #tpu.memory_space<hbm>> -> memref<48x128xf32, #tpu.memory_space<hbm>>
      %dma_start3A_76 = arith.constant 0 : i32
      %dma_start3A_77 = arith.constant 0 : i32
      %dma_start3A_78 = tpu.memref_slice %arg9[%dma_start3A_76, %dma_start3A_77] : memref<128x128xf32, #tpu.memory_space<vmem>> -> memref<48x128xf32, #tpu.memory_space<vmem>>
      tpu.enqueue_dma source(%dma_start3A_78 : memref<48x128xf32, #tpu.memory_space<vmem>>) target(%dma_start3A_75 : memref<48x128xf32, #tpu.memory_space<hbm>>) target_semaphore(%run_scoped3A : memref<!tpu.dma_semaphore, #tpu.memory_space<semaphore_mem>>)
      %dma_wait3A = arith.constant 0 : i32
      %dma_wait3A_79 = arith.constant 0 : i32
      %dma_wait3A_80 = tpu.memref_slice %arg9[%dma_wait3A, %dma_wait3A_79] : memref<128x128xf32, #tpu.memory_space<vmem>> -> memref<48x128xf32, #tpu.memory_space<vmem>>
      %dma_wait3A_81 = arith.constant 0 : i32
      %dma_wait3A_82 = tpu.memref_slice %arg6[%arg0, %add3A_50, %dma_wait3A_81] : memref<2x10008x128xf32, #tpu.memory_space<hbm>> -> memref<1x48x128xf32, #tpu.memory_space<hbm>>
      %dma_wait3A_83 = tpu.memref_squeeze %dma_wait3A_82 : memref<1x48x128xf32, #tpu.memory_space<hbm>> -> memref<48x128xf32, #tpu.memory_space<hbm>>
      %dma_wait3A_84 = arith.constant 0 : i32
      %dma_wait3A_85 = tpu.memref_slice %arg6[%arg0, %add3A_50, %dma_wait3A_84] : memref<2x10008x128xf32, #tpu.memory_space<hbm>> -> memref<1x48x128xf32, #tpu.memory_space<hbm>>
      %dma_wait3A_86 = tpu.memref_squeeze %dma_wait3A_85 : memref<1x48x128xf32, #tpu.memory_space<hbm>> -> memref<48x128xf32, #tpu.memory_space<hbm>>
      %dma_wait3A_87 = arith.constant 0 : i32
      %dma_wait3A_88 = arith.constant 0 : i32
      %dma_wait3A_89 = tpu.memref_slice %arg9[%dma_wait3A_87, %dma_wait3A_88] : memref<128x128xf32, #tpu.memory_space<vmem>> -> memref<48x128xf32, #tpu.memory_space<vmem>>
      tpu.wait_dma2 semaphore(%run_scoped3A : memref<!tpu.dma_semaphore, #tpu.memory_space<semaphore_mem>>) src(%dma_wait3A_89 : memref<48x128xf32, #tpu.memory_space<vmem>>) dst(%dma_wait3A_86 : memref<48x128xf32, #tpu.memory_space<hbm>>)
      tpu.yield
    }) : () -> ()
    %add3A_51 = arith.constant 336 : i32
    %add3A_52 = arith.addi %mul3A_2, %add3A_51 : i32
    "tpu.region"() ({
      %run_scoped3A = tpu.sem_alloc : memref<!tpu.dma_semaphore, #tpu.memory_space<semaphore_mem>>
      %dma_start3A = arith.constant 0 : i32
      %dma_start3A_68 = arith.constant 0 : i32
      %dma_start3A_69 = tpu.memref_slice %arg9[%dma_start3A, %dma_start3A_68] : memref<128x128xf32, #tpu.memory_space<vmem>> -> memref<48x128xf32, #tpu.memory_space<vmem>>
      %dma_start3A_70 = arith.constant 0 : i32
      %dma_start3A_71 = tpu.memref_slice %arg11[%add3A_52, %dma_start3A_70] : memref<10008x128xf32, #tpu.memory_space<vmem_shared>> -> memref<48x128xf32, #tpu.memory_space<vmem_shared>>
      %dma_start3A_72 = arith.constant 0 : i32
      %dma_start3A_73 = arith.constant 0 : i32
      %dma_start3A_74 = tpu.memref_slice %arg9[%dma_start3A_72, %dma_start3A_73] : memref<128x128xf32, #tpu.memory_space<vmem>> -> memref<48x128xf32, #tpu.memory_space<vmem>>
      %dma_start3A_75 = arith.constant 0 : i32
      %dma_start3A_76 = tpu.memref_slice %arg11[%add3A_52, %dma_start3A_75] : memref<10008x128xf32, #tpu.memory_space<vmem_shared>> -> memref<48x128xf32, #tpu.memory_space<vmem_shared>>
      tpu.enqueue_dma source(%dma_start3A_76 : memref<48x128xf32, #tpu.memory_space<vmem_shared>>) target(%dma_start3A_74 : memref<48x128xf32, #tpu.memory_space<vmem>>) target_semaphore(%run_scoped3A : memref<!tpu.dma_semaphore, #tpu.memory_space<semaphore_mem>>)
      %dma_wait3A = arith.constant 0 : i32
      %dma_wait3A_77 = arith.constant 0 : i32
      %dma_wait3A_78 = tpu.memref_slice %arg9[%dma_wait3A, %dma_wait3A_77] : memref<128x128xf32, #tpu.memory_space<vmem>> -> memref<48x128xf32, #tpu.memory_space<vmem>>
      %dma_wait3A_79 = arith.constant 0 : i32
      %dma_wait3A_80 = tpu.memref_slice %arg11[%add3A_52, %dma_wait3A_79] : memref<10008x128xf32, #tpu.memory_space<vmem_shared>> -> memref<48x128xf32, #tpu.memory_space<vmem_shared>>
      %dma_wait3A_81 = arith.constant 0 : i32
      %dma_wait3A_82 = arith.constant 0 : i32
      %dma_wait3A_83 = tpu.memref_slice %arg9[%dma_wait3A_81, %dma_wait3A_82] : memref<128x128xf32, #tpu.memory_space<vmem>> -> memref<48x128xf32, #tpu.memory_space<vmem>>
      %dma_wait3A_84 = arith.constant 0 : i32
      %dma_wait3A_85 = tpu.memref_slice %arg11[%add3A_52, %dma_wait3A_84] : memref<10008x128xf32, #tpu.memory_space<vmem_shared>> -> memref<48x128xf32, #tpu.memory_space<vmem_shared>>
      tpu.wait_dma2 semaphore(%run_scoped3A : memref<!tpu.dma_semaphore, #tpu.memory_space<semaphore_mem>>) src(%dma_wait3A_85 : memref<48x128xf32, #tpu.memory_space<vmem_shared>>) dst(%dma_wait3A_83 : memref<48x128xf32, #tpu.memory_space<vmem>>)
      tpu.yield
    }) : () -> ()
    "tpu.region"() ({
      %run_scoped3A = tpu.sem_alloc : memref<!tpu.dma_semaphore, #tpu.memory_space<semaphore_mem>>
      %dma_start3A = arith.constant 0 : i32
      %dma_start3A_68 = arith.constant 0 : i32
      %dma_start3A_69 = tpu.memref_slice %arg9[%dma_start3A, %dma_start3A_68] : memref<128x128xf32, #tpu.memory_space<vmem>> -> memref<48x128xf32, #tpu.memory_space<vmem>>
      %dma_start3A_70 = arith.constant 0 : i32
      %dma_start3A_71 = tpu.memref_slice %arg6[%arg0, %add3A_52, %dma_start3A_70] : memref<2x10008x128xf32, #tpu.memory_space<hbm>> -> memref<1x48x128xf32, #tpu.memory_space<hbm>>
      %dma_start3A_72 = tpu.memref_squeeze %dma_start3A_71 : memref<1x48x128xf32, #tpu.memory_space<hbm>> -> memref<48x128xf32, #tpu.memory_space<hbm>>
      %dma_start3A_73 = arith.constant 0 : i32
      %dma_start3A_74 = tpu.memref_slice %arg6[%arg0, %add3A_52, %dma_start3A_73] : memref<2x10008x128xf32, #tpu.memory_space<hbm>> -> memref<1x48x128xf32, #tpu.memory_space<hbm>>
      %dma_start3A_75 = tpu.memref_squeeze %dma_start3A_74 : memref<1x48x128xf32, #tpu.memory_space<hbm>> -> memref<48x128xf32, #tpu.memory_space<hbm>>
      %dma_start3A_76 = arith.constant 0 : i32
      %dma_start3A_77 = arith.constant 0 : i32
      %dma_start3A_78 = tpu.memref_slice %arg9[%dma_start3A_76, %dma_start3A_77] : memref<128x128xf32, #tpu.memory_space<vmem>> -> memref<48x128xf32, #tpu.memory_space<vmem>>
      tpu.enqueue_dma source(%dma_start3A_78 : memref<48x128xf32, #tpu.memory_space<vmem>>) target(%dma_start3A_75 : memref<48x128xf32, #tpu.memory_space<hbm>>) target_semaphore(%run_scoped3A : memref<!tpu.dma_semaphore, #tpu.memory_space<semaphore_mem>>)
      %dma_wait3A = arith.constant 0 : i32
      %dma_wait3A_79 = arith.constant 0 : i32
      %dma_wait3A_80 = tpu.memref_slice %arg9[%dma_wait3A, %dma_wait3A_79] : memref<128x128xf32, #tpu.memory_space<vmem>> -> memref<48x128xf32, #tpu.memory_space<vmem>>
      %dma_wait3A_81 = arith.constant 0 : i32
      %dma_wait3A_82 = tpu.memref_slice %arg6[%arg0, %add3A_52, %dma_wait3A_81] : memref<2x10008x128xf32, #tpu.memory_space<hbm>> -> memref<1x48x128xf32, #tpu.memory_space<hbm>>
      %dma_wait3A_83 = tpu.memref_squeeze %dma_wait3A_82 : memref<1x48x128xf32, #tpu.memory_space<hbm>> -> memref<48x128xf32, #tpu.memory_space<hbm>>
      %dma_wait3A_84 = arith.constant 0 : i32
      %dma_wait3A_85 = tpu.memref_slice %arg6[%arg0, %add3A_52, %dma_wait3A_84] : memref<2x10008x128xf32, #tpu.memory_space<hbm>> -> memref<1x48x128xf32, #tpu.memory_space<hbm>>
      %dma_wait3A_86 = tpu.memref_squeeze %dma_wait3A_85 : memref<1x48x128xf32, #tpu.memory_space<hbm>> -> memref<48x128xf32, #tpu.memory_space<hbm>>
      %dma_wait3A_87 = arith.constant 0 : i32
      %dma_wait3A_88 = arith.constant 0 : i32
      %dma_wait3A_89 = tpu.memref_slice %arg9[%dma_wait3A_87, %dma_wait3A_88] : memref<128x128xf32, #tpu.memory_space<vmem>> -> memref<48x128xf32, #tpu.memory_space<vmem>>
      tpu.wait_dma2 semaphore(%run_scoped3A : memref<!tpu.dma_semaphore, #tpu.memory_space<semaphore_mem>>) src(%dma_wait3A_89 : memref<48x128xf32, #tpu.memory_space<vmem>>) dst(%dma_wait3A_86 : memref<48x128xf32, #tpu.memory_space<hbm>>)
      tpu.yield
    }) : () -> ()
    %add3A_53 = arith.constant 384 : i32
    %add3A_54 = arith.addi %mul3A_2, %add3A_53 : i32
    "tpu.region"() ({
      %run_scoped3A = tpu.sem_alloc : memref<!tpu.dma_semaphore, #tpu.memory_space<semaphore_mem>>
      %dma_start3A = arith.constant 0 : i32
      %dma_start3A_68 = arith.constant 0 : i32
      %dma_start3A_69 = tpu.memref_slice %arg9[%dma_start3A, %dma_start3A_68] : memref<128x128xf32, #tpu.memory_space<vmem>> -> memref<48x128xf32, #tpu.memory_space<vmem>>
      %dma_start3A_70 = arith.constant 0 : i32
      %dma_start3A_71 = tpu.memref_slice %arg11[%add3A_54, %dma_start3A_70] : memref<10008x128xf32, #tpu.memory_space<vmem_shared>> -> memref<48x128xf32, #tpu.memory_space<vmem_shared>>
      %dma_start3A_72 = arith.constant 0 : i32
      %dma_start3A_73 = arith.constant 0 : i32
      %dma_start3A_74 = tpu.memref_slice %arg9[%dma_start3A_72, %dma_start3A_73] : memref<128x128xf32, #tpu.memory_space<vmem>> -> memref<48x128xf32, #tpu.memory_space<vmem>>
      %dma_start3A_75 = arith.constant 0 : i32
      %dma_start3A_76 = tpu.memref_slice %arg11[%add3A_54, %dma_start3A_75] : memref<10008x128xf32, #tpu.memory_space<vmem_shared>> -> memref<48x128xf32, #tpu.memory_space<vmem_shared>>
      tpu.enqueue_dma source(%dma_start3A_76 : memref<48x128xf32, #tpu.memory_space<vmem_shared>>) target(%dma_start3A_74 : memref<48x128xf32, #tpu.memory_space<vmem>>) target_semaphore(%run_scoped3A : memref<!tpu.dma_semaphore, #tpu.memory_space<semaphore_mem>>)
      %dma_wait3A = arith.constant 0 : i32
      %dma_wait3A_77 = arith.constant 0 : i32
      %dma_wait3A_78 = tpu.memref_slice %arg9[%dma_wait3A, %dma_wait3A_77] : memref<128x128xf32, #tpu.memory_space<vmem>> -> memref<48x128xf32, #tpu.memory_space<vmem>>
      %dma_wait3A_79 = arith.constant 0 : i32
      %dma_wait3A_80 = tpu.memref_slice %arg11[%add3A_54, %dma_wait3A_79] : memref<10008x128xf32, #tpu.memory_space<vmem_shared>> -> memref<48x128xf32, #tpu.memory_space<vmem_shared>>
      %dma_wait3A_81 = arith.constant 0 : i32
      %dma_wait3A_82 = arith.constant 0 : i32
      %dma_wait3A_83 = tpu.memref_slice %arg9[%dma_wait3A_81, %dma_wait3A_82] : memref<128x128xf32, #tpu.memory_space<vmem>> -> memref<48x128xf32, #tpu.memory_space<vmem>>
      %dma_wait3A_84 = arith.constant 0 : i32
      %dma_wait3A_85 = tpu.memref_slice %arg11[%add3A_54, %dma_wait3A_84] : memref<10008x128xf32, #tpu.memory_space<vmem_shared>> -> memref<48x128xf32, #tpu.memory_space<vmem_shared>>
      tpu.wait_dma2 semaphore(%run_scoped3A : memref<!tpu.dma_semaphore, #tpu.memory_space<semaphore_mem>>) src(%dma_wait3A_85 : memref<48x128xf32, #tpu.memory_space<vmem_shared>>) dst(%dma_wait3A_83 : memref<48x128xf32, #tpu.memory_space<vmem>>)
      tpu.yield
    }) : () -> ()
    "tpu.region"() ({
      %run_scoped3A = tpu.sem_alloc : memref<!tpu.dma_semaphore, #tpu.memory_space<semaphore_mem>>
      %dma_start3A = arith.constant 0 : i32
      %dma_start3A_68 = arith.constant 0 : i32
      %dma_start3A_69 = tpu.memref_slice %arg9[%dma_start3A, %dma_start3A_68] : memref<128x128xf32, #tpu.memory_space<vmem>> -> memref<48x128xf32, #tpu.memory_space<vmem>>
      %dma_start3A_70 = arith.constant 0 : i32
      %dma_start3A_71 = tpu.memref_slice %arg6[%arg0, %add3A_54, %dma_start3A_70] : memref<2x10008x128xf32, #tpu.memory_space<hbm>> -> memref<1x48x128xf32, #tpu.memory_space<hbm>>
      %dma_start3A_72 = tpu.memref_squeeze %dma_start3A_71 : memref<1x48x128xf32, #tpu.memory_space<hbm>> -> memref<48x128xf32, #tpu.memory_space<hbm>>
      %dma_start3A_73 = arith.constant 0 : i32
      %dma_start3A_74 = tpu.memref_slice %arg6[%arg0, %add3A_54, %dma_start3A_73] : memref<2x10008x128xf32, #tpu.memory_space<hbm>> -> memref<1x48x128xf32, #tpu.memory_space<hbm>>
      %dma_start3A_75 = tpu.memref_squeeze %dma_start3A_74 : memref<1x48x128xf32, #tpu.memory_space<hbm>> -> memref<48x128xf32, #tpu.memory_space<hbm>>
      %dma_start3A_76 = arith.constant 0 : i32
      %dma_start3A_77 = arith.constant 0 : i32
      %dma_start3A_78 = tpu.memref_slice %arg9[%dma_start3A_76, %dma_start3A_77] : memref<128x128xf32, #tpu.memory_space<vmem>> -> memref<48x128xf32, #tpu.memory_space<vmem>>
      tpu.enqueue_dma source(%dma_start3A_78 : memref<48x128xf32, #tpu.memory_space<vmem>>) target(%dma_start3A_75 : memref<48x128xf32, #tpu.memory_space<hbm>>) target_semaphore(%run_scoped3A : memref<!tpu.dma_semaphore, #tpu.memory_space<semaphore_mem>>)
      %dma_wait3A = arith.constant 0 : i32
      %dma_wait3A_79 = arith.constant 0 : i32
      %dma_wait3A_80 = tpu.memref_slice %arg9[%dma_wait3A, %dma_wait3A_79] : memref<128x128xf32, #tpu.memory_space<vmem>> -> memref<48x128xf32, #tpu.memory_space<vmem>>
      %dma_wait3A_81 = arith.constant 0 : i32
      %dma_wait3A_82 = tpu.memref_slice %arg6[%arg0, %add3A_54, %dma_wait3A_81] : memref<2x10008x128xf32, #tpu.memory_space<hbm>> -> memref<1x48x128xf32, #tpu.memory_space<hbm>>
      %dma_wait3A_83 = tpu.memref_squeeze %dma_wait3A_82 : memref<1x48x128xf32, #tpu.memory_space<hbm>> -> memref<48x128xf32, #tpu.memory_space<hbm>>
      %dma_wait3A_84 = arith.constant 0 : i32
      %dma_wait3A_85 = tpu.memref_slice %arg6[%arg0, %add3A_54, %dma_wait3A_84] : memref<2x10008x128xf32, #tpu.memory_space<hbm>> -> memref<1x48x128xf32, #tpu.memory_space<hbm>>
      %dma_wait3A_86 = tpu.memref_squeeze %dma_wait3A_85 : memref<1x48x128xf32, #tpu.memory_space<hbm>> -> memref<48x128xf32, #tpu.memory_space<hbm>>
      %dma_wait3A_87 = arith.constant 0 : i32
      %dma_wait3A_88 = arith.constant 0 : i32
      %dma_wait3A_89 = tpu.memref_slice %arg9[%dma_wait3A_87, %dma_wait3A_88] : memref<128x128xf32, #tpu.memory_space<vmem>> -> memref<48x128xf32, #tpu.memory_space<vmem>>
      tpu.wait_dma2 semaphore(%run_scoped3A : memref<!tpu.dma_semaphore, #tpu.memory_space<semaphore_mem>>) src(%dma_wait3A_89 : memref<48x128xf32, #tpu.memory_space<vmem>>) dst(%dma_wait3A_86 : memref<48x128xf32, #tpu.memory_space<hbm>>)
      tpu.yield
    }) : () -> ()
    %add3A_55 = arith.constant 432 : i32
    %add3A_56 = arith.addi %mul3A_2, %add3A_55 : i32
    "tpu.region"() ({
      %run_scoped3A = tpu.sem_alloc : memref<!tpu.dma_semaphore, #tpu.memory_space<semaphore_mem>>
      %dma_start3A = arith.constant 0 : i32
      %dma_start3A_68 = arith.constant 0 : i32
      %dma_start3A_69 = tpu.memref_slice %arg9[%dma_start3A, %dma_start3A_68] : memref<128x128xf32, #tpu.memory_space<vmem>> -> memref<48x128xf32, #tpu.memory_space<vmem>>
      %dma_start3A_70 = arith.constant 0 : i32
      %dma_start3A_71 = tpu.memref_slice %arg11[%add3A_56, %dma_start3A_70] : memref<10008x128xf32, #tpu.memory_space<vmem_shared>> -> memref<48x128xf32, #tpu.memory_space<vmem_shared>>
      %dma_start3A_72 = arith.constant 0 : i32
      %dma_start3A_73 = arith.constant 0 : i32
      %dma_start3A_74 = tpu.memref_slice %arg9[%dma_start3A_72, %dma_start3A_73] : memref<128x128xf32, #tpu.memory_space<vmem>> -> memref<48x128xf32, #tpu.memory_space<vmem>>
      %dma_start3A_75 = arith.constant 0 : i32
      %dma_start3A_76 = tpu.memref_slice %arg11[%add3A_56, %dma_start3A_75] : memref<10008x128xf32, #tpu.memory_space<vmem_shared>> -> memref<48x128xf32, #tpu.memory_space<vmem_shared>>
      tpu.enqueue_dma source(%dma_start3A_76 : memref<48x128xf32, #tpu.memory_space<vmem_shared>>) target(%dma_start3A_74 : memref<48x128xf32, #tpu.memory_space<vmem>>) target_semaphore(%run_scoped3A : memref<!tpu.dma_semaphore, #tpu.memory_space<semaphore_mem>>)
      %dma_wait3A = arith.constant 0 : i32
      %dma_wait3A_77 = arith.constant 0 : i32
      %dma_wait3A_78 = tpu.memref_slice %arg9[%dma_wait3A, %dma_wait3A_77] : memref<128x128xf32, #tpu.memory_space<vmem>> -> memref<48x128xf32, #tpu.memory_space<vmem>>
      %dma_wait3A_79 = arith.constant 0 : i32
      %dma_wait3A_80 = tpu.memref_slice %arg11[%add3A_56, %dma_wait3A_79] : memref<10008x128xf32, #tpu.memory_space<vmem_shared>> -> memref<48x128xf32, #tpu.memory_space<vmem_shared>>
      %dma_wait3A_81 = arith.constant 0 : i32
      %dma_wait3A_82 = arith.constant 0 : i32
      %dma_wait3A_83 = tpu.memref_slice %arg9[%dma_wait3A_81, %dma_wait3A_82] : memref<128x128xf32, #tpu.memory_space<vmem>> -> memref<48x128xf32, #tpu.memory_space<vmem>>
      %dma_wait3A_84 = arith.constant 0 : i32
      %dma_wait3A_85 = tpu.memref_slice %arg11[%add3A_56, %dma_wait3A_84] : memref<10008x128xf32, #tpu.memory_space<vmem_shared>> -> memref<48x128xf32, #tpu.memory_space<vmem_shared>>
      tpu.wait_dma2 semaphore(%run_scoped3A : memref<!tpu.dma_semaphore, #tpu.memory_space<semaphore_mem>>) src(%dma_wait3A_85 : memref<48x128xf32, #tpu.memory_space<vmem_shared>>) dst(%dma_wait3A_83 : memref<48x128xf32, #tpu.memory_space<vmem>>)
      tpu.yield
    }) : () -> ()
    "tpu.region"() ({
      %run_scoped3A = tpu.sem_alloc : memref<!tpu.dma_semaphore, #tpu.memory_space<semaphore_mem>>
      %dma_start3A = arith.constant 0 : i32
      %dma_start3A_68 = arith.constant 0 : i32
      %dma_start3A_69 = tpu.memref_slice %arg9[%dma_start3A, %dma_start3A_68] : memref<128x128xf32, #tpu.memory_space<vmem>> -> memref<48x128xf32, #tpu.memory_space<vmem>>
      %dma_start3A_70 = arith.constant 0 : i32
      %dma_start3A_71 = tpu.memref_slice %arg6[%arg0, %add3A_56, %dma_start3A_70] : memref<2x10008x128xf32, #tpu.memory_space<hbm>> -> memref<1x48x128xf32, #tpu.memory_space<hbm>>
      %dma_start3A_72 = tpu.memref_squeeze %dma_start3A_71 : memref<1x48x128xf32, #tpu.memory_space<hbm>> -> memref<48x128xf32, #tpu.memory_space<hbm>>
      %dma_start3A_73 = arith.constant 0 : i32
      %dma_start3A_74 = tpu.memref_slice %arg6[%arg0, %add3A_56, %dma_start3A_73] : memref<2x10008x128xf32, #tpu.memory_space<hbm>> -> memref<1x48x128xf32, #tpu.memory_space<hbm>>
      %dma_start3A_75 = tpu.memref_squeeze %dma_start3A_74 : memref<1x48x128xf32, #tpu.memory_space<hbm>> -> memref<48x128xf32, #tpu.memory_space<hbm>>
      %dma_start3A_76 = arith.constant 0 : i32
      %dma_start3A_77 = arith.constant 0 : i32
      %dma_start3A_78 = tpu.memref_slice %arg9[%dma_start3A_76, %dma_start3A_77] : memref<128x128xf32, #tpu.memory_space<vmem>> -> memref<48x128xf32, #tpu.memory_space<vmem>>
      tpu.enqueue_dma source(%dma_start3A_78 : memref<48x128xf32, #tpu.memory_space<vmem>>) target(%dma_start3A_75 : memref<48x128xf32, #tpu.memory_space<hbm>>) target_semaphore(%run_scoped3A : memref<!tpu.dma_semaphore, #tpu.memory_space<semaphore_mem>>)
      %dma_wait3A = arith.constant 0 : i32
      %dma_wait3A_79 = arith.constant 0 : i32
      %dma_wait3A_80 = tpu.memref_slice %arg9[%dma_wait3A, %dma_wait3A_79] : memref<128x128xf32, #tpu.memory_space<vmem>> -> memref<48x128xf32, #tpu.memory_space<vmem>>
      %dma_wait3A_81 = arith.constant 0 : i32
      %dma_wait3A_82 = tpu.memref_slice %arg6[%arg0, %add3A_56, %dma_wait3A_81] : memref<2x10008x128xf32, #tpu.memory_space<hbm>> -> memref<1x48x128xf32, #tpu.memory_space<hbm>>
      %dma_wait3A_83 = tpu.memref_squeeze %dma_wait3A_82 : memref<1x48x128xf32, #tpu.memory_space<hbm>> -> memref<48x128xf32, #tpu.memory_space<hbm>>
      %dma_wait3A_84 = arith.constant 0 : i32
      %dma_wait3A_85 = tpu.memref_slice %arg6[%arg0, %add3A_56, %dma_wait3A_84] : memref<2x10008x128xf32, #tpu.memory_space<hbm>> -> memref<1x48x128xf32, #tpu.memory_space<hbm>>
      %dma_wait3A_86 = tpu.memref_squeeze %dma_wait3A_85 : memref<1x48x128xf32, #tpu.memory_space<hbm>> -> memref<48x128xf32, #tpu.memory_space<hbm>>
      %dma_wait3A_87 = arith.constant 0 : i32
      %dma_wait3A_88 = arith.constant 0 : i32
      %dma_wait3A_89 = tpu.memref_slice %arg9[%dma_wait3A_87, %dma_wait3A_88] : memref<128x128xf32, #tpu.memory_space<vmem>> -> memref<48x128xf32, #tpu.memory_space<vmem>>
      tpu.wait_dma2 semaphore(%run_scoped3A : memref<!tpu.dma_semaphore, #tpu.memory_space<semaphore_mem>>) src(%dma_wait3A_89 : memref<48x128xf32, #tpu.memory_space<vmem>>) dst(%dma_wait3A_86 : memref<48x128xf32, #tpu.memory_space<hbm>>)
      tpu.yield
    }) : () -> ()
    %add3A_57 = arith.constant 480 : i32
    %add3A_58 = arith.addi %mul3A_2, %add3A_57 : i32
    "tpu.region"() ({
      %run_scoped3A = tpu.sem_alloc : memref<!tpu.dma_semaphore, #tpu.memory_space<semaphore_mem>>
      %dma_start3A = arith.constant 0 : i32
      %dma_start3A_68 = arith.constant 0 : i32
      %dma_start3A_69 = tpu.memref_slice %arg9[%dma_start3A, %dma_start3A_68] : memref<128x128xf32, #tpu.memory_space<vmem>> -> memref<48x128xf32, #tpu.memory_space<vmem>>
      %dma_start3A_70 = arith.constant 0 : i32
      %dma_start3A_71 = tpu.memref_slice %arg11[%add3A_58, %dma_start3A_70] : memref<10008x128xf32, #tpu.memory_space<vmem_shared>> -> memref<48x128xf32, #tpu.memory_space<vmem_shared>>
      %dma_start3A_72 = arith.constant 0 : i32
      %dma_start3A_73 = arith.constant 0 : i32
      %dma_start3A_74 = tpu.memref_slice %arg9[%dma_start3A_72, %dma_start3A_73] : memref<128x128xf32, #tpu.memory_space<vmem>> -> memref<48x128xf32, #tpu.memory_space<vmem>>
      %dma_start3A_75 = arith.constant 0 : i32
      %dma_start3A_76 = tpu.memref_slice %arg11[%add3A_58, %dma_start3A_75] : memref<10008x128xf32, #tpu.memory_space<vmem_shared>> -> memref<48x128xf32, #tpu.memory_space<vmem_shared>>
      tpu.enqueue_dma source(%dma_start3A_76 : memref<48x128xf32, #tpu.memory_space<vmem_shared>>) target(%dma_start3A_74 : memref<48x128xf32, #tpu.memory_space<vmem>>) target_semaphore(%run_scoped3A : memref<!tpu.dma_semaphore, #tpu.memory_space<semaphore_mem>>)
      %dma_wait3A = arith.constant 0 : i32
      %dma_wait3A_77 = arith.constant 0 : i32
      %dma_wait3A_78 = tpu.memref_slice %arg9[%dma_wait3A, %dma_wait3A_77] : memref<128x128xf32, #tpu.memory_space<vmem>> -> memref<48x128xf32, #tpu.memory_space<vmem>>
      %dma_wait3A_79 = arith.constant 0 : i32
      %dma_wait3A_80 = tpu.memref_slice %arg11[%add3A_58, %dma_wait3A_79] : memref<10008x128xf32, #tpu.memory_space<vmem_shared>> -> memref<48x128xf32, #tpu.memory_space<vmem_shared>>
      %dma_wait3A_81 = arith.constant 0 : i32
      %dma_wait3A_82 = arith.constant 0 : i32
      %dma_wait3A_83 = tpu.memref_slice %arg9[%dma_wait3A_81, %dma_wait3A_82] : memref<128x128xf32, #tpu.memory_space<vmem>> -> memref<48x128xf32, #tpu.memory_space<vmem>>
      %dma_wait3A_84 = arith.constant 0 : i32
      %dma_wait3A_85 = tpu.memref_slice %arg11[%add3A_58, %dma_wait3A_84] : memref<10008x128xf32, #tpu.memory_space<vmem_shared>> -> memref<48x128xf32, #tpu.memory_space<vmem_shared>>
      tpu.wait_dma2 semaphore(%run_scoped3A : memref<!tpu.dma_semaphore, #tpu.memory_space<semaphore_mem>>) src(%dma_wait3A_85 : memref<48x128xf32, #tpu.memory_space<vmem_shared>>) dst(%dma_wait3A_83 : memref<48x128xf32, #tpu.memory_space<vmem>>)
      tpu.yield
    }) : () -> ()
    "tpu.region"() ({
      %run_scoped3A = tpu.sem_alloc : memref<!tpu.dma_semaphore, #tpu.memory_space<semaphore_mem>>
      %dma_start3A = arith.constant 0 : i32
      %dma_start3A_68 = arith.constant 0 : i32
      %dma_start3A_69 = tpu.memref_slice %arg9[%dma_start3A, %dma_start3A_68] : memref<128x128xf32, #tpu.memory_space<vmem>> -> memref<48x128xf32, #tpu.memory_space<vmem>>
      %dma_start3A_70 = arith.constant 0 : i32
      %dma_start3A_71 = tpu.memref_slice %arg6[%arg0, %add3A_58, %dma_start3A_70] : memref<2x10008x128xf32, #tpu.memory_space<hbm>> -> memref<1x48x128xf32, #tpu.memory_space<hbm>>
      %dma_start3A_72 = tpu.memref_squeeze %dma_start3A_71 : memref<1x48x128xf32, #tpu.memory_space<hbm>> -> memref<48x128xf32, #tpu.memory_space<hbm>>
      %dma_start3A_73 = arith.constant 0 : i32
      %dma_start3A_74 = tpu.memref_slice %arg6[%arg0, %add3A_58, %dma_start3A_73] : memref<2x10008x128xf32, #tpu.memory_space<hbm>> -> memref<1x48x128xf32, #tpu.memory_space<hbm>>
      %dma_start3A_75 = tpu.memref_squeeze %dma_start3A_74 : memref<1x48x128xf32, #tpu.memory_space<hbm>> -> memref<48x128xf32, #tpu.memory_space<hbm>>
      %dma_start3A_76 = arith.constant 0 : i32
      %dma_start3A_77 = arith.constant 0 : i32
      %dma_start3A_78 = tpu.memref_slice %arg9[%dma_start3A_76, %dma_start3A_77] : memref<128x128xf32, #tpu.memory_space<vmem>> -> memref<48x128xf32, #tpu.memory_space<vmem>>
      tpu.enqueue_dma source(%dma_start3A_78 : memref<48x128xf32, #tpu.memory_space<vmem>>) target(%dma_start3A_75 : memref<48x128xf32, #tpu.memory_space<hbm>>) target_semaphore(%run_scoped3A : memref<!tpu.dma_semaphore, #tpu.memory_space<semaphore_mem>>)
      %dma_wait3A = arith.constant 0 : i32
      %dma_wait3A_79 = arith.constant 0 : i32
      %dma_wait3A_80 = tpu.memref_slice %arg9[%dma_wait3A, %dma_wait3A_79] : memref<128x128xf32, #tpu.memory_space<vmem>> -> memref<48x128xf32, #tpu.memory_space<vmem>>
      %dma_wait3A_81 = arith.constant 0 : i32
      %dma_wait3A_82 = tpu.memref_slice %arg6[%arg0, %add3A_58, %dma_wait3A_81] : memref<2x10008x128xf32, #tpu.memory_space<hbm>> -> memref<1x48x128xf32, #tpu.memory_space<hbm>>
      %dma_wait3A_83 = tpu.memref_squeeze %dma_wait3A_82 : memref<1x48x128xf32, #tpu.memory_space<hbm>> -> memref<48x128xf32, #tpu.memory_space<hbm>>
      %dma_wait3A_84 = arith.constant 0 : i32
      %dma_wait3A_85 = tpu.memref_slice %arg6[%arg0, %add3A_58, %dma_wait3A_84] : memref<2x10008x128xf32, #tpu.memory_space<hbm>> -> memref<1x48x128xf32, #tpu.memory_space<hbm>>
      %dma_wait3A_86 = tpu.memref_squeeze %dma_wait3A_85 : memref<1x48x128xf32, #tpu.memory_space<hbm>> -> memref<48x128xf32, #tpu.memory_space<hbm>>
      %dma_wait3A_87 = arith.constant 0 : i32
      %dma_wait3A_88 = arith.constant 0 : i32
      %dma_wait3A_89 = tpu.memref_slice %arg9[%dma_wait3A_87, %dma_wait3A_88] : memref<128x128xf32, #tpu.memory_space<vmem>> -> memref<48x128xf32, #tpu.memory_space<vmem>>
      tpu.wait_dma2 semaphore(%run_scoped3A : memref<!tpu.dma_semaphore, #tpu.memory_space<semaphore_mem>>) src(%dma_wait3A_89 : memref<48x128xf32, #tpu.memory_space<vmem>>) dst(%dma_wait3A_86 : memref<48x128xf32, #tpu.memory_space<hbm>>)
      tpu.yield
    }) : () -> ()
    %add3A_59 = arith.constant 528 : i32
    %add3A_60 = arith.addi %mul3A_2, %add3A_59 : i32
    "tpu.region"() ({
      %run_scoped3A = tpu.sem_alloc : memref<!tpu.dma_semaphore, #tpu.memory_space<semaphore_mem>>
      %dma_start3A = arith.constant 0 : i32
      %dma_start3A_68 = arith.constant 0 : i32
      %dma_start3A_69 = tpu.memref_slice %arg9[%dma_start3A, %dma_start3A_68] : memref<128x128xf32, #tpu.memory_space<vmem>> -> memref<48x128xf32, #tpu.memory_space<vmem>>
      %dma_start3A_70 = arith.constant 0 : i32
      %dma_start3A_71 = tpu.memref_slice %arg11[%add3A_60, %dma_start3A_70] : memref<10008x128xf32, #tpu.memory_space<vmem_shared>> -> memref<48x128xf32, #tpu.memory_space<vmem_shared>>
      %dma_start3A_72 = arith.constant 0 : i32
      %dma_start3A_73 = arith.constant 0 : i32
      %dma_start3A_74 = tpu.memref_slice %arg9[%dma_start3A_72, %dma_start3A_73] : memref<128x128xf32, #tpu.memory_space<vmem>> -> memref<48x128xf32, #tpu.memory_space<vmem>>
      %dma_start3A_75 = arith.constant 0 : i32
      %dma_start3A_76 = tpu.memref_slice %arg11[%add3A_60, %dma_start3A_75] : memref<10008x128xf32, #tpu.memory_space<vmem_shared>> -> memref<48x128xf32, #tpu.memory_space<vmem_shared>>
      tpu.enqueue_dma source(%dma_start3A_76 : memref<48x128xf32, #tpu.memory_space<vmem_shared>>) target(%dma_start3A_74 : memref<48x128xf32, #tpu.memory_space<vmem>>) target_semaphore(%run_scoped3A : memref<!tpu.dma_semaphore, #tpu.memory_space<semaphore_mem>>)
      %dma_wait3A = arith.constant 0 : i32
      %dma_wait3A_77 = arith.constant 0 : i32
      %dma_wait3A_78 = tpu.memref_slice %arg9[%dma_wait3A, %dma_wait3A_77] : memref<128x128xf32, #tpu.memory_space<vmem>> -> memref<48x128xf32, #tpu.memory_space<vmem>>
      %dma_wait3A_79 = arith.constant 0 : i32
      %dma_wait3A_80 = tpu.memref_slice %arg11[%add3A_60, %dma_wait3A_79] : memref<10008x128xf32, #tpu.memory_space<vmem_shared>> -> memref<48x128xf32, #tpu.memory_space<vmem_shared>>
      %dma_wait3A_81 = arith.constant 0 : i32
      %dma_wait3A_82 = arith.constant 0 : i32
      %dma_wait3A_83 = tpu.memref_slice %arg9[%dma_wait3A_81, %dma_wait3A_82] : memref<128x128xf32, #tpu.memory_space<vmem>> -> memref<48x128xf32, #tpu.memory_space<vmem>>
      %dma_wait3A_84 = arith.constant 0 : i32
      %dma_wait3A_85 = tpu.memref_slice %arg11[%add3A_60, %dma_wait3A_84] : memref<10008x128xf32, #tpu.memory_space<vmem_shared>> -> memref<48x128xf32, #tpu.memory_space<vmem_shared>>
      tpu.wait_dma2 semaphore(%run_scoped3A : memref<!tpu.dma_semaphore, #tpu.memory_space<semaphore_mem>>) src(%dma_wait3A_85 : memref<48x128xf32, #tpu.memory_space<vmem_shared>>) dst(%dma_wait3A_83 : memref<48x128xf32, #tpu.memory_space<vmem>>)
      tpu.yield
    }) : () -> ()
    "tpu.region"() ({
      %run_scoped3A = tpu.sem_alloc : memref<!tpu.dma_semaphore, #tpu.memory_space<semaphore_mem>>
      %dma_start3A = arith.constant 0 : i32
      %dma_start3A_68 = arith.constant 0 : i32
      %dma_start3A_69 = tpu.memref_slice %arg9[%dma_start3A, %dma_start3A_68] : memref<128x128xf32, #tpu.memory_space<vmem>> -> memref<48x128xf32, #tpu.memory_space<vmem>>
      %dma_start3A_70 = arith.constant 0 : i32
      %dma_start3A_71 = tpu.memref_slice %arg6[%arg0, %add3A_60, %dma_start3A_70] : memref<2x10008x128xf32, #tpu.memory_space<hbm>> -> memref<1x48x128xf32, #tpu.memory_space<hbm>>
      %dma_start3A_72 = tpu.memref_squeeze %dma_start3A_71 : memref<1x48x128xf32, #tpu.memory_space<hbm>> -> memref<48x128xf32, #tpu.memory_space<hbm>>
      %dma_start3A_73 = arith.constant 0 : i32
      %dma_start3A_74 = tpu.memref_slice %arg6[%arg0, %add3A_60, %dma_start3A_73] : memref<2x10008x128xf32, #tpu.memory_space<hbm>> -> memref<1x48x128xf32, #tpu.memory_space<hbm>>
      %dma_start3A_75 = tpu.memref_squeeze %dma_start3A_74 : memref<1x48x128xf32, #tpu.memory_space<hbm>> -> memref<48x128xf32, #tpu.memory_space<hbm>>
      %dma_start3A_76 = arith.constant 0 : i32
      %dma_start3A_77 = arith.constant 0 : i32
      %dma_start3A_78 = tpu.memref_slice %arg9[%dma_start3A_76, %dma_start3A_77] : memref<128x128xf32, #tpu.memory_space<vmem>> -> memref<48x128xf32, #tpu.memory_space<vmem>>
      tpu.enqueue_dma source(%dma_start3A_78 : memref<48x128xf32, #tpu.memory_space<vmem>>) target(%dma_start3A_75 : memref<48x128xf32, #tpu.memory_space<hbm>>) target_semaphore(%run_scoped3A : memref<!tpu.dma_semaphore, #tpu.memory_space<semaphore_mem>>)
      %dma_wait3A = arith.constant 0 : i32
      %dma_wait3A_79 = arith.constant 0 : i32
      %dma_wait3A_80 = tpu.memref_slice %arg9[%dma_wait3A, %dma_wait3A_79] : memref<128x128xf32, #tpu.memory_space<vmem>> -> memref<48x128xf32, #tpu.memory_space<vmem>>
      %dma_wait3A_81 = arith.constant 0 : i32
      %dma_wait3A_82 = tpu.memref_slice %arg6[%arg0, %add3A_60, %dma_wait3A_81] : memref<2x10008x128xf32, #tpu.memory_space<hbm>> -> memref<1x48x128xf32, #tpu.memory_space<hbm>>
      %dma_wait3A_83 = tpu.memref_squeeze %dma_wait3A_82 : memref<1x48x128xf32, #tpu.memory_space<hbm>> -> memref<48x128xf32, #tpu.memory_space<hbm>>
      %dma_wait3A_84 = arith.constant 0 : i32
      %dma_wait3A_85 = tpu.memref_slice %arg6[%arg0, %add3A_60, %dma_wait3A_84] : memref<2x10008x128xf32, #tpu.memory_space<hbm>> -> memref<1x48x128xf32, #tpu.memory_space<hbm>>
      %dma_wait3A_86 = tpu.memref_squeeze %dma_wait3A_85 : memref<1x48x128xf32, #tpu.memory_space<hbm>> -> memref<48x128xf32, #tpu.memory_space<hbm>>
      %dma_wait3A_87 = arith.constant 0 : i32
      %dma_wait3A_88 = arith.constant 0 : i32
      %dma_wait3A_89 = tpu.memref_slice %arg9[%dma_wait3A_87, %dma_wait3A_88] : memref<128x128xf32, #tpu.memory_space<vmem>> -> memref<48x128xf32, #tpu.memory_space<vmem>>
      tpu.wait_dma2 semaphore(%run_scoped3A : memref<!tpu.dma_semaphore, #tpu.memory_space<semaphore_mem>>) src(%dma_wait3A_89 : memref<48x128xf32, #tpu.memory_space<vmem>>) dst(%dma_wait3A_86 : memref<48x128xf32, #tpu.memory_space<hbm>>)
      tpu.yield
    }) : () -> ()
    %add3A_61 = arith.constant 576 : i32
    %add3A_62 = arith.addi %mul3A_2, %add3A_61 : i32
    "tpu.region"() ({
      %run_scoped3A = tpu.sem_alloc : memref<!tpu.dma_semaphore, #tpu.memory_space<semaphore_mem>>
      %dma_start3A = arith.constant 0 : i32
      %dma_start3A_68 = arith.constant 0 : i32
      %dma_start3A_69 = tpu.memref_slice %arg9[%dma_start3A, %dma_start3A_68] : memref<128x128xf32, #tpu.memory_space<vmem>> -> memref<48x128xf32, #tpu.memory_space<vmem>>
      %dma_start3A_70 = arith.constant 0 : i32
      %dma_start3A_71 = tpu.memref_slice %arg11[%add3A_62, %dma_start3A_70] : memref<10008x128xf32, #tpu.memory_space<vmem_shared>> -> memref<48x128xf32, #tpu.memory_space<vmem_shared>>
      %dma_start3A_72 = arith.constant 0 : i32
      %dma_start3A_73 = arith.constant 0 : i32
      %dma_start3A_74 = tpu.memref_slice %arg9[%dma_start3A_72, %dma_start3A_73] : memref<128x128xf32, #tpu.memory_space<vmem>> -> memref<48x128xf32, #tpu.memory_space<vmem>>
      %dma_start3A_75 = arith.constant 0 : i32
      %dma_start3A_76 = tpu.memref_slice %arg11[%add3A_62, %dma_start3A_75] : memref<10008x128xf32, #tpu.memory_space<vmem_shared>> -> memref<48x128xf32, #tpu.memory_space<vmem_shared>>
      tpu.enqueue_dma source(%dma_start3A_76 : memref<48x128xf32, #tpu.memory_space<vmem_shared>>) target(%dma_start3A_74 : memref<48x128xf32, #tpu.memory_space<vmem>>) target_semaphore(%run_scoped3A : memref<!tpu.dma_semaphore, #tpu.memory_space<semaphore_mem>>)
      %dma_wait3A = arith.constant 0 : i32
      %dma_wait3A_77 = arith.constant 0 : i32
      %dma_wait3A_78 = tpu.memref_slice %arg9[%dma_wait3A, %dma_wait3A_77] : memref<128x128xf32, #tpu.memory_space<vmem>> -> memref<48x128xf32, #tpu.memory_space<vmem>>
      %dma_wait3A_79 = arith.constant 0 : i32
      %dma_wait3A_80 = tpu.memref_slice %arg11[%add3A_62, %dma_wait3A_79] : memref<10008x128xf32, #tpu.memory_space<vmem_shared>> -> memref<48x128xf32, #tpu.memory_space<vmem_shared>>
      %dma_wait3A_81 = arith.constant 0 : i32
      %dma_wait3A_82 = arith.constant 0 : i32
      %dma_wait3A_83 = tpu.memref_slice %arg9[%dma_wait3A_81, %dma_wait3A_82] : memref<128x128xf32, #tpu.memory_space<vmem>> -> memref<48x128xf32, #tpu.memory_space<vmem>>
      %dma_wait3A_84 = arith.constant 0 : i32
      %dma_wait3A_85 = tpu.memref_slice %arg11[%add3A_62, %dma_wait3A_84] : memref<10008x128xf32, #tpu.memory_space<vmem_shared>> -> memref<48x128xf32, #tpu.memory_space<vmem_shared>>
      tpu.wait_dma2 semaphore(%run_scoped3A : memref<!tpu.dma_semaphore, #tpu.memory_space<semaphore_mem>>) src(%dma_wait3A_85 : memref<48x128xf32, #tpu.memory_space<vmem_shared>>) dst(%dma_wait3A_83 : memref<48x128xf32, #tpu.memory_space<vmem>>)
      tpu.yield
    }) : () -> ()
    "tpu.region"() ({
      %run_scoped3A = tpu.sem_alloc : memref<!tpu.dma_semaphore, #tpu.memory_space<semaphore_mem>>
      %dma_start3A = arith.constant 0 : i32
      %dma_start3A_68 = arith.constant 0 : i32
      %dma_start3A_69 = tpu.memref_slice %arg9[%dma_start3A, %dma_start3A_68] : memref<128x128xf32, #tpu.memory_space<vmem>> -> memref<48x128xf32, #tpu.memory_space<vmem>>
      %dma_start3A_70 = arith.constant 0 : i32
      %dma_start3A_71 = tpu.memref_slice %arg6[%arg0, %add3A_62, %dma_start3A_70] : memref<2x10008x128xf32, #tpu.memory_space<hbm>> -> memref<1x48x128xf32, #tpu.memory_space<hbm>>
      %dma_start3A_72 = tpu.memref_squeeze %dma_start3A_71 : memref<1x48x128xf32, #tpu.memory_space<hbm>> -> memref<48x128xf32, #tpu.memory_space<hbm>>
      %dma_start3A_73 = arith.constant 0 : i32
      %dma_start3A_74 = tpu.memref_slice %arg6[%arg0, %add3A_62, %dma_start3A_73] : memref<2x10008x128xf32, #tpu.memory_space<hbm>> -> memref<1x48x128xf32, #tpu.memory_space<hbm>>
      %dma_start3A_75 = tpu.memref_squeeze %dma_start3A_74 : memref<1x48x128xf32, #tpu.memory_space<hbm>> -> memref<48x128xf32, #tpu.memory_space<hbm>>
      %dma_start3A_76 = arith.constant 0 : i32
      %dma_start3A_77 = arith.constant 0 : i32
      %dma_start3A_78 = tpu.memref_slice %arg9[%dma_start3A_76, %dma_start3A_77] : memref<128x128xf32, #tpu.memory_space<vmem>> -> memref<48x128xf32, #tpu.memory_space<vmem>>
      tpu.enqueue_dma source(%dma_start3A_78 : memref<48x128xf32, #tpu.memory_space<vmem>>) target(%dma_start3A_75 : memref<48x128xf32, #tpu.memory_space<hbm>>) target_semaphore(%run_scoped3A : memref<!tpu.dma_semaphore, #tpu.memory_space<semaphore_mem>>)
      %dma_wait3A = arith.constant 0 : i32
      %dma_wait3A_79 = arith.constant 0 : i32
      %dma_wait3A_80 = tpu.memref_slice %arg9[%dma_wait3A, %dma_wait3A_79] : memref<128x128xf32, #tpu.memory_space<vmem>> -> memref<48x128xf32, #tpu.memory_space<vmem>>
      %dma_wait3A_81 = arith.constant 0 : i32
      %dma_wait3A_82 = tpu.memref_slice %arg6[%arg0, %add3A_62, %dma_wait3A_81] : memref<2x10008x128xf32, #tpu.memory_space<hbm>> -> memref<1x48x128xf32, #tpu.memory_space<hbm>>
      %dma_wait3A_83 = tpu.memref_squeeze %dma_wait3A_82 : memref<1x48x128xf32, #tpu.memory_space<hbm>> -> memref<48x128xf32, #tpu.memory_space<hbm>>
      %dma_wait3A_84 = arith.constant 0 : i32
      %dma_wait3A_85 = tpu.memref_slice %arg6[%arg0, %add3A_62, %dma_wait3A_84] : memref<2x10008x128xf32, #tpu.memory_space<hbm>> -> memref<1x48x128xf32, #tpu.memory_space<hbm>>
      %dma_wait3A_86 = tpu.memref_squeeze %dma_wait3A_85 : memref<1x48x128xf32, #tpu.memory_space<hbm>> -> memref<48x128xf32, #tpu.memory_space<hbm>>
      %dma_wait3A_87 = arith.constant 0 : i32
      %dma_wait3A_88 = arith.constant 0 : i32
      %dma_wait3A_89 = tpu.memref_slice %arg9[%dma_wait3A_87, %dma_wait3A_88] : memref<128x128xf32, #tpu.memory_space<vmem>> -> memref<48x128xf32, #tpu.memory_space<vmem>>
      tpu.wait_dma2 semaphore(%run_scoped3A : memref<!tpu.dma_semaphore, #tpu.memory_space<semaphore_mem>>) src(%dma_wait3A_89 : memref<48x128xf32, #tpu.memory_space<vmem>>) dst(%dma_wait3A_86 : memref<48x128xf32, #tpu.memory_space<hbm>>)
      tpu.yield
    }) : () -> ()
    %eq3A_63 = arith.constant 15 : i32
    %eq3A_64 = arith.cmpi eq, %arg1, %eq3A_63 : i32
    %convert_element_type3A_65 = arith.extui %eq3A_64 : i1 to i32
    %cond3A_66 = arith.constant 0 : i32
    %cond3A_67 = arith.cmpi ne, %convert_element_type3A_65, %cond3A_66 : i32
    scf.if %cond3A_67 {
      "tpu.region"() ({
        %run_scoped3A = tpu.sem_alloc : memref<!tpu.dma_semaphore, #tpu.memory_space<semaphore_mem>>
        %dma_start3A = arith.constant 0 : i32
        %dma_start3A_68 = arith.constant 0 : i32
        %dma_start3A_69 = tpu.memref_slice %arg9[%dma_start3A, %dma_start3A_68] : memref<128x128xf32, #tpu.memory_space<vmem>> -> memref<16x128xf32, #tpu.memory_space<vmem>>
        %dma_start3A_70 = arith.constant 9984 : i32
        %dma_start3A_71 = arith.constant 0 : i32
        %dma_start3A_72 = tpu.memref_slice %arg11[%dma_start3A_70, %dma_start3A_71] : memref<10008x128xf32, #tpu.memory_space<vmem_shared>> -> memref<16x128xf32, #tpu.memory_space<vmem_shared>>
        %dma_start3A_73 = arith.constant 0 : i32
        %dma_start3A_74 = arith.constant 0 : i32
        %dma_start3A_75 = tpu.memref_slice %arg9[%dma_start3A_73, %dma_start3A_74] : memref<128x128xf32, #tpu.memory_space<vmem>> -> memref<16x128xf32, #tpu.memory_space<vmem>>
        %dma_start3A_76 = arith.constant 9984 : i32
        %dma_start3A_77 = arith.constant 0 : i32
        %dma_start3A_78 = tpu.memref_slice %arg11[%dma_start3A_76, %dma_start3A_77] : memref<10008x128xf32, #tpu.memory_space<vmem_shared>> -> memref<16x128xf32, #tpu.memory_space<vmem_shared>>
        tpu.enqueue_dma source(%dma_start3A_78 : memref<16x128xf32, #tpu.memory_space<vmem_shared>>) target(%dma_start3A_75 : memref<16x128xf32, #tpu.memory_space<vmem>>) target_semaphore(%run_scoped3A : memref<!tpu.dma_semaphore, #tpu.memory_space<semaphore_mem>>)
        %dma_wait3A = arith.constant 0 : i32
        %dma_wait3A_79 = arith.constant 0 : i32
        %dma_wait3A_80 = tpu.memref_slice %arg9[%dma_wait3A, %dma_wait3A_79] : memref<128x128xf32, #tpu.memory_space<vmem>> -> memref<16x128xf32, #tpu.memory_space<vmem>>
        %dma_wait3A_81 = arith.constant 9984 : i32
        %dma_wait3A_82 = arith.constant 0 : i32
        %dma_wait3A_83 = tpu.memref_slice %arg11[%dma_wait3A_81, %dma_wait3A_82] : memref<10008x128xf32, #tpu.memory_space<vmem_shared>> -> memref<16x128xf32, #tpu.memory_space<vmem_shared>>
        %dma_wait3A_84 = arith.constant 0 : i32
        %dma_wait3A_85 = arith.constant 0 : i32
        %dma_wait3A_86 = tpu.memref_slice %arg9[%dma_wait3A_84, %dma_wait3A_85] : memref<128x128xf32, #tpu.memory_space<vmem>> -> memref<16x128xf32, #tpu.memory_space<vmem>>
        %dma_wait3A_87 = arith.constant 9984 : i32
        %dma_wait3A_88 = arith.constant 0 : i32
        %dma_wait3A_89 = tpu.memref_slice %arg11[%dma_wait3A_87, %dma_wait3A_88] : memref<10008x128xf32, #tpu.memory_space<vmem_shared>> -> memref<16x128xf32, #tpu.memory_space<vmem_shared>>
        tpu.wait_dma2 semaphore(%run_scoped3A : memref<!tpu.dma_semaphore, #tpu.memory_space<semaphore_mem>>) src(%dma_wait3A_89 : memref<16x128xf32, #tpu.memory_space<vmem_shared>>) dst(%dma_wait3A_86 : memref<16x128xf32, #tpu.memory_space<vmem>>)
        tpu.yield
      }) : () -> ()
      "tpu.region"() ({
        %run_scoped3A = tpu.sem_alloc : memref<!tpu.dma_semaphore, #tpu.memory_space<semaphore_mem>>
        %dma_start3A = arith.constant 0 : i32
        %dma_start3A_68 = arith.constant 0 : i32
        %dma_start3A_69 = tpu.memref_slice %arg9[%dma_start3A, %dma_start3A_68] : memref<128x128xf32, #tpu.memory_space<vmem>> -> memref<16x128xf32, #tpu.memory_space<vmem>>
        %dma_start3A_70 = arith.constant 9984 : i32
        %dma_start3A_71 = arith.constant 0 : i32
        %dma_start3A_72 = tpu.memref_slice %arg6[%arg0, %dma_start3A_70, %dma_start3A_71] : memref<2x10008x128xf32, #tpu.memory_space<hbm>> -> memref<1x16x128xf32, #tpu.memory_space<hbm>>
        %dma_start3A_73 = tpu.memref_squeeze %dma_start3A_72 : memref<1x16x128xf32, #tpu.memory_space<hbm>> -> memref<16x128xf32, #tpu.memory_space<hbm>>
        %dma_start3A_74 = arith.constant 9984 : i32
        %dma_start3A_75 = arith.constant 0 : i32
        %dma_start3A_76 = tpu.memref_slice %arg6[%arg0, %dma_start3A_74, %dma_start3A_75] : memref<2x10008x128xf32, #tpu.memory_space<hbm>> -> memref<1x16x128xf32, #tpu.memory_space<hbm>>
        %dma_start3A_77 = tpu.memref_squeeze %dma_start3A_76 : memref<1x16x128xf32, #tpu.memory_space<hbm>> -> memref<16x128xf32, #tpu.memory_space<hbm>>
        %dma_start3A_78 = arith.constant 0 : i32
        %dma_start3A_79 = arith.constant 0 : i32
        %dma_start3A_80 = tpu.memref_slice %arg9[%dma_start3A_78, %dma_start3A_79] : memref<128x128xf32, #tpu.memory_space<vmem>> -> memref<16x128xf32, #tpu.memory_space<vmem>>
        tpu.enqueue_dma source(%dma_start3A_80 : memref<16x128xf32, #tpu.memory_space<vmem>>) target(%dma_start3A_77 : memref<16x128xf32, #tpu.memory_space<hbm>>) target_semaphore(%run_scoped3A : memref<!tpu.dma_semaphore, #tpu.memory_space<semaphore_mem>>)
        %dma_wait3A = arith.constant 0 : i32
        %dma_wait3A_81 = arith.constant 0 : i32
        %dma_wait3A_82 = tpu.memref_slice %arg9[%dma_wait3A, %dma_wait3A_81] : memref<128x128xf32, #tpu.memory_space<vmem>> -> memref<16x128xf32, #tpu.memory_space<vmem>>
        %dma_wait3A_83 = arith.constant 9984 : i32
        %dma_wait3A_84 = arith.constant 0 : i32
        %dma_wait3A_85 = tpu.memref_slice %arg6[%arg0, %dma_wait3A_83, %dma_wait3A_84] : memref<2x10008x128xf32, #tpu.memory_space<hbm>> -> memref<1x16x128xf32, #tpu.memory_space<hbm>>
        %dma_wait3A_86 = tpu.memref_squeeze %dma_wait3A_85 : memref<1x16x128xf32, #tpu.memory_space<hbm>> -> memref<16x128xf32, #tpu.memory_space<hbm>>
        %dma_wait3A_87 = arith.constant 9984 : i32
        %dma_wait3A_88 = arith.constant 0 : i32
        %dma_wait3A_89 = tpu.memref_slice %arg6[%arg0, %dma_wait3A_87, %dma_wait3A_88] : memref<2x10008x128xf32, #tpu.memory_space<hbm>> -> memref<1x16x128xf32, #tpu.memory_space<hbm>>
        %dma_wait3A_90 = tpu.memref_squeeze %dma_wait3A_89 : memref<1x16x128xf32, #tpu.memory_space<hbm>> -> memref<16x128xf32, #tpu.memory_space<hbm>>
        %dma_wait3A_91 = arith.constant 0 : i32
        %dma_wait3A_92 = arith.constant 0 : i32
        %dma_wait3A_93 = tpu.memref_slice %arg9[%dma_wait3A_91, %dma_wait3A_92] : memref<128x128xf32, #tpu.memory_space<vmem>> -> memref<16x128xf32, #tpu.memory_space<vmem>>
        tpu.wait_dma2 semaphore(%run_scoped3A : memref<!tpu.dma_semaphore, #tpu.memory_space<semaphore_mem>>) src(%dma_wait3A_93 : memref<16x128xf32, #tpu.memory_space<vmem>>) dst(%dma_wait3A_90 : memref<16x128xf32, #tpu.memory_space<hbm>>)
        tpu.yield
      }) : () -> ()
    } else {
    }
    return
  }
}

module attributes {stable_mosaic.version = 14 : i64} {
  func.func @_tc_layer_body(%arg0: i32, %arg1: memref<2x1000x128xf32, #tpu.memory_space<vmem>>, %arg2: memref<1000x128xf32, #tpu.memory_space<vmem>>, %arg3: memref<2x1000x128xf32, #tpu.memory_space<vmem>>, %arg4: memref<128x128xf32, #tpu.memory_space<vmem>>, %arg5: memref<128x128xf32, #tpu.memory_space<vmem>>, %arg6: memref<1x128xf32, #tpu.memory_space<vmem>>, %arg7: memref<1000x128xf32, #tpu.memory_space<vmem>>) attributes {dimension_semantics = [#tpu.dimension_semantics<arbitrary>], iteration_bounds = array<i64: 10>, scalar_prefetch = 0 : i64, scratch_operands = 0 : i64, tpu.core_type = #tpu.core_type<tc>, window_params = [{transform_indices = @transform_0, window_bounds = array<i64: 2, 1000, 128>}, {transform_indices = @transform_1, window_bounds = array<i64: 1000, 128>}, {transform_indices = @transform_2, window_bounds = array<i64: 2, 1000, 128>}, {pipeline_mode = #tpu.pipeline_mode<synchronous>, transform_indices = @transform_3, window_bounds = array<i64: 128, 128>}, {pipeline_mode = #tpu.pipeline_mode<synchronous>, transform_indices = @transform_4, window_bounds = array<i64: 128, 128>}, {pipeline_mode = #tpu.pipeline_mode<synchronous>, transform_indices = @transform_5, window_bounds = array<i64: 1, 128>}, {transform_indices = @transform_6, window_bounds = array<i64: 1000, 128>}]} {
    %get3A = arith.constant 0 : index
    %get3A_0 = arith.constant 0 : index
    %get3A_1 = arith.constant 0 : index
    %get3A_2 = vector.load %arg1[%get3A, %get3A_0, %get3A_1] : memref<2x1000x128xf32, #tpu.memory_space<vmem>>, vector<1x1000x128xf32>
    %get3A_3 = vector.shape_cast %get3A_2 : vector<1x1000x128xf32> to vector<1000x128xf32>
    %get3A_4 = arith.constant 1 : index
    %get3A_5 = arith.constant 0 : index
    %get3A_6 = arith.constant 0 : index
    %get3A_7 = vector.load %arg1[%get3A_4, %get3A_5, %get3A_6] : memref<2x1000x128xf32, #tpu.memory_space<vmem>>, vector<1x1000x128xf32>
    %get3A_8 = vector.shape_cast %get3A_7 : vector<1x1000x128xf32> to vector<1000x128xf32>
    %add3A = arith.addf %get3A_3, %get3A_8 : vector<1000x128xf32>
    %get3A_9 = arith.constant 0 : index
    %get3A_10 = arith.constant 0 : index
    %get3A_11 = vector.load %arg2[%get3A_9, %get3A_10] : memref<1000x128xf32, #tpu.memory_space<vmem>>, vector<1000x128xf32>
    %add3A_12 = arith.addf %add3A, %get3A_11 : vector<1000x128xf32>
    %get3A_13 = arith.constant 0 : index
    %get3A_14 = arith.constant 0 : index
    %get3A_15 = arith.constant 0 : index
    %get3A_16 = vector.load %arg3[%get3A_13, %get3A_14, %get3A_15] : memref<2x1000x128xf32, #tpu.memory_space<vmem>>, vector<1x1000x128xf32>
    %get3A_17 = vector.shape_cast %get3A_16 : vector<1x1000x128xf32> to vector<1000x128xf32>
    %get3A_18 = arith.constant 1 : index
    %get3A_19 = arith.constant 0 : index
    %get3A_20 = arith.constant 0 : index
    %get3A_21 = vector.load %arg3[%get3A_18, %get3A_19, %get3A_20] : memref<2x1000x128xf32, #tpu.memory_space<vmem>>, vector<1x1000x128xf32>
    %get3A_22 = vector.shape_cast %get3A_21 : vector<1x1000x128xf32> to vector<1000x128xf32>
    %add3A_23 = arith.addf %get3A_17, %get3A_22 : vector<1000x128xf32>
    %get3A_24 = arith.constant 0 : index
    %get3A_25 = arith.constant 0 : index
    %get3A_26 = vector.load %arg4[%get3A_24, %get3A_25] : memref<128x128xf32, #tpu.memory_space<vmem>>, vector<128x128xf32>
    %dot_general3A = arith.constant dense<0.000000e+00> : vector<1000x128xf32>
    %dot_general3A_27 = tpu.matmul %add3A_12, %get3A_26, %dot_general3A {dimension_numbers = #tpu.dot_dimension_numbers<[1], [0], [0], [1], [0, 0, 1, 1], [], []>, transpose_lhs_hint = false} : vector<1000x128xf32>, vector<128x128xf32>, vector<1000x128xf32> -> vector<1000x128xf32>
    %get3A_28 = arith.constant 0 : index
    %get3A_29 = arith.constant 0 : index
    %get3A_30 = vector.load %arg5[%get3A_28, %get3A_29] : memref<128x128xf32, #tpu.memory_space<vmem>>, vector<128x128xf32>
    %dot_general3A_31 = arith.constant dense<0.000000e+00> : vector<1000x128xf32>
    %dot_general3A_32 = tpu.matmul %add3A_23, %get3A_30, %dot_general3A_31 {dimension_numbers = #tpu.dot_dimension_numbers<[1], [0], [0], [1], [0, 0, 1, 1], [], []>, transpose_lhs_hint = false} : vector<1000x128xf32>, vector<128x128xf32>, vector<1000x128xf32> -> vector<1000x128xf32>
    %add3A_33 = arith.addf %dot_general3A_27, %dot_general3A_32 : vector<1000x128xf32>
    %get3A_34 = arith.constant 0 : index
    %get3A_35 = arith.constant 0 : index
    %get3A_36 = vector.load %arg6[%get3A_34, %get3A_35] : memref<1x128xf32, #tpu.memory_space<vmem>>, vector<1x128xf32>
    %add3A_37 = vector.broadcast %get3A_36 : vector<1x128xf32> to vector<1000x128xf32>
    %add3A_38 = arith.addf %add3A_33, %add3A_37 : vector<1000x128xf32>
    %max3A = arith.constant 0.000000e+00 : f32
    %max3A_39 = vector.broadcast %max3A : f32 to vector<1000x128xf32>
    %max3A_40 = arith.maximumf %add3A_38, %max3A_39 : vector<1000x128xf32>
    %swap3A = arith.constant 0 : index
    %swap3A_41 = arith.constant 0 : index
    %swap3A_42 = vector.load %arg7[%swap3A, %swap3A_41] : memref<1000x128xf32, #tpu.memory_space<vmem>>, vector<1000x128xf32>
    tpu.vector_store %arg7[%swap3A, %swap3A_41], %max3A_40 {strides = array<i32>} : memref<1000x128xf32, #tpu.memory_space<vmem>>, vector<1000x128xf32>,
    return
  }
  func.func @transform_0(%arg0: i32) -> (i32, i32, i32) {
    %c0_i32 = arith.constant 0 : i32
    %c0_i32_0 = arith.constant 0 : i32
    %c0_i32_1 = arith.constant 0 : i32
    return %c0_i32, %arg0, %c0_i32_0 : i32, i32, i32
  }
  func.func @transform_1(%arg0: i32) -> (i32, i32) {
    %c0_i32 = arith.constant 0 : i32
    %c0_i32_0 = arith.constant 0 : i32
    return %arg0, %c0_i32 : i32, i32
  }
  func.func @transform_2(%arg0: i32) -> (i32, i32, i32) {
    %c0_i32 = arith.constant 0 : i32
    %c0_i32_0 = arith.constant 0 : i32
    %c0_i32_1 = arith.constant 0 : i32
    return %c0_i32, %arg0, %c0_i32_0 : i32, i32, i32
  }
  func.func @transform_3(%arg0: i32) -> (i32, i32) {
    %c0_i32 = arith.constant 0 : i32
    %c0_i32_0 = arith.constant 0 : i32
    %c0_i32_1 = arith.constant 0 : i32
    return %c0_i32, %c0_i32_0 : i32, i32
  }
  func.func @transform_4(%arg0: i32) -> (i32, i32) {
    %c0_i32 = arith.constant 0 : i32
    %c0_i32_0 = arith.constant 0 : i32
    %c0_i32_1 = arith.constant 0 : i32
    return %c0_i32, %c0_i32_0 : i32, i32
  }
  func.func @transform_5(%arg0: i32) -> (i32, i32) {
    %c0_i32 = arith.constant 0 : i32
    %c0_i32_0 = arith.constant 0 : i32
    %c0_i32_1 = arith.constant 0 : i32
    return %c0_i32, %c0_i32_0 : i32, i32
  }
  func.func @transform_6(%arg0: i32) -> (i32, i32) {
    %c0_i32 = arith.constant 0 : i32
    %c0_i32_0 = arith.constant 0 : i32
    return %arg0, %c0_i32 : i32, i32
  }
}

module attributes {stable_mosaic.version = 14 : i64} {
  func.func @_tc_final_body(%arg0: i32, %arg1: memref<2x1000x128xf32, #tpu.memory_space<vmem>>, %arg2: memref<1000x128xf32, #tpu.memory_space<vmem>>, %arg3: memref<2x1000x128xf32, #tpu.memory_space<vmem>>, %arg4: memref<128x128xf32, #tpu.memory_space<vmem>>, %arg5: memref<128x128xf32, #tpu.memory_space<vmem>>, %arg6: memref<1x128xf32, #tpu.memory_space<vmem>>, %arg7: memref<1x1x1000xi32, #tpu.memory_space<vmem>>, %arg8: memref<128x10xf32, #tpu.memory_space<vmem>>, %arg9: memref<1x10xf32, #tpu.memory_space<vmem>>, %arg10: memref<16x10xf32, #tpu.memory_space<vmem>>, %arg11: memref<16x128xf32, #tpu.memory_space<vmem>>, %arg12: memref<16x128xf32, #tpu.memory_space<vmem>>) attributes {dimension_semantics = [#tpu.dimension_semantics<arbitrary>], iteration_bounds = array<i64: 10>, scalar_prefetch = 0 : i64, scratch_operands = 2 : i64, tpu.core_type = #tpu.core_type<tc>, window_params = [{transform_indices = @transform_0, window_bounds = array<i64: 2, 1000, 128>}, {transform_indices = @transform_1, window_bounds = array<i64: 1000, 128>}, {transform_indices = @transform_2, window_bounds = array<i64: 2, 1000, 128>}, {pipeline_mode = #tpu.pipeline_mode<synchronous>, transform_indices = @transform_3, window_bounds = array<i64: 128, 128>}, {pipeline_mode = #tpu.pipeline_mode<synchronous>, transform_indices = @transform_4, window_bounds = array<i64: 128, 128>}, {pipeline_mode = #tpu.pipeline_mode<synchronous>, transform_indices = @transform_5, window_bounds = array<i64: 1, 128>}, {transform_indices = @transform_6, window_bounds = array<i64: 1, 1, 1000>}, {pipeline_mode = #tpu.pipeline_mode<synchronous>, transform_indices = @transform_7, window_bounds = array<i64: 128, 10>}, {pipeline_mode = #tpu.pipeline_mode<synchronous>, transform_indices = @transform_8, window_bounds = array<i64: 1, 10>}, {pipeline_mode = #tpu.pipeline_mode<synchronous>, transform_indices = @transform_9, window_bounds = array<i64: 16, 10>}]} {
    %eq3A = arith.constant 0 : i32
    %eq3A_0 = arith.cmpi eq, %arg0, %eq3A : i32
    %convert_element_type3A = arith.extui %eq3A_0 : i1 to i32
    %cond3A = arith.constant 0 : i32
    %cond3A_1 = arith.cmpi ne, %convert_element_type3A, %cond3A : i32
    scf.if %cond3A_1 {
      %broadcast_in_dim3A_76 = arith.constant 0.000000e+00 : f32
      %broadcast_in_dim3A_77 = vector.broadcast %broadcast_in_dim3A_76 : f32 to vector<16x128xf32>
      %swap3A_78 = arith.constant 0 : index
      %swap3A_79 = arith.constant 0 : index
      %swap3A_80 = vector.load %arg11[%swap3A_78, %swap3A_79] : memref<16x128xf32, #tpu.memory_space<vmem>>, vector<16x128xf32>
      tpu.vector_store %arg11[%swap3A_78, %swap3A_79], %broadcast_in_dim3A_77 {strides = array<i32>} : memref<16x128xf32, #tpu.memory_space<vmem>>, vector<16x128xf32>,
      %broadcast_in_dim3A_81 = arith.constant 0.000000e+00 : f32
      %broadcast_in_dim3A_82 = vector.broadcast %broadcast_in_dim3A_81 : f32 to vector<16x128xf32>
      %swap3A_83 = arith.constant 0 : index
      %swap3A_84 = arith.constant 0 : index
      %swap3A_85 = vector.load %arg12[%swap3A_83, %swap3A_84] : memref<16x128xf32, #tpu.memory_space<vmem>>, vector<16x128xf32>
      tpu.vector_store %arg12[%swap3A_83, %swap3A_84], %broadcast_in_dim3A_82 {strides = array<i32>} : memref<16x128xf32, #tpu.memory_space<vmem>>, vector<16x128xf32>,
    } else {
    }
    %get3A = arith.constant 0 : index
    %get3A_2 = arith.constant 0 : index
    %get3A_3 = arith.constant 0 : index
    %get3A_4 = vector.load %arg1[%get3A, %get3A_2, %get3A_3] : memref<2x1000x128xf32, #tpu.memory_space<vmem>>, vector<1x1000x128xf32>
    %get3A_5 = vector.shape_cast %get3A_4 : vector<1x1000x128xf32> to vector<1000x128xf32>
    %get3A_6 = arith.constant 1 : index
    %get3A_7 = arith.constant 0 : index
    %get3A_8 = arith.constant 0 : index
    %get3A_9 = vector.load %arg1[%get3A_6, %get3A_7, %get3A_8] : memref<2x1000x128xf32, #tpu.memory_space<vmem>>, vector<1x1000x128xf32>
    %get3A_10 = vector.shape_cast %get3A_9 : vector<1x1000x128xf32> to vector<1000x128xf32>
    %add3A = arith.addf %get3A_5, %get3A_10 : vector<1000x128xf32>
    %get3A_11 = arith.constant 0 : index
    %get3A_12 = arith.constant 0 : index
    %get3A_13 = vector.load %arg2[%get3A_11, %get3A_12] : memref<1000x128xf32, #tpu.memory_space<vmem>>, vector<1000x128xf32>
    %add3A_14 = arith.addf %add3A, %get3A_13 : vector<1000x128xf32>
    %get3A_15 = arith.constant 0 : index
    %get3A_16 = arith.constant 0 : index
    %get3A_17 = arith.constant 0 : index
    %get3A_18 = vector.load %arg3[%get3A_15, %get3A_16, %get3A_17] : memref<2x1000x128xf32, #tpu.memory_space<vmem>>, vector<1x1000x128xf32>
    %get3A_19 = vector.shape_cast %get3A_18 : vector<1x1000x128xf32> to vector<1000x128xf32>
    %get3A_20 = arith.constant 1 : index
    %get3A_21 = arith.constant 0 : index
    %get3A_22 = arith.constant 0 : index
    %get3A_23 = vector.load %arg3[%get3A_20, %get3A_21, %get3A_22] : memref<2x1000x128xf32, #tpu.memory_space<vmem>>, vector<1x1000x128xf32>
    %get3A_24 = vector.shape_cast %get3A_23 : vector<1x1000x128xf32> to vector<1000x128xf32>
    %add3A_25 = arith.addf %get3A_19, %get3A_24 : vector<1000x128xf32>
    %get3A_26 = arith.constant 0 : index
    %get3A_27 = arith.constant 0 : index
    %get3A_28 = vector.load %arg4[%get3A_26, %get3A_27] : memref<128x128xf32, #tpu.memory_space<vmem>>, vector<128x128xf32>
    %dot_general3A = arith.constant dense<0.000000e+00> : vector<1000x128xf32>
    %dot_general3A_29 = tpu.matmul %add3A_14, %get3A_28, %dot_general3A {dimension_numbers = #tpu.dot_dimension_numbers<[1], [0], [0], [1], [0, 0, 1, 1], [], []>, transpose_lhs_hint = false} : vector<1000x128xf32>, vector<128x128xf32>, vector<1000x128xf32> -> vector<1000x128xf32>
    %get3A_30 = arith.constant 0 : index
    %get3A_31 = arith.constant 0 : index
    %get3A_32 = vector.load %arg5[%get3A_30, %get3A_31] : memref<128x128xf32, #tpu.memory_space<vmem>>, vector<128x128xf32>
    %dot_general3A_33 = arith.constant dense<0.000000e+00> : vector<1000x128xf32>
    %dot_general3A_34 = tpu.matmul %add3A_25, %get3A_32, %dot_general3A_33 {dimension_numbers = #tpu.dot_dimension_numbers<[1], [0], [0], [1], [0, 0, 1, 1], [], []>, transpose_lhs_hint = false} : vector<1000x128xf32>, vector<128x128xf32>, vector<1000x128xf32> -> vector<1000x128xf32>
    %add3A_35 = arith.addf %dot_general3A_29, %dot_general3A_34 : vector<1000x128xf32>
    %get3A_36 = arith.constant 0 : index
    %get3A_37 = arith.constant 0 : index
    %get3A_38 = vector.load %arg6[%get3A_36, %get3A_37] : memref<1x128xf32, #tpu.memory_space<vmem>>, vector<1x128xf32>
    %add3A_39 = vector.broadcast %get3A_38 : vector<1x128xf32> to vector<1000x128xf32>
    %add3A_40 = arith.addf %add3A_35, %add3A_39 : vector<1000x128xf32>
    %max3A = arith.constant 0.000000e+00 : f32
    %max3A_41 = vector.broadcast %max3A : f32 to vector<1000x128xf32>
    %max3A_42 = arith.maximumf %add3A_40, %max3A_41 : vector<1000x128xf32>
    %get3A_43 = arith.constant 0 : index
    %get3A_44 = arith.constant 0 : index
    %get3A_45 = arith.constant 0 : index
    %get3A_46 = vector.load %arg7[%get3A_43, %get3A_44, %get3A_45] : memref<1x1x1000xi32, #tpu.memory_space<vmem>>, vector<1x1x1000xi32>
    %get3A_47 = vector.shape_cast %get3A_46 : vector<1x1x1000xi32> to vector<1x1000xi32>
    %iota3A = tpu.iota {dimensions = array<i32: 0>} : vector<16x1xi32>
    %eq3A_48 = vector.broadcast %get3A_47 : vector<1x1000xi32> to vector<16x1000xi32>
    %eq3A_49 = vector.broadcast %iota3A : vector<16x1xi32> to vector<16x1000xi32>
    %eq3A_50 = arith.cmpi eq, %eq3A_48, %eq3A_49 : vector<16x1000xi32>
    %convert_element_type3A_51 = arith.extui %eq3A_50 : vector<16x1000xi1> to vector<16x1000xi32>
    %convert_element_type3A_52 = arith.sitofp %convert_element_type3A_51 : vector<16x1000xi32> to vector<16x1000xf32>
    %get3A_53 = arith.constant 0 : index
    %get3A_54 = arith.constant 0 : index
    %get3A_55 = vector.load %arg11[%get3A_53, %get3A_54] : memref<16x128xf32, #tpu.memory_space<vmem>>, vector<16x128xf32>
    %dot_general3A_56 = arith.constant dense<0.000000e+00> : vector<16x128xf32>
    %dot_general3A_57 = tpu.matmul %convert_element_type3A_52, %max3A_42, %dot_general3A_56 {dimension_numbers = #tpu.dot_dimension_numbers<[1], [0], [0], [1], [0, 0, 1, 1], [], []>, transpose_lhs_hint = false} : vector<16x1000xf32>, vector<1000x128xf32>, vector<16x128xf32> -> vector<16x128xf32>
    %add3A_58 = arith.addf %get3A_55, %dot_general3A_57 : vector<16x128xf32>
    %swap3A = arith.constant 0 : index
    %swap3A_59 = arith.constant 0 : index
    %swap3A_60 = vector.load %arg11[%swap3A, %swap3A_59] : memref<16x128xf32, #tpu.memory_space<vmem>>, vector<16x128xf32>
    tpu.vector_store %arg11[%swap3A, %swap3A_59], %add3A_58 {strides = array<i32>} : memref<16x128xf32, #tpu.memory_space<vmem>>, vector<16x128xf32>,
    %get3A_61 = arith.constant 0 : index
    %get3A_62 = arith.constant 0 : index
    %get3A_63 = vector.load %arg12[%get3A_61, %get3A_62] : memref<16x128xf32, #tpu.memory_space<vmem>>, vector<16x128xf32>
    %broadcast_in_dim3A = arith.constant 1.000000e+00 : f32
    %broadcast_in_dim3A_64 = vector.broadcast %broadcast_in_dim3A : f32 to vector<1000x128xf32>
    %dot_general3A_65 = arith.constant dense<0.000000e+00> : vector<16x128xf32>
    %dot_general3A_66 = tpu.matmul %convert_element_type3A_52, %broadcast_in_dim3A_64, %dot_general3A_65 {dimension_numbers = #tpu.dot_dimension_numbers<[1], [0], [0], [1], [0, 0, 1, 1], [], []>, transpose_lhs_hint = false} : vector<16x1000xf32>, vector<1000x128xf32>, vector<16x128xf32> -> vector<16x128xf32>
    %add3A_67 = arith.addf %get3A_63, %dot_general3A_66 : vector<16x128xf32>
    %swap3A_68 = arith.constant 0 : index
    %swap3A_69 = arith.constant 0 : index
    %swap3A_70 = vector.load %arg12[%swap3A_68, %swap3A_69] : memref<16x128xf32, #tpu.memory_space<vmem>>, vector<16x128xf32>
    tpu.vector_store %arg12[%swap3A_68, %swap3A_69], %add3A_67 {strides = array<i32>} : memref<16x128xf32, #tpu.memory_space<vmem>>, vector<16x128xf32>,
    %eq3A_71 = arith.constant 9 : i32
    %eq3A_72 = arith.cmpi eq, %arg0, %eq3A_71 : i32
    %convert_element_type3A_73 = arith.extui %eq3A_72 : i1 to i32
    %cond3A_74 = arith.constant 0 : i32
    %cond3A_75 = arith.cmpi ne, %convert_element_type3A_73, %cond3A_74 : i32
    scf.if %cond3A_75 {
      %get3A_76 = arith.constant 0 : index
      %get3A_77 = arith.constant 0 : index
      %get3A_78 = vector.load %arg11[%get3A_76, %get3A_77] : memref<16x128xf32, #tpu.memory_space<vmem>>, vector<16x128xf32>
      %get3A_79 = arith.constant 0 : index
      %get3A_80 = arith.constant 0 : index
      %get3A_81 = vector.load %arg12[%get3A_79, %get3A_80] : memref<16x128xf32, #tpu.memory_space<vmem>>, vector<16x128xf32>
      %max3A_82 = arith.constant 1.000000e+00 : f32
      %max3A_83 = vector.broadcast %max3A_82 : f32 to vector<16x128xf32>
      %max3A_84 = arith.maximumf %get3A_81, %max3A_83 : vector<16x128xf32>
      %div3A = arith.divf %get3A_78, %max3A_84 : vector<16x128xf32>
      %get3A_85 = arith.constant 0 : index
      %get3A_86 = arith.constant 0 : index
      %get3A_87 = vector.load %arg8[%get3A_85, %get3A_86] : memref<128x10xf32, #tpu.memory_space<vmem>>, vector<128x10xf32>
      %dot_general3A_88 = arith.constant dense<0.000000e+00> : vector<16x10xf32>
      %dot_general3A_89 = tpu.matmul %div3A, %get3A_87, %dot_general3A_88 {dimension_numbers = #tpu.dot_dimension_numbers<[1], [0], [0], [1], [0, 0, 1, 1], [], []>, transpose_lhs_hint = false} : vector<16x128xf32>, vector<128x10xf32>, vector<16x10xf32> -> vector<16x10xf32>
      %get3A_90 = arith.constant 0 : index
      %get3A_91 = arith.constant 0 : index
      %get3A_92 = vector.load %arg9[%get3A_90, %get3A_91] : memref<1x10xf32, #tpu.memory_space<vmem>>, vector<1x10xf32>
      %add3A_93 = vector.broadcast %get3A_92 : vector<1x10xf32> to vector<16x10xf32>
      %add3A_94 = arith.addf %dot_general3A_89, %add3A_93 : vector<16x10xf32>
      %reduce_max3A = arith.constant dense<0xFF800000> : vector<16xf32>
      %reduce_max3A_95 = vector.multi_reduction <maximumf>, %add3A_94, %reduce_max3A [1] : vector<16x10xf32> to vector<16xf32>
      %broadcast_in_dim3A_96 = vector.shape_cast %reduce_max3A_95 : vector<16xf32> to vector<16x1xf32>
      %sub3A = vector.broadcast %broadcast_in_dim3A_96 : vector<16x1xf32> to vector<16x10xf32>
      %sub3A_97 = arith.subf %add3A_94, %sub3A : vector<16x10xf32>
      %exp3A = math.exp %sub3A_97 : vector<16x10xf32>
      %reduce_sum3A = arith.constant dense<0.000000e+00> : vector<16xf32>
      %reduce_sum3A_98 = vector.multi_reduction <add>, %exp3A, %reduce_sum3A [1] : vector<16x10xf32> to vector<16xf32>
      %broadcast_in_dim3A_99 = vector.shape_cast %reduce_sum3A_98 : vector<16xf32> to vector<16x1xf32>
      %log3A = math.log %broadcast_in_dim3A_99 : vector<16x1xf32>
      %sub3A_100 = vector.broadcast %log3A : vector<16x1xf32> to vector<16x10xf32>
      %sub3A_101 = arith.subf %sub3A_97, %sub3A_100 : vector<16x10xf32>
      %swap3A_102 = arith.constant 0 : index
      %swap3A_103 = arith.constant 0 : index
      %swap3A_104 = vector.load %arg10[%swap3A_102, %swap3A_103] : memref<16x10xf32, #tpu.memory_space<vmem>>, vector<16x10xf32>
      tpu.vector_store %arg10[%swap3A_102, %swap3A_103], %sub3A_101 {strides = array<i32>} : memref<16x10xf32, #tpu.memory_space<vmem>>, vector<16x10xf32>,
    } else {
    }
    return
  }
  func.func @transform_0(%arg0: i32) -> (i32, i32, i32) {
    %c0_i32 = arith.constant 0 : i32
    %c0_i32_0 = arith.constant 0 : i32
    %c0_i32_1 = arith.constant 0 : i32
    return %c0_i32, %arg0, %c0_i32_0 : i32, i32, i32
  }
  func.func @transform_1(%arg0: i32) -> (i32, i32) {
    %c0_i32 = arith.constant 0 : i32
    %c0_i32_0 = arith.constant 0 : i32
    return %arg0, %c0_i32 : i32, i32
  }
  func.func @transform_2(%arg0: i32) -> (i32, i32, i32) {
    %c0_i32 = arith.constant 0 : i32
    %c0_i32_0 = arith.constant 0 : i32
    %c0_i32_1 = arith.constant 0 : i32
    return %c0_i32, %arg0, %c0_i32_0 : i32, i32, i32
  }
  func.func @transform_3(%arg0: i32) -> (i32, i32) {
    %c0_i32 = arith.constant 0 : i32
    %c0_i32_0 = arith.constant 0 : i32
    %c0_i32_1 = arith.constant 0 : i32
    return %c0_i32, %c0_i32_0 : i32, i32
  }
  func.func @transform_4(%arg0: i32) -> (i32, i32) {
    %c0_i32 = arith.constant 0 : i32
    %c0_i32_0 = arith.constant 0 : i32
    %c0_i32_1 = arith.constant 0 : i32
    return %c0_i32, %c0_i32_0 : i32, i32
  }
  func.func @transform_5(%arg0: i32) -> (i32, i32) {
    %c0_i32 = arith.constant 0 : i32
    %c0_i32_0 = arith.constant 0 : i32
    %c0_i32_1 = arith.constant 0 : i32
    return %c0_i32, %c0_i32_0 : i32, i32
  }
  func.func @transform_6(%arg0: i32) -> (i32, i32, i32) {
    %c0_i32 = arith.constant 0 : i32
    %c0_i32_0 = arith.constant 0 : i32
    %c0_i32_1 = arith.constant 0 : i32
    return %arg0, %c0_i32, %c0_i32_0 : i32, i32, i32
  }
  func.func @transform_7(%arg0: i32) -> (i32, i32) {
    %c0_i32 = arith.constant 0 : i32
    %c0_i32_0 = arith.constant 0 : i32
    %c0_i32_1 = arith.constant 0 : i32
    return %c0_i32, %c0_i32_0 : i32, i32
  }
  func.func @transform_8(%arg0: i32) -> (i32, i32) {
    %c0_i32 = arith.constant 0 : i32
    %c0_i32_0 = arith.constant 0 : i32
    %c0_i32_1 = arith.constant 0 : i32
    return %c0_i32, %c0_i32_0 : i32, i32
  }
  func.func @transform_9(%arg0: i32) -> (i32, i32) {
    %c0_i32 = arith.constant 0 : i32
    %c0_i32_0 = arith.constant 0 : i32
    %c0_i32_1 = arith.constant 0 : i32
    return %c0_i32, %c0_i32_0 : i32, i32
  }
}

</mosaic_0001>

<sc_bundles>
// kernel: kernel.10.cloned.1.call-start
scs
__scs_entry_jumppad:
0x0: {  	(pc) =	sbr.rel $0x88, $3  }
0x1: {  	(tag) =	ssettag $0x0;
	lr =	simm.s32 $0x1  }
0x2: {  	[smem:$0x3F97] =	sst lr;
	_ =	strace $0xD0000000  }
0x3: {  	_ = 	snop  }
0x4: {  	_ = 	snop  }
0x5: {  	_ = 	snop  }
0x6: {  	_ = 	snop  }
0x7: {  	_ = 	snop  }
__scs_overlays_trampoline_lowered:
0x8: {  	[smem:$0x3FA6] =	sst s0  }
0x9: {  	[smem:$0x3FA7] =	sst s1  }
0xa: {  	[smem:$0x3FA8] =	sst s2  }
0xb: {  	[smem:$0x3FA9] =	sst s3  }
0xc: {  	[smem:$0x3FAA] =	sst s4  }
0xd: {  	[smem:$0x3FAB] =	sst s5  }
0xe: {  	[smem:$0x3FAC] =	sst s6  }
0xf: {  	[smem:$0x3FAD] =	sst s7  }
0x10: {  	[smem:$0x3FAE] =	sst s8  }
0x11: {  	[smem:$0x3FAF] =	sst s9;
	s0 =	simm.s32 @!p0 $0x0  }
0x12: {  	s1 =	sld [smem:$0x3F95];
	s0 =	simm.s32 @p0 $0x1  }
0x13: {  	[smem:$0x3FB0] =	sst s0;
	s0 =	simm.s32 @!p1 $0x0  }
0x14: {  	s2 =	sld [smem:$0x3F94];
	s0 =	simm.s32 @p1 $0x1  }
0x15: {  	[smem:$0x3FB1] =	sst s0;
	s0 =	simm.s32 @!p2 $0x0  }
0x16: {  	s3 =	sld [smem:$0x3FDB];
	s0 =	simm.s32 @p2 $0x1  }
0x17: {  	s4 =	simm.s32 $0x1BF5;
	[smem:$0x3FB3] =	sst s0  }
0x18: {  	s0 =	sld [smem:$0x3F96];
	_ =	swait.ge [sflag:s4], $0x0  }
0x19: {  	s7 =	sld [smem:$0x3F97]  }
0x1a: {  	s8 =	sadd.s32 $0xFFFFE003, lr  }
0x1b: {  	s9 =	sadd.s32 $0xFFFFFEF7, lr;
	s5 =	simm.s32 $0xFFFFFFFF;
	p2 =	slt.u32 s8, $0xFFFFF086  }
0x1c: {  	p1 =	slt.u32 s9, $0xF7A;
	s5 =	simm.s32 @!p2 $0x0  }
0x1d: {  	s5 =	simm.s32 @p1 $0x1;
	p0 =	seq.s32 s7, s2  }
0x1e: {  	s7 =	smul.u32 @!p0 $0xF7A, s2;
	p2 =	seq.s32 @!p0 s5, $0x0  }
0x1f: {  	s9 =	smul.u32 $0xF7A, s1;
	s8 =	simm.s32 @!p0 $0x1BF5;
	p2 =	por !p2, p0  }
0x20: {  	[sflag:s8] =	ssyncset.s32 @!p0 $0xFFFFF086;
	s6 =	sadd.s32 @!p0 s3, s7;
	s7 =	simm.s32 @!p0 $0x108  }
0x21: {  	s3 =	sadd.s32 s3, s9;
	s6 =	sadd.s32 @!p0 $0x88, s6;
	s7 =	simm.s32 @p2 $0x1082  }
0x22: {  	[simem:s7], [sflag:s8] =	dma.local @!p0 [hbm:s6], $0xF7A  }
0x23: {  	s9 =	sor.u32 $0xD0000000, s2;
	s6 =	simm.s32 $0x108;
	_ =	swait.ge @!p0 [sflag:s8], $0x0  }
0x24: {  	s3 =	sadd.s32 $0x88, s3;
	s6 =	simm.s32 @!p1 $0x1082;
	[sflag:s4] =	ssyncset.s32 $0xFFFFF086  }
0x25: {  	[simem:s6], [sflag:s4] =	dma.local [hbm:s3], $0xF7A  }
0x26: {  	[smem:$0x3F97] =	sst s1;
	(tag) =	ssettag s2;
	_ =	strace s9  }
0x27: {  	s1 =	sld [smem:$0x3FA7]  }
0x28: {  	s2 =	sld [smem:$0x3FA8]  }
0x29: {  	s4 =	sld [smem:$0x3FAA]  }
0x2a: {  	p0 =	seq.s32 s5, $0x0;
	s5 =	sld [smem:$0x3FAB]  }
0x2b: {  	s6 =	sld [smem:$0x3FAC]  }
0x2c: {  	s7 =	sld [smem:$0x3FAD]  }
0x2d: {  	s3 =	simm.s32 $0x108;
	s8 =	sld [smem:$0x3FAE]  }
0x2e: {  	s3 =	simm.s32 @!p0 $0x1082;
	s9 =	sld [smem:$0x3FAF]  }
0x2f: {  	lr =	sadd.s32 s0, s3;
	s0 =	sld [smem:$0x3FA6]  }
0x30: {  	s3 =	sld [smem:$0x3FA9]  }
0x31: {  	[smem:$0x3FB2] =	sst s10  }
0x32: {  	s10 =	sld [smem:$0x3FB0];
	_ =	sdelay $0x3  }
0x33: {  	p0 =	seq.s32 s10, $0x1;
	s10 =	sld [smem:$0x3FB2];
	_ =	sdelay $0x3  }
0x34: {  	[smem:$0x3FB2] =	sst s10  }
0x35: {  	s10 =	sld [smem:$0x3FB1];
	_ =	sdelay $0x3  }
0x36: {  	p1 =	seq.s32 s10, $0x1;
	s10 =	sld [smem:$0x3FB2];
	_ =	sdelay $0x3  }
0x37: {  	[smem:$0x3FB2] =	sst s10  }
0x38: {  	s10 =	sld [smem:$0x3FB3]  }
0x39: {  	_ = 	snop;
	(pc) =	sbr.ind lr, $3  }
0x3a: {  	_ = 	snop  }
0x3b: {  	_ = 	snop  }
0x3c: {  	p2 =	seq.s32 s10, $0x1;
	s10 =	sld [smem:$0x3FB2]  }
0x3d: {  	_ =	shalt  }
0x3e: {  	_ =	shalt  }
0x3f: {  	_ =	shalt  }
0x40: {  	_ =	shalt  }
0x41: {  	_ =	shalt  }
0x42: {  	_ =	shalt  }
0x43: {  	_ =	shalt  }
0x44: {  	_ =	shalt  }
0x45: {  	_ =	shalt  }
0x46: {  	_ =	shalt  }
0x47: {  	_ =	shalt  }
0x48: {  	_ =	shalt  }
0x49: {  	_ =	shalt  }
0x4a: {  	_ =	shalt  }
0x4b: {  	_ =	shalt  }
0x4c: {  	_ =	shalt  }
0x4d: {  	_ =	shalt  }
0x4e: {  	_ =	shalt  }
0x4f: {  	_ =	shalt  }
0x50: {  	_ =	shalt  }
0x51: {  	_ =	shalt  }
0x52: {  	_ =	shalt  }
0x53: {  	_ =	shalt  }
0x54: {  	_ =	shalt  }
0x55: {  	_ =	shalt  }
0x56: {  	_ =	shalt  }
0x57: {  	_ =	shalt  }
0x58: {  	_ =	shalt  }
0x59: {  	_ =	shalt  }
0x5a: {  	_ =	shalt  }
0x5b: {  	_ =	shalt  }
0x5c: {  	_ =	shalt  }
0x5d: {  	_ =	shalt  }
0x5e: {  	_ =	shalt  }
0x5f: {  	_ =	shalt  }
0x60: {  	_ =	shalt  }
0x61: {  	_ =	shalt  }
0x62: {  	_ =	shalt  }
0x63: {  	_ =	shalt  }
0x64: {  	_ =	shalt  }
0x65: {  	_ =	shalt  }
0x66: {  	_ =	shalt  }
0x67: {  	_ =	shalt  }
0x68: {  	_ =	shalt  }
0x69: {  	_ =	shalt  }
0x6a: {  	_ =	shalt  }
0x6b: {  	_ =	shalt  }
0x6c: {  	_ =	shalt  }
0x6d: {  	_ =	shalt  }
0x6e: {  	_ =	shalt  }
0x6f: {  	_ =	shalt  }
0x70: {  	_ =	shalt  }
0x71: {  	_ =	shalt  }
0x72: {  	_ =	shalt  }
0x73: {  	_ =	shalt  }
0x74: {  	_ =	shalt  }
0x75: {  	_ =	shalt  }
0x76: {  	_ =	shalt  }
0x77: {  	_ =	shalt  }
0x78: {  	_ =	shalt  }
0x79: {  	_ =	shalt  }
0x7a: {  	_ =	shalt  }
0x7b: {  	_ =	shalt  }
0x7c: {  	_ =	shalt  }
0x7d: {  	_ =	shalt  }
0x7e: {  	_ =	shalt  }
0x7f: {  	_ =	shalt  }
0x80: {  	_ =	shalt  }
0x81: {  	_ =	shalt  }
0x82: {  	_ =	shalt  }
0x83: {  	_ =	shalt  }
0x84: {  	_ =	shalt  }
0x85: {  	_ =	shalt  }
0x86: {  	_ =	shalt  }
0x87: {  	_ =	shalt  }
.Lfunc_end0:
.L_simem_size_0:
called_computation.1_lowered:
.L_overlay_start_0:
0x88: {  	s2 =	sld [smem:$0x3FD9]  }
0x89: {  	s3 =	sld [smem:$0x3FFE];
	_ =	sdelay $0x1  }
0x8a: {  	s1 =	srdreg.scid  }
0x8b: {  	s0 =	sand.u32 $0x1, s1  }
0x8c: {  	s17 =	sshll.u32 s0, $0xA;
	s2 =	sadd.s32 s3, s2  }
0x8d: {  	s2 =	sadd.s32 s2, s17  }
0x8e: {  	[smem:$0x3FBE] =	sst s2  }
0x8f: {  	_ = 	snop  }
0x90: {  	s2 =	sld [smem:$0x3FC9];
	(tm) =	ssettm $0x1  }
0x91: {  	s18 =	sld [smem:$0x3FFB];
	_ =	sdelay $0x3  }
0x92: {  	_ =	strace s18  }
0x93: {  	s3 =	sld [smem:$0x3FFC];
	_ =	sdelay $0x3  }
0x94: {  	_ =	strace s3  }
0x95: {  	s3 =	sld [smem:$0x3FFD];
	_ =	sdelay $0x3  }
0x96: {  	_ =	strace s3  }
0x97: {  	_ =	strace $0x8FFFFFFF  }
0x98: {  	s19 =	sld [smem:$0x3FDB];
	_ =	sdelay $0x1  }
0x99: {  	s4 =	simm.s32 $_scs_section_size  }
0x9a: {  	s5 =	simm.s32 $_size__tile_overlayer_lowered;
	s6 =	simm.s32 $_tile_overlayer_lowered  }
0x9b: {  	s22 =	simm.s32 $0x1BFF;
	s21 =	sshll.u32 s6, $0x1;
	s3 =	sadd.s32 s4, s19  }
0x9c: {  	s7 =	simm.s32 $0x0;
	s20 =	sshll.u32 s5, $0x1;
	s5 =	sadd.s32 s21, s3  }
0x9d: {  	[timem:s7], [sflag:s22] =	dma.local [hbm:s5], s20  }
0x9e: {  	_ =	swait.ge [sflag:s22], s20  }
0x9f: {  	s4 =	ssub.s32 $0x0, s20;
	[sflag:s22] =	ssyncset.done $0x0  }
0xa0: {  	[sflag:s22] =	ssyncadd.s32 s4;
	_ =	sdelay $0x1  }
0xa1: {  	s23 =	simm.s32 $0x1B8B  }
0xa2: {  	_ =	swait.ge [sflag:s23], $0x1  }
0xa3: {  	[sflag:s23] =	ssyncset.done $0x0  }
0xa4: {  	s25 =	simm.s32 $0x1B8E;
	s24 =	sld [smem:$0x3FFE];
	[sflag:s23] =	ssyncadd.s32 $0xFFFFFFFF  }
0xa5: {  	s26 =	simm.s32 $execute0_lowered;
	[smem:$0x3FD2] =	sst s25  }
0xa6: {  	s5 =	sshll.u32 s26, $0x1;
	_ =	strace $0x80000046;
	[dreg:$0x1] =	wrdreg $0xFFFFFFFF  }
0xa7: {  	s28 =	simm.s32 $_size_execute0_lowered;
	s3 =	sadd.s32 s3, s5;
	[dreg:$0x0] =	wrdreg $0x0  }
0xa8: {  	s5 =	sshll.u32 s28, $0x1;
	[dreg:$0x2] =	wrdreg s3  }
0xa9: {  	[dreg:$0x3] =	wrdreg s5  }
0xaa: {  	[dreg:$0x4] =	wrdreg $0xC0  }
0xab: {  	_ =	task [dreg:s7], $0x5FFFF  }
0xac: {  	[dreg:$0x1] =	wrdreg $0xFFFFFFFF  }
0xad: {  	[dreg:$0x0] =	wrdreg $0x60  }
0xae: {  	[dreg:$0x2] =	wrdreg s2  }
0xaf: {  	[dreg:$0x3] =	wrdreg s24  }
0xb0: {  	[dreg:$0x4] =	wrdreg $0x41000  }
0xb1: {  	[dreg:$0x5] =	wrdreg $0xA  }
0xb2: {  	_ =	task.clear_ibuf [dreg:s7], $0x6FFFF;
	_ =	strace $0x90000046  }
0xb3: {  	s29 =	simm.s32 $0xA;
	_ =	strace $0x80000048  }
0xb4: {  	_ =	swait.ge [sflag:s29], $0x1  }
0xb5: {  	[sflag:s29] =	ssyncadd.s32 $0xFFFFFFFF  }
0xb6: {  	_ =	strace $0x90000048  }
0xb7: {  	_ =	sfence  }
0xb8: {  	s30 =	sld [smem:$0x0];
	_ =	sdelay $0x2  }
0xb9: {  	s31 =	sshll.u32 s1, $0xD;
	s1 =	sshrl.u32 s1, $0x2  }
0xba: {  	s3 =	sand.u32 $0x4000, s31;
	s1 =	sadd.s32 s1, s30  }
0xbb: {  	s0 =	sor.u32 s3, s0;
	s1 =	sshll.u32 s1, $0x11  }
0xbc: {  	s0 =	sor.u32 s1, s0  }
0xbd: {  	s0 =	sadd.s32 $0x8F2B, s0  }
0xbe: {  	[sflag:s0] =	ssyncadd.remote.s32 $0x1  }
0xbf: {  	_ =	sfence.sel $0xFFFF  }
0xc0: {  	[dreg:$0x0] =	wrdreg $0xFFFFFFFF;
	(pc) =	sbr.abs _section_cstart, $3  }
0xc1: {  	[dreg:$0x1] =	wrdreg $0xFFFFFFFF  }
0xc2: {  	_ =	task.clear_ibuf [dreg:s7], $0x2FFFF;
	_ =	strace $0x9FFFFFFF  }
0xc3: {  	(tm) =	ssettm $0x7FFFFFFF  }
tec
execute0_lowered:
.L_overlay_start_1:
0x0: {  	(tag) =	ssettag $0x1  }
0x1: {  	s0 =	srdreg.scid;
	s20 =	rddreg [dreg:$0x1];
	s1 =	simm.s32 $0x0  }
0x2: {  	s4 =	stileid.u32;
	s21 =	stileid.u32;
	s0 =	sand.u32 $0x1, s0  }
0x3: {  	[smem:$0x7FF] =	sst s1;
	s12 =	smul.u32 $0x13800, s4;
	s15 =	sadd.s32 $0x17400, s20  }
0x4: {  	s18 =	sshll.u32 s4, $0x1;
	s21 =	smul.u32 $0x4E000, s21;
	s2 =	ssub.s32 $0x2, s0  }
0x5: {  	s17 =	smul.u32 $0x138C00, s0;
	s3 =	sshrl.u32 s2, $0x1;
	s22 =	sadd.s32 $0x1800, s12  }
0x6: {  	s4 =	sadd.s32 $0x3000, s12;
	s6 =	sadd.s32 $0x4800, s12;
	s7 =	sadd.s32 $0x6000, s12  }
0x7: {  	s8 =	sadd.s32 $0x7800, s12;
	s9 =	sadd.s32 $0x9000, s12;
	s10 =	sadd.s32 $0xA800, s12  }
0x8: {  	s11 =	sadd.s32 $0xC000, s12;
	s13 =	sadd.s32 $0xD800, s12;
	s21 =	sshrl.u32 s21, $0x2  }
0x9: {  	s5 =	ssub.s32 s2, s3;
	s3 =	sor.u32 s0, s18;
	s0 =	sadd.s32 $0xF000, s12  }
0xa: {  	s2 =	sadd.s32 $0x10800, s12;
	s14 =	sadd.s32 s12, s17;
	s16 =	sadd.s32 s17, s22  }
0xb: {  	s12 =	sadd.s32 $0x12000, s12;
	s23 =	sadd.s32 s17, s4;
	s24 =	sadd.s32 s17, s6  }
0xc: {  	s18 =	sadd.s32 s17, s7;
	s14 =	sshrl.u32 s14, $0x3;
	s16 =	sshrl.u32 s16, $0x3  }
0xd: {  	s25 =	sshrl.u32 s24, $0x3;
	s26 =	sshrl.u32 s18, $0x3;
	s24 =	sadd.s32 s17, s10  }
0xe: {  	s3 =	smul.u32 $0x2800, s3;
	s5 =	smax.u32 s5, $0x1;
	s14 =	sadd.s32 s15, s14  }
0xf: {  	s19 =	sadd.s32 s15, s16;
	s18 =	sadd.s32 s15, s26;
	[dreg:$0x4] =	wrdreg s14  }
0x10: {  	s26 =	sshrl.u32 s24, $0x3;
	s24 =	sadd.s32 s17, s0;
	[dreg:$0x5] =	wrdreg s19  }
0x11: {  	s14 =	sshrl.u32 s23, $0x3;
	[dreg:$0x8] =	wrdreg s18;
	s19 =	sadd.s32 s17, s8  }
0x12: {  	s23 =	sadd.s32 s17, s9;
	s18 =	sadd.s32 s15, s26;
	s26 =	sshrl.u32 s24, $0x3  }
0x13: {  	s24 =	sadd.s32 s17, s12;
	s14 =	sadd.s32 s15, s14;
	[dreg:$0xb] =	wrdreg s18  }
0x14: {  	s18 =	sadd.s32 s15, s26;
	[dreg:$0x6] =	wrdreg s14;
	s14 =	sadd.s32 s15, s25  }
0x15: {  	s26 =	sadd.s32 $0x16C00, s20;
	[dreg:$0x7] =	wrdreg s14;
	s14 =	sshrl.u32 s19, $0x3  }
0x16: {  	s25 =	sshrl.u32 s23, $0x3;
	[dreg:$0xe] =	wrdreg s18;
	s14 =	sadd.s32 s15, s14  }
0x17: {  	s19 =	sadd.s32 s17, s11;
	[dreg:$0x9] =	wrdreg s14;
	s14 =	sadd.s32 s15, s25  }
0x18: {  	s23 =	sadd.s32 s17, s13;
	[dreg:$0xa] =	wrdreg s14;
	s14 =	sshrl.u32 s19, $0x3  }
0x19: {  	s18 =	sshrl.u32 s24, $0x3;
	s25 =	sshrl.u32 s23, $0x3;
	s14 =	sadd.s32 s15, s14  }
0x1a: {  	s19 =	sadd.s32 s17, s2;
	[dreg:$0xc] =	wrdreg s14;
	s14 =	sadd.s32 s15, s25  }
0x1b: {  	s23 =	sshrl.u32 s19, $0x3;
	s19 =	sshrl.u32 s17, $0x3;
	[dreg:$0xd] =	wrdreg s14  }
0x1c: {  	s16 =	sadd.s32 s15, s23;
	s25 =	sadd.s32 s15, s18;
	s14 =	rddreg [dreg:$0x0]  }
0x1d: {  	s15 =	sadd.s32 s15, s19;
	s18 =	sadd.s32 $0xCC00, s20;
	[dreg:$0xf] =	wrdreg s16  }
0x1e: {  	s19 =	sadd.s32 $0x2C00, s20;
	s20 =	stileid.u32;
	[dreg:$0x10] =	wrdreg s25  }
0x1f: {  	s16 =	rddreg [dreg:$0x2];
	p0 =	sne.s32 s20, $0xF;
	_ =	strace $0x80000047  }
0x20: {  	[dreg:$0x11] =	wrdreg s26;
	s21 =	sadd.s32 s21, s16;
	s22 =	sadd.s32 s22, s16  }
0x21: {  	s23 =	sadd.s32 s4, s16;
	s24 =	sadd.s32 s6, s16;
	s25 =	sadd.s32 s7, s16  }
0x22: {  	s26 =	sadd.s32 s8, s16;
	s28 =	sadd.s32 s9, s16;
	s29 =	sadd.s32 s10, s16  }
0x23: {  	s30 =	sadd.s32 s11, s16;
	s31 =	sadd.s32 s13, s16;
	s13 =	sadd.s32 s0, s16  }
0x24: {  	s0 =	sadd.s32 s2, s16;
	s2 =	sadd.s32 s12, s16;
	s4 =	sadd.s32 $0x27000, s15  }
0x25: {  	s6 =	sadd.s32 $0x138000, s16;
	s7 =	simm.s32 $0x100;
	s8 =	simm.s32 $0x2  }
0x26: {  	s9 =	simm.s32 $0x80;
	s10 =	simm.s32 $0x1;
	s11 =	simm.s32 $0x0  }
.LBB2_1:
0x27: {  	s12 =	rddreg [dreg:$0x11]  }
0x28: {  	[tilespmem:s7], [sflag:$0x2] =	stream.linear.gather [hbm4b:s12+s1], $0x4000, $0x38;
	[tilespmem:$0x179C0] =	vst v63  }
0x29: {  	_ =	swait.ge [sflag:s8], $0x4000  }
0x2a: {  	[sflag:s8] =	ssyncset.done $0x0  }
0x2b: {  	[sflag:s8] =	ssyncadd.s32 $0xFFFFC000  }
0x2c: {  	[spmem:s21] =	stream.linear.scatter [tilespmem:s7], [sflag:$0x2], $0x1800, $0x38;
	[tilespmem:$0x179C0] =	vst v63  }
0x2d: {  	_ =	swait.ge [sflag:s8], $0x1800  }
0x2e: {  	[sflag:s8] =	ssyncset.done $0x0  }
0x2f: {  	[sflag:s8] =	ssyncadd.s32 $0xFFFFE800  }
0x30: {  	[spmem:s22] =	stream.linear.scatter [tilespmem:s7], [sflag:$0x2], $0x1800, $0x38;
	[tilespmem:$0x179C0] =	vst v63  }
0x31: {  	_ =	swait.ge [sflag:s8], $0x1800  }
0x32: {  	[sflag:s8] =	ssyncset.done $0x0  }
0x33: {  	[sflag:s8] =	ssyncadd.s32 $0xFFFFE800  }
0x34: {  	[spmem:s23] =	stream.linear.scatter [tilespmem:s7], [sflag:$0x2], $0x1800, $0x38;
	[tilespmem:$0x179C0] =	vst v63  }
0x35: {  	_ =	swait.ge [sflag:s8], $0x1800  }
0x36: {  	[sflag:s8] =	ssyncset.done $0x0  }
0x37: {  	[sflag:s8] =	ssyncadd.s32 $0xFFFFE800  }
0x38: {  	[spmem:s24] =	stream.linear.scatter [tilespmem:s7], [sflag:$0x2], $0x1800, $0x38;
	[tilespmem:$0x179C0] =	vst v63  }
0x39: {  	_ =	swait.ge [sflag:s8], $0x1800  }
0x3a: {  	[sflag:s8] =	ssyncset.done $0x0  }
0x3b: {  	[sflag:s8] =	ssyncadd.s32 $0xFFFFE800  }
0x3c: {  	[spmem:s25] =	stream.linear.scatter [tilespmem:s7], [sflag:$0x2], $0x1800, $0x38;
	[tilespmem:$0x179C0] =	vst v63  }
0x3d: {  	_ =	swait.ge [sflag:s8], $0x1800  }
0x3e: {  	[sflag:s8] =	ssyncset.done $0x0  }
0x3f: {  	[sflag:s8] =	ssyncadd.s32 $0xFFFFE800  }
0x40: {  	[spmem:s26] =	stream.linear.scatter [tilespmem:s7], [sflag:$0x2], $0x1800, $0x38;
	[tilespmem:$0x179C0] =	vst v63  }
0x41: {  	_ =	swait.ge [sflag:s8], $0x1800  }
0x42: {  	[sflag:s8] =	ssyncset.done $0x0  }
0x43: {  	[sflag:s8] =	ssyncadd.s32 $0xFFFFE800  }
0x44: {  	[spmem:s28] =	stream.linear.scatter [tilespmem:s7], [sflag:$0x2], $0x1800, $0x38;
	[tilespmem:$0x179C0] =	vst v63  }
0x45: {  	_ =	swait.ge [sflag:s8], $0x1800  }
0x46: {  	[sflag:s8] =	ssyncset.done $0x0  }
0x47: {  	[sflag:s8] =	ssyncadd.s32 $0xFFFFE800  }
0x48: {  	[spmem:s29] =	stream.linear.scatter [tilespmem:s7], [sflag:$0x2], $0x1800, $0x38;
	[tilespmem:$0x179C0] =	vst v63  }
0x49: {  	_ =	swait.ge [sflag:s8], $0x1800  }
0x4a: {  	[sflag:s8] =	ssyncset.done $0x0  }
0x4b: {  	[sflag:s8] =	ssyncadd.s32 $0xFFFFE800  }
0x4c: {  	[spmem:s30] =	stream.linear.scatter [tilespmem:s7], [sflag:$0x2], $0x1800, $0x38;
	[tilespmem:$0x179C0] =	vst v63  }
0x4d: {  	_ =	swait.ge [sflag:s8], $0x1800  }
0x4e: {  	[sflag:s8] =	ssyncset.done $0x0  }
0x4f: {  	[sflag:s8] =	ssyncadd.s32 $0xFFFFE800  }
0x50: {  	[spmem:s31] =	stream.linear.scatter [tilespmem:s7], [sflag:$0x2], $0x1800, $0x38;
	[tilespmem:$0x179C0] =	vst v63  }
0x51: {  	_ =	swait.ge [sflag:s8], $0x1800  }
0x52: {  	[sflag:s8] =	ssyncset.done $0x0  }
0x53: {  	[sflag:s8] =	ssyncadd.s32 $0xFFFFE800  }
0x54: {  	[spmem:s13] =	stream.linear.scatter [tilespmem:s7], [sflag:$0x2], $0x1800, $0x38;
	[tilespmem:$0x179C0] =	vst v63  }
0x55: {  	_ =	swait.ge [sflag:s8], $0x1800  }
0x56: {  	[sflag:s8] =	ssyncset.done $0x0  }
0x57: {  	[sflag:s8] =	ssyncadd.s32 $0xFFFFE800  }
0x58: {  	[spmem:s0] =	stream.linear.scatter [tilespmem:s7], [sflag:$0x2], $0x1800, $0x38;
	[tilespmem:$0x179C0] =	vst v63  }
0x59: {  	_ =	swait.ge [sflag:s8], $0x1800  }
0x5a: {  	[sflag:s8] =	ssyncset.done $0x0  }
0x5b: {  	[sflag:s8] =	ssyncadd.s32 $0xFFFFE800  }
0x5c: {  	[spmem:s2] =	stream.linear.scatter [tilespmem:s7], [sflag:$0x2], $0x1800, $0x38;
	[tilespmem:$0x179C0] =	vst v63  }
0x5d: {  	_ =	swait.ge [sflag:s8], $0x1800  }
0x5e: {  	[sflag:s8] =	ssyncset.done $0x0  }
0x5f: {  	s12 =	simm.s32 @!p0 $0x100;
	[sflag:s8] =	ssyncadd.s32 $0xFFFFE800  }
0x60: {  	[spmem:s6] =	stream.linear.scatter @!p0 [tilespmem:s12], [sflag:$0x2], $0xC00, $0x38;
	[tilespmem:$0x179C0] =	vst v63  }
0x61: {  	s15 =	sand.u32 $0x3C00, s1;
	s12 =	simm.s32 @!p0 $0x2  }
0x62: {  	s17 =	sand.u32 $0x380, s1;
	s15 =	sadd.s32 s3, s15;
	_ =	swait.ge @!p0 [sflag:s12], $0xC00  }
0x63: {  	s15 =	sor.u32 s17, s15;
	[sflag:s12] =	ssyncset.done @!p0 $0x0  }
0x64: {  	s20 =	sshrl.u32 s15, $0x3;
	[sflag:s12] =	ssyncadd.s32 @!p0 $0xFFFFF400  }
0x65: {  	s15 =	sadd.s32 s18, s20;
	[bflag:$0x0] =	sbarrier.arrive $0xFFFF  }
0x66: {  	[tilespmem:s1], [sflag:$0x2] =	stream.linear.gather [hbm4b:s15+s1], $0x80, $0x38;
	[tilespmem:$0x179C0] =	vst v63  }
0x67: {  	_ =	swait.ge [sflag:s8], $0x80  }
0x68: {  	[sflag:s8] =	ssyncset.done $0x0  }
0x69: {  	s12 =	sadd.s32 s19, s20;
	[sflag:s8] =	ssyncadd.s32 $0xFFFFFF80  }
0x6a: {  	[tilespmem:s9], [sflag:$0x2] =	stream.linear.gather [hbm4b:s12+s1], $0x80, $0x38;
	[tilespmem:$0x179C0] =	vst v63  }
0x6b: {  	_ =	swait.ge [sflag:s8], $0x80  }
0x6c: {  	[sflag:s8] =	ssyncset.done $0x0  }
0x6d: {  	[sflag:s8] =	ssyncadd.s32 $0xFFFFFF80  }
0x6e: {  	[tilespmem:s7], [sflag:$0x1] =	stream.indirect.gather [hbm4b:s14+s9], $0x80, s1, s9, $0xb8;
	[tilespmem:$0x179C0] =	vst v63  }
0x6f: {  	_ =	swait.ge [sflag:s10], $0x4000  }
0x70: {  	s17 =	simm.s32 $0x80;
	[sflag:s10] =	ssyncset.done $0x0  }
0x71: {  	s20 =	sand.u32 $0x3C00, s17;
	[sflag:s10] =	ssyncadd.s32 $0xFFFFC000  }
0x72: {  	[spmem:s16] =	stream.indirect.scatter.add.f32 [tilespmem:s7], [sflag:$0x2], $0x80, s9, s9, $0xb8;
	[tilespmem:$0x179C0] =	vst v63  }
0x73: {  	s15 =	sadd.s32 s3, s20;
	s12 =	sand.u32 $0x380, s17;
	_ =	swait.ge [sflag:s8], $0x4000  }
0x74: {  	s15 =	sor.u32 s12, s15;
	s12 =	simm.s32 $0x100;
	[sflag:s8] =	ssyncset.done $0x0  }
.LBB2_2:
0x75: {  	s15 =	sshrl.u32 s15, $0x3  }
0x76: {  	[sflag:s8] =	ssyncadd.s32 $0xFFFFC000;
	s17 =	smov.u32 s12;
	s20 =	sadd.s32 $0x80, s12  }
0x77: {  	p1 =	sne.s32 s12, $0x2780;
	s12 =	sadd.s32 s18, s15  }
0x78: {  	[tilespmem:s1], [sflag:$0x2] =	stream.linear.gather [hbm4b:s12+s1], $0x80, $0x38;
	[tilespmem:$0x179C0] =	vst v63  }
0x79: {  	_ =	swait.ge [sflag:s8], $0x80  }
0x7a: {  	[sflag:s8] =	ssyncset.done $0x0  }
0x7b: {  	s12 =	sadd.s32 s19, s15;
	[sflag:s8] =	ssyncadd.s32 $0xFFFFFF80  }
0x7c: {  	[tilespmem:s9], [sflag:$0x2] =	stream.linear.gather [hbm4b:s12+s1], $0x80, $0x38;
	[tilespmem:$0x179C0] =	vst v63  }
0x7d: {  	_ =	swait.ge [sflag:s8], $0x80  }
0x7e: {  	[sflag:s8] =	ssyncset.done $0x0  }
0x7f: {  	[sflag:s8] =	ssyncadd.s32 $0xFFFFFF80  }
0x80: {  	[tilespmem:s7], [sflag:$0x1] =	stream.indirect.gather [hbm4b:s14+s9], $0x80, s1, s9, $0xb8;
	[tilespmem:$0x179C0] =	vst v63  }
0x81: {  	_ =	swait.ge [sflag:s10], $0x4000  }
.Ltmp0:
0x82: {  	[sflag:s10] =	ssyncset.done $0x0;
	(pc) =	sbr.rel @p1 .LBB2_2-.Ltmp0, $4  }
0x83: {  	s12 =	sand.u32 $0x3C00, s17;
	[sflag:s10] =	ssyncadd.s32 $0xFFFFC000  }
0x84: {  	[spmem:s16] =	stream.indirect.scatter.add.f32 [tilespmem:s7], [sflag:$0x2], $0x80, s9, s9, $0xb8;
	[tilespmem:$0x179C0] =	vst v63  }
0x85: {  	s15 =	sand.u32 $0x380, s17;
	s12 =	sadd.s32 s3, s12;
	_ =	swait.ge [sflag:s8], $0x4000  }
0x86: {  	s15 =	sor.u32 s15, s12;
	s12 =	smov.u32 s20;
	[sflag:s8] =	ssyncset.done $0x0  }
0x87: {  	s12 =	sshrl.u32 s15, $0x3  }
0x88: {  	[sflag:s8] =	ssyncadd.s32 $0xFFFFC000;
	s15 =	sadd.s32 s18, s12  }
0x89: {  	[tilespmem:s1], [sflag:$0x2] =	stream.linear.gather [hbm4b:s15+s1], $0x80, $0x38;
	[tilespmem:$0x179C0] =	vst v63  }
0x8a: {  	_ =	swait.ge [sflag:s8], $0x80  }
0x8b: {  	[sflag:s8] =	ssyncset.done $0x0  }
0x8c: {  	s12 =	sadd.s32 s19, s12;
	[sflag:s8] =	ssyncadd.s32 $0xFFFFFF80  }
0x8d: {  	[tilespmem:s9], [sflag:$0x2] =	stream.linear.gather [hbm4b:s12+s1], $0x80, $0x38;
	[tilespmem:$0x179C0] =	vst v63  }
0x8e: {  	_ =	swait.ge [sflag:s8], $0x80  }
0x8f: {  	[sflag:s8] =	ssyncset.done $0x0  }
0x90: {  	[sflag:s8] =	ssyncadd.s32 $0xFFFFFF80  }
0x91: {  	[tilespmem:s7], [sflag:$0x1] =	stream.indirect.gather [hbm4b:s14+s9], $0x80, s1, s9, $0xb8;
	[tilespmem:$0x179C0] =	vst v63  }
0x92: {  	_ =	swait.ge [sflag:s10], $0x4000  }
0x93: {  	[sflag:s10] =	ssyncset.done $0x0  }
0x94: {  	[sflag:s10] =	ssyncadd.s32 $0xFFFFC000  }
0x95: {  	[spmem:s16] =	stream.indirect.scatter.add.f32 [tilespmem:s7], [sflag:$0x2], $0x80, s9, s9, $0xb8;
	[tilespmem:$0x179C0] =	vst v63  }
0x96: {  	_ =	swait.ge [sflag:s8], $0x4000  }
0x97: {  	[sflag:s8] =	ssyncset.done $0x0  }
0x98: {  	[sflag:s8] =	ssyncadd.s32 $0xFFFFC000  }
0x99: {  	[bflag:$0x0] =	sbarrier.arrive $0xFFFF  }
0x9a: {  	[tilespmem:s7], [sflag:$0x2] =	stream.linear.gather [spmem:s21], $0x1800, $0x38;
	[tilespmem:$0x179C0] =	vst v63  }
0x9b: {  	_ =	swait.ge [sflag:s8], $0x1800  }
0x9c: {  	[sflag:s8] =	ssyncset.done $0x0  }
0x9d: {  	s20 =	rddreg [dreg:$0x4];
	[sflag:s8] =	ssyncadd.s32 $0xFFFFE800  }
0x9e: {  	[hbm4b:s20+s1] =	stream.linear.scatter [tilespmem:s7], [sflag:$0x2], $0x1800, $0x38;
	[tilespmem:$0x179C0] =	vst v63  }
0x9f: {  	_ =	swait.ge [sflag:s8], $0x1800  }
0xa0: {  	[sflag:s8] =	ssyncset.done $0x0  }
0xa1: {  	[sflag:s8] =	ssyncadd.s32 $0xFFFFE800  }
0xa2: {  	[tilespmem:s7], [sflag:$0x2] =	stream.linear.gather [spmem:s22], $0x1800, $0x38;
	[tilespmem:$0x179C0] =	vst v63  }
0xa3: {  	_ =	swait.ge [sflag:s8], $0x1800  }
0xa4: {  	[sflag:s8] =	ssyncset.done $0x0  }
0xa5: {  	s15 =	rddreg [dreg:$0x5];
	[sflag:s8] =	ssyncadd.s32 $0xFFFFE800  }
0xa6: {  	[hbm4b:s15+s1] =	stream.linear.scatter [tilespmem:s7], [sflag:$0x2], $0x1800, $0x38;
	[tilespmem:$0x179C0] =	vst v63  }
0xa7: {  	_ =	swait.ge [sflag:s8], $0x1800  }
0xa8: {  	[sflag:s8] =	ssyncset.done $0x0  }
0xa9: {  	[sflag:s8] =	ssyncadd.s32 $0xFFFFE800  }
0xaa: {  	[tilespmem:s7], [sflag:$0x2] =	stream.linear.gather [spmem:s23], $0x1800, $0x38;
	[tilespmem:$0x179C0] =	vst v63  }
0xab: {  	_ =	swait.ge [sflag:s8], $0x1800  }
0xac: {  	[sflag:s8] =	ssyncset.done $0x0  }
0xad: {  	s17 =	rddreg [dreg:$0x6];
	[sflag:s8] =	ssyncadd.s32 $0xFFFFE800  }
0xae: {  	[hbm4b:s17+s1] =	stream.linear.scatter [tilespmem:s7], [sflag:$0x2], $0x1800, $0x38;
	[tilespmem:$0x179C0] =	vst v63  }
0xaf: {  	_ =	swait.ge [sflag:s8], $0x1800  }
0xb0: {  	[sflag:s8] =	ssyncset.done $0x0  }
0xb1: {  	[sflag:s8] =	ssyncadd.s32 $0xFFFFE800  }
0xb2: {  	[tilespmem:s7], [sflag:$0x2] =	stream.linear.gather [spmem:s24], $0x1800, $0x38;
	[tilespmem:$0x179C0] =	vst v63  }
0xb3: {  	_ =	swait.ge [sflag:s8], $0x1800  }
0xb4: {  	[sflag:s8] =	ssyncset.done $0x0  }
0xb5: {  	s20 =	rddreg [dreg:$0x7];
	[sflag:s8] =	ssyncadd.s32 $0xFFFFE800  }
0xb6: {  	[hbm4b:s20+s1] =	stream.linear.scatter [tilespmem:s7], [sflag:$0x2], $0x1800, $0x38;
	[tilespmem:$0x179C0] =	vst v63  }
0xb7: {  	_ =	swait.ge [sflag:s8], $0x1800  }
0xb8: {  	[sflag:s8] =	ssyncset.done $0x0  }
0xb9: {  	[sflag:s8] =	ssyncadd.s32 $0xFFFFE800  }
0xba: {  	[tilespmem:s7], [sflag:$0x2] =	stream.linear.gather [spmem:s25], $0x1800, $0x38;
	[tilespmem:$0x179C0] =	vst v63  }
0xbb: {  	_ =	swait.ge [sflag:s8], $0x1800  }
0xbc: {  	[sflag:s8] =	ssyncset.done $0x0  }
0xbd: {  	s15 =	rddreg [dreg:$0x8];
	[sflag:s8] =	ssyncadd.s32 $0xFFFFE800  }
0xbe: {  	[hbm4b:s15+s1] =	stream.linear.scatter [tilespmem:s7], [sflag:$0x2], $0x1800, $0x38;
	[tilespmem:$0x179C0] =	vst v63  }
0xbf: {  	_ =	swait.ge [sflag:s8], $0x1800  }
0xc0: {  	[sflag:s8] =	ssyncset.done $0x0  }
0xc1: {  	[sflag:s8] =	ssyncadd.s32 $0xFFFFE800  }
0xc2: {  	[tilespmem:s7], [sflag:$0x2] =	stream.linear.gather [spmem:s26], $0x1800, $0x38;
	[tilespmem:$0x179C0] =	vst v63  }
0xc3: {  	_ =	swait.ge [sflag:s8], $0x1800  }
0xc4: {  	[sflag:s8] =	ssyncset.done $0x0  }
0xc5: {  	s17 =	rddreg [dreg:$0x9];
	[sflag:s8] =	ssyncadd.s32 $0xFFFFE800  }
0xc6: {  	[hbm4b:s17+s1] =	stream.linear.scatter [tilespmem:s7], [sflag:$0x2], $0x1800, $0x38;
	[tilespmem:$0x179C0] =	vst v63  }
0xc7: {  	_ =	swait.ge [sflag:s8], $0x1800  }
0xc8: {  	[sflag:s8] =	ssyncset.done $0x0  }
0xc9: {  	[sflag:s8] =	ssyncadd.s32 $0xFFFFE800  }
0xca: {  	[tilespmem:s7], [sflag:$0x2] =	stream.linear.gather [spmem:s28], $0x1800, $0x38;
	[tilespmem:$0x179C0] =	vst v63  }
0xcb: {  	_ =	swait.ge [sflag:s8], $0x1800  }
0xcc: {  	[sflag:s8] =	ssyncset.done $0x0  }
0xcd: {  	s20 =	rddreg [dreg:$0xa];
	[sflag:s8] =	ssyncadd.s32 $0xFFFFE800  }
0xce: {  	[hbm4b:s20+s1] =	stream.linear.scatter [tilespmem:s7], [sflag:$0x2], $0x1800, $0x38;
	[tilespmem:$0x179C0] =	vst v63  }
0xcf: {  	_ =	swait.ge [sflag:s8], $0x1800  }
0xd0: {  	[sflag:s8] =	ssyncset.done $0x0  }
0xd1: {  	[sflag:s8] =	ssyncadd.s32 $0xFFFFE800  }
0xd2: {  	[tilespmem:s7], [sflag:$0x2] =	stream.linear.gather [spmem:s29], $0x1800, $0x38;
	[tilespmem:$0x179C0] =	vst v63  }
0xd3: {  	_ =	swait.ge [sflag:s8], $0x1800  }
0xd4: {  	[sflag:s8] =	ssyncset.done $0x0  }
0xd5: {  	s15 =	rddreg [dreg:$0xb];
	[sflag:s8] =	ssyncadd.s32 $0xFFFFE800  }
0xd6: {  	[hbm4b:s15+s1] =	stream.linear.scatter [tilespmem:s7], [sflag:$0x2], $0x1800, $0x38;
	[tilespmem:$0x179C0] =	vst v63  }
0xd7: {  	_ =	swait.ge [sflag:s8], $0x1800  }
0xd8: {  	[sflag:s8] =	ssyncset.done $0x0  }
0xd9: {  	[sflag:s8] =	ssyncadd.s32 $0xFFFFE800  }
0xda: {  	[tilespmem:s7], [sflag:$0x2] =	stream.linear.gather [spmem:s30], $0x1800, $0x38;
	[tilespmem:$0x179C0] =	vst v63  }
0xdb: {  	_ =	swait.ge [sflag:s8], $0x1800  }
0xdc: {  	[sflag:s8] =	ssyncset.done $0x0  }
0xdd: {  	s17 =	rddreg [dreg:$0xc];
	[sflag:s8] =	ssyncadd.s32 $0xFFFFE800  }
0xde: {  	[hbm4b:s17+s1] =	stream.linear.scatter [tilespmem:s7], [sflag:$0x2], $0x1800, $0x38;
	[tilespmem:$0x179C0] =	vst v63  }
0xdf: {  	_ =	swait.ge [sflag:s8], $0x1800  }
0xe0: {  	[sflag:s8] =	ssyncset.done $0x0  }
0xe1: {  	[sflag:s8] =	ssyncadd.s32 $0xFFFFE800  }
0xe2: {  	[tilespmem:s7], [sflag:$0x2] =	stream.linear.gather [spmem:s31], $0x1800, $0x38;
	[tilespmem:$0x179C0] =	vst v63  }
0xe3: {  	_ =	swait.ge [sflag:s8], $0x1800  }
0xe4: {  	[sflag:s8] =	ssyncset.done $0x0  }
0xe5: {  	s20 =	rddreg [dreg:$0xd];
	[sflag:s8] =	ssyncadd.s32 $0xFFFFE800  }
0xe6: {  	[hbm4b:s20+s1] =	stream.linear.scatter [tilespmem:s7], [sflag:$0x2], $0x1800, $0x38;
	[tilespmem:$0x179C0] =	vst v63  }
0xe7: {  	_ =	swait.ge [sflag:s8], $0x1800  }
0xe8: {  	[sflag:s8] =	ssyncset.done $0x0  }
0xe9: {  	[sflag:s8] =	ssyncadd.s32 $0xFFFFE800  }
0xea: {  	[tilespmem:s7], [sflag:$0x2] =	stream.linear.gather [spmem:s13], $0x1800, $0x38;
	[tilespmem:$0x179C0] =	vst v63  }
0xeb: {  	_ =	swait.ge [sflag:s8], $0x1800  }
0xec: {  	[sflag:s8] =	ssyncset.done $0x0  }
0xed: {  	s15 =	rddreg [dreg:$0xe];
	[sflag:s8] =	ssyncadd.s32 $0xFFFFE800  }
0xee: {  	[hbm4b:s15+s1] =	stream.linear.scatter [tilespmem:s7], [sflag:$0x2], $0x1800, $0x38;
	[tilespmem:$0x179C0] =	vst v63  }
0xef: {  	_ =	swait.ge [sflag:s8], $0x1800  }
0xf0: {  	[sflag:s8] =	ssyncset.done $0x0  }
0xf1: {  	[sflag:s8] =	ssyncadd.s32 $0xFFFFE800  }
0xf2: {  	[tilespmem:s7], [sflag:$0x2] =	stream.linear.gather [spmem:s0], $0x1800, $0x38;
	[tilespmem:$0x179C0] =	vst v63  }
0xf3: {  	_ =	swait.ge [sflag:s8], $0x1800  }
0xf4: {  	[sflag:s8] =	ssyncset.done $0x0  }
0xf5: {  	s17 =	rddreg [dreg:$0xf];
	[sflag:s8] =	ssyncadd.s32 $0xFFFFE800  }
0xf6: {  	[hbm4b:s17+s1] =	stream.linear.scatter [tilespmem:s7], [sflag:$0x2], $0x1800, $0x38;
	[tilespmem:$0x179C0] =	vst v63  }
0xf7: {  	_ =	swait.ge [sflag:s8], $0x1800  }
0xf8: {  	[sflag:s8] =	ssyncset.done $0x0  }
0xf9: {  	[sflag:s8] =	ssyncadd.s32 $0xFFFFE800  }
0xfa: {  	[tilespmem:s7], [sflag:$0x2] =	stream.linear.gather [spmem:s2], $0x1800, $0x38;
	[tilespmem:$0x179C0] =	vst v63  }
0xfb: {  	_ =	swait.ge [sflag:s8], $0x1800  }
0xfc: {  	[sflag:s8] =	ssyncset.done $0x0  }
0xfd: {  	s20 =	rddreg [dreg:$0x10];
	[sflag:s8] =	ssyncadd.s32 $0xFFFFE800  }
0xfe: {  	[hbm4b:s20+s1] =	stream.linear.scatter [tilespmem:s7], [sflag:$0x2], $0x1800, $0x38;
	[tilespmem:$0x179C0] =	vst v63  }
0xff: {  	_ =	swait.ge [sflag:s8], $0x1800  }
0x100: {  	[sflag:s8] =	ssyncset.done $0x0  }
0x101: {  	s12 =	simm.s32 @!p0 $0x100;
	s15 =	simm.s32 @!p0 $0x2;
	[sflag:s8] =	ssyncadd.s32 $0xFFFFE800  }
0x102: {  	[tilespmem:s12], [sflag:$0x2] =	stream.linear.gather @!p0 [spmem:s6], $0x800, $0x38;
	[tilespmem:$0x179C0] =	vst v63  }
0x103: {  	s11 =	sadd.s32 $0x1, s11;
	_ =	swait.ge @!p0 [sflag:s15], $0x800  }
0x104: {  	p1 =	sne.s32 s11, s5;
	[sflag:s15] =	ssyncset.done @!p0 $0x0  }
.Ltmp1:
0x105: {  	s17 =	simm.s32 @!p0 $0x0;
	[sflag:s15] =	ssyncadd.s32 @!p0 $0xFFFFF800;
	(pc) =	sbr.rel @p1 .LBB2_1-.Ltmp1, $4  }
0x106: {  	[hbm4b:s4+s17] =	stream.linear.scatter @!p0 [tilespmem:s12], [sflag:$0x2], $0x800, $0x38;
	[tilespmem:$0x179C0] =	vst v63  }
0x107: {  	_ =	swait.ge @!p0 [sflag:s15], $0x800  }
0x108: {  	[sflag:s15] =	ssyncset.done @!p0 $0x0  }
0x109: {  	[sflag:s15] =	ssyncadd.s32 @!p0 $0xFFFFF800  }
0x10a: {  	_ =	sfence.sel $0x180000  }
0x10b: {  	[bflag:$0x0] =	sbarrier.arrive $0xFFFF  }
0x10c: {  	_ =	strace $0x90000047  }
0x10d: {  	s0 =	stileid.u32;
	[bflag:$0x2] =	sbarrier.arrive $0xFFFF  }
0x10e: {  	p0 =	sne.s32 s0, $0x0;
	s0 =	rddreg [dreg:$0x3]  }
0x10f: {  	s0 =	sadd.s32 @!p0 $0x100000, s0  }
0x110: {  	[sflag:s0] =	ssyncadd.tile.s32 @!p0 $0x1;
	_ =	shalt  }
.Lfunc_end2:
_tile_overlayer_lowered:
.L_overlay_start_2:
0x111: {  	(tag) =	ssettag $0x2  }
0x112: {  	s0 =	rddreg [dreg:$0x0];
	s2 =	stileid.u32  }
0x113: {  	s1 =	rddreg [dreg:$0x1];
	p0 =	sne.s32 s2, $0x0  }
0x114: {  	s3 =	rddreg [dreg:$0x2];
	[bflag:$0x3] =	sbarrier.arrive $0xFFFF;
	s2 =	simm.s32 @!p0 $0x1C02  }
0x115: {  	[timem:s3], [sflag:s2] =	dma.local @!p0 [hbm:s0], s1  }
0x116: {  	s0 =	simm.s32 @!p0 $0x2  }
0x117: {  	_ =	swait.ge @!p0 [sflag:s0], s1  }
0x118: {  	s1 =	ssub.s32 @!p0 $0x0, s1;
	[sflag:s0] =	ssyncset.done @!p0 $0x0  }
0x119: {  	[sflag:s0] =	ssyncadd.s32 @!p0 s1  }
0x11a: {  	[bflag:$0x3] =	sbarrier.arrive $0xFFFF  }
0x11b: {  	_ =	shalt  }

// kernel: kernel.13.cloned.1.call-start
scs
__scs_entry_jumppad:
0x0: {  	(pc) =	sbr.rel $0x88, $3  }
0x1: {  	(tag) =	ssettag $0x0;
	lr =	simm.s32 $0x1  }
0x2: {  	[smem:$0x3F97] =	sst lr;
	_ =	strace $0xD0000000  }
0x3: {  	_ = 	snop  }
0x4: {  	_ = 	snop  }
0x5: {  	_ = 	snop  }
0x6: {  	_ = 	snop  }
0x7: {  	_ = 	snop  }
__scs_overlays_trampoline_lowered:
0x8: {  	[smem:$0x3FA6] =	sst s0  }
0x9: {  	[smem:$0x3FA7] =	sst s1  }
0xa: {  	[smem:$0x3FA8] =	sst s2  }
0xb: {  	[smem:$0x3FA9] =	sst s3  }
0xc: {  	[smem:$0x3FAA] =	sst s4  }
0xd: {  	[smem:$0x3FAB] =	sst s5  }
0xe: {  	[smem:$0x3FAC] =	sst s6  }
0xf: {  	[smem:$0x3FAD] =	sst s7  }
0x10: {  	[smem:$0x3FAE] =	sst s8  }
0x11: {  	[smem:$0x3FAF] =	sst s9;
	s0 =	simm.s32 @!p0 $0x0  }
0x12: {  	s1 =	sld [smem:$0x3F95];
	s0 =	simm.s32 @p0 $0x1  }
0x13: {  	[smem:$0x3FB0] =	sst s0;
	s0 =	simm.s32 @!p1 $0x0  }
0x14: {  	s2 =	sld [smem:$0x3F94];
	s0 =	simm.s32 @p1 $0x1  }
0x15: {  	[smem:$0x3FB1] =	sst s0;
	s0 =	simm.s32 @!p2 $0x0  }
0x16: {  	s3 =	sld [smem:$0x3FDB];
	s0 =	simm.s32 @p2 $0x1  }
0x17: {  	s4 =	simm.s32 $0x1BF5;
	[smem:$0x3FB3] =	sst s0  }
0x18: {  	s0 =	sld [smem:$0x3F96];
	_ =	swait.ge [sflag:s4], $0x0  }
0x19: {  	s7 =	sld [smem:$0x3F97]  }
0x1a: {  	s8 =	sadd.s32 $0xFFFFE003, lr  }
0x1b: {  	s9 =	sadd.s32 $0xFFFFFEF7, lr;
	s5 =	simm.s32 $0xFFFFFFFF;
	p2 =	slt.u32 s8, $0xFFFFF086  }
0x1c: {  	p1 =	slt.u32 s9, $0xF7A;
	s5 =	simm.s32 @!p2 $0x0  }
0x1d: {  	s5 =	simm.s32 @p1 $0x1;
	p0 =	seq.s32 s7, s2  }
0x1e: {  	s7 =	smul.u32 @!p0 $0xF7A, s2;
	p2 =	seq.s32 @!p0 s5, $0x0  }
0x1f: {  	s9 =	smul.u32 $0xF7A, s1;
	s8 =	simm.s32 @!p0 $0x1BF5;
	p2 =	por !p2, p0  }
0x20: {  	[sflag:s8] =	ssyncset.s32 @!p0 $0xFFFFF086;
	s6 =	sadd.s32 @!p0 s3, s7;
	s7 =	simm.s32 @!p0 $0x108  }
0x21: {  	s3 =	sadd.s32 s3, s9;
	s6 =	sadd.s32 @!p0 $0x88, s6;
	s7 =	simm.s32 @p2 $0x1082  }
0x22: {  	[simem:s7], [sflag:s8] =	dma.local @!p0 [hbm:s6], $0xF7A  }
0x23: {  	s9 =	sor.u32 $0xD0000000, s2;
	s6 =	simm.s32 $0x108;
	_ =	swait.ge @!p0 [sflag:s8], $0x0  }
0x24: {  	s3 =	sadd.s32 $0x88, s3;
	s6 =	simm.s32 @!p1 $0x1082;
	[sflag:s4] =	ssyncset.s32 $0xFFFFF086  }
0x25: {  	[simem:s6], [sflag:s4] =	dma.local [hbm:s3], $0xF7A  }
0x26: {  	[smem:$0x3F97] =	sst s1;
	(tag) =	ssettag s2;
	_ =	strace s9  }
0x27: {  	s1 =	sld [smem:$0x3FA7]  }
0x28: {  	s2 =	sld [smem:$0x3FA8]  }
0x29: {  	s4 =	sld [smem:$0x3FAA]  }
0x2a: {  	p0 =	seq.s32 s5, $0x0;
	s5 =	sld [smem:$0x3FAB]  }
0x2b: {  	s6 =	sld [smem:$0x3FAC]  }
0x2c: {  	s7 =	sld [smem:$0x3FAD]  }
0x2d: {  	s3 =	simm.s32 $0x108;
	s8 =	sld [smem:$0x3FAE]  }
0x2e: {  	s3 =	simm.s32 @!p0 $0x1082;
	s9 =	sld [smem:$0x3FAF]  }
0x2f: {  	lr =	sadd.s32 s0, s3;
	s0 =	sld [smem:$0x3FA6]  }
0x30: {  	s3 =	sld [smem:$0x3FA9]  }
0x31: {  	[smem:$0x3FB2] =	sst s10  }
0x32: {  	s10 =	sld [smem:$0x3FB0];
	_ =	sdelay $0x3  }
0x33: {  	p0 =	seq.s32 s10, $0x1;
	s10 =	sld [smem:$0x3FB2];
	_ =	sdelay $0x3  }
0x34: {  	[smem:$0x3FB2] =	sst s10  }
0x35: {  	s10 =	sld [smem:$0x3FB1];
	_ =	sdelay $0x3  }
0x36: {  	p1 =	seq.s32 s10, $0x1;
	s10 =	sld [smem:$0x3FB2];
	_ =	sdelay $0x3  }
0x37: {  	[smem:$0x3FB2] =	sst s10  }
0x38: {  	s10 =	sld [smem:$0x3FB3]  }
0x39: {  	_ = 	snop;
	(pc) =	sbr.ind lr, $3  }
0x3a: {  	_ = 	snop  }
0x3b: {  	_ = 	snop  }
0x3c: {  	p2 =	seq.s32 s10, $0x1;
	s10 =	sld [smem:$0x3FB2]  }
0x3d: {  	_ =	shalt  }
0x3e: {  	_ =	shalt  }
0x3f: {  	_ =	shalt  }
0x40: {  	_ =	shalt  }
0x41: {  	_ =	shalt  }
0x42: {  	_ =	shalt  }
0x43: {  	_ =	shalt  }
0x44: {  	_ =	shalt  }
0x45: {  	_ =	shalt  }
0x46: {  	_ =	shalt  }
0x47: {  	_ =	shalt  }
0x48: {  	_ =	shalt  }
0x49: {  	_ =	shalt  }
0x4a: {  	_ =	shalt  }
0x4b: {  	_ =	shalt  }
0x4c: {  	_ =	shalt  }
0x4d: {  	_ =	shalt  }
0x4e: {  	_ =	shalt  }
0x4f: {  	_ =	shalt  }
0x50: {  	_ =	shalt  }
0x51: {  	_ =	shalt  }
0x52: {  	_ =	shalt  }
0x53: {  	_ =	shalt  }
0x54: {  	_ =	shalt  }
0x55: {  	_ =	shalt  }
0x56: {  	_ =	shalt  }
0x57: {  	_ =	shalt  }
0x58: {  	_ =	shalt  }
0x59: {  	_ =	shalt  }
0x5a: {  	_ =	shalt  }
0x5b: {  	_ =	shalt  }
0x5c: {  	_ =	shalt  }
0x5d: {  	_ =	shalt  }
0x5e: {  	_ =	shalt  }
0x5f: {  	_ =	shalt  }
0x60: {  	_ =	shalt  }
0x61: {  	_ =	shalt  }
0x62: {  	_ =	shalt  }
0x63: {  	_ =	shalt  }
0x64: {  	_ =	shalt  }
0x65: {  	_ =	shalt  }
0x66: {  	_ =	shalt  }
0x67: {  	_ =	shalt  }
0x68: {  	_ =	shalt  }
0x69: {  	_ =	shalt  }
0x6a: {  	_ =	shalt  }
0x6b: {  	_ =	shalt  }
0x6c: {  	_ =	shalt  }
0x6d: {  	_ =	shalt  }
0x6e: {  	_ =	shalt  }
0x6f: {  	_ =	shalt  }
0x70: {  	_ =	shalt  }
0x71: {  	_ =	shalt  }
0x72: {  	_ =	shalt  }
0x73: {  	_ =	shalt  }
0x74: {  	_ =	shalt  }
0x75: {  	_ =	shalt  }
0x76: {  	_ =	shalt  }
0x77: {  	_ =	shalt  }
0x78: {  	_ =	shalt  }
0x79: {  	_ =	shalt  }
0x7a: {  	_ =	shalt  }
0x7b: {  	_ =	shalt  }
0x7c: {  	_ =	shalt  }
0x7d: {  	_ =	shalt  }
0x7e: {  	_ =	shalt  }
0x7f: {  	_ =	shalt  }
0x80: {  	_ =	shalt  }
0x81: {  	_ =	shalt  }
0x82: {  	_ =	shalt  }
0x83: {  	_ =	shalt  }
0x84: {  	_ =	shalt  }
0x85: {  	_ =	shalt  }
0x86: {  	_ =	shalt  }
0x87: {  	_ =	shalt  }
.Lfunc_end0:
.L_simem_size_0:
called_computation.2_lowered:
.L_overlay_start_0:
0x88: {  	s2 =	sld [smem:$0x3FD9]  }
0x89: {  	s3 =	sld [smem:$0x3FFE];
	_ =	sdelay $0x1  }
0x8a: {  	s1 =	srdreg.scid  }
0x8b: {  	s0 =	sand.u32 $0x1, s1  }
0x8c: {  	s16 =	sshll.u32 s0, $0xA;
	s2 =	sadd.s32 s3, s2  }
0x8d: {  	s2 =	sadd.s32 s2, s16  }
0x8e: {  	[smem:$0x3FBE] =	sst s2  }
0x8f: {  	_ = 	snop  }
0x90: {  	(tm) =	ssettm $0x1  }
0x91: {  	s17 =	sld [smem:$0x3FFB];
	_ =	sdelay $0x3  }
0x92: {  	_ =	strace s17  }
0x93: {  	s2 =	sld [smem:$0x3FFC];
	_ =	sdelay $0x3  }
0x94: {  	_ =	strace s2  }
0x95: {  	s2 =	sld [smem:$0x3FFD];
	_ =	sdelay $0x3  }
0x96: {  	_ =	strace s2  }
0x97: {  	_ =	strace $0x8FFFFFFF  }
0x98: {  	s18 =	sld [smem:$0x3FDB];
	_ =	sdelay $0x1  }
0x99: {  	s19 =	simm.s32 $_scs_section_size  }
0x9a: {  	s4 =	simm.s32 $_size__tile_overlayer_lowered;
	s5 =	simm.s32 $_tile_overlayer_lowered  }
0x9b: {  	s22 =	simm.s32 $0x1BFF;
	s21 =	sshll.u32 s5, $0x1;
	s2 =	sadd.s32 s19, s18  }
0x9c: {  	s6 =	simm.s32 $0x0;
	s20 =	sshll.u32 s4, $0x1;
	s4 =	sadd.s32 s21, s2  }
0x9d: {  	[timem:s6], [sflag:s22] =	dma.local [hbm:s4], s20  }
0x9e: {  	_ =	swait.ge [sflag:s22], s20  }
0x9f: {  	s3 =	ssub.s32 $0x0, s20;
	[sflag:s22] =	ssyncset.done $0x0  }
0xa0: {  	[sflag:s22] =	ssyncadd.s32 s3;
	_ =	sdelay $0x1  }
0xa1: {  	s23 =	simm.s32 $0x1B8B  }
0xa2: {  	_ =	swait.ge [sflag:s23], $0x1  }
0xa3: {  	[sflag:s23] =	ssyncset.done $0x0  }
0xa4: {  	s25 =	simm.s32 $0x1B8E;
	s24 =	sld [smem:$0x3FFE];
	[sflag:s23] =	ssyncadd.s32 $0xFFFFFFFF  }
0xa5: {  	s26 =	simm.s32 $execute0_lowered;
	[smem:$0x3FD2] =	sst s25  }
0xa6: {  	s4 =	sshll.u32 s26, $0x1;
	_ =	strace $0x8000004C;
	[dreg:$0x1] =	wrdreg $0xFFFFFFFF  }
0xa7: {  	s28 =	simm.s32 $_size_execute0_lowered;
	s2 =	sadd.s32 s2, s4;
	[dreg:$0x0] =	wrdreg $0x0  }
0xa8: {  	s4 =	sshll.u32 s28, $0x1;
	[dreg:$0x2] =	wrdreg s2  }
0xa9: {  	[dreg:$0x3] =	wrdreg s4  }
0xaa: {  	[dreg:$0x4] =	wrdreg $0xC0  }
0xab: {  	_ =	task [dreg:s6], $0x5FFFF  }
0xac: {  	[dreg:$0x1] =	wrdreg $0xFFFFFFFF  }
0xad: {  	[dreg:$0x0] =	wrdreg $0x60  }
0xae: {  	[dreg:$0x2] =	wrdreg s24  }
0xaf: {  	[dreg:$0x3] =	wrdreg $0x41000  }
0xb0: {  	[dreg:$0x4] =	wrdreg $0x9  }
0xb1: {  	_ =	task.clear_ibuf [dreg:s6], $0x5FFFF;
	_ =	strace $0x9000004C  }
0xb2: {  	s29 =	simm.s32 $0x9;
	_ =	strace $0x8000004E  }
0xb3: {  	_ =	swait.ge [sflag:s29], $0x1  }
0xb4: {  	[sflag:s29] =	ssyncadd.s32 $0xFFFFFFFF  }
0xb5: {  	_ =	strace $0x9000004E  }
0xb6: {  	_ =	sfence  }
0xb7: {  	s30 =	sld [smem:$0x0];
	_ =	sdelay $0x2  }
0xb8: {  	s31 =	sshll.u32 s1, $0xD;
	s1 =	sshrl.u32 s1, $0x2  }
0xb9: {  	s3 =	sand.u32 $0x4000, s31;
	s1 =	sadd.s32 s1, s30  }
0xba: {  	s0 =	sor.u32 s3, s0;
	s1 =	sshll.u32 s1, $0x11  }
0xbb: {  	s0 =	sor.u32 s1, s0  }
0xbc: {  	s0 =	sadd.s32 $0x8F2B, s0  }
0xbd: {  	[sflag:s0] =	ssyncadd.remote.s32 $0x1  }
0xbe: {  	_ =	sfence.sel $0xFFFF  }
0xbf: {  	[dreg:$0x0] =	wrdreg $0xFFFFFFFF;
	(pc) =	sbr.abs _section_cstart, $3  }
0xc0: {  	[dreg:$0x1] =	wrdreg $0xFFFFFFFF  }
0xc1: {  	_ =	task.clear_ibuf [dreg:s6], $0x2FFFF;
	_ =	strace $0x9FFFFFFF  }
0xc2: {  	(tm) =	ssettm $0x7FFFFFFF  }
0xc3: {  	_ =	shalt  }
tec
execute0_lowered:
.L_overlay_start_1:
0x0: {  	(tag) =	ssettag $0x1  }
0x1: {  	s0 =	srdreg.scid;
	s20 =	rddreg [dreg:$0x0]  }
0x2: {  	s1 =	simm.s32 $0x0;
	s4 =	stileid.u32;
	s18 =	stileid.u32  }
0x3: {  	s0 =	sand.u32 $0x1, s0;
	[smem:$0x7FF] =	sst s1;
	s12 =	smul.u32 $0x13800, s4  }
0x4: {  	s13 =	sadd.s32 $0xBDC00, s20;
	s17 =	sshll.u32 s4, $0x1;
	s18 =	smul.u32 $0x4E000, s18  }
0x5: {  	s2 =	ssub.s32 $0x2, s0;
	s5 =	sor.u32 s0, s17;
	s17 =	smul.u32 $0x138C00, s0  }
0x6: {  	s3 =	sshrl.u32 s2, $0x1;
	s22 =	sadd.s32 $0x1800, s12;
	s4 =	sadd.s32 $0x3000, s12  }
0x7: {  	s6 =	sadd.s32 $0x4800, s12;
	s7 =	sadd.s32 $0x6000, s12;
	s8 =	sadd.s32 $0x7800, s12  }
0x8: {  	s9 =	sadd.s32 $0x9000, s12;
	s10 =	sadd.s32 $0xA800, s12;
	s11 =	sadd.s32 $0xC000, s12  }
0x9: {  	s14 =	sadd.s32 $0xD800, s12;
	s0 =	sadd.s32 $0xF000, s12;
	s2 =	ssub.s32 s2, s3  }
0xa: {  	s3 =	sadd.s32 $0x12000, s12;
	s15 =	sadd.s32 s17, s22;
	s16 =	sadd.s32 s17, s4  }
0xb: {  	s24 =	sadd.s32 s17, s6;
	s25 =	sadd.s32 s17, s7;
	s26 =	sadd.s32 s17, s8  }
0xc: {  	[dreg:$0x11] =	wrdreg s2;
	s2 =	sadd.s32 $0x10800, s12;
	s12 =	sadd.s32 s12, s17  }
0xd: {  	s19 =	sshrl.u32 s15, $0x3;
	s21 =	sshrl.u32 s16, $0x3;
	s12 =	sshrl.u32 s12, $0x3  }
0xe: {  	s23 =	sadd.s32 s13, s21;
	s21 =	sshrl.u32 s26, $0x3;
	s26 =	sadd.s32 s17, s11  }
0xf: {  	s12 =	sadd.s32 s13, s12;
	[dreg:$0x5] =	wrdreg s23;
	s23 =	sadd.s32 s13, s21  }
0x10: {  	s21 =	sshrl.u32 s26, $0x3;
	s26 =	sadd.s32 s17, s2;
	[dreg:$0x3] =	wrdreg s12  }
0x11: {  	s12 =	sadd.s32 s13, s19;
	s19 =	sshrl.u32 s25, $0x3;
	[dreg:$0x8] =	wrdreg s23  }
0x12: {  	s23 =	sadd.s32 s13, s21;
	[dreg:$0x4] =	wrdreg s12;
	s12 =	sshrl.u32 s24, $0x3  }
0x13: {  	s25 =	sadd.s32 s17, s10;
	[dreg:$0xb] =	wrdreg s23;
	s12 =	sadd.s32 s13, s12  }
0x14: {  	s24 =	sadd.s32 s17, s9;
	s23 =	sadd.s32 s17, s3;
	[dreg:$0x6] =	wrdreg s12  }
0x15: {  	s12 =	sadd.s32 s13, s19;
	s19 =	sshrl.u32 s25, $0x3;
	s25 =	sadd.s32 s17, s0  }
0x16: {  	[dreg:$0x7] =	wrdreg s12;
	s12 =	sshrl.u32 s24, $0x3;
	s24 =	sadd.s32 s17, s14  }
0x17: {  	s15 =	sshrl.u32 s25, $0x3;
	s25 =	sshrl.u32 s18, $0x2;
	s12 =	sadd.s32 s13, s12  }
0x18: {  	s18 =	sadd.s32 $0xCC00, s20;
	[dreg:$0x9] =	wrdreg s12;
	s12 =	sadd.s32 s13, s19  }
0x19: {  	s19 =	sshrl.u32 s26, $0x3;
	s26 =	sadd.s32 $0x16C00, s20;
	[dreg:$0xa] =	wrdreg s12  }
0x1a: {  	s12 =	sshrl.u32 s24, $0x3;
	s21 =	sadd.s32 s13, s19;
	s24 =	sshrl.u32 s17, $0x3  }
0x1b: {  	s17 =	sadd.s32 $0x17400, s20;
	s12 =	sadd.s32 s13, s12;
	[dreg:$0xe] =	wrdreg s21  }
0x1c: {  	s19 =	sadd.s32 $0x2C00, s20;
	s20 =	stileid.u32;
	[dreg:$0xc] =	wrdreg s12  }
0x1d: {  	p0 =	sne.s32 s20, $0xF;
	s12 =	sadd.s32 s13, s15;
	s15 =	rddreg [dreg:$0x1]  }
0x1e: {  	[dreg:$0xd] =	wrdreg s12;
	s12 =	sshrl.u32 s23, $0x3;
	s21 =	sadd.s32 s25, s15  }
0x1f: {  	s22 =	sadd.s32 s22, s15;
	s23 =	sadd.s32 s4, s15;
	s25 =	sadd.s32 s7, s15  }
0x20: {  	s28 =	sadd.s32 s9, s15;
	s29 =	sadd.s32 s10, s15;
	s30 =	sadd.s32 s11, s15  }
0x21: {  	s31 =	sadd.s32 s14, s15;
	s14 =	sadd.s32 s0, s15;
	s0 =	sadd.s32 s2, s15  }
0x22: {  	s2 =	sadd.s32 s3, s15;
	s3 =	smul.u32 $0x2800, s5;
	s7 =	simm.s32 $0x100  }
0x23: {  	s9 =	simm.s32 $0x80;
	s10 =	simm.s32 $0x1;
	s12 =	sadd.s32 s13, s12  }
0x24: {  	s11 =	simm.s32 $0x0;
	[dreg:$0xf] =	wrdreg s12;
	s12 =	sadd.s32 s13, s24  }
0x25: {  	s24 =	sadd.s32 s6, s15;
	_ =	strace $0x8000004D;
	[dreg:$0x10] =	wrdreg s26  }
0x26: {  	s6 =	sadd.s32 $0x138000, s15;
	s26 =	sadd.s32 s8, s15;
	s16 =	rddreg [dreg:$0x11]  }
0x27: {  	s4 =	sadd.s32 $0x27000, s12;
	s8 =	simm.s32 $0x2;
	s5 =	smax.u32 s16, $0x1  }
.LBB2_1:
0x28: {  	s12 =	rddreg [dreg:$0x10]  }
0x29: {  	[tilespmem:s7], [sflag:$0x2] =	stream.linear.gather [hbm4b:s12+s1], $0x4000, $0x38;
	[tilespmem:$0x179C0] =	vst v63  }
0x2a: {  	_ =	swait.ge [sflag:s8], $0x4000  }
0x2b: {  	[sflag:s8] =	ssyncset.done $0x0  }
0x2c: {  	[sflag:s8] =	ssyncadd.s32 $0xFFFFC000  }
0x2d: {  	[spmem:s21] =	stream.linear.scatter [tilespmem:s7], [sflag:$0x2], $0x1800, $0x38;
	[tilespmem:$0x179C0] =	vst v63  }
0x2e: {  	_ =	swait.ge [sflag:s8], $0x1800  }
0x2f: {  	[sflag:s8] =	ssyncset.done $0x0  }
0x30: {  	[sflag:s8] =	ssyncadd.s32 $0xFFFFE800  }
0x31: {  	[spmem:s22] =	stream.linear.scatter [tilespmem:s7], [sflag:$0x2], $0x1800, $0x38;
	[tilespmem:$0x179C0] =	vst v63  }
0x32: {  	_ =	swait.ge [sflag:s8], $0x1800  }
0x33: {  	[sflag:s8] =	ssyncset.done $0x0  }
0x34: {  	[sflag:s8] =	ssyncadd.s32 $0xFFFFE800  }
0x35: {  	[spmem:s23] =	stream.linear.scatter [tilespmem:s7], [sflag:$0x2], $0x1800, $0x38;
	[tilespmem:$0x179C0] =	vst v63  }
0x36: {  	_ =	swait.ge [sflag:s8], $0x1800  }
0x37: {  	[sflag:s8] =	ssyncset.done $0x0  }
0x38: {  	[sflag:s8] =	ssyncadd.s32 $0xFFFFE800  }
0x39: {  	[spmem:s24] =	stream.linear.scatter [tilespmem:s7], [sflag:$0x2], $0x1800, $0x38;
	[tilespmem:$0x179C0] =	vst v63  }
0x3a: {  	_ =	swait.ge [sflag:s8], $0x1800  }
0x3b: {  	[sflag:s8] =	ssyncset.done $0x0  }
0x3c: {  	[sflag:s8] =	ssyncadd.s32 $0xFFFFE800  }
0x3d: {  	[spmem:s25] =	stream.linear.scatter [tilespmem:s7], [sflag:$0x2], $0x1800, $0x38;
	[tilespmem:$0x179C0] =	vst v63  }
0x3e: {  	_ =	swait.ge [sflag:s8], $0x1800  }
0x3f: {  	[sflag:s8] =	ssyncset.done $0x0  }
0x40: {  	[sflag:s8] =	ssyncadd.s32 $0xFFFFE800  }
0x41: {  	[spmem:s26] =	stream.linear.scatter [tilespmem:s7], [sflag:$0x2], $0x1800, $0x38;
	[tilespmem:$0x179C0] =	vst v63  }
0x42: {  	_ =	swait.ge [sflag:s8], $0x1800  }
0x43: {  	[sflag:s8] =	ssyncset.done $0x0  }
0x44: {  	[sflag:s8] =	ssyncadd.s32 $0xFFFFE800  }
0x45: {  	[spmem:s28] =	stream.linear.scatter [tilespmem:s7], [sflag:$0x2], $0x1800, $0x38;
	[tilespmem:$0x179C0] =	vst v63  }
0x46: {  	_ =	swait.ge [sflag:s8], $0x1800  }
0x47: {  	[sflag:s8] =	ssyncset.done $0x0  }
0x48: {  	[sflag:s8] =	ssyncadd.s32 $0xFFFFE800  }
0x49: {  	[spmem:s29] =	stream.linear.scatter [tilespmem:s7], [sflag:$0x2], $0x1800, $0x38;
	[tilespmem:$0x179C0] =	vst v63  }
0x4a: {  	_ =	swait.ge [sflag:s8], $0x1800  }
0x4b: {  	[sflag:s8] =	ssyncset.done $0x0  }
0x4c: {  	[sflag:s8] =	ssyncadd.s32 $0xFFFFE800  }
0x4d: {  	[spmem:s30] =	stream.linear.scatter [tilespmem:s7], [sflag:$0x2], $0x1800, $0x38;
	[tilespmem:$0x179C0] =	vst v63  }
0x4e: {  	_ =	swait.ge [sflag:s8], $0x1800  }
0x4f: {  	[sflag:s8] =	ssyncset.done $0x0  }
0x50: {  	[sflag:s8] =	ssyncadd.s32 $0xFFFFE800  }
0x51: {  	[spmem:s31] =	stream.linear.scatter [tilespmem:s7], [sflag:$0x2], $0x1800, $0x38;
	[tilespmem:$0x179C0] =	vst v63  }
0x52: {  	_ =	swait.ge [sflag:s8], $0x1800  }
0x53: {  	[sflag:s8] =	ssyncset.done $0x0  }
0x54: {  	[sflag:s8] =	ssyncadd.s32 $0xFFFFE800  }
0x55: {  	[spmem:s14] =	stream.linear.scatter [tilespmem:s7], [sflag:$0x2], $0x1800, $0x38;
	[tilespmem:$0x179C0] =	vst v63  }
0x56: {  	_ =	swait.ge [sflag:s8], $0x1800  }
0x57: {  	[sflag:s8] =	ssyncset.done $0x0  }
0x58: {  	[sflag:s8] =	ssyncadd.s32 $0xFFFFE800  }
0x59: {  	[spmem:s0] =	stream.linear.scatter [tilespmem:s7], [sflag:$0x2], $0x1800, $0x38;
	[tilespmem:$0x179C0] =	vst v63  }
0x5a: {  	_ =	swait.ge [sflag:s8], $0x1800  }
0x5b: {  	[sflag:s8] =	ssyncset.done $0x0  }
0x5c: {  	[sflag:s8] =	ssyncadd.s32 $0xFFFFE800  }
0x5d: {  	[spmem:s2] =	stream.linear.scatter [tilespmem:s7], [sflag:$0x2], $0x1800, $0x38;
	[tilespmem:$0x179C0] =	vst v63  }
0x5e: {  	_ =	swait.ge [sflag:s8], $0x1800  }
0x5f: {  	[sflag:s8] =	ssyncset.done $0x0  }
0x60: {  	s12 =	simm.s32 @!p0 $0x100;
	[sflag:s8] =	ssyncadd.s32 $0xFFFFE800  }
0x61: {  	[spmem:s6] =	stream.linear.scatter @!p0 [tilespmem:s12], [sflag:$0x2], $0xC00, $0x38;
	[tilespmem:$0x179C0] =	vst v63  }
0x62: {  	s13 =	sand.u32 $0x3C00, s1;
	s12 =	simm.s32 @!p0 $0x2  }
0x63: {  	s16 =	sand.u32 $0x380, s1;
	s13 =	sadd.s32 s3, s13;
	_ =	swait.ge @!p0 [sflag:s12], $0xC00  }
0x64: {  	s13 =	sor.u32 s16, s13;
	[sflag:s12] =	ssyncset.done @!p0 $0x0  }
0x65: {  	s20 =	sshrl.u32 s13, $0x3;
	[sflag:s12] =	ssyncadd.s32 @!p0 $0xFFFFF400  }
0x66: {  	s13 =	sadd.s32 s18, s20;
	[bflag:$0x0] =	sbarrier.arrive $0xFFFF  }
0x67: {  	[tilespmem:s1], [sflag:$0x2] =	stream.linear.gather [hbm4b:s13+s1], $0x80, $0x38;
	[tilespmem:$0x179C0] =	vst v63  }
0x68: {  	_ =	swait.ge [sflag:s8], $0x80  }
0x69: {  	[sflag:s8] =	ssyncset.done $0x0  }
0x6a: {  	s12 =	sadd.s32 s19, s20;
	[sflag:s8] =	ssyncadd.s32 $0xFFFFFF80  }
0x6b: {  	[tilespmem:s9], [sflag:$0x2] =	stream.linear.gather [hbm4b:s12+s1], $0x80, $0x38;
	[tilespmem:$0x179C0] =	vst v63  }
0x6c: {  	_ =	swait.ge [sflag:s8], $0x80  }
0x6d: {  	[sflag:s8] =	ssyncset.done $0x0  }
0x6e: {  	[sflag:s8] =	ssyncadd.s32 $0xFFFFFF80  }
0x6f: {  	[tilespmem:s7], [sflag:$0x1] =	stream.indirect.gather [hbm4b:s17+s9], $0x80, s1, s9, $0xb8;
	[tilespmem:$0x179C0] =	vst v63  }
0x70: {  	_ =	swait.ge [sflag:s10], $0x4000  }
0x71: {  	s16 =	simm.s32 $0x80;
	[sflag:s10] =	ssyncset.done $0x0  }
0x72: {  	s20 =	sand.u32 $0x3C00, s16;
	[sflag:s10] =	ssyncadd.s32 $0xFFFFC000  }
0x73: {  	[spmem:s15] =	stream.indirect.scatter.add.f32 [tilespmem:s7], [sflag:$0x2], $0x80, s9, s9, $0xb8;
	[tilespmem:$0x179C0] =	vst v63  }
0x74: {  	s13 =	sadd.s32 s3, s20;
	s12 =	sand.u32 $0x380, s16;
	_ =	swait.ge [sflag:s8], $0x4000  }
0x75: {  	s13 =	sor.u32 s12, s13;
	s12 =	simm.s32 $0x100;
	[sflag:s8] =	ssyncset.done $0x0  }
.LBB2_2:
0x76: {  	s13 =	sshrl.u32 s13, $0x3  }
0x77: {  	[sflag:s8] =	ssyncadd.s32 $0xFFFFC000;
	s16 =	smov.u32 s12;
	s20 =	sadd.s32 $0x80, s12  }
0x78: {  	p1 =	sne.s32 s12, $0x2780;
	s12 =	sadd.s32 s18, s13  }
0x79: {  	[tilespmem:s1], [sflag:$0x2] =	stream.linear.gather [hbm4b:s12+s1], $0x80, $0x38;
	[tilespmem:$0x179C0] =	vst v63  }
0x7a: {  	_ =	swait.ge [sflag:s8], $0x80  }
0x7b: {  	[sflag:s8] =	ssyncset.done $0x0  }
0x7c: {  	s12 =	sadd.s32 s19, s13;
	[sflag:s8] =	ssyncadd.s32 $0xFFFFFF80  }
0x7d: {  	[tilespmem:s9], [sflag:$0x2] =	stream.linear.gather [hbm4b:s12+s1], $0x80, $0x38;
	[tilespmem:$0x179C0] =	vst v63  }
0x7e: {  	_ =	swait.ge [sflag:s8], $0x80  }
0x7f: {  	[sflag:s8] =	ssyncset.done $0x0  }
0x80: {  	[sflag:s8] =	ssyncadd.s32 $0xFFFFFF80  }
0x81: {  	[tilespmem:s7], [sflag:$0x1] =	stream.indirect.gather [hbm4b:s17+s9], $0x80, s1, s9, $0xb8;
	[tilespmem:$0x179C0] =	vst v63  }
0x82: {  	_ =	swait.ge [sflag:s10], $0x4000  }
.Ltmp0:
0x83: {  	[sflag:s10] =	ssyncset.done $0x0;
	(pc) =	sbr.rel @p1 .LBB2_2-.Ltmp0, $4  }
0x84: {  	s12 =	sand.u32 $0x3C00, s16;
	[sflag:s10] =	ssyncadd.s32 $0xFFFFC000  }
0x85: {  	[spmem:s15] =	stream.indirect.scatter.add.f32 [tilespmem:s7], [sflag:$0x2], $0x80, s9, s9, $0xb8;
	[tilespmem:$0x179C0] =	vst v63  }
0x86: {  	s13 =	sand.u32 $0x380, s16;
	s12 =	sadd.s32 s3, s12;
	_ =	swait.ge [sflag:s8], $0x4000  }
0x87: {  	s13 =	sor.u32 s13, s12;
	s12 =	smov.u32 s20;
	[sflag:s8] =	ssyncset.done $0x0  }
0x88: {  	s12 =	sshrl.u32 s13, $0x3  }
0x89: {  	[sflag:s8] =	ssyncadd.s32 $0xFFFFC000;
	s13 =	sadd.s32 s18, s12  }
0x8a: {  	[tilespmem:s1], [sflag:$0x2] =	stream.linear.gather [hbm4b:s13+s1], $0x80, $0x38;
	[tilespmem:$0x179C0] =	vst v63  }
0x8b: {  	_ =	swait.ge [sflag:s8], $0x80  }
0x8c: {  	[sflag:s8] =	ssyncset.done $0x0  }
0x8d: {  	s12 =	sadd.s32 s19, s12;
	[sflag:s8] =	ssyncadd.s32 $0xFFFFFF80  }
0x8e: {  	[tilespmem:s9], [sflag:$0x2] =	stream.linear.gather [hbm4b:s12+s1], $0x80, $0x38;
	[tilespmem:$0x179C0] =	vst v63  }
0x8f: {  	_ =	swait.ge [sflag:s8], $0x80  }
0x90: {  	[sflag:s8] =	ssyncset.done $0x0  }
0x91: {  	[sflag:s8] =	ssyncadd.s32 $0xFFFFFF80  }
0x92: {  	[tilespmem:s7], [sflag:$0x1] =	stream.indirect.gather [hbm4b:s17+s9], $0x80, s1, s9, $0xb8;
	[tilespmem:$0x179C0] =	vst v63  }
0x93: {  	_ =	swait.ge [sflag:s10], $0x4000  }
0x94: {  	[sflag:s10] =	ssyncset.done $0x0  }
0x95: {  	[sflag:s10] =	ssyncadd.s32 $0xFFFFC000  }
0x96: {  	[spmem:s15] =	stream.indirect.scatter.add.f32 [tilespmem:s7], [sflag:$0x2], $0x80, s9, s9, $0xb8;
	[tilespmem:$0x179C0] =	vst v63  }
0x97: {  	_ =	swait.ge [sflag:s8], $0x4000  }
0x98: {  	[sflag:s8] =	ssyncset.done $0x0  }
0x99: {  	[sflag:s8] =	ssyncadd.s32 $0xFFFFC000  }
0x9a: {  	[bflag:$0x0] =	sbarrier.arrive $0xFFFF  }
0x9b: {  	[tilespmem:s7], [sflag:$0x2] =	stream.linear.gather [spmem:s21], $0x1800, $0x38;
	[tilespmem:$0x179C0] =	vst v63  }
0x9c: {  	_ =	swait.ge [sflag:s8], $0x1800  }
0x9d: {  	[sflag:s8] =	ssyncset.done $0x0  }
0x9e: {  	s20 =	rddreg [dreg:$0x3];
	[sflag:s8] =	ssyncadd.s32 $0xFFFFE800  }
0x9f: {  	[hbm4b:s20+s1] =	stream.linear.scatter [tilespmem:s7], [sflag:$0x2], $0x1800, $0x38;
	[tilespmem:$0x179C0] =	vst v63  }
0xa0: {  	_ =	swait.ge [sflag:s8], $0x1800  }
0xa1: {  	[sflag:s8] =	ssyncset.done $0x0  }
0xa2: {  	[sflag:s8] =	ssyncadd.s32 $0xFFFFE800  }
0xa3: {  	[tilespmem:s7], [sflag:$0x2] =	stream.linear.gather [spmem:s22], $0x1800, $0x38;
	[tilespmem:$0x179C0] =	vst v63  }
0xa4: {  	_ =	swait.ge [sflag:s8], $0x1800  }
0xa5: {  	[sflag:s8] =	ssyncset.done $0x0  }
0xa6: {  	s13 =	rddreg [dreg:$0x4];
	[sflag:s8] =	ssyncadd.s32 $0xFFFFE800  }
0xa7: {  	[hbm4b:s13+s1] =	stream.linear.scatter [tilespmem:s7], [sflag:$0x2], $0x1800, $0x38;
	[tilespmem:$0x179C0] =	vst v63  }
0xa8: {  	_ =	swait.ge [sflag:s8], $0x1800  }
0xa9: {  	[sflag:s8] =	ssyncset.done $0x0  }
0xaa: {  	[sflag:s8] =	ssyncadd.s32 $0xFFFFE800  }
0xab: {  	[tilespmem:s7], [sflag:$0x2] =	stream.linear.gather [spmem:s23], $0x1800, $0x38;
	[tilespmem:$0x179C0] =	vst v63  }
0xac: {  	_ =	swait.ge [sflag:s8], $0x1800  }
0xad: {  	[sflag:s8] =	ssyncset.done $0x0  }
0xae: {  	s16 =	rddreg [dreg:$0x5];
	[sflag:s8] =	ssyncadd.s32 $0xFFFFE800  }
0xaf: {  	[hbm4b:s16+s1] =	stream.linear.scatter [tilespmem:s7], [sflag:$0x2], $0x1800, $0x38;
	[tilespmem:$0x179C0] =	vst v63  }
0xb0: {  	_ =	swait.ge [sflag:s8], $0x1800  }
0xb1: {  	[sflag:s8] =	ssyncset.done $0x0  }
0xb2: {  	[sflag:s8] =	ssyncadd.s32 $0xFFFFE800  }
0xb3: {  	[tilespmem:s7], [sflag:$0x2] =	stream.linear.gather [spmem:s24], $0x1800, $0x38;
	[tilespmem:$0x179C0] =	vst v63  }
0xb4: {  	_ =	swait.ge [sflag:s8], $0x1800  }
0xb5: {  	[sflag:s8] =	ssyncset.done $0x0  }
0xb6: {  	s20 =	rddreg [dreg:$0x6];
	[sflag:s8] =	ssyncadd.s32 $0xFFFFE800  }
0xb7: {  	[hbm4b:s20+s1] =	stream.linear.scatter [tilespmem:s7], [sflag:$0x2], $0x1800, $0x38;
	[tilespmem:$0x179C0] =	vst v63  }
0xb8: {  	_ =	swait.ge [sflag:s8], $0x1800  }
0xb9: {  	[sflag:s8] =	ssyncset.done $0x0  }
0xba: {  	[sflag:s8] =	ssyncadd.s32 $0xFFFFE800  }
0xbb: {  	[tilespmem:s7], [sflag:$0x2] =	stream.linear.gather [spmem:s25], $0x1800, $0x38;
	[tilespmem:$0x179C0] =	vst v63  }
0xbc: {  	_ =	swait.ge [sflag:s8], $0x1800  }
0xbd: {  	[sflag:s8] =	ssyncset.done $0x0  }
0xbe: {  	s13 =	rddreg [dreg:$0x7];
	[sflag:s8] =	ssyncadd.s32 $0xFFFFE800  }
0xbf: {  	[hbm4b:s13+s1] =	stream.linear.scatter [tilespmem:s7], [sflag:$0x2], $0x1800, $0x38;
	[tilespmem:$0x179C0] =	vst v63  }
0xc0: {  	_ =	swait.ge [sflag:s8], $0x1800  }
0xc1: {  	[sflag:s8] =	ssyncset.done $0x0  }
0xc2: {  	[sflag:s8] =	ssyncadd.s32 $0xFFFFE800  }
0xc3: {  	[tilespmem:s7], [sflag:$0x2] =	stream.linear.gather [spmem:s26], $0x1800, $0x38;
	[tilespmem:$0x179C0] =	vst v63  }
0xc4: {  	_ =	swait.ge [sflag:s8], $0x1800  }
0xc5: {  	[sflag:s8] =	ssyncset.done $0x0  }
0xc6: {  	s16 =	rddreg [dreg:$0x8];
	[sflag:s8] =	ssyncadd.s32 $0xFFFFE800  }
0xc7: {  	[hbm4b:s16+s1] =	stream.linear.scatter [tilespmem:s7], [sflag:$0x2], $0x1800, $0x38;
	[tilespmem:$0x179C0] =	vst v63  }
0xc8: {  	_ =	swait.ge [sflag:s8], $0x1800  }
0xc9: {  	[sflag:s8] =	ssyncset.done $0x0  }
0xca: {  	[sflag:s8] =	ssyncadd.s32 $0xFFFFE800  }
0xcb: {  	[tilespmem:s7], [sflag:$0x2] =	stream.linear.gather [spmem:s28], $0x1800, $0x38;
	[tilespmem:$0x179C0] =	vst v63  }
0xcc: {  	_ =	swait.ge [sflag:s8], $0x1800  }
0xcd: {  	[sflag:s8] =	ssyncset.done $0x0  }
0xce: {  	s20 =	rddreg [dreg:$0x9];
	[sflag:s8] =	ssyncadd.s32 $0xFFFFE800  }
0xcf: {  	[hbm4b:s20+s1] =	stream.linear.scatter [tilespmem:s7], [sflag:$0x2], $0x1800, $0x38;
	[tilespmem:$0x179C0] =	vst v63  }
0xd0: {  	_ =	swait.ge [sflag:s8], $0x1800  }
0xd1: {  	[sflag:s8] =	ssyncset.done $0x0  }
0xd2: {  	[sflag:s8] =	ssyncadd.s32 $0xFFFFE800  }
0xd3: {  	[tilespmem:s7], [sflag:$0x2] =	stream.linear.gather [spmem:s29], $0x1800, $0x38;
	[tilespmem:$0x179C0] =	vst v63  }
0xd4: {  	_ =	swait.ge [sflag:s8], $0x1800  }
0xd5: {  	[sflag:s8] =	ssyncset.done $0x0  }
0xd6: {  	s13 =	rddreg [dreg:$0xa];
	[sflag:s8] =	ssyncadd.s32 $0xFFFFE800  }
0xd7: {  	[hbm4b:s13+s1] =	stream.linear.scatter [tilespmem:s7], [sflag:$0x2], $0x1800, $0x38;
	[tilespmem:$0x179C0] =	vst v63  }
0xd8: {  	_ =	swait.ge [sflag:s8], $0x1800  }
0xd9: {  	[sflag:s8] =	ssyncset.done $0x0  }
0xda: {  	[sflag:s8] =	ssyncadd.s32 $0xFFFFE800  }
0xdb: {  	[tilespmem:s7], [sflag:$0x2] =	stream.linear.gather [spmem:s30], $0x1800, $0x38;
	[tilespmem:$0x179C0] =	vst v63  }
0xdc: {  	_ =	swait.ge [sflag:s8], $0x1800  }
0xdd: {  	[sflag:s8] =	ssyncset.done $0x0  }
0xde: {  	s16 =	rddreg [dreg:$0xb];
	[sflag:s8] =	ssyncadd.s32 $0xFFFFE800  }
0xdf: {  	[hbm4b:s16+s1] =	stream.linear.scatter [tilespmem:s7], [sflag:$0x2], $0x1800, $0x38;
	[tilespmem:$0x179C0] =	vst v63  }
0xe0: {  	_ =	swait.ge [sflag:s8], $0x1800  }
0xe1: {  	[sflag:s8] =	ssyncset.done $0x0  }
0xe2: {  	[sflag:s8] =	ssyncadd.s32 $0xFFFFE800  }
0xe3: {  	[tilespmem:s7], [sflag:$0x2] =	stream.linear.gather [spmem:s31], $0x1800, $0x38;
	[tilespmem:$0x179C0] =	vst v63  }
0xe4: {  	_ =	swait.ge [sflag:s8], $0x1800  }
0xe5: {  	[sflag:s8] =	ssyncset.done $0x0  }
0xe6: {  	s20 =	rddreg [dreg:$0xc];
	[sflag:s8] =	ssyncadd.s32 $0xFFFFE800  }
0xe7: {  	[hbm4b:s20+s1] =	stream.linear.scatter [tilespmem:s7], [sflag:$0x2], $0x1800, $0x38;
	[tilespmem:$0x179C0] =	vst v63  }
0xe8: {  	_ =	swait.ge [sflag:s8], $0x1800  }
0xe9: {  	[sflag:s8] =	ssyncset.done $0x0  }
0xea: {  	[sflag:s8] =	ssyncadd.s32 $0xFFFFE800  }
0xeb: {  	[tilespmem:s7], [sflag:$0x2] =	stream.linear.gather [spmem:s14], $0x1800, $0x38;
	[tilespmem:$0x179C0] =	vst v63  }
0xec: {  	_ =	swait.ge [sflag:s8], $0x1800  }
0xed: {  	[sflag:s8] =	ssyncset.done $0x0  }
0xee: {  	s13 =	rddreg [dreg:$0xd];
	[sflag:s8] =	ssyncadd.s32 $0xFFFFE800  }
0xef: {  	[hbm4b:s13+s1] =	stream.linear.scatter [tilespmem:s7], [sflag:$0x2], $0x1800, $0x38;
	[tilespmem:$0x179C0] =	vst v63  }
0xf0: {  	_ =	swait.ge [sflag:s8], $0x1800  }
0xf1: {  	[sflag:s8] =	ssyncset.done $0x0  }
0xf2: {  	[sflag:s8] =	ssyncadd.s32 $0xFFFFE800  }
0xf3: {  	[tilespmem:s7], [sflag:$0x2] =	stream.linear.gather [spmem:s0], $0x1800, $0x38;
	[tilespmem:$0x179C0] =	vst v63  }
0xf4: {  	_ =	swait.ge [sflag:s8], $0x1800  }
0xf5: {  	[sflag:s8] =	ssyncset.done $0x0  }
0xf6: {  	s16 =	rddreg [dreg:$0xe];
	[sflag:s8] =	ssyncadd.s32 $0xFFFFE800  }
0xf7: {  	[hbm4b:s16+s1] =	stream.linear.scatter [tilespmem:s7], [sflag:$0x2], $0x1800, $0x38;
	[tilespmem:$0x179C0] =	vst v63  }
0xf8: {  	_ =	swait.ge [sflag:s8], $0x1800  }
0xf9: {  	[sflag:s8] =	ssyncset.done $0x0  }
0xfa: {  	[sflag:s8] =	ssyncadd.s32 $0xFFFFE800  }
0xfb: {  	[tilespmem:s7], [sflag:$0x2] =	stream.linear.gather [spmem:s2], $0x1800, $0x38;
	[tilespmem:$0x179C0] =	vst v63  }
0xfc: {  	_ =	swait.ge [sflag:s8], $0x1800  }
0xfd: {  	[sflag:s8] =	ssyncset.done $0x0  }
0xfe: {  	s20 =	rddreg [dreg:$0xf];
	[sflag:s8] =	ssyncadd.s32 $0xFFFFE800  }
0xff: {  	[hbm4b:s20+s1] =	stream.linear.scatter [tilespmem:s7], [sflag:$0x2], $0x1800, $0x38;
	[tilespmem:$0x179C0] =	vst v63  }
0x100: {  	_ =	swait.ge [sflag:s8], $0x1800  }
0x101: {  	[sflag:s8] =	ssyncset.done $0x0  }
0x102: {  	s12 =	simm.s32 @!p0 $0x100;
	s13 =	simm.s32 @!p0 $0x2;
	[sflag:s8] =	ssyncadd.s32 $0xFFFFE800  }
0x103: {  	[tilespmem:s12], [sflag:$0x2] =	stream.linear.gather @!p0 [spmem:s6], $0x800, $0x38;
	[tilespmem:$0x179C0] =	vst v63  }
0x104: {  	s11 =	sadd.s32 $0x1, s11;
	_ =	swait.ge @!p0 [sflag:s13], $0x800  }
0x105: {  	p1 =	sne.s32 s11, s5;
	[sflag:s13] =	ssyncset.done @!p0 $0x0  }
.Ltmp1:
0x106: {  	s16 =	simm.s32 @!p0 $0x0;
	[sflag:s13] =	ssyncadd.s32 @!p0 $0xFFFFF800;
	(pc) =	sbr.rel @p1 .LBB2_1-.Ltmp1, $4  }
0x107: {  	[hbm4b:s4+s16] =	stream.linear.scatter @!p0 [tilespmem:s12], [sflag:$0x2], $0x800, $0x38;
	[tilespmem:$0x179C0] =	vst v63  }
0x108: {  	_ =	swait.ge @!p0 [sflag:s13], $0x800  }
0x109: {  	[sflag:s13] =	ssyncset.done @!p0 $0x0  }
0x10a: {  	[sflag:s13] =	ssyncadd.s32 @!p0 $0xFFFFF800  }
0x10b: {  	_ =	sfence.sel $0x180000  }
0x10c: {  	[bflag:$0x0] =	sbarrier.arrive $0xFFFF  }
0x10d: {  	_ =	strace $0x9000004D  }
0x10e: {  	s0 =	stileid.u32;
	[bflag:$0x2] =	sbarrier.arrive $0xFFFF  }
0x10f: {  	p0 =	sne.s32 s0, $0x0;
	s0 =	rddreg [dreg:$0x2]  }
0x110: {  	s0 =	sadd.s32 @!p0 $0x100000, s0  }
0x111: {  	[sflag:s0] =	ssyncadd.tile.s32 @!p0 $0x1;
	_ =	shalt  }
.Lfunc_end2:
_tile_overlayer_lowered:
.L_overlay_start_2:
0x112: {  	(tag) =	ssettag $0x2  }
0x113: {  	s0 =	rddreg [dreg:$0x0];
	s2 =	stileid.u32  }
0x114: {  	s1 =	rddreg [dreg:$0x1];
	p0 =	sne.s32 s2, $0x0  }
0x115: {  	s3 =	rddreg [dreg:$0x2];
	[bflag:$0x3] =	sbarrier.arrive $0xFFFF;
	s2 =	simm.s32 @!p0 $0x1C02  }
0x116: {  	[timem:s3], [sflag:s2] =	dma.local @!p0 [hbm:s0], s1  }
0x117: {  	s0 =	simm.s32 @!p0 $0x2  }
0x118: {  	_ =	swait.ge @!p0 [sflag:s0], s1  }
0x119: {  	s1 =	ssub.s32 @!p0 $0x0, s1;
	[sflag:s0] =	ssyncset.done @!p0 $0x0  }
0x11a: {  	[sflag:s0] =	ssyncadd.s32 @!p0 s1  }
0x11b: {  	[bflag:$0x3] =	sbarrier.arrive $0xFFFF  }
0x11c: {  	_ =	shalt  }

// kernel: kernel.7.cloned.1.call-start
scs
__scs_entry_jumppad:
0x0: {  	(pc) =	sbr.rel $0x88, $3  }
0x1: {  	(tag) =	ssettag $0x0;
	lr =	simm.s32 $0x1  }
0x2: {  	[smem:$0x3F97] =	sst lr;
	_ =	strace $0xD0000000  }
0x3: {  	_ = 	snop  }
0x4: {  	_ = 	snop  }
0x5: {  	_ = 	snop  }
0x6: {  	_ = 	snop  }
0x7: {  	_ = 	snop  }
__scs_overlays_trampoline_lowered:
0x8: {  	[smem:$0x3FA6] =	sst s0  }
0x9: {  	[smem:$0x3FA7] =	sst s1  }
0xa: {  	[smem:$0x3FA8] =	sst s2  }
0xb: {  	[smem:$0x3FA9] =	sst s3  }
0xc: {  	[smem:$0x3FAA] =	sst s4  }
0xd: {  	[smem:$0x3FAB] =	sst s5  }
0xe: {  	[smem:$0x3FAC] =	sst s6  }
0xf: {  	[smem:$0x3FAD] =	sst s7  }
0x10: {  	[smem:$0x3FAE] =	sst s8  }
0x11: {  	[smem:$0x3FAF] =	sst s9;
	s0 =	simm.s32 @!p0 $0x0  }
0x12: {  	s1 =	sld [smem:$0x3F95];
	s0 =	simm.s32 @p0 $0x1  }
0x13: {  	[smem:$0x3FB0] =	sst s0;
	s0 =	simm.s32 @!p1 $0x0  }
0x14: {  	s2 =	sld [smem:$0x3F94];
	s0 =	simm.s32 @p1 $0x1  }
0x15: {  	[smem:$0x3FB1] =	sst s0;
	s0 =	simm.s32 @!p2 $0x0  }
0x16: {  	s3 =	sld [smem:$0x3FDB];
	s0 =	simm.s32 @p2 $0x1  }
0x17: {  	s4 =	simm.s32 $0x1BF5;
	[smem:$0x3FB3] =	sst s0  }
0x18: {  	s0 =	sld [smem:$0x3F96];
	_ =	swait.ge [sflag:s4], $0x0  }
0x19: {  	s7 =	sld [smem:$0x3F97]  }
0x1a: {  	s8 =	sadd.s32 $0xFFFFE003, lr  }
0x1b: {  	s9 =	sadd.s32 $0xFFFFFEF7, lr;
	s5 =	simm.s32 $0xFFFFFFFF;
	p2 =	slt.u32 s8, $0xFFFFF086  }
0x1c: {  	p1 =	slt.u32 s9, $0xF7A;
	s5 =	simm.s32 @!p2 $0x0  }
0x1d: {  	s5 =	simm.s32 @p1 $0x1;
	p0 =	seq.s32 s7, s2  }
0x1e: {  	s7 =	smul.u32 @!p0 $0xF7A, s2;
	p2 =	seq.s32 @!p0 s5, $0x0  }
0x1f: {  	s9 =	smul.u32 $0xF7A, s1;
	s8 =	simm.s32 @!p0 $0x1BF5;
	p2 =	por !p2, p0  }
0x20: {  	[sflag:s8] =	ssyncset.s32 @!p0 $0xFFFFF086;
	s6 =	sadd.s32 @!p0 s3, s7;
	s7 =	simm.s32 @!p0 $0x108  }
0x21: {  	s3 =	sadd.s32 s3, s9;
	s6 =	sadd.s32 @!p0 $0x88, s6;
	s7 =	simm.s32 @p2 $0x1082  }
0x22: {  	[simem:s7], [sflag:s8] =	dma.local @!p0 [hbm:s6], $0xF7A  }
0x23: {  	s9 =	sor.u32 $0xD0000000, s2;
	s6 =	simm.s32 $0x108;
	_ =	swait.ge @!p0 [sflag:s8], $0x0  }
0x24: {  	s3 =	sadd.s32 $0x88, s3;
	s6 =	simm.s32 @!p1 $0x1082;
	[sflag:s4] =	ssyncset.s32 $0xFFFFF086  }
0x25: {  	[simem:s6], [sflag:s4] =	dma.local [hbm:s3], $0xF7A  }
0x26: {  	[smem:$0x3F97] =	sst s1;
	(tag) =	ssettag s2;
	_ =	strace s9  }
0x27: {  	s1 =	sld [smem:$0x3FA7]  }
0x28: {  	s2 =	sld [smem:$0x3FA8]  }
0x29: {  	s4 =	sld [smem:$0x3FAA]  }
0x2a: {  	p0 =	seq.s32 s5, $0x0;
	s5 =	sld [smem:$0x3FAB]  }
0x2b: {  	s6 =	sld [smem:$0x3FAC]  }
0x2c: {  	s7 =	sld [smem:$0x3FAD]  }
0x2d: {  	s3 =	simm.s32 $0x108;
	s8 =	sld [smem:$0x3FAE]  }
0x2e: {  	s3 =	simm.s32 @!p0 $0x1082;
	s9 =	sld [smem:$0x3FAF]  }
0x2f: {  	lr =	sadd.s32 s0, s3;
	s0 =	sld [smem:$0x3FA6]  }
0x30: {  	s3 =	sld [smem:$0x3FA9]  }
0x31: {  	[smem:$0x3FB2] =	sst s10  }
0x32: {  	s10 =	sld [smem:$0x3FB0];
	_ =	sdelay $0x3  }
0x33: {  	p0 =	seq.s32 s10, $0x1;
	s10 =	sld [smem:$0x3FB2];
	_ =	sdelay $0x3  }
0x34: {  	[smem:$0x3FB2] =	sst s10  }
0x35: {  	s10 =	sld [smem:$0x3FB1];
	_ =	sdelay $0x3  }
0x36: {  	p1 =	seq.s32 s10, $0x1;
	s10 =	sld [smem:$0x3FB2];
	_ =	sdelay $0x3  }
0x37: {  	[smem:$0x3FB2] =	sst s10  }
0x38: {  	s10 =	sld [smem:$0x3FB3]  }
0x39: {  	_ = 	snop;
	(pc) =	sbr.ind lr, $3  }
0x3a: {  	_ = 	snop  }
0x3b: {  	_ = 	snop  }
0x3c: {  	p2 =	seq.s32 s10, $0x1;
	s10 =	sld [smem:$0x3FB2]  }
0x3d: {  	_ =	shalt  }
0x3e: {  	_ =	shalt  }
0x3f: {  	_ =	shalt  }
0x40: {  	_ =	shalt  }
0x41: {  	_ =	shalt  }
0x42: {  	_ =	shalt  }
0x43: {  	_ =	shalt  }
0x44: {  	_ =	shalt  }
0x45: {  	_ =	shalt  }
0x46: {  	_ =	shalt  }
0x47: {  	_ =	shalt  }
0x48: {  	_ =	shalt  }
0x49: {  	_ =	shalt  }
0x4a: {  	_ =	shalt  }
0x4b: {  	_ =	shalt  }
0x4c: {  	_ =	shalt  }
0x4d: {  	_ =	shalt  }
0x4e: {  	_ =	shalt  }
0x4f: {  	_ =	shalt  }
0x50: {  	_ =	shalt  }
0x51: {  	_ =	shalt  }
0x52: {  	_ =	shalt  }
0x53: {  	_ =	shalt  }
0x54: {  	_ =	shalt  }
0x55: {  	_ =	shalt  }
0x56: {  	_ =	shalt  }
0x57: {  	_ =	shalt  }
0x58: {  	_ =	shalt  }
0x59: {  	_ =	shalt  }
0x5a: {  	_ =	shalt  }
0x5b: {  	_ =	shalt  }
0x5c: {  	_ =	shalt  }
0x5d: {  	_ =	shalt  }
0x5e: {  	_ =	shalt  }
0x5f: {  	_ =	shalt  }
0x60: {  	_ =	shalt  }
0x61: {  	_ =	shalt  }
0x62: {  	_ =	shalt  }
0x63: {  	_ =	shalt  }
0x64: {  	_ =	shalt  }
0x65: {  	_ =	shalt  }
0x66: {  	_ =	shalt  }
0x67: {  	_ =	shalt  }
0x68: {  	_ =	shalt  }
0x69: {  	_ =	shalt  }
0x6a: {  	_ =	shalt  }
0x6b: {  	_ =	shalt  }
0x6c: {  	_ =	shalt  }
0x6d: {  	_ =	shalt  }
0x6e: {  	_ =	shalt  }
0x6f: {  	_ =	shalt  }
0x70: {  	_ =	shalt  }
0x71: {  	_ =	shalt  }
0x72: {  	_ =	shalt  }
0x73: {  	_ =	shalt  }
0x74: {  	_ =	shalt  }
0x75: {  	_ =	shalt  }
0x76: {  	_ =	shalt  }
0x77: {  	_ =	shalt  }
0x78: {  	_ =	shalt  }
0x79: {  	_ =	shalt  }
0x7a: {  	_ =	shalt  }
0x7b: {  	_ =	shalt  }
0x7c: {  	_ =	shalt  }
0x7d: {  	_ =	shalt  }
0x7e: {  	_ =	shalt  }
0x7f: {  	_ =	shalt  }
0x80: {  	_ =	shalt  }
0x81: {  	_ =	shalt  }
0x82: {  	_ =	shalt  }
0x83: {  	_ =	shalt  }
0x84: {  	_ =	shalt  }
0x85: {  	_ =	shalt  }
0x86: {  	_ =	shalt  }
0x87: {  	_ =	shalt  }
.Lfunc_end0:
.L_simem_size_0:
called_computation_lowered:
.L_overlay_start_0:
0x88: {  	s2 =	sld [smem:$0x3FD9]  }
0x89: {  	s3 =	sld [smem:$0x3FFE];
	_ =	sdelay $0x1  }
0x8a: {  	s1 =	srdreg.scid  }
0x8b: {  	s0 =	sand.u32 $0x1, s1  }
0x8c: {  	s17 =	sshll.u32 s0, $0xA;
	s2 =	sadd.s32 s3, s2  }
0x8d: {  	s2 =	sadd.s32 s2, s17  }
0x8e: {  	[smem:$0x3FBE] =	sst s2  }
0x8f: {  	_ = 	snop  }
0x90: {  	(tm) =	ssettm $0x1  }
0x91: {  	s18 =	sld [smem:$0x3FFB];
	_ =	sdelay $0x3  }
0x92: {  	_ =	strace s18  }
0x93: {  	s2 =	sld [smem:$0x3FFC];
	_ =	sdelay $0x3  }
0x94: {  	_ =	strace s2  }
0x95: {  	s2 =	sld [smem:$0x3FFD];
	_ =	sdelay $0x3  }
0x96: {  	_ =	strace s2  }
0x97: {  	_ =	strace $0x8FFFFFFF  }
0x98: {  	s19 =	sld [smem:$0x3FDB];
	_ =	sdelay $0x1  }
0x99: {  	s20 =	simm.s32 $_scs_section_size  }
0x9a: {  	s4 =	simm.s32 $_size__tile_overlayer_lowered;
	s5 =	simm.s32 $_tile_overlayer_lowered  }
0x9b: {  	s6 =	simm.s32 $0x1BFF;
	s21 =	sshll.u32 s5, $0x1;
	s3 =	sadd.s32 s20, s19  }
0x9c: {  	s22 =	simm.s32 $0x0;
	s4 =	sshll.u32 s4, $0x1;
	s5 =	sadd.s32 s21, s3  }
0x9d: {  	[timem:s22], [sflag:s6] =	dma.local [hbm:s5], s4  }
0x9e: {  	_ =	swait.ge [sflag:s6], s4  }
0x9f: {  	s4 =	ssub.s32 $0x0, s4;
	[sflag:s6] =	ssyncset.done $0x0  }
0xa0: {  	[sflag:s6] =	ssyncadd.s32 s4;
	_ =	sdelay $0x1  }
0xa1: {  	s23 =	simm.s32 $0x1B8B  }
0xa2: {  	_ =	swait.ge [sflag:s23], $0x1  }
0xa3: {  	[sflag:s23] =	ssyncset.done $0x0  }
0xa4: {  	[sflag:s23] =	ssyncadd.s32 $0xFFFFFFFF  }
0xa5: {  	s4 =	sld [smem:$0x0]  }
0xa6: {  	s5 =	sand.u32 $0xFFFFFFFE, s1  }
0xa7: {  	p0 =	sne.s32 s1, s5  }
0xa8: {  	s5 =	sshll.u32 @p0 s5, $0xE  }
0xa9: {  	s5 =	sadd.s32 @p0 $0x11B8D, s5;
	s6 =	sshll.u32 @p0 s4, $0x11  }
0xaa: {  	s5 =	sor.u32 @p0 s6, s5  }
0xab: {  	[sflag:s5] =	ssyncadd.remote.s32 @p0 $0x1;
	_ =	sdelay $0x1  }
0xac: {  	s5 =	simm.s32 @p0 $0x1B8D  }
0xad: {  	_ =	swait.eq @p0 [sflag:s5], $0x1  }
0xae: {  	[sflag:s5] =	ssyncadd.s32 @p0 $0xFFFFFFFF  }
0xaf: {  	s6 =	sshll.u32 @!p0 s1, $0xE  }
0xb0: {  	s6 =	sor.u32 @!p0 $0x4000, s6;
	s5 =	simm.s32 @!p0 $0x1B8D  }
0xb1: {  	s4 =	sshll.u32 @!p0 s4, $0x11;
	s6 =	sadd.s32 @!p0 $0x11B8D, s6;
	_ =	swait.eq @!p0 [sflag:s5], $0x1  }
0xb2: {  	s4 =	sor.u32 @!p0 s4, s6;
	[sflag:s5] =	ssyncadd.s32 @!p0 $0xFFFFFFFF  }
0xb3: {  	s25 =	simm.s32 $0x1B8E;
	s24 =	sld [smem:$0x3FFE];
	[sflag:s4] =	ssyncadd.remote.s32 @!p0 $0x1  }
0xb4: {  	s26 =	simm.s32 $execute0_lowered;
	[smem:$0x3FD2] =	sst s25  }
0xb5: {  	s5 =	sshll.u32 s26, $0x1;
	_ =	strace $0x80000049;
	[dreg:$0x1] =	wrdreg $0xFFFFFFFF  }
0xb6: {  	s28 =	simm.s32 $_size_execute0_lowered;
	s3 =	sadd.s32 s3, s5;
	[dreg:$0x0] =	wrdreg $0x0  }
0xb7: {  	s5 =	sshll.u32 s28, $0x1;
	[dreg:$0x2] =	wrdreg s3  }
0xb8: {  	[dreg:$0x3] =	wrdreg s5  }
0xb9: {  	[dreg:$0x4] =	wrdreg $0xC0  }
0xba: {  	_ =	task [dreg:s22], $0x5FFFF  }
0xbb: {  	[dreg:$0x1] =	wrdreg $0xFFFFFFFF  }
0xbc: {  	[dreg:$0x0] =	wrdreg $0x60  }
0xbd: {  	[dreg:$0x2] =	wrdreg s24  }
0xbe: {  	[dreg:$0x3] =	wrdreg $0x41000  }
0xbf: {  	[dreg:$0x4] =	wrdreg $0x9  }
0xc0: {  	_ =	task.clear_ibuf [dreg:s22], $0x5FFFF;
	_ =	strace $0x90000049  }
0xc1: {  	s29 =	simm.s32 $0x9;
	_ =	strace $0x8000004B  }
0xc2: {  	_ =	swait.ge [sflag:s29], $0x1  }
0xc3: {  	[sflag:s29] =	ssyncadd.s32 $0xFFFFFFFF  }
0xc4: {  	_ =	strace $0x9000004B  }
0xc5: {  	_ =	sfence  }
0xc6: {  	s30 =	sld [smem:$0x0];
	_ =	sdelay $0x2  }
0xc7: {  	s31 =	sshll.u32 s1, $0xD;
	s1 =	sshrl.u32 s1, $0x2  }
0xc8: {  	s4 =	sand.u32 $0x4000, s31;
	s1 =	sadd.s32 s1, s30  }
0xc9: {  	s0 =	sor.u32 s4, s0;
	s1 =	sshll.u32 s1, $0x11  }
0xca: {  	s0 =	sor.u32 s1, s0  }
0xcb: {  	s0 =	sadd.s32 $0x8F2B, s0  }
0xcc: {  	[sflag:s0] =	ssyncadd.remote.s32 $0x1  }
0xcd: {  	_ =	sfence.sel $0xFFFF  }
0xce: {  	[dreg:$0x0] =	wrdreg $0xFFFFFFFF;
	(pc) =	sbr.abs _section_cstart, $3  }
0xcf: {  	[dreg:$0x1] =	wrdreg $0xFFFFFFFF  }
0xd0: {  	_ =	task.clear_ibuf [dreg:s22], $0x2FFFF;
	_ =	strace $0x9FFFFFFF  }
0xd1: {  	(tm) =	ssettm $0x7FFFFFFF  }
tec
execute0_lowered:
.L_overlay_start_1:
0x0: {  	(tag) =	ssettag $0x1  }
0x1: {  	s0 =	srdreg.scid;
	s20 =	rddreg [dreg:$0x0]  }
0x2: {  	s1 =	simm.s32 $0x0;
	s4 =	stileid.u32;
	s18 =	stileid.u32  }
0x3: {  	s0 =	sand.u32 $0x1, s0;
	[smem:$0x7FF] =	sst s1;
	s12 =	smul.u32 $0x13800, s4  }
0x4: {  	s13 =	sadd.s32 $0x6F800, s20;
	s17 =	sshll.u32 s4, $0x1;
	s18 =	smul.u32 $0x4E000, s18  }
0x5: {  	s2 =	ssub.s32 $0x2, s0;
	s5 =	sor.u32 s0, s17;
	s17 =	smul.u32 $0x138C00, s0  }
0x6: {  	s3 =	sshrl.u32 s2, $0x1;
	s22 =	sadd.s32 $0x1800, s12;
	s4 =	sadd.s32 $0x3000, s12  }
0x7: {  	s6 =	sadd.s32 $0x4800, s12;
	s7 =	sadd.s32 $0x6000, s12;
	s8 =	sadd.s32 $0x7800, s12  }
0x8: {  	s9 =	sadd.s32 $0x9000, s12;
	s10 =	sadd.s32 $0xA800, s12;
	s11 =	sadd.s32 $0xC000, s12  }
0x9: {  	s14 =	sadd.s32 $0xD800, s12;
	s0 =	sadd.s32 $0xF000, s12;
	s2 =	ssub.s32 s2, s3  }
0xa: {  	s3 =	sadd.s32 $0x12000, s12;
	s15 =	sadd.s32 s17, s22;
	s16 =	sadd.s32 s17, s4  }
0xb: {  	s24 =	sadd.s32 s17, s6;
	s25 =	sadd.s32 s17, s7;
	s26 =	sadd.s32 s17, s8  }
0xc: {  	[dreg:$0x11] =	wrdreg s2;
	s2 =	sadd.s32 $0x10800, s12;
	s12 =	sadd.s32 s12, s17  }
0xd: {  	s19 =	sshrl.u32 s15, $0x3;
	s21 =	sshrl.u32 s16, $0x3;
	s12 =	sshrl.u32 s12, $0x3  }
0xe: {  	s23 =	sadd.s32 s13, s21;
	s21 =	sshrl.u32 s26, $0x3;
	s26 =	sadd.s32 s17, s11  }
0xf: {  	s12 =	sadd.s32 s13, s12;
	[dreg:$0x5] =	wrdreg s23;
	s23 =	sadd.s32 s13, s21  }
0x10: {  	s21 =	sshrl.u32 s26, $0x3;
	s26 =	sadd.s32 s17, s2;
	[dreg:$0x3] =	wrdreg s12  }
0x11: {  	s12 =	sadd.s32 s13, s19;
	s19 =	sshrl.u32 s25, $0x3;
	[dreg:$0x8] =	wrdreg s23  }
0x12: {  	s23 =	sadd.s32 s13, s21;
	[dreg:$0x4] =	wrdreg s12;
	s12 =	sshrl.u32 s24, $0x3  }
0x13: {  	s25 =	sadd.s32 s17, s10;
	[dreg:$0xb] =	wrdreg s23;
	s12 =	sadd.s32 s13, s12  }
0x14: {  	s24 =	sadd.s32 s17, s9;
	s23 =	sadd.s32 s17, s3;
	[dreg:$0x6] =	wrdreg s12  }
0x15: {  	s12 =	sadd.s32 s13, s19;
	s19 =	sshrl.u32 s25, $0x3;
	s25 =	sadd.s32 s17, s0  }
0x16: {  	[dreg:$0x7] =	wrdreg s12;
	s12 =	sshrl.u32 s24, $0x3;
	s24 =	sadd.s32 s17, s14  }
0x17: {  	s15 =	sshrl.u32 s25, $0x3;
	s25 =	sshrl.u32 s18, $0x2;
	s12 =	sadd.s32 s13, s12  }
0x18: {  	s18 =	sadd.s32 $0x65800, s20;
	[dreg:$0x9] =	wrdreg s12;
	s12 =	sadd.s32 s13, s19  }
0x19: {  	s19 =	sshrl.u32 s26, $0x3;
	s26 =	sadd.s32 $0x16C00, s20;
	[dreg:$0xa] =	wrdreg s12  }
0x1a: {  	s12 =	sshrl.u32 s24, $0x3;
	s21 =	sadd.s32 s13, s19;
	s24 =	sshrl.u32 s17, $0x3  }
0x1b: {  	s17 =	sadd.s32 $0x547800, s20;
	s12 =	sadd.s32 s13, s12;
	[dreg:$0xe] =	wrdreg s21  }
0x1c: {  	s19 =	sadd.s32 $0x2C00, s20;
	s20 =	stileid.u32;
	[dreg:$0xc] =	wrdreg s12  }
0x1d: {  	p0 =	sne.s32 s20, $0xF;
	s12 =	sadd.s32 s13, s15;
	s15 =	rddreg [dreg:$0x1]  }
0x1e: {  	[dreg:$0xd] =	wrdreg s12;
	s12 =	sshrl.u32 s23, $0x3;
	s21 =	sadd.s32 s25, s15  }
0x1f: {  	s22 =	sadd.s32 s22, s15;
	s23 =	sadd.s32 s4, s15;
	s25 =	sadd.s32 s7, s15  }
0x20: {  	s28 =	sadd.s32 s9, s15;
	s29 =	sadd.s32 s10, s15;
	s30 =	sadd.s32 s11, s15  }
0x21: {  	s31 =	sadd.s32 s14, s15;
	s14 =	sadd.s32 s0, s15;
	s0 =	sadd.s32 s2, s15  }
0x22: {  	s2 =	sadd.s32 s3, s15;
	s3 =	smul.u32 $0x2800, s5;
	s7 =	simm.s32 $0x100  }
0x23: {  	s9 =	simm.s32 $0x80;
	s10 =	simm.s32 $0x1;
	s12 =	sadd.s32 s13, s12  }
0x24: {  	s11 =	simm.s32 $0x0;
	[dreg:$0xf] =	wrdreg s12;
	s12 =	sadd.s32 s13, s24  }
0x25: {  	s24 =	sadd.s32 s6, s15;
	_ =	strace $0x8000004A;
	[dreg:$0x10] =	wrdreg s26  }
0x26: {  	s6 =	sadd.s32 $0x138000, s15;
	s26 =	sadd.s32 s8, s15;
	s16 =	rddreg [dreg:$0x11]  }
0x27: {  	s4 =	sadd.s32 $0x27000, s12;
	s8 =	simm.s32 $0x2;
	s5 =	smax.u32 s16, $0x1  }
.LBB2_1:
0x28: {  	s12 =	rddreg [dreg:$0x10]  }
0x29: {  	[tilespmem:s7], [sflag:$0x2] =	stream.linear.gather [hbm4b:s12+s1], $0x4000, $0x38;
	[tilespmem:$0x179C0] =	vst v63  }
0x2a: {  	_ =	swait.ge [sflag:s8], $0x4000  }
0x2b: {  	[sflag:s8] =	ssyncset.done $0x0  }
0x2c: {  	[sflag:s8] =	ssyncadd.s32 $0xFFFFC000  }
0x2d: {  	[spmem:s21] =	stream.linear.scatter [tilespmem:s7], [sflag:$0x2], $0x1800, $0x38;
	[tilespmem:$0x179C0] =	vst v63  }
0x2e: {  	_ =	swait.ge [sflag:s8], $0x1800  }
0x2f: {  	[sflag:s8] =	ssyncset.done $0x0  }
0x30: {  	[sflag:s8] =	ssyncadd.s32 $0xFFFFE800  }
0x31: {  	[spmem:s22] =	stream.linear.scatter [tilespmem:s7], [sflag:$0x2], $0x1800, $0x38;
	[tilespmem:$0x179C0] =	vst v63  }
0x32: {  	_ =	swait.ge [sflag:s8], $0x1800  }
0x33: {  	[sflag:s8] =	ssyncset.done $0x0  }
0x34: {  	[sflag:s8] =	ssyncadd.s32 $0xFFFFE800  }
0x35: {  	[spmem:s23] =	stream.linear.scatter [tilespmem:s7], [sflag:$0x2], $0x1800, $0x38;
	[tilespmem:$0x179C0] =	vst v63  }
0x36: {  	_ =	swait.ge [sflag:s8], $0x1800  }
0x37: {  	[sflag:s8] =	ssyncset.done $0x0  }
0x38: {  	[sflag:s8] =	ssyncadd.s32 $0xFFFFE800  }
0x39: {  	[spmem:s24] =	stream.linear.scatter [tilespmem:s7], [sflag:$0x2], $0x1800, $0x38;
	[tilespmem:$0x179C0] =	vst v63  }
0x3a: {  	_ =	swait.ge [sflag:s8], $0x1800  }
0x3b: {  	[sflag:s8] =	ssyncset.done $0x0  }
0x3c: {  	[sflag:s8] =	ssyncadd.s32 $0xFFFFE800  }
0x3d: {  	[spmem:s25] =	stream.linear.scatter [tilespmem:s7], [sflag:$0x2], $0x1800, $0x38;
	[tilespmem:$0x179C0] =	vst v63  }
0x3e: {  	_ =	swait.ge [sflag:s8], $0x1800  }
0x3f: {  	[sflag:s8] =	ssyncset.done $0x0  }
0x40: {  	[sflag:s8] =	ssyncadd.s32 $0xFFFFE800  }
0x41: {  	[spmem:s26] =	stream.linear.scatter [tilespmem:s7], [sflag:$0x2], $0x1800, $0x38;
	[tilespmem:$0x179C0] =	vst v63  }
0x42: {  	_ =	swait.ge [sflag:s8], $0x1800  }
0x43: {  	[sflag:s8] =	ssyncset.done $0x0  }
0x44: {  	[sflag:s8] =	ssyncadd.s32 $0xFFFFE800  }
0x45: {  	[spmem:s28] =	stream.linear.scatter [tilespmem:s7], [sflag:$0x2], $0x1800, $0x38;
	[tilespmem:$0x179C0] =	vst v63  }
0x46: {  	_ =	swait.ge [sflag:s8], $0x1800  }
0x47: {  	[sflag:s8] =	ssyncset.done $0x0  }
0x48: {  	[sflag:s8] =	ssyncadd.s32 $0xFFFFE800  }
0x49: {  	[spmem:s29] =	stream.linear.scatter [tilespmem:s7], [sflag:$0x2], $0x1800, $0x38;
	[tilespmem:$0x179C0] =	vst v63  }
0x4a: {  	_ =	swait.ge [sflag:s8], $0x1800  }
0x4b: {  	[sflag:s8] =	ssyncset.done $0x0  }
0x4c: {  	[sflag:s8] =	ssyncadd.s32 $0xFFFFE800  }
0x4d: {  	[spmem:s30] =	stream.linear.scatter [tilespmem:s7], [sflag:$0x2], $0x1800, $0x38;
	[tilespmem:$0x179C0] =	vst v63  }
0x4e: {  	_ =	swait.ge [sflag:s8], $0x1800  }
0x4f: {  	[sflag:s8] =	ssyncset.done $0x0  }
0x50: {  	[sflag:s8] =	ssyncadd.s32 $0xFFFFE800  }
0x51: {  	[spmem:s31] =	stream.linear.scatter [tilespmem:s7], [sflag:$0x2], $0x1800, $0x38;
	[tilespmem:$0x179C0] =	vst v63  }
0x52: {  	_ =	swait.ge [sflag:s8], $0x1800  }
0x53: {  	[sflag:s8] =	ssyncset.done $0x0  }
0x54: {  	[sflag:s8] =	ssyncadd.s32 $0xFFFFE800  }
0x55: {  	[spmem:s14] =	stream.linear.scatter [tilespmem:s7], [sflag:$0x2], $0x1800, $0x38;
	[tilespmem:$0x179C0] =	vst v63  }
0x56: {  	_ =	swait.ge [sflag:s8], $0x1800  }
0x57: {  	[sflag:s8] =	ssyncset.done $0x0  }
0x58: {  	[sflag:s8] =	ssyncadd.s32 $0xFFFFE800  }
0x59: {  	[spmem:s0] =	stream.linear.scatter [tilespmem:s7], [sflag:$0x2], $0x1800, $0x38;
	[tilespmem:$0x179C0] =	vst v63  }
0x5a: {  	_ =	swait.ge [sflag:s8], $0x1800  }
0x5b: {  	[sflag:s8] =	ssyncset.done $0x0  }
0x5c: {  	[sflag:s8] =	ssyncadd.s32 $0xFFFFE800  }
0x5d: {  	[spmem:s2] =	stream.linear.scatter [tilespmem:s7], [sflag:$0x2], $0x1800, $0x38;
	[tilespmem:$0x179C0] =	vst v63  }
0x5e: {  	_ =	swait.ge [sflag:s8], $0x1800  }
0x5f: {  	[sflag:s8] =	ssyncset.done $0x0  }
0x60: {  	s12 =	simm.s32 @!p0 $0x100;
	[sflag:s8] =	ssyncadd.s32 $0xFFFFE800  }
0x61: {  	[spmem:s6] =	stream.linear.scatter @!p0 [tilespmem:s12], [sflag:$0x2], $0xC00, $0x38;
	[tilespmem:$0x179C0] =	vst v63  }
0x62: {  	s13 =	sand.u32 $0x3C00, s1;
	s12 =	simm.s32 @!p0 $0x2  }
0x63: {  	s16 =	sand.u32 $0x380, s1;
	s13 =	sadd.s32 s3, s13;
	_ =	swait.ge @!p0 [sflag:s12], $0xC00  }
0x64: {  	s13 =	sor.u32 s16, s13;
	[sflag:s12] =	ssyncset.done @!p0 $0x0  }
0x65: {  	s20 =	sshrl.u32 s13, $0x3;
	[sflag:s12] =	ssyncadd.s32 @!p0 $0xFFFFF400  }
0x66: {  	s13 =	sadd.s32 s18, s20;
	[bflag:$0x0] =	sbarrier.arrive $0xFFFF  }
0x67: {  	[tilespmem:s1], [sflag:$0x2] =	stream.linear.gather [hbm4b:s13+s1], $0x80, $0x38;
	[tilespmem:$0x179C0] =	vst v63  }
0x68: {  	_ =	swait.ge [sflag:s8], $0x80  }
0x69: {  	[sflag:s8] =	ssyncset.done $0x0  }
0x6a: {  	s12 =	sadd.s32 s19, s20;
	[sflag:s8] =	ssyncadd.s32 $0xFFFFFF80  }
0x6b: {  	[tilespmem:s9], [sflag:$0x2] =	stream.linear.gather [hbm4b:s12+s1], $0x80, $0x38;
	[tilespmem:$0x179C0] =	vst v63  }
0x6c: {  	_ =	swait.ge [sflag:s8], $0x80  }
0x6d: {  	[sflag:s8] =	ssyncset.done $0x0  }
0x6e: {  	[sflag:s8] =	ssyncadd.s32 $0xFFFFFF80  }
0x6f: {  	[tilespmem:s7], [sflag:$0x1] =	stream.indirect.gather [hbm4b:s17+s9], $0x80, s1, s9, $0xb8;
	[tilespmem:$0x179C0] =	vst v63  }
0x70: {  	_ =	swait.ge [sflag:s10], $0x4000  }
0x71: {  	s16 =	simm.s32 $0x80;
	[sflag:s10] =	ssyncset.done $0x0  }
0x72: {  	s20 =	sand.u32 $0x3C00, s16;
	[sflag:s10] =	ssyncadd.s32 $0xFFFFC000  }
0x73: {  	[spmem:s15] =	stream.indirect.scatter.add.f32 [tilespmem:s7], [sflag:$0x2], $0x80, s9, s9, $0xb8;
	[tilespmem:$0x179C0] =	vst v63  }
0x74: {  	s13 =	sadd.s32 s3, s20;
	s12 =	sand.u32 $0x380, s16;
	_ =	swait.ge [sflag:s8], $0x4000  }
0x75: {  	s13 =	sor.u32 s12, s13;
	s12 =	simm.s32 $0x100;
	[sflag:s8] =	ssyncset.done $0x0  }
.LBB2_2:
0x76: {  	s13 =	sshrl.u32 s13, $0x3  }
0x77: {  	[sflag:s8] =	ssyncadd.s32 $0xFFFFC000;
	s16 =	smov.u32 s12;
	s20 =	sadd.s32 $0x80, s12  }
0x78: {  	p1 =	sne.s32 s12, $0x2780;
	s12 =	sadd.s32 s18, s13  }
0x79: {  	[tilespmem:s1], [sflag:$0x2] =	stream.linear.gather [hbm4b:s12+s1], $0x80, $0x38;
	[tilespmem:$0x179C0] =	vst v63  }
0x7a: {  	_ =	swait.ge [sflag:s8], $0x80  }
0x7b: {  	[sflag:s8] =	ssyncset.done $0x0  }
0x7c: {  	s12 =	sadd.s32 s19, s13;
	[sflag:s8] =	ssyncadd.s32 $0xFFFFFF80  }
0x7d: {  	[tilespmem:s9], [sflag:$0x2] =	stream.linear.gather [hbm4b:s12+s1], $0x80, $0x38;
	[tilespmem:$0x179C0] =	vst v63  }
0x7e: {  	_ =	swait.ge [sflag:s8], $0x80  }
0x7f: {  	[sflag:s8] =	ssyncset.done $0x0  }
0x80: {  	[sflag:s8] =	ssyncadd.s32 $0xFFFFFF80  }
0x81: {  	[tilespmem:s7], [sflag:$0x1] =	stream.indirect.gather [hbm4b:s17+s9], $0x80, s1, s9, $0xb8;
	[tilespmem:$0x179C0] =	vst v63  }
0x82: {  	_ =	swait.ge [sflag:s10], $0x4000  }
.Ltmp0:
0x83: {  	[sflag:s10] =	ssyncset.done $0x0;
	(pc) =	sbr.rel @p1 .LBB2_2-.Ltmp0, $4  }
0x84: {  	s12 =	sand.u32 $0x3C00, s16;
	[sflag:s10] =	ssyncadd.s32 $0xFFFFC000  }
0x85: {  	[spmem:s15] =	stream.indirect.scatter.add.f32 [tilespmem:s7], [sflag:$0x2], $0x80, s9, s9, $0xb8;
	[tilespmem:$0x179C0] =	vst v63  }
0x86: {  	s13 =	sand.u32 $0x380, s16;
	s12 =	sadd.s32 s3, s12;
	_ =	swait.ge [sflag:s8], $0x4000  }
0x87: {  	s13 =	sor.u32 s13, s12;
	s12 =	smov.u32 s20;
	[sflag:s8] =	ssyncset.done $0x0  }
0x88: {  	s12 =	sshrl.u32 s13, $0x3  }
0x89: {  	[sflag:s8] =	ssyncadd.s32 $0xFFFFC000;
	s13 =	sadd.s32 s18, s12  }
0x8a: {  	[tilespmem:s1], [sflag:$0x2] =	stream.linear.gather [hbm4b:s13+s1], $0x80, $0x38;
	[tilespmem:$0x179C0] =	vst v63  }
0x8b: {  	_ =	swait.ge [sflag:s8], $0x80  }
0x8c: {  	[sflag:s8] =	ssyncset.done $0x0  }
0x8d: {  	s12 =	sadd.s32 s19, s12;
	[sflag:s8] =	ssyncadd.s32 $0xFFFFFF80  }
0x8e: {  	[tilespmem:s9], [sflag:$0x2] =	stream.linear.gather [hbm4b:s12+s1], $0x80, $0x38;
	[tilespmem:$0x179C0] =	vst v63  }
0x8f: {  	_ =	swait.ge [sflag:s8], $0x80  }
0x90: {  	[sflag:s8] =	ssyncset.done $0x0  }
0x91: {  	[sflag:s8] =	ssyncadd.s32 $0xFFFFFF80  }
0x92: {  	[tilespmem:s7], [sflag:$0x1] =	stream.indirect.gather [hbm4b:s17+s9], $0x80, s1, s9, $0xb8;
	[tilespmem:$0x179C0] =	vst v63  }
0x93: {  	_ =	swait.ge [sflag:s10], $0x4000  }
0x94: {  	[sflag:s10] =	ssyncset.done $0x0  }
0x95: {  	[sflag:s10] =	ssyncadd.s32 $0xFFFFC000  }
0x96: {  	[spmem:s15] =	stream.indirect.scatter.add.f32 [tilespmem:s7], [sflag:$0x2], $0x80, s9, s9, $0xb8;
	[tilespmem:$0x179C0] =	vst v63  }
0x97: {  	_ =	swait.ge [sflag:s8], $0x4000  }
0x98: {  	[sflag:s8] =	ssyncset.done $0x0  }
0x99: {  	[sflag:s8] =	ssyncadd.s32 $0xFFFFC000  }
0x9a: {  	[bflag:$0x0] =	sbarrier.arrive $0xFFFF  }
0x9b: {  	[tilespmem:s7], [sflag:$0x2] =	stream.linear.gather [spmem:s21], $0x1800, $0x38;
	[tilespmem:$0x179C0] =	vst v63  }
0x9c: {  	_ =	swait.ge [sflag:s8], $0x1800  }
0x9d: {  	[sflag:s8] =	ssyncset.done $0x0  }
0x9e: {  	s20 =	rddreg [dreg:$0x3];
	[sflag:s8] =	ssyncadd.s32 $0xFFFFE800  }
0x9f: {  	[hbm4b:s20+s1] =	stream.linear.scatter [tilespmem:s7], [sflag:$0x2], $0x1800, $0x38;
	[tilespmem:$0x179C0] =	vst v63  }
0xa0: {  	_ =	swait.ge [sflag:s8], $0x1800  }
0xa1: {  	[sflag:s8] =	ssyncset.done $0x0  }
0xa2: {  	[sflag:s8] =	ssyncadd.s32 $0xFFFFE800  }
0xa3: {  	[tilespmem:s7], [sflag:$0x2] =	stream.linear.gather [spmem:s22], $0x1800, $0x38;
	[tilespmem:$0x179C0] =	vst v63  }
0xa4: {  	_ =	swait.ge [sflag:s8], $0x1800  }
0xa5: {  	[sflag:s8] =	ssyncset.done $0x0  }
0xa6: {  	s13 =	rddreg [dreg:$0x4];
	[sflag:s8] =	ssyncadd.s32 $0xFFFFE800  }
0xa7: {  	[hbm4b:s13+s1] =	stream.linear.scatter [tilespmem:s7], [sflag:$0x2], $0x1800, $0x38;
	[tilespmem:$0x179C0] =	vst v63  }
0xa8: {  	_ =	swait.ge [sflag:s8], $0x1800  }
0xa9: {  	[sflag:s8] =	ssyncset.done $0x0  }
0xaa: {  	[sflag:s8] =	ssyncadd.s32 $0xFFFFE800  }
0xab: {  	[tilespmem:s7], [sflag:$0x2] =	stream.linear.gather [spmem:s23], $0x1800, $0x38;
	[tilespmem:$0x179C0] =	vst v63  }
0xac: {  	_ =	swait.ge [sflag:s8], $0x1800  }
0xad: {  	[sflag:s8] =	ssyncset.done $0x0  }
0xae: {  	s16 =	rddreg [dreg:$0x5];
	[sflag:s8] =	ssyncadd.s32 $0xFFFFE800  }
0xaf: {  	[hbm4b:s16+s1] =	stream.linear.scatter [tilespmem:s7], [sflag:$0x2], $0x1800, $0x38;
	[tilespmem:$0x179C0] =	vst v63  }
0xb0: {  	_ =	swait.ge [sflag:s8], $0x1800  }
0xb1: {  	[sflag:s8] =	ssyncset.done $0x0  }
0xb2: {  	[sflag:s8] =	ssyncadd.s32 $0xFFFFE800  }
0xb3: {  	[tilespmem:s7], [sflag:$0x2] =	stream.linear.gather [spmem:s24], $0x1800, $0x38;
	[tilespmem:$0x179C0] =	vst v63  }
0xb4: {  	_ =	swait.ge [sflag:s8], $0x1800  }
0xb5: {  	[sflag:s8] =	ssyncset.done $0x0  }
0xb6: {  	s20 =	rddreg [dreg:$0x6];
	[sflag:s8] =	ssyncadd.s32 $0xFFFFE800  }
0xb7: {  	[hbm4b:s20+s1] =	stream.linear.scatter [tilespmem:s7], [sflag:$0x2], $0x1800, $0x38;
	[tilespmem:$0x179C0] =	vst v63  }
0xb8: {  	_ =	swait.ge [sflag:s8], $0x1800  }
0xb9: {  	[sflag:s8] =	ssyncset.done $0x0  }
0xba: {  	[sflag:s8] =	ssyncadd.s32 $0xFFFFE800  }
0xbb: {  	[tilespmem:s7], [sflag:$0x2] =	stream.linear.gather [spmem:s25], $0x1800, $0x38;
	[tilespmem:$0x179C0] =	vst v63  }
0xbc: {  	_ =	swait.ge [sflag:s8], $0x1800  }
0xbd: {  	[sflag:s8] =	ssyncset.done $0x0  }
0xbe: {  	s13 =	rddreg [dreg:$0x7];
	[sflag:s8] =	ssyncadd.s32 $0xFFFFE800  }
0xbf: {  	[hbm4b:s13+s1] =	stream.linear.scatter [tilespmem:s7], [sflag:$0x2], $0x1800, $0x38;
	[tilespmem:$0x179C0] =	vst v63  }
0xc0: {  	_ =	swait.ge [sflag:s8], $0x1800  }
0xc1: {  	[sflag:s8] =	ssyncset.done $0x0  }
0xc2: {  	[sflag:s8] =	ssyncadd.s32 $0xFFFFE800  }
0xc3: {  	[tilespmem:s7], [sflag:$0x2] =	stream.linear.gather [spmem:s26], $0x1800, $0x38;
	[tilespmem:$0x179C0] =	vst v63  }
0xc4: {  	_ =	swait.ge [sflag:s8], $0x1800  }
0xc5: {  	[sflag:s8] =	ssyncset.done $0x0  }
0xc6: {  	s16 =	rddreg [dreg:$0x8];
	[sflag:s8] =	ssyncadd.s32 $0xFFFFE800  }
0xc7: {  	[hbm4b:s16+s1] =	stream.linear.scatter [tilespmem:s7], [sflag:$0x2], $0x1800, $0x38;
	[tilespmem:$0x179C0] =	vst v63  }
0xc8: {  	_ =	swait.ge [sflag:s8], $0x1800  }
0xc9: {  	[sflag:s8] =	ssyncset.done $0x0  }
0xca: {  	[sflag:s8] =	ssyncadd.s32 $0xFFFFE800  }
0xcb: {  	[tilespmem:s7], [sflag:$0x2] =	stream.linear.gather [spmem:s28], $0x1800, $0x38;
	[tilespmem:$0x179C0] =	vst v63  }
0xcc: {  	_ =	swait.ge [sflag:s8], $0x1800  }
0xcd: {  	[sflag:s8] =	ssyncset.done $0x0  }
0xce: {  	s20 =	rddreg [dreg:$0x9];
	[sflag:s8] =	ssyncadd.s32 $0xFFFFE800  }
0xcf: {  	[hbm4b:s20+s1] =	stream.linear.scatter [tilespmem:s7], [sflag:$0x2], $0x1800, $0x38;
	[tilespmem:$0x179C0] =	vst v63  }
0xd0: {  	_ =	swait.ge [sflag:s8], $0x1800  }
0xd1: {  	[sflag:s8] =	ssyncset.done $0x0  }
0xd2: {  	[sflag:s8] =	ssyncadd.s32 $0xFFFFE800  }
0xd3: {  	[tilespmem:s7], [sflag:$0x2] =	stream.linear.gather [spmem:s29], $0x1800, $0x38;
	[tilespmem:$0x179C0] =	vst v63  }
0xd4: {  	_ =	swait.ge [sflag:s8], $0x1800  }
0xd5: {  	[sflag:s8] =	ssyncset.done $0x0  }
0xd6: {  	s13 =	rddreg [dreg:$0xa];
	[sflag:s8] =	ssyncadd.s32 $0xFFFFE800  }
0xd7: {  	[hbm4b:s13+s1] =	stream.linear.scatter [tilespmem:s7], [sflag:$0x2], $0x1800, $0x38;
	[tilespmem:$0x179C0] =	vst v63  }
0xd8: {  	_ =	swait.ge [sflag:s8], $0x1800  }
0xd9: {  	[sflag:s8] =	ssyncset.done $0x0  }
0xda: {  	[sflag:s8] =	ssyncadd.s32 $0xFFFFE800  }
0xdb: {  	[tilespmem:s7], [sflag:$0x2] =	stream.linear.gather [spmem:s30], $0x1800, $0x38;
	[tilespmem:$0x179C0] =	vst v63  }
0xdc: {  	_ =	swait.ge [sflag:s8], $0x1800  }
0xdd: {  	[sflag:s8] =	ssyncset.done $0x0  }
0xde: {  	s16 =	rddreg [dreg:$0xb];
	[sflag:s8] =	ssyncadd.s32 $0xFFFFE800  }
0xdf: {  	[hbm4b:s16+s1] =	stream.linear.scatter [tilespmem:s7], [sflag:$0x2], $0x1800, $0x38;
	[tilespmem:$0x179C0] =	vst v63  }
0xe0: {  	_ =	swait.ge [sflag:s8], $0x1800  }
0xe1: {  	[sflag:s8] =	ssyncset.done $0x0  }
0xe2: {  	[sflag:s8] =	ssyncadd.s32 $0xFFFFE800  }
0xe3: {  	[tilespmem:s7], [sflag:$0x2] =	stream.linear.gather [spmem:s31], $0x1800, $0x38;
	[tilespmem:$0x179C0] =	vst v63  }
0xe4: {  	_ =	swait.ge [sflag:s8], $0x1800  }
0xe5: {  	[sflag:s8] =	ssyncset.done $0x0  }
0xe6: {  	s20 =	rddreg [dreg:$0xc];
	[sflag:s8] =	ssyncadd.s32 $0xFFFFE800  }
0xe7: {  	[hbm4b:s20+s1] =	stream.linear.scatter [tilespmem:s7], [sflag:$0x2], $0x1800, $0x38;
	[tilespmem:$0x179C0] =	vst v63  }
0xe8: {  	_ =	swait.ge [sflag:s8], $0x1800  }
0xe9: {  	[sflag:s8] =	ssyncset.done $0x0  }
0xea: {  	[sflag:s8] =	ssyncadd.s32 $0xFFFFE800  }
0xeb: {  	[tilespmem:s7], [sflag:$0x2] =	stream.linear.gather [spmem:s14], $0x1800, $0x38;
	[tilespmem:$0x179C0] =	vst v63  }
0xec: {  	_ =	swait.ge [sflag:s8], $0x1800  }
0xed: {  	[sflag:s8] =	ssyncset.done $0x0  }
0xee: {  	s13 =	rddreg [dreg:$0xd];
	[sflag:s8] =	ssyncadd.s32 $0xFFFFE800  }
0xef: {  	[hbm4b:s13+s1] =	stream.linear.scatter [tilespmem:s7], [sflag:$0x2], $0x1800, $0x38;
	[tilespmem:$0x179C0] =	vst v63  }
0xf0: {  	_ =	swait.ge [sflag:s8], $0x1800  }
0xf1: {  	[sflag:s8] =	ssyncset.done $0x0  }
0xf2: {  	[sflag:s8] =	ssyncadd.s32 $0xFFFFE800  }
0xf3: {  	[tilespmem:s7], [sflag:$0x2] =	stream.linear.gather [spmem:s0], $0x1800, $0x38;
	[tilespmem:$0x179C0] =	vst v63  }
0xf4: {  	_ =	swait.ge [sflag:s8], $0x1800  }
0xf5: {  	[sflag:s8] =	ssyncset.done $0x0  }
0xf6: {  	s16 =	rddreg [dreg:$0xe];
	[sflag:s8] =	ssyncadd.s32 $0xFFFFE800  }
0xf7: {  	[hbm4b:s16+s1] =	stream.linear.scatter [tilespmem:s7], [sflag:$0x2], $0x1800, $0x38;
	[tilespmem:$0x179C0] =	vst v63  }
0xf8: {  	_ =	swait.ge [sflag:s8], $0x1800  }
0xf9: {  	[sflag:s8] =	ssyncset.done $0x0  }
0xfa: {  	[sflag:s8] =	ssyncadd.s32 $0xFFFFE800  }
0xfb: {  	[tilespmem:s7], [sflag:$0x2] =	stream.linear.gather [spmem:s2], $0x1800, $0x38;
	[tilespmem:$0x179C0] =	vst v63  }
0xfc: {  	_ =	swait.ge [sflag:s8], $0x1800  }
0xfd: {  	[sflag:s8] =	ssyncset.done $0x0  }
0xfe: {  	s20 =	rddreg [dreg:$0xf];
	[sflag:s8] =	ssyncadd.s32 $0xFFFFE800  }
0xff: {  	[hbm4b:s20+s1] =	stream.linear.scatter [tilespmem:s7], [sflag:$0x2], $0x1800, $0x38;
	[tilespmem:$0x179C0] =	vst v63  }
0x100: {  	_ =	swait.ge [sflag:s8], $0x1800  }
0x101: {  	[sflag:s8] =	ssyncset.done $0x0  }
0x102: {  	s12 =	simm.s32 @!p0 $0x100;
	s13 =	simm.s32 @!p0 $0x2;
	[sflag:s8] =	ssyncadd.s32 $0xFFFFE800  }
0x103: {  	[tilespmem:s12], [sflag:$0x2] =	stream.linear.gather @!p0 [spmem:s6], $0x800, $0x38;
	[tilespmem:$0x179C0] =	vst v63  }
0x104: {  	s11 =	sadd.s32 $0x1, s11;
	_ =	swait.ge @!p0 [sflag:s13], $0x800  }
0x105: {  	p1 =	sne.s32 s11, s5;
	[sflag:s13] =	ssyncset.done @!p0 $0x0  }
.Ltmp1:
0x106: {  	s16 =	simm.s32 @!p0 $0x0;
	[sflag:s13] =	ssyncadd.s32 @!p0 $0xFFFFF800;
	(pc) =	sbr.rel @p1 .LBB2_1-.Ltmp1, $4  }
0x107: {  	[hbm4b:s4+s16] =	stream.linear.scatter @!p0 [tilespmem:s12], [sflag:$0x2], $0x800, $0x38;
	[tilespmem:$0x179C0] =	vst v63  }
0x108: {  	_ =	swait.ge @!p0 [sflag:s13], $0x800  }
0x109: {  	[sflag:s13] =	ssyncset.done @!p0 $0x0  }
0x10a: {  	[sflag:s13] =	ssyncadd.s32 @!p0 $0xFFFFF800  }
0x10b: {  	_ =	sfence.sel $0x180000  }
0x10c: {  	[bflag:$0x0] =	sbarrier.arrive $0xFFFF  }
0x10d: {  	_ =	strace $0x9000004A  }
0x10e: {  	s0 =	stileid.u32;
	[bflag:$0x2] =	sbarrier.arrive $0xFFFF  }
0x10f: {  	p0 =	sne.s32 s0, $0x0;
	s0 =	rddreg [dreg:$0x2]  }
0x110: {  	s0 =	sadd.s32 @!p0 $0x100000, s0  }
0x111: {  	[sflag:s0] =	ssyncadd.tile.s32 @!p0 $0x1;
	_ =	shalt  }
.Lfunc_end2:
_tile_overlayer_lowered:
.L_overlay_start_2:
0x112: {  	(tag) =	ssettag $0x2  }
0x113: {  	s0 =	rddreg [dreg:$0x0];
	s2 =	stileid.u32  }
0x114: {  	s1 =	rddreg [dreg:$0x1];
	p0 =	sne.s32 s2, $0x0  }
0x115: {  	s3 =	rddreg [dreg:$0x2];
	[bflag:$0x3] =	sbarrier.arrive $0xFFFF;
	s2 =	simm.s32 @!p0 $0x1C02  }
0x116: {  	[timem:s3], [sflag:s2] =	dma.local @!p0 [hbm:s0], s1  }
0x117: {  	s0 =	simm.s32 @!p0 $0x2  }
0x118: {  	_ =	swait.ge @!p0 [sflag:s0], s1  }
0x119: {  	s1 =	ssub.s32 @!p0 $0x0, s1;
	[sflag:s0] =	ssyncset.done @!p0 $0x0  }
0x11a: {  	[sflag:s0] =	ssyncadd.s32 @!p0 s1  }
0x11b: {  	[bflag:$0x3] =	sbarrier.arrive $0xFFFF  }
0x11c: {  	_ =	shalt  }

</sc_bundles>
